<compile_context>
chip_gen: v7x
topology: tpu7x:2x2x1
jax: 0.10.2.dev20260603
libtpu: 0.0.44.dev20260713+nightly
codegen_flags: <defaults>
</compile_context>

<pallas_src>
import functools

import jax
import jax.numpy as jnp
from jax import lax
from jax.experimental import pallas as pl
from jax.experimental.pallas import tpu as pltpu
from jax.experimental.pallas import tpu_sc as plsc

_D = 768
_T = 77
_B = 4096

_NC = 2
_NS = 16
_NW = _NC * _NS
_SAMP_W = _B // _NW
_NTB = 9
_TT = 72
_TTW = _T - _TT
_CHUNK = 16
_NBUF = 4
_NPAIR = _SAMP_W // 2
_NCH1 = _NPAIR * _NTB
_NCH2 = _NPAIR
_LANES = 16
_ND = _D // _LANES


def _sc_embed(tokens_flat, table, pos):
    mesh = plsc.VectorSubcoreMesh(core_axis_name="c", subcore_axis_name="s")

    @functools.partial(
        pl.kernel,
        out_type=jax.ShapeDtypeStruct((_B, _T, _D), jnp.float32),
        mesh=mesh,
        scratch_types=[
            pltpu.VMEM((_NBUF, _CHUNK), jnp.int32),
            pltpu.VMEM((_T, _D), jnp.float32),
        ]
        + [pltpu.VMEM((_CHUNK, _D), jnp.float32)] * _NBUF
        + [pltpu.SemaphoreType.DMA] * (3 * _NBUF),
    )
    def run(tok_hbm, tab_hbm, pos_hbm, out_hbm, cidx_v, pos_v, *rest):
        bufs = rest[:_NBUF]
        gsems = rest[_NBUF:2 * _NBUF]
        ssems = rest[2 * _NBUF:3 * _NBUF]
        csems = rest[3 * _NBUF:]

        wid = lax.axis_index("s") * _NC + lax.axis_index("c")
        b_lo = wid * _SAMP_W
        base = b_lo * _T
        pltpu.sync_copy(pos_hbm, pos_v)

        iota = lax.iota(jnp.int32, _LANES)
        pat_main = (iota >> 3) * _T + (iota & 7)
        pat_tail = (iota >> 3) * _T + jnp.minimum(iota & 7, _TTW - 1) + _TT

        def start_idx_fetch(rvec, slot):
            pltpu.async_copy(tok_hbm.at[rvec], cidx_v.at[slot], csems[slot])

        def wait_idx_fetch(slot):
            pltpu.make_async_copy(
                tok_hbm.at[pl.ds(0, _CHUNK)], cidx_v.at[slot], csems[slot]
            ).wait()

        def start_table_gather(slot):
            pltpu.async_copy(
                tab_hbm.at[cidx_v.at[slot]], bufs[slot], gsems[slot]
            )

        def wait_table_gather(slot):
            pltpu.make_async_copy(
                tab_hbm.at[pl.ds(0, _CHUNK)], bufs[slot], gsems[slot]
            ).wait()

        def wait_scatter(slot, width):
            for _ in range(2):
                pltpu.make_async_copy(
                    bufs[slot].at[pl.ds(0, width)],
                    out_hbm.at[0, pl.ds(0, width), :],
                    ssems[slot],
                ).wait()

        def add_pos(buf, t0, width):
            @plsc.parallel_loop(0, _ND, 1, unroll=2)
            def dcol(dblk):
                sl = pl.ds(dblk * _LANES, _LANES)
                for tt in range(width):
                    p = pos_v[t0 + tt, sl]
                    plsc.addupdate(buf.at[tt, sl], p)
                    plsc.addupdate(buf.at[8 + tt, sl], p)

        def scatter(buf, bb, t0, width, slot):
            pltpu.async_copy(
                buf.at[pl.ds(0, width)],
                out_hbm.at[bb, pl.ds(t0, width), :],
                ssems[slot],
            )
            pltpu.async_copy(
                buf.at[pl.ds(8, width)],
                out_hbm.at[bb + 1, pl.ds(t0, width), :],
                ssems[slot],
            )

        def rvec1(j):
            sp = j // _NTB
            tb = j - sp * _NTB
            return pat_main + (base + sp * (2 * _T) + tb * 8), sp, tb

        for s in range(_NBUF):
            start_idx_fetch(rvec1(s)[0], s)
        for s in range(2):
            wait_idx_fetch(s)
            start_table_gather(s)

        def outer1(i, carry):
            for b in range(_NBUF):
                j = i * _NBUF + b
                nslot = (b + 2) % _NBUF

                @pl.when(j + 2 < _NCH1)
                def _():
                    wait_idx_fetch(nslot)

                    @pl.when(j >= 2)
                    def _():
                        wait_scatter(nslot, 8)

                    start_table_gather(nslot)

                wait_table_gather(b)

                @pl.when(j + 4 < _NCH1)
                def _():
                    start_idx_fetch(rvec1(j + 4)[0], b)

                _, sp, tb = rvec1(j)
                t0 = pl.multiple_of(tb * 8, 8)
                add_pos(bufs[b], t0, 8)
                scatter(bufs[b], b_lo + 2 * sp, t0, 8, b)
            return carry

        lax.fori_loop(0, _NCH1 // _NBUF, outer1, 0)
        for b in range(_NBUF):
            wait_scatter(b, 8)

        def rvec2(k):
            return pat_tail + (base + k * (2 * _T))

        for s in range(_NBUF):
            start_idx_fetch(rvec2(s), s)
        for s in range(2):
            wait_idx_fetch(s)
            start_table_gather(s)

        def outer2(i, carry):
            for b in range(_NBUF):
                k = i * _NBUF + b
                nslot = (b + 2) % _NBUF

                @pl.when(k + 2 < _NCH2)
                def _():
                    wait_idx_fetch(nslot)

                    @pl.when(k >= 2)
                    def _():
                        wait_scatter(nslot, _TTW)

                    start_table_gather(nslot)

                wait_table_gather(b)

                @pl.when(k + 4 < _NCH2)
                def _():
                    start_idx_fetch(rvec2(k + 4), b)

                add_pos(bufs[b], _TT, _TTW)
                scatter(bufs[b], b_lo + 2 * k, _TT, _TTW, b)
            return carry

        lax.fori_loop(0, _NCH2 // _NBUF, outer2, 0)
        for b in range(_NBUF):
            wait_scatter(b, _TTW)

    return run(tokens_flat, table, pos)


def kernel(tokens, token_embedding, position_embedding):
    idx = tokens.reshape(-1).astype(jnp.int32)
    return _sc_embed(idx, token_embedding, position_embedding)

# --- scband reference (transcript-rebuilt; emitter-appended) ---
"""Pipeline reference for scband-clipembedding-5188320493656 (READ-ONLY COPY).

The authoritative reference and input builder live on the scoring server;
editing this copy changes nothing except your own understanding.
"""

import jax, jax.numpy as jnp
import numpy as np

N_VOCAB = 49408
N_EMBED = 768
N_TOKENS = 77
BATCH = 4096


def setup_inputs(seed: int = 0) -> dict:
    key = jax.random.key(seed)
    k_tok, k_tab, k_pos = jax.random.split(key, 3)
    tokens = jax.random.randint(k_tok, (BATCH, N_TOKENS), 0, N_VOCAB, dtype=jnp.int64 if jax.config.jax_enable_x64 else jnp.int32)
    token_embedding = jax.random.normal(k_tab, (N_VOCAB, N_EMBED), dtype=jnp.float32) * 0.02
    position_embedding = jnp.zeros((N_TOKENS, N_EMBED), dtype=jnp.float32)
    return {"tokens": tokens, "token_embedding": token_embedding, "position_embedding": position_embedding}


def reference(tokens, token_embedding, position_embedding):
    # x = self.token_embedding(tokens)
    x = jnp.take(token_embedding, tokens, axis=0)  # (B, seq_len, n_embed)
    # x = x + self.position_embedding  (broadcast over batch)
    x = x + position_embedding
    return x

if __name__ == "__main__":
    import jax
    _d = setup_inputs()
    print(jax.jit(kernel)(*tuple(_d.values())))

</pallas_src>

<mosaic_0001>
#map = affine_map<(d0, d1) -> (0)>
#map1 = affine_map<(d0, d1) -> (0, 0)>
#map2 = affine_map<(d0, d1) -> (0, 0, 0)>
module attributes {stable_mosaic.version = 14 : i64} {
  func.func @run(%arg0: i32, %arg1: i32, %arg2: memref<315392xi32, #tpu.memory_space<hbm>>, %arg3: memref<49408x768xf32, #tpu.memory_space<hbm>>, %arg4: memref<77x768xf32, #tpu.memory_space<hbm>>, %arg5: memref<4096x77x768xf32, #tpu.memory_space<hbm>>, %arg6: memref<4x16xi32, #tpu.memory_space<vmem>>, %arg7: memref<77x768xf32, #tpu.memory_space<vmem>>, %arg8: memref<16x768xf32, #tpu.memory_space<vmem>>, %arg9: memref<16x768xf32, #tpu.memory_space<vmem>>, %arg10: memref<16x768xf32, #tpu.memory_space<vmem>>, %arg11: memref<16x768xf32, #tpu.memory_space<vmem>>, %arg12: memref<!tpu.dma_semaphore, #tpu.memory_space<semaphore_mem>>, %arg13: memref<!tpu.dma_semaphore, #tpu.memory_space<semaphore_mem>>, %arg14: memref<!tpu.dma_semaphore, #tpu.memory_space<semaphore_mem>>, %arg15: memref<!tpu.dma_semaphore, #tpu.memory_space<semaphore_mem>>, %arg16: memref<!tpu.dma_semaphore, #tpu.memory_space<semaphore_mem>>, %arg17: memref<!tpu.dma_semaphore, #tpu.memory_space<semaphore_mem>>, %arg18: memref<!tpu.dma_semaphore, #tpu.memory_space<semaphore_mem>>, %arg19: memref<!tpu.dma_semaphore, #tpu.memory_space<semaphore_mem>>, %arg20: memref<!tpu.dma_semaphore, #tpu.memory_space<semaphore_mem>>, %arg21: memref<!tpu.dma_semaphore, #tpu.memory_space<semaphore_mem>>, %arg22: memref<!tpu.dma_semaphore, #tpu.memory_space<semaphore_mem>>, %arg23: memref<!tpu.dma_semaphore, #tpu.memory_space<semaphore_mem>>) attributes {dimension_semantics = [#tpu.dimension_semantics<core_parallel>, #tpu.dimension_semantics<subcore_parallel>], iteration_bounds = array<i64: 2, 16>, scalar_prefetch = 0 : i64, scratch_operands = 18 : i64, tpu.core_type = #tpu.core_type<sc_vector_subcore>, window_params = [{transform_indices = #map}, {transform_indices = #map1}, {transform_indices = #map1}, {transform_indices = #map2}]} {
    %mul3A = arith.constant 2 : i32
    %mul3A_0 = arith.muli %arg1, %mul3A : i32
    %add3A = arith.addi %mul3A_0, %arg0 : i32
    %mul3A_1 = arith.constant 128 : i32
    %mul3A_2 = arith.muli %add3A, %mul3A_1 : i32
    %mul3A_3 = arith.constant 77 : i32
    %mul3A_4 = arith.muli %mul3A_2, %mul3A_3 : i32
    "tpu.region"() ({
      %run_scoped3A = tpu.sem_alloc : memref<!tpu.dma_semaphore, #tpu.memory_space<semaphore_mem>>
      tpu.enqueue_dma source(%arg4 : memref<77x768xf32, #tpu.memory_space<hbm>>) target(%arg7 : memref<77x768xf32, #tpu.memory_space<vmem>>) target_semaphore(%run_scoped3A : memref<!tpu.dma_semaphore, #tpu.memory_space<semaphore_mem>>)
      tpu.wait_dma2 semaphore(%run_scoped3A : memref<!tpu.dma_semaphore, #tpu.memory_space<semaphore_mem>>) src(%arg4 : memref<77x768xf32, #tpu.memory_space<hbm>>) dst(%arg7 : memref<77x768xf32, #tpu.memory_space<vmem>>)
      tpu.yield
    }) : () -> ()
    %iota3A = tpu.iota {dimensions = array<i32: 0>} : vector<16xi32>
    %shift_right_arithmetic3A = arith.constant 3 : i32
    %shift_right_arithmetic3A_5 = vector.broadcast %shift_right_arithmetic3A : i32 to vector<16xi32>
    %shift_right_arithmetic3A_6 = arith.shrsi %iota3A, %shift_right_arithmetic3A_5 : vector<16xi32>
    %mul3A_7 = arith.constant 77 : i32
    %mul3A_8 = vector.broadcast %mul3A_7 : i32 to vector<16xi32>
    %mul3A_9 = arith.muli %shift_right_arithmetic3A_6, %mul3A_8 : vector<16xi32>
    %and3A = arith.constant 7 : i32
    %and3A_10 = vector.broadcast %and3A : i32 to vector<16xi32>
    %and3A_11 = arith.andi %iota3A, %and3A_10 : vector<16xi32>
    %add3A_12 = arith.addi %mul3A_9, %and3A_11 : vector<16xi32>
    %shift_right_arithmetic3A_13 = arith.constant 3 : i32
    %shift_right_arithmetic3A_14 = vector.broadcast %shift_right_arithmetic3A_13 : i32 to vector<16xi32>
    %shift_right_arithmetic3A_15 = arith.shrsi %iota3A, %shift_right_arithmetic3A_14 : vector<16xi32>
    %mul3A_16 = arith.constant 77 : i32
    %mul3A_17 = vector.broadcast %mul3A_16 : i32 to vector<16xi32>
    %mul3A_18 = arith.muli %shift_right_arithmetic3A_15, %mul3A_17 : vector<16xi32>
    %and3A_19 = arith.constant 7 : i32
    %and3A_20 = vector.broadcast %and3A_19 : i32 to vector<16xi32>
    %and3A_21 = arith.andi %iota3A, %and3A_20 : vector<16xi32>
    %min3A = arith.constant 4 : i32
    %min3A_22 = vector.broadcast %min3A : i32 to vector<16xi32>
    %min3A_23 = arith.minsi %and3A_21, %min3A_22 : vector<16xi32>
    %add3A_24 = arith.addi %mul3A_18, %min3A_23 : vector<16xi32>
    %add3A_25 = arith.constant 72 : i32
    %add3A_26 = vector.broadcast %add3A_25 : i32 to vector<16xi32>
    %add3A_27 = arith.addi %add3A_24, %add3A_26 : vector<16xi32>
    %add3A_28 = arith.constant 0 : i32
    %add3A_29 = arith.addi %mul3A_4, %add3A_28 : i32
    %add3A_30 = arith.constant 0 : i32
    %add3A_31 = arith.addi %add3A_29, %add3A_30 : i32
    %add3A_32 = vector.broadcast %add3A_31 : i32 to vector<16xi32>
    %add3A_33 = arith.addi %add3A_12, %add3A_32 : vector<16xi32>
    %dma_start3A = arith.constant 0 : i32
    %dma_start3A_34 = arith.constant 0 : i32
    %dma_start3A_35 = tpu.memref_slice %arg6[%dma_start3A, %dma_start3A_34] : memref<4x16xi32, #tpu.memory_space<vmem>> -> memref<1x16xi32, #tpu.memory_space<vmem>>
    %dma_start3A_36 = tpu.memref_squeeze %dma_start3A_35 : memref<1x16xi32, #tpu.memory_space<vmem>> -> memref<16xi32, #tpu.memory_space<vmem>>
    %dma_start3A_37 = arith.constant 0 : i32
    %dma_start3A_38 = tpu.memref_slice %arg2[%dma_start3A_37] : memref<315392xi32, #tpu.memory_space<hbm>> -> memref<315392xi32, #tpu.memory_space<hbm>>
    tpu.enqueue_indirect_dma source(%dma_start3A_38 : memref<315392xi32, #tpu.memory_space<hbm>>) target(%dma_start3A_36 : memref<16xi32, #tpu.memory_space<vmem>>) offsets(%add3A_33 : vector<16xi32>) semaphore(%arg20 : memref<!tpu.dma_semaphore, #tpu.memory_space<semaphore_mem>>)
    %add3A_39 = arith.constant 0 : i32
    %add3A_40 = arith.addi %mul3A_4, %add3A_39 : i32
    %add3A_41 = arith.constant 8 : i32
    %add3A_42 = arith.addi %add3A_40, %add3A_41 : i32
    %add3A_43 = vector.broadcast %add3A_42 : i32 to vector<16xi32>
    %add3A_44 = arith.addi %add3A_12, %add3A_43 : vector<16xi32>
    %dma_start3A_45 = arith.constant 1 : i32
    %dma_start3A_46 = arith.constant 0 : i32
    %dma_start3A_47 = tpu.memref_slice %arg6[%dma_start3A_45, %dma_start3A_46] : memref<4x16xi32, #tpu.memory_space<vmem>> -> memref<1x16xi32, #tpu.memory_space<vmem>>
    %dma_start3A_48 = tpu.memref_squeeze %dma_start3A_47 : memref<1x16xi32, #tpu.memory_space<vmem>> -> memref<16xi32, #tpu.memory_space<vmem>>
    %dma_start3A_49 = arith.constant 0 : i32
    %dma_start3A_50 = tpu.memref_slice %arg2[%dma_start3A_49] : memref<315392xi32, #tpu.memory_space<hbm>> -> memref<315392xi32, #tpu.memory_space<hbm>>
    tpu.enqueue_indirect_dma source(%dma_start3A_50 : memref<315392xi32, #tpu.memory_space<hbm>>) target(%dma_start3A_48 : memref<16xi32, #tpu.memory_space<vmem>>) offsets(%add3A_44 : vector<16xi32>) semaphore(%arg21 : memref<!tpu.dma_semaphore, #tpu.memory_space<semaphore_mem>>)
    %add3A_51 = arith.constant 0 : i32
    %add3A_52 = arith.addi %mul3A_4, %add3A_51 : i32
    %add3A_53 = arith.constant 16 : i32
    %add3A_54 = arith.addi %add3A_52, %add3A_53 : i32
    %add3A_55 = vector.broadcast %add3A_54 : i32 to vector<16xi32>
    %add3A_56 = arith.addi %add3A_12, %add3A_55 : vector<16xi32>
    %dma_start3A_57 = arith.constant 2 : i32
    %dma_start3A_58 = arith.constant 0 : i32
    %dma_start3A_59 = tpu.memref_slice %arg6[%dma_start3A_57, %dma_start3A_58] : memref<4x16xi32, #tpu.memory_space<vmem>> -> memref<1x16xi32, #tpu.memory_space<vmem>>
    %dma_start3A_60 = tpu.memref_squeeze %dma_start3A_59 : memref<1x16xi32, #tpu.memory_space<vmem>> -> memref<16xi32, #tpu.memory_space<vmem>>
    %dma_start3A_61 = arith.constant 0 : i32
    %dma_start3A_62 = tpu.memref_slice %arg2[%dma_start3A_61] : memref<315392xi32, #tpu.memory_space<hbm>> -> memref<315392xi32, #tpu.memory_space<hbm>>
    tpu.enqueue_indirect_dma source(%dma_start3A_62 : memref<315392xi32, #tpu.memory_space<hbm>>) target(%dma_start3A_60 : memref<16xi32, #tpu.memory_space<vmem>>) offsets(%add3A_56 : vector<16xi32>) semaphore(%arg22 : memref<!tpu.dma_semaphore, #tpu.memory_space<semaphore_mem>>)
    %add3A_63 = arith.constant 0 : i32
    %add3A_64 = arith.addi %mul3A_4, %add3A_63 : i32
    %add3A_65 = arith.constant 24 : i32
    %add3A_66 = arith.addi %add3A_64, %add3A_65 : i32
    %add3A_67 = vector.broadcast %add3A_66 : i32 to vector<16xi32>
    %add3A_68 = arith.addi %add3A_12, %add3A_67 : vector<16xi32>
    %dma_start3A_69 = arith.constant 3 : i32
    %dma_start3A_70 = arith.constant 0 : i32
    %dma_start3A_71 = tpu.memref_slice %arg6[%dma_start3A_69, %dma_start3A_70] : memref<4x16xi32, #tpu.memory_space<vmem>> -> memref<1x16xi32, #tpu.memory_space<vmem>>
    %dma_start3A_72 = tpu.memref_squeeze %dma_start3A_71 : memref<1x16xi32, #tpu.memory_space<vmem>> -> memref<16xi32, #tpu.memory_space<vmem>>
    %dma_start3A_73 = arith.constant 0 : i32
    %dma_start3A_74 = tpu.memref_slice %arg2[%dma_start3A_73] : memref<315392xi32, #tpu.memory_space<hbm>> -> memref<315392xi32, #tpu.memory_space<hbm>>
    tpu.enqueue_indirect_dma source(%dma_start3A_74 : memref<315392xi32, #tpu.memory_space<hbm>>) target(%dma_start3A_72 : memref<16xi32, #tpu.memory_space<vmem>>) offsets(%add3A_68 : vector<16xi32>) semaphore(%arg23 : memref<!tpu.dma_semaphore, #tpu.memory_space<semaphore_mem>>)
    %dma_wait3A = arith.constant 0 : i32
    %dma_wait3A_75 = arith.constant 0 : i32
    %dma_wait3A_76 = tpu.memref_slice %arg6[%dma_wait3A, %dma_wait3A_75] : memref<4x16xi32, #tpu.memory_space<vmem>> -> memref<1x16xi32, #tpu.memory_space<vmem>>
    %dma_wait3A_77 = tpu.memref_squeeze %dma_wait3A_76 : memref<1x16xi32, #tpu.memory_space<vmem>> -> memref<16xi32, #tpu.memory_space<vmem>>
    %dma_wait3A_78 = arith.constant 0 : i32
    %dma_wait3A_79 = tpu.memref_slice %arg2[%dma_wait3A_78] : memref<315392xi32, #tpu.memory_space<hbm>> -> memref<16xi32, #tpu.memory_space<hbm>>
    %dma_wait3A_80 = arith.constant 0 : i32
    %dma_wait3A_81 = tpu.memref_slice %arg6[%dma_wait3A, %dma_wait3A_80] : memref<4x16xi32, #tpu.memory_space<vmem>> -> memref<1x16xi32, #tpu.memory_space<vmem>>
    %dma_wait3A_82 = tpu.memref_squeeze %dma_wait3A_81 : memref<1x16xi32, #tpu.memory_space<vmem>> -> memref<16xi32, #tpu.memory_space<vmem>>
    %dma_wait3A_83 = arith.constant 0 : i32
    %dma_wait3A_84 = tpu.memref_slice %arg2[%dma_wait3A_83] : memref<315392xi32, #tpu.memory_space<hbm>> -> memref<16xi32, #tpu.memory_space<hbm>>
    tpu.wait_dma2 semaphore(%arg20 : memref<!tpu.dma_semaphore, #tpu.memory_space<semaphore_mem>>) src(%dma_wait3A_84 : memref<16xi32, #tpu.memory_space<hbm>>) dst(%dma_wait3A_82 : memref<16xi32, #tpu.memory_space<vmem>>)
    %dma_start3A_85 = arith.constant 0 : i32
    %dma_start3A_86 = arith.constant 0 : i32
    %dma_start3A_87 = tpu.memref_slice %arg6[%dma_start3A_85, %dma_start3A_86] : memref<4x16xi32, #tpu.memory_space<vmem>> -> memref<1x16xi32, #tpu.memory_space<vmem>>
    %dma_start3A_88 = tpu.memref_squeeze %dma_start3A_87 : memref<1x16xi32, #tpu.memory_space<vmem>> -> memref<16xi32, #tpu.memory_space<vmem>>
    %dma_start3A_89 = arith.constant 0 : i32
    %dma_start3A_90 = arith.constant 0 : i32
    %dma_start3A_91 = tpu.memref_slice %arg3[%dma_start3A_89, %dma_start3A_90] : memref<49408x768xf32, #tpu.memory_space<hbm>> -> memref<49408x768xf32, #tpu.memory_space<hbm>>
    tpu.enqueue_indirect_dma source(%dma_start3A_91 : memref<49408x768xf32, #tpu.memory_space<hbm>>) target(%arg8 : memref<16x768xf32, #tpu.memory_space<vmem>>) offsets(%dma_start3A_88 : memref<16xi32, #tpu.memory_space<vmem>>) semaphore(%arg12 : memref<!tpu.dma_semaphore, #tpu.memory_space<semaphore_mem>>)
    %dma_wait3A_92 = arith.constant 1 : i32
    %dma_wait3A_93 = arith.constant 0 : i32
    %dma_wait3A_94 = tpu.memref_slice %arg6[%dma_wait3A_92, %dma_wait3A_93] : memref<4x16xi32, #tpu.memory_space<vmem>> -> memref<1x16xi32, #tpu.memory_space<vmem>>
    %dma_wait3A_95 = tpu.memref_squeeze %dma_wait3A_94 : memref<1x16xi32, #tpu.memory_space<vmem>> -> memref<16xi32, #tpu.memory_space<vmem>>
    %dma_wait3A_96 = arith.constant 0 : i32
    %dma_wait3A_97 = tpu.memref_slice %arg2[%dma_wait3A_96] : memref<315392xi32, #tpu.memory_space<hbm>> -> memref<16xi32, #tpu.memory_space<hbm>>
    %dma_wait3A_98 = arith.constant 0 : i32
    %dma_wait3A_99 = tpu.memref_slice %arg6[%dma_wait3A_92, %dma_wait3A_98] : memref<4x16xi32, #tpu.memory_space<vmem>> -> memref<1x16xi32, #tpu.memory_space<vmem>>
    %dma_wait3A_100 = tpu.memref_squeeze %dma_wait3A_99 : memref<1x16xi32, #tpu.memory_space<vmem>> -> memref<16xi32, #tpu.memory_space<vmem>>
    %dma_wait3A_101 = arith.constant 0 : i32
    %dma_wait3A_102 = tpu.memref_slice %arg2[%dma_wait3A_101] : memref<315392xi32, #tpu.memory_space<hbm>> -> memref<16xi32, #tpu.memory_space<hbm>>
    tpu.wait_dma2 semaphore(%arg21 : memref<!tpu.dma_semaphore, #tpu.memory_space<semaphore_mem>>) src(%dma_wait3A_102 : memref<16xi32, #tpu.memory_space<hbm>>) dst(%dma_wait3A_100 : memref<16xi32, #tpu.memory_space<vmem>>)
    %dma_start3A_103 = arith.constant 1 : i32
    %dma_start3A_104 = arith.constant 0 : i32
    %dma_start3A_105 = tpu.memref_slice %arg6[%dma_start3A_103, %dma_start3A_104] : memref<4x16xi32, #tpu.memory_space<vmem>> -> memref<1x16xi32, #tpu.memory_space<vmem>>
    %dma_start3A_106 = tpu.memref_squeeze %dma_start3A_105 : memref<1x16xi32, #tpu.memory_space<vmem>> -> memref<16xi32, #tpu.memory_space<vmem>>
    %dma_start3A_107 = arith.constant 0 : i32
    %dma_start3A_108 = arith.constant 0 : i32
    %dma_start3A_109 = tpu.memref_slice %arg3[%dma_start3A_107, %dma_start3A_108] : memref<49408x768xf32, #tpu.memory_space<hbm>> -> memref<49408x768xf32, #tpu.memory_space<hbm>>
    tpu.enqueue_indirect_dma source(%dma_start3A_109 : memref<49408x768xf32, #tpu.memory_space<hbm>>) target(%arg9 : memref<16x768xf32, #tpu.memory_space<vmem>>) offsets(%dma_start3A_106 : memref<16xi32, #tpu.memory_space<vmem>>) semaphore(%arg13 : memref<!tpu.dma_semaphore, #tpu.memory_space<semaphore_mem>>)
    %scan3A = arith.constant 0 : i32
    %scan3A_110 = arith.constant 0 : i32
    %scan3A_111 = arith.constant 144 : i32
    %scan3A_112 = arith.addi %scan3A_110, %scan3A_111 : i32
    %scan3A_113 = arith.constant 1 : i32
    scf.for %scan3A_437 = %scan3A_110 to %scan3A_112 step %scan3A_113  : i32 {
      %mul3A_438 = arith.constant 4 : i32
      %mul3A_439 = arith.muli %scan3A_437, %mul3A_438 : i32
      %add3A_440 = arith.constant 0 : i32
      %add3A_441 = arith.addi %mul3A_439, %add3A_440 : i32
      %add3A_442 = arith.constant 2 : i32
      %add3A_443 = arith.addi %add3A_441, %add3A_442 : i32
      %lt3A = arith.constant 576 : i32
      %lt3A_444 = arith.cmpi slt, %add3A_443, %lt3A : i32
      %convert_element_type3A = arith.extui %lt3A_444 : i1 to i32
      %cond3A = arith.constant 0 : i32
      %cond3A_445 = arith.cmpi ne, %convert_element_type3A, %cond3A : i32
      scf.if %cond3A_445 {
        %dma_wait3A_802 = arith.constant 2 : i32
        %dma_wait3A_803 = arith.constant 0 : i32
        %dma_wait3A_804 = tpu.memref_slice %arg6[%dma_wait3A_802, %dma_wait3A_803] : memref<4x16xi32, #tpu.memory_space<vmem>> -> memref<1x16xi32, #tpu.memory_space<vmem>>
        %dma_wait3A_805 = tpu.memref_squeeze %dma_wait3A_804 : memref<1x16xi32, #tpu.memory_space<vmem>> -> memref<16xi32, #tpu.memory_space<vmem>>
        %dma_wait3A_806 = arith.constant 0 : i32
        %dma_wait3A_807 = tpu.memref_slice %arg2[%dma_wait3A_806] : memref<315392xi32, #tpu.memory_space<hbm>> -> memref<16xi32, #tpu.memory_space<hbm>>
        %dma_wait3A_808 = arith.constant 0 : i32
        %dma_wait3A_809 = tpu.memref_slice %arg6[%dma_wait3A_802, %dma_wait3A_808] : memref<4x16xi32, #tpu.memory_space<vmem>> -> memref<1x16xi32, #tpu.memory_space<vmem>>
        %dma_wait3A_810 = tpu.memref_squeeze %dma_wait3A_809 : memref<1x16xi32, #tpu.memory_space<vmem>> -> memref<16xi32, #tpu.memory_space<vmem>>
        %dma_wait3A_811 = arith.constant 0 : i32
        %dma_wait3A_812 = tpu.memref_slice %arg2[%dma_wait3A_811] : memref<315392xi32, #tpu.memory_space<hbm>> -> memref<16xi32, #tpu.memory_space<hbm>>
        tpu.wait_dma2 semaphore(%arg22 : memref<!tpu.dma_semaphore, #tpu.memory_space<semaphore_mem>>) src(%dma_wait3A_812 : memref<16xi32, #tpu.memory_space<hbm>>) dst(%dma_wait3A_810 : memref<16xi32, #tpu.memory_space<vmem>>)
        %ge3A = arith.constant 2 : i32
        %ge3A_813 = arith.cmpi sge, %add3A_441, %ge3A : i32
        %convert_element_type3A_814 = arith.extui %ge3A_813 : i1 to i32
        %cond3A_815 = arith.constant 0 : i32
        %cond3A_816 = arith.cmpi ne, %convert_element_type3A_814, %cond3A_815 : i32
        scf.if %cond3A_816 {
          %dma_wait3A_824 = arith.constant 0 : i32
          %dma_wait3A_825 = arith.constant 0 : i32
          %dma_wait3A_826 = arith.constant 0 : i32
          %dma_wait3A_827 = tpu.memref_slice %arg10[%dma_wait3A_825, %dma_wait3A_826] : memref<16x768xf32, #tpu.memory_space<vmem>> -> memref<8x768xf32, #tpu.memory_space<vmem>>
          %dma_wait3A_828 = arith.constant 0 : i32
          %dma_wait3A_829 = arith.constant 0 : i32
          %dma_wait3A_830 = tpu.memref_slice %arg5[%dma_wait3A_824, %dma_wait3A_828, %dma_wait3A_829] : memref<4096x77x768xf32, #tpu.memory_space<hbm>> -> memref<1x8x768xf32, #tpu.memory_space<hbm>>
          %dma_wait3A_831 = tpu.memref_squeeze %dma_wait3A_830 : memref<1x8x768xf32, #tpu.memory_space<hbm>> -> memref<8x768xf32, #tpu.memory_space<hbm>>
          %dma_wait3A_832 = arith.constant 0 : i32
          %dma_wait3A_833 = arith.constant 0 : i32
          %dma_wait3A_834 = tpu.memref_slice %arg5[%dma_wait3A_824, %dma_wait3A_832, %dma_wait3A_833] : memref<4096x77x768xf32, #tpu.memory_space<hbm>> -> memref<1x8x768xf32, #tpu.memory_space<hbm>>
          %dma_wait3A_835 = tpu.memref_squeeze %dma_wait3A_834 : memref<1x8x768xf32, #tpu.memory_space<hbm>> -> memref<8x768xf32, #tpu.memory_space<hbm>>
          %dma_wait3A_836 = arith.constant 0 : i32
          %dma_wait3A_837 = arith.constant 0 : i32
          %dma_wait3A_838 = tpu.memref_slice %arg10[%dma_wait3A_836, %dma_wait3A_837] : memref<16x768xf32, #tpu.memory_space<vmem>> -> memref<8x768xf32, #tpu.memory_space<vmem>>
          tpu.wait_dma2 semaphore(%arg18 : memref<!tpu.dma_semaphore, #tpu.memory_space<semaphore_mem>>) src(%dma_wait3A_838 : memref<8x768xf32, #tpu.memory_space<vmem>>) dst(%dma_wait3A_835 : memref<8x768xf32, #tpu.memory_space<hbm>>)
          %dma_wait3A_839 = arith.constant 0 : i32
          %dma_wait3A_840 = arith.constant 0 : i32
          %dma_wait3A_841 = arith.constant 0 : i32
          %dma_wait3A_842 = tpu.memref_slice %arg10[%dma_wait3A_840, %dma_wait3A_841] : memref<16x768xf32, #tpu.memory_space<vmem>> -> memref<8x768xf32, #tpu.memory_space<vmem>>
          %dma_wait3A_843 = arith.constant 0 : i32
          %dma_wait3A_844 = arith.constant 0 : i32
          %dma_wait3A_845 = tpu.memref_slice %arg5[%dma_wait3A_839, %dma_wait3A_843, %dma_wait3A_844] : memref<4096x77x768xf32, #tpu.memory_space<hbm>> -> memref<1x8x768xf32, #tpu.memory_space<hbm>>
          %dma_wait3A_846 = tpu.memref_squeeze %dma_wait3A_845 : memref<1x8x768xf32, #tpu.memory_space<hbm>> -> memref<8x768xf32, #tpu.memory_space<hbm>>
          %dma_wait3A_847 = arith.constant 0 : i32
          %dma_wait3A_848 = arith.constant 0 : i32
          %dma_wait3A_849 = tpu.memref_slice %arg5[%dma_wait3A_839, %dma_wait3A_847, %dma_wait3A_848] : memref<4096x77x768xf32, #tpu.memory_space<hbm>> -> memref<1x8x768xf32, #tpu.memory_space<hbm>>
          %dma_wait3A_850 = tpu.memref_squeeze %dma_wait3A_849 : memref<1x8x768xf32, #tpu.memory_space<hbm>> -> memref<8x768xf32, #tpu.memory_space<hbm>>
          %dma_wait3A_851 = arith.constant 0 : i32
          %dma_wait3A_852 = arith.constant 0 : i32
          %dma_wait3A_853 = tpu.memref_slice %arg10[%dma_wait3A_851, %dma_wait3A_852] : memref<16x768xf32, #tpu.memory_space<vmem>> -> memref<8x768xf32, #tpu.memory_space<vmem>>
          tpu.wait_dma2 semaphore(%arg18 : memref<!tpu.dma_semaphore, #tpu.memory_space<semaphore_mem>>) src(%dma_wait3A_853 : memref<8x768xf32, #tpu.memory_space<vmem>>) dst(%dma_wait3A_850 : memref<8x768xf32, #tpu.memory_space<hbm>>)
        } else {
        }
        %dma_start3A_817 = arith.constant 2 : i32
        %dma_start3A_818 = arith.constant 0 : i32
        %dma_start3A_819 = tpu.memref_slice %arg6[%dma_start3A_817, %dma_start3A_818] : memref<4x16xi32, #tpu.memory_space<vmem>> -> memref<1x16xi32, #tpu.memory_space<vmem>>
        %dma_start3A_820 = tpu.memref_squeeze %dma_start3A_819 : memref<1x16xi32, #tpu.memory_space<vmem>> -> memref<16xi32, #tpu.memory_space<vmem>>
        %dma_start3A_821 = arith.constant 0 : i32
        %dma_start3A_822 = arith.constant 0 : i32
        %dma_start3A_823 = tpu.memref_slice %arg3[%dma_start3A_821, %dma_start3A_822] : memref<49408x768xf32, #tpu.memory_space<hbm>> -> memref<49408x768xf32, #tpu.memory_space<hbm>>
        tpu.enqueue_indirect_dma source(%dma_start3A_823 : memref<49408x768xf32, #tpu.memory_space<hbm>>) target(%arg10 : memref<16x768xf32, #tpu.memory_space<vmem>>) offsets(%dma_start3A_820 : memref<16xi32, #tpu.memory_space<vmem>>) semaphore(%arg14 : memref<!tpu.dma_semaphore, #tpu.memory_space<semaphore_mem>>)
      } else {
      }
      %dma_wait3A_446 = arith.constant 0 : i32
      %dma_wait3A_447 = arith.constant 0 : i32
      %dma_wait3A_448 = tpu.memref_slice %arg3[%dma_wait3A_446, %dma_wait3A_447] : memref<49408x768xf32, #tpu.memory_space<hbm>> -> memref<16x768xf32, #tpu.memory_space<hbm>>
      %dma_wait3A_449 = arith.constant 0 : i32
      %dma_wait3A_450 = arith.constant 0 : i32
      %dma_wait3A_451 = tpu.memref_slice %arg3[%dma_wait3A_449, %dma_wait3A_450] : memref<49408x768xf32, #tpu.memory_space<hbm>> -> memref<16x768xf32, #tpu.memory_space<hbm>>
      tpu.wait_dma2 semaphore(%arg12 : memref<!tpu.dma_semaphore, #tpu.memory_space<semaphore_mem>>) src(%dma_wait3A_451 : memref<16x768xf32, #tpu.memory_space<hbm>>) dst(%arg8 : memref<16x768xf32, #tpu.memory_space<vmem>>)
      %add3A_452 = arith.constant 4 : i32
      %add3A_453 = arith.addi %add3A_441, %add3A_452 : i32
      %lt3A_454 = arith.constant 576 : i32
      %lt3A_455 = arith.cmpi slt, %add3A_453, %lt3A_454 : i32
      %convert_element_type3A_456 = arith.extui %lt3A_455 : i1 to i32
      %cond3A_457 = arith.constant 0 : i32
      %cond3A_458 = arith.cmpi ne, %convert_element_type3A_456, %cond3A_457 : i32
      scf.if %cond3A_458 {
        %add3A_802 = arith.constant 4 : i32
        %add3A_803 = arith.addi %add3A_441, %add3A_802 : i32
        %jit3A_804 = arith.constant 9 : i32
        %div3A_805 = arith.divsi %add3A_803, %jit3A_804 : i32
        %sign3A_806 = arith.constant 0 : i32
        %sign3A_807 = arith.cmpi sgt, %add3A_803, %sign3A_806 : i32
        %sign3A_808 = arith.extui %sign3A_807 : i1 to i32
        %sign3A_809 = arith.constant 0 : i32
        %sign3A_810 = arith.cmpi slt, %add3A_803, %sign3A_809 : i32
        %sign3A_811 = arith.extui %sign3A_810 : i1 to i32
        %sign3A_812 = arith.subi %sign3A_808, %sign3A_811 : i32
        %sign3A_813 = arith.constant 0 : i32
        %sign3A_814 = arith.cmpi sgt, %jit3A_804, %sign3A_813 : i32
        %sign3A_815 = arith.extui %sign3A_814 : i1 to i32
        %sign3A_816 = arith.constant 0 : i32
        %sign3A_817 = arith.cmpi slt, %jit3A_804, %sign3A_816 : i32
        %sign3A_818 = arith.extui %sign3A_817 : i1 to i32
        %sign3A_819 = arith.subi %sign3A_815, %sign3A_818 : i32
        %ne3A_820 = arith.cmpi ne, %sign3A_812, %sign3A_819 : i32
        %rem3A_821 = arith.remsi %add3A_803, %jit3A_804 : i32
        %ne3A_822 = arith.constant 0 : i32
        %ne3A_823 = arith.cmpi ne, %rem3A_821, %ne3A_822 : i32
        %and3A_824 = arith.andi %ne3A_820, %ne3A_823 : i1
        %sub3A_825 = arith.constant 1 : i32
        %sub3A_826 = arith.subi %div3A_805, %sub3A_825 : i32
        %select_n3A_827 = arith.select %and3A_824, %sub3A_826, %div3A_805 : i32
        %mul3A_828 = arith.constant 9 : i32
        %mul3A_829 = arith.muli %select_n3A_827, %mul3A_828 : i32
        %sub3A_830 = arith.subi %add3A_803, %mul3A_829 : i32
        %mul3A_831 = arith.constant 154 : i32
        %mul3A_832 = arith.muli %select_n3A_827, %mul3A_831 : i32
        %add3A_833 = arith.addi %mul3A_4, %mul3A_832 : i32
        %mul3A_834 = arith.constant 8 : i32
        %mul3A_835 = arith.muli %sub3A_830, %mul3A_834 : i32
        %add3A_836 = arith.addi %add3A_833, %mul3A_835 : i32
        %add3A_837 = vector.broadcast %add3A_836 : i32 to vector<16xi32>
        %add3A_838 = arith.addi %add3A_12, %add3A_837 : vector<16xi32>
        %dma_start3A_839 = arith.constant 0 : i32
        %dma_start3A_840 = arith.constant 0 : i32
        %dma_start3A_841 = tpu.memref_slice %arg6[%dma_start3A_839, %dma_start3A_840] : memref<4x16xi32, #tpu.memory_space<vmem>> -> memref<1x16xi32, #tpu.memory_space<vmem>>
        %dma_start3A_842 = tpu.memref_squeeze %dma_start3A_841 : memref<1x16xi32, #tpu.memory_space<vmem>> -> memref<16xi32, #tpu.memory_space<vmem>>
        %dma_start3A_843 = arith.constant 0 : i32
        %dma_start3A_844 = tpu.memref_slice %arg2[%dma_start3A_843] : memref<315392xi32, #tpu.memory_space<hbm>> -> memref<315392xi32, #tpu.memory_space<hbm>>
        tpu.enqueue_indirect_dma source(%dma_start3A_844 : memref<315392xi32, #tpu.memory_space<hbm>>) target(%dma_start3A_842 : memref<16xi32, #tpu.memory_space<vmem>>) offsets(%add3A_838 : vector<16xi32>) semaphore(%arg20 : memref<!tpu.dma_semaphore, #tpu.memory_space<semaphore_mem>>)
      } else {
      }
      %jit3A = arith.constant 9 : i32
      %div3A = arith.divsi %add3A_441, %jit3A : i32
      %sign3A = arith.constant 0 : i32
      %sign3A_459 = arith.cmpi sgt, %add3A_441, %sign3A : i32
      %sign3A_460 = arith.extui %sign3A_459 : i1 to i32
      %sign3A_461 = arith.constant 0 : i32
      %sign3A_462 = arith.cmpi slt, %add3A_441, %sign3A_461 : i32
      %sign3A_463 = arith.extui %sign3A_462 : i1 to i32
      %sign3A_464 = arith.subi %sign3A_460, %sign3A_463 : i32
      %sign3A_465 = arith.constant 0 : i32
      %sign3A_466 = arith.cmpi sgt, %jit3A, %sign3A_465 : i32
      %sign3A_467 = arith.extui %sign3A_466 : i1 to i32
      %sign3A_468 = arith.constant 0 : i32
      %sign3A_469 = arith.cmpi slt, %jit3A, %sign3A_468 : i32
      %sign3A_470 = arith.extui %sign3A_469 : i1 to i32
      %sign3A_471 = arith.subi %sign3A_467, %sign3A_470 : i32
      %ne3A = arith.cmpi ne, %sign3A_464, %sign3A_471 : i32
      %rem3A = arith.remsi %add3A_441, %jit3A : i32
      %ne3A_472 = arith.constant 0 : i32
      %ne3A_473 = arith.cmpi ne, %rem3A, %ne3A_472 : i32
      %and3A_474 = arith.andi %ne3A, %ne3A_473 : i1
      %sub3A = arith.constant 1 : i32
      %sub3A_475 = arith.subi %div3A, %sub3A : i32
      %select_n3A = arith.select %and3A_474, %sub3A_475, %div3A : i32
      %mul3A_476 = arith.constant 9 : i32
      %mul3A_477 = arith.muli %select_n3A, %mul3A_476 : i32
      %sub3A_478 = arith.subi %add3A_441, %mul3A_477 : i32
      %mul3A_479 = arith.constant 154 : i32
      %mul3A_480 = arith.muli %select_n3A, %mul3A_479 : i32
      %add3A_481 = arith.addi %mul3A_4, %mul3A_480 : i32
      %mul3A_482 = arith.constant 8 : i32
      %mul3A_483 = arith.muli %sub3A_478, %mul3A_482 : i32
      %add3A_484 = arith.addi %add3A_481, %mul3A_483 : i32
      %add3A_485 = vector.broadcast %add3A_484 : i32 to vector<16xi32>
      %add3A_486 = arith.addi %add3A_12, %add3A_485 : vector<16xi32>
      %mul3A_487 = arith.constant 8 : i32
      %mul3A_488 = arith.muli %sub3A_478, %mul3A_487 : i32
      %multiple_of3A = tpu.assume_multiple %mul3A_488, 8 : i32
      %parallel_loop3A = arith.constant 0 : i32
      %parallel_loop3A_489 = arith.constant 48 : i32
      %parallel_loop3A_490 = arith.constant 1 : i32
      scf.for %parallel_loop3A_802 = %parallel_loop3A to %parallel_loop3A_489 step %parallel_loop3A_490  : i32 {
        %parallel_loop3A_803 = arith.constant 16 : i32
        %parallel_loop3A_804 = arith.muli %parallel_loop3A_802, %parallel_loop3A_803 : i32
        %parallel_loop3A_805 = arith.constant 0 : i32
        %parallel_loop3A_806 = arith.addi %multiple_of3A, %parallel_loop3A_805 : i32
        %parallel_loop3A_807 = arith.index_cast %parallel_loop3A_806 : i32 to index
        %parallel_loop3A_808 = arith.index_cast %parallel_loop3A_804 : i32 to index
        %parallel_loop3A_809 = tpu.vector_load %arg7[%parallel_loop3A_807, %parallel_loop3A_808] {strides = array<i32>} : memref<77x768xf32, #tpu.memory_space<vmem>>, vector<1x16xf32>,
        %parallel_loop3A_810 = vector.shape_cast %parallel_loop3A_809 : vector<1x16xf32> to vector<16xf32>
        %parallel_loop3A_811 = arith.constant 0 : i32
        %parallel_loop3A_812 = arith.index_cast %parallel_loop3A_811 : i32 to index
        %parallel_loop3A_813 = arith.index_cast %parallel_loop3A_804 : i32 to index
        %parallel_loop3A_814 = tpu.vector_load %arg8[%parallel_loop3A_812, %parallel_loop3A_813] {strides = array<i32>} : memref<16x768xf32, #tpu.memory_space<vmem>>, vector<1x16xf32>,
        %parallel_loop3A_815 = vector.shape_cast %parallel_loop3A_814 : vector<1x16xf32> to vector<16xf32>
        %parallel_loop3A_816 = vector.shape_cast %parallel_loop3A_810 : vector<16xf32> to vector<1x16xf32>
        tpu.vector_store %arg8[%parallel_loop3A_812, %parallel_loop3A_813], %parallel_loop3A_816 {add = true, strides = array<i32>} : memref<16x768xf32, #tpu.memory_space<vmem>>, vector<1x16xf32>,
        %parallel_loop3A_817 = arith.constant 8 : i32
        %parallel_loop3A_818 = arith.index_cast %parallel_loop3A_817 : i32 to index
        %parallel_loop3A_819 = arith.index_cast %parallel_loop3A_804 : i32 to index
        %parallel_loop3A_820 = tpu.vector_load %arg8[%parallel_loop3A_818, %parallel_loop3A_819] {strides = array<i32>} : memref<16x768xf32, #tpu.memory_space<vmem>>, vector<1x16xf32>,
        %parallel_loop3A_821 = vector.shape_cast %parallel_loop3A_820 : vector<1x16xf32> to vector<16xf32>
        %parallel_loop3A_822 = vector.shape_cast %parallel_loop3A_810 : vector<16xf32> to vector<1x16xf32>
        tpu.vector_store %arg8[%parallel_loop3A_818, %parallel_loop3A_819], %parallel_loop3A_822 {add = true, strides = array<i32>} : memref<16x768xf32, #tpu.memory_space<vmem>>, vector<1x16xf32>,
        %parallel_loop3A_823 = arith.constant 1 : i32
        %parallel_loop3A_824 = arith.addi %multiple_of3A, %parallel_loop3A_823 : i32
        %parallel_loop3A_825 = arith.index_cast %parallel_loop3A_824 : i32 to index
        %parallel_loop3A_826 = arith.index_cast %parallel_loop3A_804 : i32 to index
        %parallel_loop3A_827 = tpu.vector_load %arg7[%parallel_loop3A_825, %parallel_loop3A_826] {strides = array<i32>} : memref<77x768xf32, #tpu.memory_space<vmem>>, vector<1x16xf32>,
        %parallel_loop3A_828 = vector.shape_cast %parallel_loop3A_827 : vector<1x16xf32> to vector<16xf32>
        %parallel_loop3A_829 = arith.constant 1 : i32
        %parallel_loop3A_830 = arith.index_cast %parallel_loop3A_829 : i32 to index
        %parallel_loop3A_831 = arith.index_cast %parallel_loop3A_804 : i32 to index
        %parallel_loop3A_832 = tpu.vector_load %arg8[%parallel_loop3A_830, %parallel_loop3A_831] {strides = array<i32>} : memref<16x768xf32, #tpu.memory_space<vmem>>, vector<1x16xf32>,
        %parallel_loop3A_833 = vector.shape_cast %parallel_loop3A_832 : vector<1x16xf32> to vector<16xf32>
        %parallel_loop3A_834 = vector.shape_cast %parallel_loop3A_828 : vector<16xf32> to vector<1x16xf32>
        tpu.vector_store %arg8[%parallel_loop3A_830, %parallel_loop3A_831], %parallel_loop3A_834 {add = true, strides = array<i32>} : memref<16x768xf32, #tpu.memory_space<vmem>>, vector<1x16xf32>,
        %parallel_loop3A_835 = arith.constant 9 : i32
        %parallel_loop3A_836 = arith.index_cast %parallel_loop3A_835 : i32 to index
        %parallel_loop3A_837 = arith.index_cast %parallel_loop3A_804 : i32 to index
        %parallel_loop3A_838 = tpu.vector_load %arg8[%parallel_loop3A_836, %parallel_loop3A_837] {strides = array<i32>} : memref<16x768xf32, #tpu.memory_space<vmem>>, vector<1x16xf32>,
        %parallel_loop3A_839 = vector.shape_cast %parallel_loop3A_838 : vector<1x16xf32> to vector<16xf32>
        %parallel_loop3A_840 = vector.shape_cast %parallel_loop3A_828 : vector<16xf32> to vector<1x16xf32>
        tpu.vector_store %arg8[%parallel_loop3A_836, %parallel_loop3A_837], %parallel_loop3A_840 {add = true, strides = array<i32>} : memref<16x768xf32, #tpu.memory_space<vmem>>, vector<1x16xf32>,
        %parallel_loop3A_841 = arith.constant 2 : i32
        %parallel_loop3A_842 = arith.addi %multiple_of3A, %parallel_loop3A_841 : i32
        %parallel_loop3A_843 = arith.index_cast %parallel_loop3A_842 : i32 to index
        %parallel_loop3A_844 = arith.index_cast %parallel_loop3A_804 : i32 to index
        %parallel_loop3A_845 = tpu.vector_load %arg7[%parallel_loop3A_843, %parallel_loop3A_844] {strides = array<i32>} : memref<77x768xf32, #tpu.memory_space<vmem>>, vector<1x16xf32>,
        %parallel_loop3A_846 = vector.shape_cast %parallel_loop3A_845 : vector<1x16xf32> to vector<16xf32>
        %parallel_loop3A_847 = arith.constant 2 : i32
        %parallel_loop3A_848 = arith.index_cast %parallel_loop3A_847 : i32 to index
        %parallel_loop3A_849 = arith.index_cast %parallel_loop3A_804 : i32 to index
        %parallel_loop3A_850 = tpu.vector_load %arg8[%parallel_loop3A_848, %parallel_loop3A_849] {strides = array<i32>} : memref<16x768xf32, #tpu.memory_space<vmem>>, vector<1x16xf32>,
        %parallel_loop3A_851 = vector.shape_cast %parallel_loop3A_850 : vector<1x16xf32> to vector<16xf32>
        %parallel_loop3A_852 = vector.shape_cast %parallel_loop3A_846 : vector<16xf32> to vector<1x16xf32>
        tpu.vector_store %arg8[%parallel_loop3A_848, %parallel_loop3A_849], %parallel_loop3A_852 {add = true, strides = array<i32>} : memref<16x768xf32, #tpu.memory_space<vmem>>, vector<1x16xf32>,
        %parallel_loop3A_853 = arith.constant 10 : i32
        %parallel_loop3A_854 = arith.index_cast %parallel_loop3A_853 : i32 to index
        %parallel_loop3A_855 = arith.index_cast %parallel_loop3A_804 : i32 to index
        %parallel_loop3A_856 = tpu.vector_load %arg8[%parallel_loop3A_854, %parallel_loop3A_855] {strides = array<i32>} : memref<16x768xf32, #tpu.memory_space<vmem>>, vector<1x16xf32>,
        %parallel_loop3A_857 = vector.shape_cast %parallel_loop3A_856 : vector<1x16xf32> to vector<16xf32>
        %parallel_loop3A_858 = vector.shape_cast %parallel_loop3A_846 : vector<16xf32> to vector<1x16xf32>
        tpu.vector_store %arg8[%parallel_loop3A_854, %parallel_loop3A_855], %parallel_loop3A_858 {add = true, strides = array<i32>} : memref<16x768xf32, #tpu.memory_space<vmem>>, vector<1x16xf32>,
        %parallel_loop3A_859 = arith.constant 3 : i32
        %parallel_loop3A_860 = arith.addi %multiple_of3A, %parallel_loop3A_859 : i32
        %parallel_loop3A_861 = arith.index_cast %parallel_loop3A_860 : i32 to index
        %parallel_loop3A_862 = arith.index_cast %parallel_loop3A_804 : i32 to index
        %parallel_loop3A_863 = tpu.vector_load %arg7[%parallel_loop3A_861, %parallel_loop3A_862] {strides = array<i32>} : memref<77x768xf32, #tpu.memory_space<vmem>>, vector<1x16xf32>,
        %parallel_loop3A_864 = vector.shape_cast %parallel_loop3A_863 : vector<1x16xf32> to vector<16xf32>
        %parallel_loop3A_865 = arith.constant 3 : i32
        %parallel_loop3A_866 = arith.index_cast %parallel_loop3A_865 : i32 to index
        %parallel_loop3A_867 = arith.index_cast %parallel_loop3A_804 : i32 to index
        %parallel_loop3A_868 = tpu.vector_load %arg8[%parallel_loop3A_866, %parallel_loop3A_867] {strides = array<i32>} : memref<16x768xf32, #tpu.memory_space<vmem>>, vector<1x16xf32>,
        %parallel_loop3A_869 = vector.shape_cast %parallel_loop3A_868 : vector<1x16xf32> to vector<16xf32>
        %parallel_loop3A_870 = vector.shape_cast %parallel_loop3A_864 : vector<16xf32> to vector<1x16xf32>
        tpu.vector_store %arg8[%parallel_loop3A_866, %parallel_loop3A_867], %parallel_loop3A_870 {add = true, strides = array<i32>} : memref<16x768xf32, #tpu.memory_space<vmem>>, vector<1x16xf32>,
        %parallel_loop3A_871 = arith.constant 11 : i32
        %parallel_loop3A_872 = arith.index_cast %parallel_loop3A_871 : i32 to index
        %parallel_loop3A_873 = arith.index_cast %parallel_loop3A_804 : i32 to index
        %parallel_loop3A_874 = tpu.vector_load %arg8[%parallel_loop3A_872, %parallel_loop3A_873] {strides = array<i32>} : memref<16x768xf32, #tpu.memory_space<vmem>>, vector<1x16xf32>,
        %parallel_loop3A_875 = vector.shape_cast %parallel_loop3A_874 : vector<1x16xf32> to vector<16xf32>
        %parallel_loop3A_876 = vector.shape_cast %parallel_loop3A_864 : vector<16xf32> to vector<1x16xf32>
        tpu.vector_store %arg8[%parallel_loop3A_872, %parallel_loop3A_873], %parallel_loop3A_876 {add = true, strides = array<i32>} : memref<16x768xf32, #tpu.memory_space<vmem>>, vector<1x16xf32>,
        %parallel_loop3A_877 = arith.constant 4 : i32
        %parallel_loop3A_878 = arith.addi %multiple_of3A, %parallel_loop3A_877 : i32
        %parallel_loop3A_879 = arith.index_cast %parallel_loop3A_878 : i32 to index
        %parallel_loop3A_880 = arith.index_cast %parallel_loop3A_804 : i32 to index
        %parallel_loop3A_881 = tpu.vector_load %arg7[%parallel_loop3A_879, %parallel_loop3A_880] {strides = array<i32>} : memref<77x768xf32, #tpu.memory_space<vmem>>, vector<1x16xf32>,
        %parallel_loop3A_882 = vector.shape_cast %parallel_loop3A_881 : vector<1x16xf32> to vector<16xf32>
        %parallel_loop3A_883 = arith.constant 4 : i32
        %parallel_loop3A_884 = arith.index_cast %parallel_loop3A_883 : i32 to index
        %parallel_loop3A_885 = arith.index_cast %parallel_loop3A_804 : i32 to index
        %parallel_loop3A_886 = tpu.vector_load %arg8[%parallel_loop3A_884, %parallel_loop3A_885] {strides = array<i32>} : memref<16x768xf32, #tpu.memory_space<vmem>>, vector<1x16xf32>,
        %parallel_loop3A_887 = vector.shape_cast %parallel_loop3A_886 : vector<1x16xf32> to vector<16xf32>
        %parallel_loop3A_888 = vector.shape_cast %parallel_loop3A_882 : vector<16xf32> to vector<1x16xf32>
        tpu.vector_store %arg8[%parallel_loop3A_884, %parallel_loop3A_885], %parallel_loop3A_888 {add = true, strides = array<i32>} : memref<16x768xf32, #tpu.memory_space<vmem>>, vector<1x16xf32>,
        %parallel_loop3A_889 = arith.constant 12 : i32
        %parallel_loop3A_890 = arith.index_cast %parallel_loop3A_889 : i32 to index
        %parallel_loop3A_891 = arith.index_cast %parallel_loop3A_804 : i32 to index
        %parallel_loop3A_892 = tpu.vector_load %arg8[%parallel_loop3A_890, %parallel_loop3A_891] {strides = array<i32>} : memref<16x768xf32, #tpu.memory_space<vmem>>, vector<1x16xf32>,
        %parallel_loop3A_893 = vector.shape_cast %parallel_loop3A_892 : vector<1x16xf32> to vector<16xf32>
        %parallel_loop3A_894 = vector.shape_cast %parallel_loop3A_882 : vector<16xf32> to vector<1x16xf32>
        tpu.vector_store %arg8[%parallel_loop3A_890, %parallel_loop3A_891], %parallel_loop3A_894 {add = true, strides = array<i32>} : memref<16x768xf32, #tpu.memory_space<vmem>>, vector<1x16xf32>,
        %parallel_loop3A_895 = arith.constant 5 : i32
        %parallel_loop3A_896 = arith.addi %multiple_of3A, %parallel_loop3A_895 : i32
        %parallel_loop3A_897 = arith.index_cast %parallel_loop3A_896 : i32 to index
        %parallel_loop3A_898 = arith.index_cast %parallel_loop3A_804 : i32 to index
        %parallel_loop3A_899 = tpu.vector_load %arg7[%parallel_loop3A_897, %parallel_loop3A_898] {strides = array<i32>} : memref<77x768xf32, #tpu.memory_space<vmem>>, vector<1x16xf32>,
        %parallel_loop3A_900 = vector.shape_cast %parallel_loop3A_899 : vector<1x16xf32> to vector<16xf32>
        %parallel_loop3A_901 = arith.constant 5 : i32
        %parallel_loop3A_902 = arith.index_cast %parallel_loop3A_901 : i32 to index
        %parallel_loop3A_903 = arith.index_cast %parallel_loop3A_804 : i32 to index
        %parallel_loop3A_904 = tpu.vector_load %arg8[%parallel_loop3A_902, %parallel_loop3A_903] {strides = array<i32>} : memref<16x768xf32, #tpu.memory_space<vmem>>, vector<1x16xf32>,
        %parallel_loop3A_905 = vector.shape_cast %parallel_loop3A_904 : vector<1x16xf32> to vector<16xf32>
        %parallel_loop3A_906 = vector.shape_cast %parallel_loop3A_900 : vector<16xf32> to vector<1x16xf32>
        tpu.vector_store %arg8[%parallel_loop3A_902, %parallel_loop3A_903], %parallel_loop3A_906 {add = true, strides = array<i32>} : memref<16x768xf32, #tpu.memory_space<vmem>>, vector<1x16xf32>,
        %parallel_loop3A_907 = arith.constant 13 : i32
        %parallel_loop3A_908 = arith.index_cast %parallel_loop3A_907 : i32 to index
        %parallel_loop3A_909 = arith.index_cast %parallel_loop3A_804 : i32 to index
        %parallel_loop3A_910 = tpu.vector_load %arg8[%parallel_loop3A_908, %parallel_loop3A_909] {strides = array<i32>} : memref<16x768xf32, #tpu.memory_space<vmem>>, vector<1x16xf32>,
        %parallel_loop3A_911 = vector.shape_cast %parallel_loop3A_910 : vector<1x16xf32> to vector<16xf32>
        %parallel_loop3A_912 = vector.shape_cast %parallel_loop3A_900 : vector<16xf32> to vector<1x16xf32>
        tpu.vector_store %arg8[%parallel_loop3A_908, %parallel_loop3A_909], %parallel_loop3A_912 {add = true, strides = array<i32>} : memref<16x768xf32, #tpu.memory_space<vmem>>, vector<1x16xf32>,
        %parallel_loop3A_913 = arith.constant 6 : i32
        %parallel_loop3A_914 = arith.addi %multiple_of3A, %parallel_loop3A_913 : i32
        %parallel_loop3A_915 = arith.index_cast %parallel_loop3A_914 : i32 to index
        %parallel_loop3A_916 = arith.index_cast %parallel_loop3A_804 : i32 to index
        %parallel_loop3A_917 = tpu.vector_load %arg7[%parallel_loop3A_915, %parallel_loop3A_916] {strides = array<i32>} : memref<77x768xf32, #tpu.memory_space<vmem>>, vector<1x16xf32>,
        %parallel_loop3A_918 = vector.shape_cast %parallel_loop3A_917 : vector<1x16xf32> to vector<16xf32>
        %parallel_loop3A_919 = arith.constant 6 : i32
        %parallel_loop3A_920 = arith.index_cast %parallel_loop3A_919 : i32 to index
        %parallel_loop3A_921 = arith.index_cast %parallel_loop3A_804 : i32 to index
        %parallel_loop3A_922 = tpu.vector_load %arg8[%parallel_loop3A_920, %parallel_loop3A_921] {strides = array<i32>} : memref<16x768xf32, #tpu.memory_space<vmem>>, vector<1x16xf32>,
        %parallel_loop3A_923 = vector.shape_cast %parallel_loop3A_922 : vector<1x16xf32> to vector<16xf32>
        %parallel_loop3A_924 = vector.shape_cast %parallel_loop3A_918 : vector<16xf32> to vector<1x16xf32>
        tpu.vector_store %arg8[%parallel_loop3A_920, %parallel_loop3A_921], %parallel_loop3A_924 {add = true, strides = array<i32>} : memref<16x768xf32, #tpu.memory_space<vmem>>, vector<1x16xf32>,
        %parallel_loop3A_925 = arith.constant 14 : i32
        %parallel_loop3A_926 = arith.index_cast %parallel_loop3A_925 : i32 to index
        %parallel_loop3A_927 = arith.index_cast %parallel_loop3A_804 : i32 to index
        %parallel_loop3A_928 = tpu.vector_load %arg8[%parallel_loop3A_926, %parallel_loop3A_927] {strides = array<i32>} : memref<16x768xf32, #tpu.memory_space<vmem>>, vector<1x16xf32>,
        %parallel_loop3A_929 = vector.shape_cast %parallel_loop3A_928 : vector<1x16xf32> to vector<16xf32>
        %parallel_loop3A_930 = vector.shape_cast %parallel_loop3A_918 : vector<16xf32> to vector<1x16xf32>
        tpu.vector_store %arg8[%parallel_loop3A_926, %parallel_loop3A_927], %parallel_loop3A_930 {add = true, strides = array<i32>} : memref<16x768xf32, #tpu.memory_space<vmem>>, vector<1x16xf32>,
        %parallel_loop3A_931 = arith.constant 7 : i32
        %parallel_loop3A_932 = arith.addi %multiple_of3A, %parallel_loop3A_931 : i32
        %parallel_loop3A_933 = arith.index_cast %parallel_loop3A_932 : i32 to index
        %parallel_loop3A_934 = arith.index_cast %parallel_loop3A_804 : i32 to index
        %parallel_loop3A_935 = tpu.vector_load %arg7[%parallel_loop3A_933, %parallel_loop3A_934] {strides = array<i32>} : memref<77x768xf32, #tpu.memory_space<vmem>>, vector<1x16xf32>,
        %parallel_loop3A_936 = vector.shape_cast %parallel_loop3A_935 : vector<1x16xf32> to vector<16xf32>
        %parallel_loop3A_937 = arith.constant 7 : i32
        %parallel_loop3A_938 = arith.index_cast %parallel_loop3A_937 : i32 to index
        %parallel_loop3A_939 = arith.index_cast %parallel_loop3A_804 : i32 to index
        %parallel_loop3A_940 = tpu.vector_load %arg8[%parallel_loop3A_938, %parallel_loop3A_939] {strides = array<i32>} : memref<16x768xf32, #tpu.memory_space<vmem>>, vector<1x16xf32>,
        %parallel_loop3A_941 = vector.shape_cast %parallel_loop3A_940 : vector<1x16xf32> to vector<16xf32>
        %parallel_loop3A_942 = vector.shape_cast %parallel_loop3A_936 : vector<16xf32> to vector<1x16xf32>
        tpu.vector_store %arg8[%parallel_loop3A_938, %parallel_loop3A_939], %parallel_loop3A_942 {add = true, strides = array<i32>} : memref<16x768xf32, #tpu.memory_space<vmem>>, vector<1x16xf32>,
        %parallel_loop3A_943 = arith.constant 15 : i32
        %parallel_loop3A_944 = arith.index_cast %parallel_loop3A_943 : i32 to index
        %parallel_loop3A_945 = arith.index_cast %parallel_loop3A_804 : i32 to index
        %parallel_loop3A_946 = tpu.vector_load %arg8[%parallel_loop3A_944, %parallel_loop3A_945] {strides = array<i32>} : memref<16x768xf32, #tpu.memory_space<vmem>>, vector<1x16xf32>,
        %parallel_loop3A_947 = vector.shape_cast %parallel_loop3A_946 : vector<1x16xf32> to vector<16xf32>
        %parallel_loop3A_948 = vector.shape_cast %parallel_loop3A_936 : vector<16xf32> to vector<1x16xf32>
        tpu.vector_store %arg8[%parallel_loop3A_944, %parallel_loop3A_945], %parallel_loop3A_948 {add = true, strides = array<i32>} : memref<16x768xf32, #tpu.memory_space<vmem>>, vector<1x16xf32>,
      } {sc.loop_unroll_factor = 2 : i64, sc.parallel_access}
      %mul3A_491 = arith.constant 2 : i32
      %mul3A_492 = arith.muli %mul3A_491, %select_n3A : i32
      %add3A_493 = arith.addi %mul3A_2, %mul3A_492 : i32
      %dma_start3A_494 = arith.constant 0 : i32
      %dma_start3A_495 = arith.constant 0 : i32
      %dma_start3A_496 = tpu.memref_slice %arg8[%dma_start3A_494, %dma_start3A_495] : memref<16x768xf32, #tpu.memory_space<vmem>> -> memref<8x768xf32, #tpu.memory_space<vmem>>
      %dma_start3A_497 = arith.constant 0 : i32
      %dma_start3A_498 = tpu.memref_slice %arg5[%add3A_493, %multiple_of3A, %dma_start3A_497] : memref<4096x77x768xf32, #tpu.memory_space<hbm>> -> memref<1x8x768xf32, #tpu.memory_space<hbm>>
      %dma_start3A_499 = tpu.memref_squeeze %dma_start3A_498 : memref<1x8x768xf32, #tpu.memory_space<hbm>> -> memref<8x768xf32, #tpu.memory_space<hbm>>
      %dma_start3A_500 = arith.constant 0 : i32
      %dma_start3A_501 = tpu.memref_slice %arg5[%add3A_493, %multiple_of3A, %dma_start3A_500] : memref<4096x77x768xf32, #tpu.memory_space<hbm>> -> memref<1x8x768xf32, #tpu.memory_space<hbm>>
      %dma_start3A_502 = tpu.memref_squeeze %dma_start3A_501 : memref<1x8x768xf32, #tpu.memory_space<hbm>> -> memref<8x768xf32, #tpu.memory_space<hbm>>
      %dma_start3A_503 = arith.constant 0 : i32
      %dma_start3A_504 = arith.constant 0 : i32
      %dma_start3A_505 = tpu.memref_slice %arg8[%dma_start3A_503, %dma_start3A_504] : memref<16x768xf32, #tpu.memory_space<vmem>> -> memref<8x768xf32, #tpu.memory_space<vmem>>
      tpu.enqueue_dma source(%dma_start3A_505 : memref<8x768xf32, #tpu.memory_space<vmem>>) target(%dma_start3A_502 : memref<8x768xf32, #tpu.memory_space<hbm>>) target_semaphore(%arg16 : memref<!tpu.dma_semaphore, #tpu.memory_space<semaphore_mem>>)
      %add3A_506 = arith.constant 1 : i32
      %add3A_507 = arith.addi %add3A_493, %add3A_506 : i32
      %dma_start3A_508 = arith.constant 8 : i32
      %dma_start3A_509 = arith.constant 0 : i32
      %dma_start3A_510 = tpu.memref_slice %arg8[%dma_start3A_508, %dma_start3A_509] : memref<16x768xf32, #tpu.memory_space<vmem>> -> memref<8x768xf32, #tpu.memory_space<vmem>>
      %dma_start3A_511 = arith.constant 0 : i32
      %dma_start3A_512 = tpu.memref_slice %arg5[%add3A_507, %multiple_of3A, %dma_start3A_511] : memref<4096x77x768xf32, #tpu.memory_space<hbm>> -> memref<1x8x768xf32, #tpu.memory_space<hbm>>
      %dma_start3A_513 = tpu.memref_squeeze %dma_start3A_512 : memref<1x8x768xf32, #tpu.memory_space<hbm>> -> memref<8x768xf32, #tpu.memory_space<hbm>>
      %dma_start3A_514 = arith.constant 0 : i32
      %dma_start3A_515 = tpu.memref_slice %arg5[%add3A_507, %multiple_of3A, %dma_start3A_514] : memref<4096x77x768xf32, #tpu.memory_space<hbm>> -> memref<1x8x768xf32, #tpu.memory_space<hbm>>
      %dma_start3A_516 = tpu.memref_squeeze %dma_start3A_515 : memref<1x8x768xf32, #tpu.memory_space<hbm>> -> memref<8x768xf32, #tpu.memory_space<hbm>>
      %dma_start3A_517 = arith.constant 8 : i32
      %dma_start3A_518 = arith.constant 0 : i32
      %dma_start3A_519 = tpu.memref_slice %arg8[%dma_start3A_517, %dma_start3A_518] : memref<16x768xf32, #tpu.memory_space<vmem>> -> memref<8x768xf32, #tpu.memory_space<vmem>>
      tpu.enqueue_dma source(%dma_start3A_519 : memref<8x768xf32, #tpu.memory_space<vmem>>) target(%dma_start3A_516 : memref<8x768xf32, #tpu.memory_space<hbm>>) target_semaphore(%arg16 : memref<!tpu.dma_semaphore, #tpu.memory_space<semaphore_mem>>)
      %mul3A_520 = arith.constant 4 : i32
      %mul3A_521 = arith.muli %scan3A_437, %mul3A_520 : i32
      %add3A_522 = arith.constant 1 : i32
      %add3A_523 = arith.addi %mul3A_521, %add3A_522 : i32
      %add3A_524 = arith.constant 2 : i32
      %add3A_525 = arith.addi %add3A_523, %add3A_524 : i32
      %lt3A_526 = arith.constant 576 : i32
      %lt3A_527 = arith.cmpi slt, %add3A_525, %lt3A_526 : i32
      %convert_element_type3A_528 = arith.extui %lt3A_527 : i1 to i32
      %cond3A_529 = arith.constant 0 : i32
      %cond3A_530 = arith.cmpi ne, %convert_element_type3A_528, %cond3A_529 : i32
      scf.if %cond3A_530 {
        %dma_wait3A_802 = arith.constant 3 : i32
        %dma_wait3A_803 = arith.constant 0 : i32
        %dma_wait3A_804 = tpu.memref_slice %arg6[%dma_wait3A_802, %dma_wait3A_803] : memref<4x16xi32, #tpu.memory_space<vmem>> -> memref<1x16xi32, #tpu.memory_space<vmem>>
        %dma_wait3A_805 = tpu.memref_squeeze %dma_wait3A_804 : memref<1x16xi32, #tpu.memory_space<vmem>> -> memref<16xi32, #tpu.memory_space<vmem>>
        %dma_wait3A_806 = arith.constant 0 : i32
        %dma_wait3A_807 = tpu.memref_slice %arg2[%dma_wait3A_806] : memref<315392xi32, #tpu.memory_space<hbm>> -> memref<16xi32, #tpu.memory_space<hbm>>
        %dma_wait3A_808 = arith.constant 0 : i32
        %dma_wait3A_809 = tpu.memref_slice %arg6[%dma_wait3A_802, %dma_wait3A_808] : memref<4x16xi32, #tpu.memory_space<vmem>> -> memref<1x16xi32, #tpu.memory_space<vmem>>
        %dma_wait3A_810 = tpu.memref_squeeze %dma_wait3A_809 : memref<1x16xi32, #tpu.memory_space<vmem>> -> memref<16xi32, #tpu.memory_space<vmem>>
        %dma_wait3A_811 = arith.constant 0 : i32
        %dma_wait3A_812 = tpu.memref_slice %arg2[%dma_wait3A_811] : memref<315392xi32, #tpu.memory_space<hbm>> -> memref<16xi32, #tpu.memory_space<hbm>>
        tpu.wait_dma2 semaphore(%arg23 : memref<!tpu.dma_semaphore, #tpu.memory_space<semaphore_mem>>) src(%dma_wait3A_812 : memref<16xi32, #tpu.memory_space<hbm>>) dst(%dma_wait3A_810 : memref<16xi32, #tpu.memory_space<vmem>>)
        %ge3A = arith.constant 2 : i32
        %ge3A_813 = arith.cmpi sge, %add3A_523, %ge3A : i32
        %convert_element_type3A_814 = arith.extui %ge3A_813 : i1 to i32
        %cond3A_815 = arith.constant 0 : i32
        %cond3A_816 = arith.cmpi ne, %convert_element_type3A_814, %cond3A_815 : i32
        scf.if %cond3A_816 {
          %dma_wait3A_824 = arith.constant 0 : i32
          %dma_wait3A_825 = arith.constant 0 : i32
          %dma_wait3A_826 = arith.constant 0 : i32
          %dma_wait3A_827 = tpu.memref_slice %arg11[%dma_wait3A_825, %dma_wait3A_826] : memref<16x768xf32, #tpu.memory_space<vmem>> -> memref<8x768xf32, #tpu.memory_space<vmem>>
          %dma_wait3A_828 = arith.constant 0 : i32
          %dma_wait3A_829 = arith.constant 0 : i32
          %dma_wait3A_830 = tpu.memref_slice %arg5[%dma_wait3A_824, %dma_wait3A_828, %dma_wait3A_829] : memref<4096x77x768xf32, #tpu.memory_space<hbm>> -> memref<1x8x768xf32, #tpu.memory_space<hbm>>
          %dma_wait3A_831 = tpu.memref_squeeze %dma_wait3A_830 : memref<1x8x768xf32, #tpu.memory_space<hbm>> -> memref<8x768xf32, #tpu.memory_space<hbm>>
          %dma_wait3A_832 = arith.constant 0 : i32
          %dma_wait3A_833 = arith.constant 0 : i32
          %dma_wait3A_834 = tpu.memref_slice %arg5[%dma_wait3A_824, %dma_wait3A_832, %dma_wait3A_833] : memref<4096x77x768xf32, #tpu.memory_space<hbm>> -> memref<1x8x768xf32, #tpu.memory_space<hbm>>
          %dma_wait3A_835 = tpu.memref_squeeze %dma_wait3A_834 : memref<1x8x768xf32, #tpu.memory_space<hbm>> -> memref<8x768xf32, #tpu.memory_space<hbm>>
          %dma_wait3A_836 = arith.constant 0 : i32
          %dma_wait3A_837 = arith.constant 0 : i32
          %dma_wait3A_838 = tpu.memref_slice %arg11[%dma_wait3A_836, %dma_wait3A_837] : memref<16x768xf32, #tpu.memory_space<vmem>> -> memref<8x768xf32, #tpu.memory_space<vmem>>
          tpu.wait_dma2 semaphore(%arg19 : memref<!tpu.dma_semaphore, #tpu.memory_space<semaphore_mem>>) src(%dma_wait3A_838 : memref<8x768xf32, #tpu.memory_space<vmem>>) dst(%dma_wait3A_835 : memref<8x768xf32, #tpu.memory_space<hbm>>)
          %dma_wait3A_839 = arith.constant 0 : i32
          %dma_wait3A_840 = arith.constant 0 : i32
          %dma_wait3A_841 = arith.constant 0 : i32
          %dma_wait3A_842 = tpu.memref_slice %arg11[%dma_wait3A_840, %dma_wait3A_841] : memref<16x768xf32, #tpu.memory_space<vmem>> -> memref<8x768xf32, #tpu.memory_space<vmem>>
          %dma_wait3A_843 = arith.constant 0 : i32
          %dma_wait3A_844 = arith.constant 0 : i32
          %dma_wait3A_845 = tpu.memref_slice %arg5[%dma_wait3A_839, %dma_wait3A_843, %dma_wait3A_844] : memref<4096x77x768xf32, #tpu.memory_space<hbm>> -> memref<1x8x768xf32, #tpu.memory_space<hbm>>
          %dma_wait3A_846 = tpu.memref_squeeze %dma_wait3A_845 : memref<1x8x768xf32, #tpu.memory_space<hbm>> -> memref<8x768xf32, #tpu.memory_space<hbm>>
          %dma_wait3A_847 = arith.constant 0 : i32
          %dma_wait3A_848 = arith.constant 0 : i32
          %dma_wait3A_849 = tpu.memref_slice %arg5[%dma_wait3A_839, %dma_wait3A_847, %dma_wait3A_848] : memref<4096x77x768xf32, #tpu.memory_space<hbm>> -> memref<1x8x768xf32, #tpu.memory_space<hbm>>
          %dma_wait3A_850 = tpu.memref_squeeze %dma_wait3A_849 : memref<1x8x768xf32, #tpu.memory_space<hbm>> -> memref<8x768xf32, #tpu.memory_space<hbm>>
          %dma_wait3A_851 = arith.constant 0 : i32
          %dma_wait3A_852 = arith.constant 0 : i32
          %dma_wait3A_853 = tpu.memref_slice %arg11[%dma_wait3A_851, %dma_wait3A_852] : memref<16x768xf32, #tpu.memory_space<vmem>> -> memref<8x768xf32, #tpu.memory_space<vmem>>
          tpu.wait_dma2 semaphore(%arg19 : memref<!tpu.dma_semaphore, #tpu.memory_space<semaphore_mem>>) src(%dma_wait3A_853 : memref<8x768xf32, #tpu.memory_space<vmem>>) dst(%dma_wait3A_850 : memref<8x768xf32, #tpu.memory_space<hbm>>)
        } else {
        }
        %dma_start3A_817 = arith.constant 3 : i32
        %dma_start3A_818 = arith.constant 0 : i32
        %dma_start3A_819 = tpu.memref_slice %arg6[%dma_start3A_817, %dma_start3A_818] : memref<4x16xi32, #tpu.memory_space<vmem>> -> memref<1x16xi32, #tpu.memory_space<vmem>>
        %dma_start3A_820 = tpu.memref_squeeze %dma_start3A_819 : memref<1x16xi32, #tpu.memory_space<vmem>> -> memref<16xi32, #tpu.memory_space<vmem>>
        %dma_start3A_821 = arith.constant 0 : i32
        %dma_start3A_822 = arith.constant 0 : i32
        %dma_start3A_823 = tpu.memref_slice %arg3[%dma_start3A_821, %dma_start3A_822] : memref<49408x768xf32, #tpu.memory_space<hbm>> -> memref<49408x768xf32, #tpu.memory_space<hbm>>
        tpu.enqueue_indirect_dma source(%dma_start3A_823 : memref<49408x768xf32, #tpu.memory_space<hbm>>) target(%arg11 : memref<16x768xf32, #tpu.memory_space<vmem>>) offsets(%dma_start3A_820 : memref<16xi32, #tpu.memory_space<vmem>>) semaphore(%arg15 : memref<!tpu.dma_semaphore, #tpu.memory_space<semaphore_mem>>)
      } else {
      }
      %dma_wait3A_531 = arith.constant 0 : i32
      %dma_wait3A_532 = arith.constant 0 : i32
      %dma_wait3A_533 = tpu.memref_slice %arg3[%dma_wait3A_531, %dma_wait3A_532] : memref<49408x768xf32, #tpu.memory_space<hbm>> -> memref<16x768xf32, #tpu.memory_space<hbm>>
      %dma_wait3A_534 = arith.constant 0 : i32
      %dma_wait3A_535 = arith.constant 0 : i32
      %dma_wait3A_536 = tpu.memref_slice %arg3[%dma_wait3A_534, %dma_wait3A_535] : memref<49408x768xf32, #tpu.memory_space<hbm>> -> memref<16x768xf32, #tpu.memory_space<hbm>>
      tpu.wait_dma2 semaphore(%arg13 : memref<!tpu.dma_semaphore, #tpu.memory_space<semaphore_mem>>) src(%dma_wait3A_536 : memref<16x768xf32, #tpu.memory_space<hbm>>) dst(%arg9 : memref<16x768xf32, #tpu.memory_space<vmem>>)
      %add3A_537 = arith.constant 4 : i32
      %add3A_538 = arith.addi %add3A_523, %add3A_537 : i32
      %lt3A_539 = arith.constant 576 : i32
      %lt3A_540 = arith.cmpi slt, %add3A_538, %lt3A_539 : i32
      %convert_element_type3A_541 = arith.extui %lt3A_540 : i1 to i32
      %cond3A_542 = arith.constant 0 : i32
      %cond3A_543 = arith.cmpi ne, %convert_element_type3A_541, %cond3A_542 : i32
      scf.if %cond3A_543 {
        %add3A_802 = arith.constant 4 : i32
        %add3A_803 = arith.addi %add3A_523, %add3A_802 : i32
        %jit3A_804 = arith.constant 9 : i32
        %div3A_805 = arith.divsi %add3A_803, %jit3A_804 : i32
        %sign3A_806 = arith.constant 0 : i32
        %sign3A_807 = arith.cmpi sgt, %add3A_803, %sign3A_806 : i32
        %sign3A_808 = arith.extui %sign3A_807 : i1 to i32
        %sign3A_809 = arith.constant 0 : i32
        %sign3A_810 = arith.cmpi slt, %add3A_803, %sign3A_809 : i32
        %sign3A_811 = arith.extui %sign3A_810 : i1 to i32
        %sign3A_812 = arith.subi %sign3A_808, %sign3A_811 : i32
        %sign3A_813 = arith.constant 0 : i32
        %sign3A_814 = arith.cmpi sgt, %jit3A_804, %sign3A_813 : i32
        %sign3A_815 = arith.extui %sign3A_814 : i1 to i32
        %sign3A_816 = arith.constant 0 : i32
        %sign3A_817 = arith.cmpi slt, %jit3A_804, %sign3A_816 : i32
        %sign3A_818 = arith.extui %sign3A_817 : i1 to i32
        %sign3A_819 = arith.subi %sign3A_815, %sign3A_818 : i32
        %ne3A_820 = arith.cmpi ne, %sign3A_812, %sign3A_819 : i32
        %rem3A_821 = arith.remsi %add3A_803, %jit3A_804 : i32
        %ne3A_822 = arith.constant 0 : i32
        %ne3A_823 = arith.cmpi ne, %rem3A_821, %ne3A_822 : i32
        %and3A_824 = arith.andi %ne3A_820, %ne3A_823 : i1
        %sub3A_825 = arith.constant 1 : i32
        %sub3A_826 = arith.subi %div3A_805, %sub3A_825 : i32
        %select_n3A_827 = arith.select %and3A_824, %sub3A_826, %div3A_805 : i32
        %mul3A_828 = arith.constant 9 : i32
        %mul3A_829 = arith.muli %select_n3A_827, %mul3A_828 : i32
        %sub3A_830 = arith.subi %add3A_803, %mul3A_829 : i32
        %mul3A_831 = arith.constant 154 : i32
        %mul3A_832 = arith.muli %select_n3A_827, %mul3A_831 : i32
        %add3A_833 = arith.addi %mul3A_4, %mul3A_832 : i32
        %mul3A_834 = arith.constant 8 : i32
        %mul3A_835 = arith.muli %sub3A_830, %mul3A_834 : i32
        %add3A_836 = arith.addi %add3A_833, %mul3A_835 : i32
        %add3A_837 = vector.broadcast %add3A_836 : i32 to vector<16xi32>
        %add3A_838 = arith.addi %add3A_12, %add3A_837 : vector<16xi32>
        %dma_start3A_839 = arith.constant 1 : i32
        %dma_start3A_840 = arith.constant 0 : i32
        %dma_start3A_841 = tpu.memref_slice %arg6[%dma_start3A_839, %dma_start3A_840] : memref<4x16xi32, #tpu.memory_space<vmem>> -> memref<1x16xi32, #tpu.memory_space<vmem>>
        %dma_start3A_842 = tpu.memref_squeeze %dma_start3A_841 : memref<1x16xi32, #tpu.memory_space<vmem>> -> memref<16xi32, #tpu.memory_space<vmem>>
        %dma_start3A_843 = arith.constant 0 : i32
        %dma_start3A_844 = tpu.memref_slice %arg2[%dma_start3A_843] : memref<315392xi32, #tpu.memory_space<hbm>> -> memref<315392xi32, #tpu.memory_space<hbm>>
        tpu.enqueue_indirect_dma source(%dma_start3A_844 : memref<315392xi32, #tpu.memory_space<hbm>>) target(%dma_start3A_842 : memref<16xi32, #tpu.memory_space<vmem>>) offsets(%add3A_838 : vector<16xi32>) semaphore(%arg21 : memref<!tpu.dma_semaphore, #tpu.memory_space<semaphore_mem>>)
      } else {
      }
      %jit3A_544 = arith.constant 9 : i32
      %div3A_545 = arith.divsi %add3A_523, %jit3A_544 : i32
      %sign3A_546 = arith.constant 0 : i32
      %sign3A_547 = arith.cmpi sgt, %add3A_523, %sign3A_546 : i32
      %sign3A_548 = arith.extui %sign3A_547 : i1 to i32
      %sign3A_549 = arith.constant 0 : i32
      %sign3A_550 = arith.cmpi slt, %add3A_523, %sign3A_549 : i32
      %sign3A_551 = arith.extui %sign3A_550 : i1 to i32
      %sign3A_552 = arith.subi %sign3A_548, %sign3A_551 : i32
      %sign3A_553 = arith.constant 0 : i32
      %sign3A_554 = arith.cmpi sgt, %jit3A_544, %sign3A_553 : i32
      %sign3A_555 = arith.extui %sign3A_554 : i1 to i32
      %sign3A_556 = arith.constant 0 : i32
      %sign3A_557 = arith.cmpi slt, %jit3A_544, %sign3A_556 : i32
      %sign3A_558 = arith.extui %sign3A_557 : i1 to i32
      %sign3A_559 = arith.subi %sign3A_555, %sign3A_558 : i32
      %ne3A_560 = arith.cmpi ne, %sign3A_552, %sign3A_559 : i32
      %rem3A_561 = arith.remsi %add3A_523, %jit3A_544 : i32
      %ne3A_562 = arith.constant 0 : i32
      %ne3A_563 = arith.cmpi ne, %rem3A_561, %ne3A_562 : i32
      %and3A_564 = arith.andi %ne3A_560, %ne3A_563 : i1
      %sub3A_565 = arith.constant 1 : i32
      %sub3A_566 = arith.subi %div3A_545, %sub3A_565 : i32
      %select_n3A_567 = arith.select %and3A_564, %sub3A_566, %div3A_545 : i32
      %mul3A_568 = arith.constant 9 : i32
      %mul3A_569 = arith.muli %select_n3A_567, %mul3A_568 : i32
      %sub3A_570 = arith.subi %add3A_523, %mul3A_569 : i32
      %mul3A_571 = arith.constant 154 : i32
      %mul3A_572 = arith.muli %select_n3A_567, %mul3A_571 : i32
      %add3A_573 = arith.addi %mul3A_4, %mul3A_572 : i32
      %mul3A_574 = arith.constant 8 : i32
      %mul3A_575 = arith.muli %sub3A_570, %mul3A_574 : i32
      %add3A_576 = arith.addi %add3A_573, %mul3A_575 : i32
      %add3A_577 = vector.broadcast %add3A_576 : i32 to vector<16xi32>
      %add3A_578 = arith.addi %add3A_12, %add3A_577 : vector<16xi32>
      %mul3A_579 = arith.constant 8 : i32
      %mul3A_580 = arith.muli %sub3A_570, %mul3A_579 : i32
      %multiple_of3A_581 = tpu.assume_multiple %mul3A_580, 8 : i32
      %parallel_loop3A_582 = arith.constant 0 : i32
      %parallel_loop3A_583 = arith.constant 48 : i32
      %parallel_loop3A_584 = arith.constant 1 : i32
      scf.for %parallel_loop3A_802 = %parallel_loop3A_582 to %parallel_loop3A_583 step %parallel_loop3A_584  : i32 {
        %parallel_loop3A_803 = arith.constant 16 : i32
        %parallel_loop3A_804 = arith.muli %parallel_loop3A_802, %parallel_loop3A_803 : i32
        %parallel_loop3A_805 = arith.constant 0 : i32
        %parallel_loop3A_806 = arith.addi %multiple_of3A_581, %parallel_loop3A_805 : i32
        %parallel_loop3A_807 = arith.index_cast %parallel_loop3A_806 : i32 to index
        %parallel_loop3A_808 = arith.index_cast %parallel_loop3A_804 : i32 to index
        %parallel_loop3A_809 = tpu.vector_load %arg7[%parallel_loop3A_807, %parallel_loop3A_808] {strides = array<i32>} : memref<77x768xf32, #tpu.memory_space<vmem>>, vector<1x16xf32>,
        %parallel_loop3A_810 = vector.shape_cast %parallel_loop3A_809 : vector<1x16xf32> to vector<16xf32>
        %parallel_loop3A_811 = arith.constant 0 : i32
        %parallel_loop3A_812 = arith.index_cast %parallel_loop3A_811 : i32 to index
        %parallel_loop3A_813 = arith.index_cast %parallel_loop3A_804 : i32 to index
        %parallel_loop3A_814 = tpu.vector_load %arg9[%parallel_loop3A_812, %parallel_loop3A_813] {strides = array<i32>} : memref<16x768xf32, #tpu.memory_space<vmem>>, vector<1x16xf32>,
        %parallel_loop3A_815 = vector.shape_cast %parallel_loop3A_814 : vector<1x16xf32> to vector<16xf32>
        %parallel_loop3A_816 = vector.shape_cast %parallel_loop3A_810 : vector<16xf32> to vector<1x16xf32>
        tpu.vector_store %arg9[%parallel_loop3A_812, %parallel_loop3A_813], %parallel_loop3A_816 {add = true, strides = array<i32>} : memref<16x768xf32, #tpu.memory_space<vmem>>, vector<1x16xf32>,
        %parallel_loop3A_817 = arith.constant 8 : i32
        %parallel_loop3A_818 = arith.index_cast %parallel_loop3A_817 : i32 to index
        %parallel_loop3A_819 = arith.index_cast %parallel_loop3A_804 : i32 to index
        %parallel_loop3A_820 = tpu.vector_load %arg9[%parallel_loop3A_818, %parallel_loop3A_819] {strides = array<i32>} : memref<16x768xf32, #tpu.memory_space<vmem>>, vector<1x16xf32>,
        %parallel_loop3A_821 = vector.shape_cast %parallel_loop3A_820 : vector<1x16xf32> to vector<16xf32>
        %parallel_loop3A_822 = vector.shape_cast %parallel_loop3A_810 : vector<16xf32> to vector<1x16xf32>
        tpu.vector_store %arg9[%parallel_loop3A_818, %parallel_loop3A_819], %parallel_loop3A_822 {add = true, strides = array<i32>} : memref<16x768xf32, #tpu.memory_space<vmem>>, vector<1x16xf32>,
        %parallel_loop3A_823 = arith.constant 1 : i32
        %parallel_loop3A_824 = arith.addi %multiple_of3A_581, %parallel_loop3A_823 : i32
        %parallel_loop3A_825 = arith.index_cast %parallel_loop3A_824 : i32 to index
        %parallel_loop3A_826 = arith.index_cast %parallel_loop3A_804 : i32 to index
        %parallel_loop3A_827 = tpu.vector_load %arg7[%parallel_loop3A_825, %parallel_loop3A_826] {strides = array<i32>} : memref<77x768xf32, #tpu.memory_space<vmem>>, vector<1x16xf32>,
        %parallel_loop3A_828 = vector.shape_cast %parallel_loop3A_827 : vector<1x16xf32> to vector<16xf32>
        %parallel_loop3A_829 = arith.constant 1 : i32
        %parallel_loop3A_830 = arith.index_cast %parallel_loop3A_829 : i32 to index
        %parallel_loop3A_831 = arith.index_cast %parallel_loop3A_804 : i32 to index
        %parallel_loop3A_832 = tpu.vector_load %arg9[%parallel_loop3A_830, %parallel_loop3A_831] {strides = array<i32>} : memref<16x768xf32, #tpu.memory_space<vmem>>, vector<1x16xf32>,
        %parallel_loop3A_833 = vector.shape_cast %parallel_loop3A_832 : vector<1x16xf32> to vector<16xf32>
        %parallel_loop3A_834 = vector.shape_cast %parallel_loop3A_828 : vector<16xf32> to vector<1x16xf32>
        tpu.vector_store %arg9[%parallel_loop3A_830, %parallel_loop3A_831], %parallel_loop3A_834 {add = true, strides = array<i32>} : memref<16x768xf32, #tpu.memory_space<vmem>>, vector<1x16xf32>,
        %parallel_loop3A_835 = arith.constant 9 : i32
        %parallel_loop3A_836 = arith.index_cast %parallel_loop3A_835 : i32 to index
        %parallel_loop3A_837 = arith.index_cast %parallel_loop3A_804 : i32 to index
        %parallel_loop3A_838 = tpu.vector_load %arg9[%parallel_loop3A_836, %parallel_loop3A_837] {strides = array<i32>} : memref<16x768xf32, #tpu.memory_space<vmem>>, vector<1x16xf32>,
        %parallel_loop3A_839 = vector.shape_cast %parallel_loop3A_838 : vector<1x16xf32> to vector<16xf32>
        %parallel_loop3A_840 = vector.shape_cast %parallel_loop3A_828 : vector<16xf32> to vector<1x16xf32>
        tpu.vector_store %arg9[%parallel_loop3A_836, %parallel_loop3A_837], %parallel_loop3A_840 {add = true, strides = array<i32>} : memref<16x768xf32, #tpu.memory_space<vmem>>, vector<1x16xf32>,
        %parallel_loop3A_841 = arith.constant 2 : i32
        %parallel_loop3A_842 = arith.addi %multiple_of3A_581, %parallel_loop3A_841 : i32
        %parallel_loop3A_843 = arith.index_cast %parallel_loop3A_842 : i32 to index
        %parallel_loop3A_844 = arith.index_cast %parallel_loop3A_804 : i32 to index
        %parallel_loop3A_845 = tpu.vector_load %arg7[%parallel_loop3A_843, %parallel_loop3A_844] {strides = array<i32>} : memref<77x768xf32, #tpu.memory_space<vmem>>, vector<1x16xf32>,
        %parallel_loop3A_846 = vector.shape_cast %parallel_loop3A_845 : vector<1x16xf32> to vector<16xf32>
        %parallel_loop3A_847 = arith.constant 2 : i32
        %parallel_loop3A_848 = arith.index_cast %parallel_loop3A_847 : i32 to index
        %parallel_loop3A_849 = arith.index_cast %parallel_loop3A_804 : i32 to index
        %parallel_loop3A_850 = tpu.vector_load %arg9[%parallel_loop3A_848, %parallel_loop3A_849] {strides = array<i32>} : memref<16x768xf32, #tpu.memory_space<vmem>>, vector<1x16xf32>,
        %parallel_loop3A_851 = vector.shape_cast %parallel_loop3A_850 : vector<1x16xf32> to vector<16xf32>
        %parallel_loop3A_852 = vector.shape_cast %parallel_loop3A_846 : vector<16xf32> to vector<1x16xf32>
        tpu.vector_store %arg9[%parallel_loop3A_848, %parallel_loop3A_849], %parallel_loop3A_852 {add = true, strides = array<i32>} : memref<16x768xf32, #tpu.memory_space<vmem>>, vector<1x16xf32>,
        %parallel_loop3A_853 = arith.constant 10 : i32
        %parallel_loop3A_854 = arith.index_cast %parallel_loop3A_853 : i32 to index
        %parallel_loop3A_855 = arith.index_cast %parallel_loop3A_804 : i32 to index
        %parallel_loop3A_856 = tpu.vector_load %arg9[%parallel_loop3A_854, %parallel_loop3A_855] {strides = array<i32>} : memref<16x768xf32, #tpu.memory_space<vmem>>, vector<1x16xf32>,
        %parallel_loop3A_857 = vector.shape_cast %parallel_loop3A_856 : vector<1x16xf32> to vector<16xf32>
        %parallel_loop3A_858 = vector.shape_cast %parallel_loop3A_846 : vector<16xf32> to vector<1x16xf32>
        tpu.vector_store %arg9[%parallel_loop3A_854, %parallel_loop3A_855], %parallel_loop3A_858 {add = true, strides = array<i32>} : memref<16x768xf32, #tpu.memory_space<vmem>>, vector<1x16xf32>,
        %parallel_loop3A_859 = arith.constant 3 : i32
        %parallel_loop3A_860 = arith.addi %multiple_of3A_581, %parallel_loop3A_859 : i32
        %parallel_loop3A_861 = arith.index_cast %parallel_loop3A_860 : i32 to index
        %parallel_loop3A_862 = arith.index_cast %parallel_loop3A_804 : i32 to index
        %parallel_loop3A_863 = tpu.vector_load %arg7[%parallel_loop3A_861, %parallel_loop3A_862] {strides = array<i32>} : memref<77x768xf32, #tpu.memory_space<vmem>>, vector<1x16xf32>,
        %parallel_loop3A_864 = vector.shape_cast %parallel_loop3A_863 : vector<1x16xf32> to vector<16xf32>
        %parallel_loop3A_865 = arith.constant 3 : i32
        %parallel_loop3A_866 = arith.index_cast %parallel_loop3A_865 : i32 to index
        %parallel_loop3A_867 = arith.index_cast %parallel_loop3A_804 : i32 to index
        %parallel_loop3A_868 = tpu.vector_load %arg9[%parallel_loop3A_866, %parallel_loop3A_867] {strides = array<i32>} : memref<16x768xf32, #tpu.memory_space<vmem>>, vector<1x16xf32>,
        %parallel_loop3A_869 = vector.shape_cast %parallel_loop3A_868 : vector<1x16xf32> to vector<16xf32>
        %parallel_loop3A_870 = vector.shape_cast %parallel_loop3A_864 : vector<16xf32> to vector<1x16xf32>
        tpu.vector_store %arg9[%parallel_loop3A_866, %parallel_loop3A_867], %parallel_loop3A_870 {add = true, strides = array<i32>} : memref<16x768xf32, #tpu.memory_space<vmem>>, vector<1x16xf32>,
        %parallel_loop3A_871 = arith.constant 11 : i32
        %parallel_loop3A_872 = arith.index_cast %parallel_loop3A_871 : i32 to index
        %parallel_loop3A_873 = arith.index_cast %parallel_loop3A_804 : i32 to index
        %parallel_loop3A_874 = tpu.vector_load %arg9[%parallel_loop3A_872, %parallel_loop3A_873] {strides = array<i32>} : memref<16x768xf32, #tpu.memory_space<vmem>>, vector<1x16xf32>,
        %parallel_loop3A_875 = vector.shape_cast %parallel_loop3A_874 : vector<1x16xf32> to vector<16xf32>
        %parallel_loop3A_876 = vector.shape_cast %parallel_loop3A_864 : vector<16xf32> to vector<1x16xf32>
        tpu.vector_store %arg9[%parallel_loop3A_872, %parallel_loop3A_873], %parallel_loop3A_876 {add = true, strides = array<i32>} : memref<16x768xf32, #tpu.memory_space<vmem>>, vector<1x16xf32>,
        %parallel_loop3A_877 = arith.constant 4 : i32
        %parallel_loop3A_878 = arith.addi %multiple_of3A_581, %parallel_loop3A_877 : i32
        %parallel_loop3A_879 = arith.index_cast %parallel_loop3A_878 : i32 to index
        %parallel_loop3A_880 = arith.index_cast %parallel_loop3A_804 : i32 to index
        %parallel_loop3A_881 = tpu.vector_load %arg7[%parallel_loop3A_879, %parallel_loop3A_880] {strides = array<i32>} : memref<77x768xf32, #tpu.memory_space<vmem>>, vector<1x16xf32>,
        %parallel_loop3A_882 = vector.shape_cast %parallel_loop3A_881 : vector<1x16xf32> to vector<16xf32>
        %parallel_loop3A_883 = arith.constant 4 : i32
        %parallel_loop3A_884 = arith.index_cast %parallel_loop3A_883 : i32 to index
        %parallel_loop3A_885 = arith.index_cast %parallel_loop3A_804 : i32 to index
        %parallel_loop3A_886 = tpu.vector_load %arg9[%parallel_loop3A_884, %parallel_loop3A_885] {strides = array<i32>} : memref<16x768xf32, #tpu.memory_space<vmem>>, vector<1x16xf32>,
        %parallel_loop3A_887 = vector.shape_cast %parallel_loop3A_886 : vector<1x16xf32> to vector<16xf32>
        %parallel_loop3A_888 = vector.shape_cast %parallel_loop3A_882 : vector<16xf32> to vector<1x16xf32>
        tpu.vector_store %arg9[%parallel_loop3A_884, %parallel_loop3A_885], %parallel_loop3A_888 {add = true, strides = array<i32>} : memref<16x768xf32, #tpu.memory_space<vmem>>, vector<1x16xf32>,
        %parallel_loop3A_889 = arith.constant 12 : i32
        %parallel_loop3A_890 = arith.index_cast %parallel_loop3A_889 : i32 to index
        %parallel_loop3A_891 = arith.index_cast %parallel_loop3A_804 : i32 to index
        %parallel_loop3A_892 = tpu.vector_load %arg9[%parallel_loop3A_890, %parallel_loop3A_891] {strides = array<i32>} : memref<16x768xf32, #tpu.memory_space<vmem>>, vector<1x16xf32>,
        %parallel_loop3A_893 = vector.shape_cast %parallel_loop3A_892 : vector<1x16xf32> to vector<16xf32>
        %parallel_loop3A_894 = vector.shape_cast %parallel_loop3A_882 : vector<16xf32> to vector<1x16xf32>
        tpu.vector_store %arg9[%parallel_loop3A_890, %parallel_loop3A_891], %parallel_loop3A_894 {add = true, strides = array<i32>} : memref<16x768xf32, #tpu.memory_space<vmem>>, vector<1x16xf32>,
        %parallel_loop3A_895 = arith.constant 5 : i32
        %parallel_loop3A_896 = arith.addi %multiple_of3A_581, %parallel_loop3A_895 : i32
        %parallel_loop3A_897 = arith.index_cast %parallel_loop3A_896 : i32 to index
        %parallel_loop3A_898 = arith.index_cast %parallel_loop3A_804 : i32 to index
        %parallel_loop3A_899 = tpu.vector_load %arg7[%parallel_loop3A_897, %parallel_loop3A_898] {strides = array<i32>} : memref<77x768xf32, #tpu.memory_space<vmem>>, vector<1x16xf32>,
        %parallel_loop3A_900 = vector.shape_cast %parallel_loop3A_899 : vector<1x16xf32> to vector<16xf32>
        %parallel_loop3A_901 = arith.constant 5 : i32
        %parallel_loop3A_902 = arith.index_cast %parallel_loop3A_901 : i32 to index
        %parallel_loop3A_903 = arith.index_cast %parallel_loop3A_804 : i32 to index
        %parallel_loop3A_904 = tpu.vector_load %arg9[%parallel_loop3A_902, %parallel_loop3A_903] {strides = array<i32>} : memref<16x768xf32, #tpu.memory_space<vmem>>, vector<1x16xf32>,
        %parallel_loop3A_905 = vector.shape_cast %parallel_loop3A_904 : vector<1x16xf32> to vector<16xf32>
        %parallel_loop3A_906 = vector.shape_cast %parallel_loop3A_900 : vector<16xf32> to vector<1x16xf32>
        tpu.vector_store %arg9[%parallel_loop3A_902, %parallel_loop3A_903], %parallel_loop3A_906 {add = true, strides = array<i32>} : memref<16x768xf32, #tpu.memory_space<vmem>>, vector<1x16xf32>,
        %parallel_loop3A_907 = arith.constant 13 : i32
        %parallel_loop3A_908 = arith.index_cast %parallel_loop3A_907 : i32 to index
        %parallel_loop3A_909 = arith.index_cast %parallel_loop3A_804 : i32 to index
        %parallel_loop3A_910 = tpu.vector_load %arg9[%parallel_loop3A_908, %parallel_loop3A_909] {strides = array<i32>} : memref<16x768xf32, #tpu.memory_space<vmem>>, vector<1x16xf32>,
        %parallel_loop3A_911 = vector.shape_cast %parallel_loop3A_910 : vector<1x16xf32> to vector<16xf32>
        %parallel_loop3A_912 = vector.shape_cast %parallel_loop3A_900 : vector<16xf32> to vector<1x16xf32>
        tpu.vector_store %arg9[%parallel_loop3A_908, %parallel_loop3A_909], %parallel_loop3A_912 {add = true, strides = array<i32>} : memref<16x768xf32, #tpu.memory_space<vmem>>, vector<1x16xf32>,
        %parallel_loop3A_913 = arith.constant 6 : i32
        %parallel_loop3A_914 = arith.addi %multiple_of3A_581, %parallel_loop3A_913 : i32
        %parallel_loop3A_915 = arith.index_cast %parallel_loop3A_914 : i32 to index
        %parallel_loop3A_916 = arith.index_cast %parallel_loop3A_804 : i32 to index
        %parallel_loop3A_917 = tpu.vector_load %arg7[%parallel_loop3A_915, %parallel_loop3A_916] {strides = array<i32>} : memref<77x768xf32, #tpu.memory_space<vmem>>, vector<1x16xf32>,
        %parallel_loop3A_918 = vector.shape_cast %parallel_loop3A_917 : vector<1x16xf32> to vector<16xf32>
        %parallel_loop3A_919 = arith.constant 6 : i32
        %parallel_loop3A_920 = arith.index_cast %parallel_loop3A_919 : i32 to index
        %parallel_loop3A_921 = arith.index_cast %parallel_loop3A_804 : i32 to index
        %parallel_loop3A_922 = tpu.vector_load %arg9[%parallel_loop3A_920, %parallel_loop3A_921] {strides = array<i32>} : memref<16x768xf32, #tpu.memory_space<vmem>>, vector<1x16xf32>,
        %parallel_loop3A_923 = vector.shape_cast %parallel_loop3A_922 : vector<1x16xf32> to vector<16xf32>
        %parallel_loop3A_924 = vector.shape_cast %parallel_loop3A_918 : vector<16xf32> to vector<1x16xf32>
        tpu.vector_store %arg9[%parallel_loop3A_920, %parallel_loop3A_921], %parallel_loop3A_924 {add = true, strides = array<i32>} : memref<16x768xf32, #tpu.memory_space<vmem>>, vector<1x16xf32>,
        %parallel_loop3A_925 = arith.constant 14 : i32
        %parallel_loop3A_926 = arith.index_cast %parallel_loop3A_925 : i32 to index
        %parallel_loop3A_927 = arith.index_cast %parallel_loop3A_804 : i32 to index
        %parallel_loop3A_928 = tpu.vector_load %arg9[%parallel_loop3A_926, %parallel_loop3A_927] {strides = array<i32>} : memref<16x768xf32, #tpu.memory_space<vmem>>, vector<1x16xf32>,
        %parallel_loop3A_929 = vector.shape_cast %parallel_loop3A_928 : vector<1x16xf32> to vector<16xf32>
        %parallel_loop3A_930 = vector.shape_cast %parallel_loop3A_918 : vector<16xf32> to vector<1x16xf32>
        tpu.vector_store %arg9[%parallel_loop3A_926, %parallel_loop3A_927], %parallel_loop3A_930 {add = true, strides = array<i32>} : memref<16x768xf32, #tpu.memory_space<vmem>>, vector<1x16xf32>,
        %parallel_loop3A_931 = arith.constant 7 : i32
        %parallel_loop3A_932 = arith.addi %multiple_of3A_581, %parallel_loop3A_931 : i32
        %parallel_loop3A_933 = arith.index_cast %parallel_loop3A_932 : i32 to index
        %parallel_loop3A_934 = arith.index_cast %parallel_loop3A_804 : i32 to index
        %parallel_loop3A_935 = tpu.vector_load %arg7[%parallel_loop3A_933, %parallel_loop3A_934] {strides = array<i32>} : memref<77x768xf32, #tpu.memory_space<vmem>>, vector<1x16xf32>,
        %parallel_loop3A_936 = vector.shape_cast %parallel_loop3A_935 : vector<1x16xf32> to vector<16xf32>
        %parallel_loop3A_937 = arith.constant 7 : i32
        %parallel_loop3A_938 = arith.index_cast %parallel_loop3A_937 : i32 to index
        %parallel_loop3A_939 = arith.index_cast %parallel_loop3A_804 : i32 to index
        %parallel_loop3A_940 = tpu.vector_load %arg9[%parallel_loop3A_938, %parallel_loop3A_939] {strides = array<i32>} : memref<16x768xf32, #tpu.memory_space<vmem>>, vector<1x16xf32>,
        %parallel_loop3A_941 = vector.shape_cast %parallel_loop3A_940 : vector<1x16xf32> to vector<16xf32>
        %parallel_loop3A_942 = vector.shape_cast %parallel_loop3A_936 : vector<16xf32> to vector<1x16xf32>
        tpu.vector_store %arg9[%parallel_loop3A_938, %parallel_loop3A_939], %parallel_loop3A_942 {add = true, strides = array<i32>} : memref<16x768xf32, #tpu.memory_space<vmem>>, vector<1x16xf32>,
        %parallel_loop3A_943 = arith.constant 15 : i32
        %parallel_loop3A_944 = arith.index_cast %parallel_loop3A_943 : i32 to index
        %parallel_loop3A_945 = arith.index_cast %parallel_loop3A_804 : i32 to index
        %parallel_loop3A_946 = tpu.vector_load %arg9[%parallel_loop3A_944, %parallel_loop3A_945] {strides = array<i32>} : memref<16x768xf32, #tpu.memory_space<vmem>>, vector<1x16xf32>,
        %parallel_loop3A_947 = vector.shape_cast %parallel_loop3A_946 : vector<1x16xf32> to vector<16xf32>
        %parallel_loop3A_948 = vector.shape_cast %parallel_loop3A_936 : vector<16xf32> to vector<1x16xf32>
        tpu.vector_store %arg9[%parallel_loop3A_944, %parallel_loop3A_945], %parallel_loop3A_948 {add = true, strides = array<i32>} : memref<16x768xf32, #tpu.memory_space<vmem>>, vector<1x16xf32>,
      } {sc.loop_unroll_factor = 2 : i64, sc.parallel_access}
      %mul3A_585 = arith.constant 2 : i32
      %mul3A_586 = arith.muli %mul3A_585, %select_n3A_567 : i32
      %add3A_587 = arith.addi %mul3A_2, %mul3A_586 : i32
      %dma_start3A_588 = arith.constant 0 : i32
      %dma_start3A_589 = arith.constant 0 : i32
      %dma_start3A_590 = tpu.memref_slice %arg9[%dma_start3A_588, %dma_start3A_589] : memref<16x768xf32, #tpu.memory_space<vmem>> -> memref<8x768xf32, #tpu.memory_space<vmem>>
      %dma_start3A_591 = arith.constant 0 : i32
      %dma_start3A_592 = tpu.memref_slice %arg5[%add3A_587, %multiple_of3A_581, %dma_start3A_591] : memref<4096x77x768xf32, #tpu.memory_space<hbm>> -> memref<1x8x768xf32, #tpu.memory_space<hbm>>
      %dma_start3A_593 = tpu.memref_squeeze %dma_start3A_592 : memref<1x8x768xf32, #tpu.memory_space<hbm>> -> memref<8x768xf32, #tpu.memory_space<hbm>>
      %dma_start3A_594 = arith.constant 0 : i32
      %dma_start3A_595 = tpu.memref_slice %arg5[%add3A_587, %multiple_of3A_581, %dma_start3A_594] : memref<4096x77x768xf32, #tpu.memory_space<hbm>> -> memref<1x8x768xf32, #tpu.memory_space<hbm>>
      %dma_start3A_596 = tpu.memref_squeeze %dma_start3A_595 : memref<1x8x768xf32, #tpu.memory_space<hbm>> -> memref<8x768xf32, #tpu.memory_space<hbm>>
      %dma_start3A_597 = arith.constant 0 : i32
      %dma_start3A_598 = arith.constant 0 : i32
      %dma_start3A_599 = tpu.memref_slice %arg9[%dma_start3A_597, %dma_start3A_598] : memref<16x768xf32, #tpu.memory_space<vmem>> -> memref<8x768xf32, #tpu.memory_space<vmem>>
      tpu.enqueue_dma source(%dma_start3A_599 : memref<8x768xf32, #tpu.memory_space<vmem>>) target(%dma_start3A_596 : memref<8x768xf32, #tpu.memory_space<hbm>>) target_semaphore(%arg17 : memref<!tpu.dma_semaphore, #tpu.memory_space<semaphore_mem>>)
      %add3A_600 = arith.constant 1 : i32
      %add3A_601 = arith.addi %add3A_587, %add3A_600 : i32
      %dma_start3A_602 = arith.constant 8 : i32
      %dma_start3A_603 = arith.constant 0 : i32
      %dma_start3A_604 = tpu.memref_slice %arg9[%dma_start3A_602, %dma_start3A_603] : memref<16x768xf32, #tpu.memory_space<vmem>> -> memref<8x768xf32, #tpu.memory_space<vmem>>
      %dma_start3A_605 = arith.constant 0 : i32
      %dma_start3A_606 = tpu.memref_slice %arg5[%add3A_601, %multiple_of3A_581, %dma_start3A_605] : memref<4096x77x768xf32, #tpu.memory_space<hbm>> -> memref<1x8x768xf32, #tpu.memory_space<hbm>>
      %dma_start3A_607 = tpu.memref_squeeze %dma_start3A_606 : memref<1x8x768xf32, #tpu.memory_space<hbm>> -> memref<8x768xf32, #tpu.memory_space<hbm>>
      %dma_start3A_608 = arith.constant 0 : i32
      %dma_start3A_609 = tpu.memref_slice %arg5[%add3A_601, %multiple_of3A_581, %dma_start3A_608] : memref<4096x77x768xf32, #tpu.memory_space<hbm>> -> memref<1x8x768xf32, #tpu.memory_space<hbm>>
      %dma_start3A_610 = tpu.memref_squeeze %dma_start3A_609 : memref<1x8x768xf32, #tpu.memory_space<hbm>> -> memref<8x768xf32, #tpu.memory_space<hbm>>
      %dma_start3A_611 = arith.constant 8 : i32
      %dma_start3A_612 = arith.constant 0 : i32
      %dma_start3A_613 = tpu.memref_slice %arg9[%dma_start3A_611, %dma_start3A_612] : memref<16x768xf32, #tpu.memory_space<vmem>> -> memref<8x768xf32, #tpu.memory_space<vmem>>
      tpu.enqueue_dma source(%dma_start3A_613 : memref<8x768xf32, #tpu.memory_space<vmem>>) target(%dma_start3A_610 : memref<8x768xf32, #tpu.memory_space<hbm>>) target_semaphore(%arg17 : memref<!tpu.dma_semaphore, #tpu.memory_space<semaphore_mem>>)
      %mul3A_614 = arith.constant 4 : i32
      %mul3A_615 = arith.muli %scan3A_437, %mul3A_614 : i32
      %add3A_616 = arith.constant 2 : i32
      %add3A_617 = arith.addi %mul3A_615, %add3A_616 : i32
      %add3A_618 = arith.constant 2 : i32
      %add3A_619 = arith.addi %add3A_617, %add3A_618 : i32
      %lt3A_620 = arith.constant 576 : i32
      %lt3A_621 = arith.cmpi slt, %add3A_619, %lt3A_620 : i32
      %convert_element_type3A_622 = arith.extui %lt3A_621 : i1 to i32
      %cond3A_623 = arith.constant 0 : i32
      %cond3A_624 = arith.cmpi ne, %convert_element_type3A_622, %cond3A_623 : i32
      scf.if %cond3A_624 {
        %dma_wait3A_802 = arith.constant 0 : i32
        %dma_wait3A_803 = arith.constant 0 : i32
        %dma_wait3A_804 = tpu.memref_slice %arg6[%dma_wait3A_802, %dma_wait3A_803] : memref<4x16xi32, #tpu.memory_space<vmem>> -> memref<1x16xi32, #tpu.memory_space<vmem>>
        %dma_wait3A_805 = tpu.memref_squeeze %dma_wait3A_804 : memref<1x16xi32, #tpu.memory_space<vmem>> -> memref<16xi32, #tpu.memory_space<vmem>>
        %dma_wait3A_806 = arith.constant 0 : i32
        %dma_wait3A_807 = tpu.memref_slice %arg2[%dma_wait3A_806] : memref<315392xi32, #tpu.memory_space<hbm>> -> memref<16xi32, #tpu.memory_space<hbm>>
        %dma_wait3A_808 = arith.constant 0 : i32
        %dma_wait3A_809 = tpu.memref_slice %arg6[%dma_wait3A_802, %dma_wait3A_808] : memref<4x16xi32, #tpu.memory_space<vmem>> -> memref<1x16xi32, #tpu.memory_space<vmem>>
        %dma_wait3A_810 = tpu.memref_squeeze %dma_wait3A_809 : memref<1x16xi32, #tpu.memory_space<vmem>> -> memref<16xi32, #tpu.memory_space<vmem>>
        %dma_wait3A_811 = arith.constant 0 : i32
        %dma_wait3A_812 = tpu.memref_slice %arg2[%dma_wait3A_811] : memref<315392xi32, #tpu.memory_space<hbm>> -> memref<16xi32, #tpu.memory_space<hbm>>
        tpu.wait_dma2 semaphore(%arg20 : memref<!tpu.dma_semaphore, #tpu.memory_space<semaphore_mem>>) src(%dma_wait3A_812 : memref<16xi32, #tpu.memory_space<hbm>>) dst(%dma_wait3A_810 : memref<16xi32, #tpu.memory_space<vmem>>)
        %ge3A = arith.constant 2 : i32
        %ge3A_813 = arith.cmpi sge, %add3A_617, %ge3A : i32
        %convert_element_type3A_814 = arith.extui %ge3A_813 : i1 to i32
        %cond3A_815 = arith.constant 0 : i32
        %cond3A_816 = arith.cmpi ne, %convert_element_type3A_814, %cond3A_815 : i32
        scf.if %cond3A_816 {
          %dma_wait3A_824 = arith.constant 0 : i32
          %dma_wait3A_825 = arith.constant 0 : i32
          %dma_wait3A_826 = arith.constant 0 : i32
          %dma_wait3A_827 = tpu.memref_slice %arg8[%dma_wait3A_825, %dma_wait3A_826] : memref<16x768xf32, #tpu.memory_space<vmem>> -> memref<8x768xf32, #tpu.memory_space<vmem>>
          %dma_wait3A_828 = arith.constant 0 : i32
          %dma_wait3A_829 = arith.constant 0 : i32
          %dma_wait3A_830 = tpu.memref_slice %arg5[%dma_wait3A_824, %dma_wait3A_828, %dma_wait3A_829] : memref<4096x77x768xf32, #tpu.memory_space<hbm>> -> memref<1x8x768xf32, #tpu.memory_space<hbm>>
          %dma_wait3A_831 = tpu.memref_squeeze %dma_wait3A_830 : memref<1x8x768xf32, #tpu.memory_space<hbm>> -> memref<8x768xf32, #tpu.memory_space<hbm>>
          %dma_wait3A_832 = arith.constant 0 : i32
          %dma_wait3A_833 = arith.constant 0 : i32
          %dma_wait3A_834 = tpu.memref_slice %arg5[%dma_wait3A_824, %dma_wait3A_832, %dma_wait3A_833] : memref<4096x77x768xf32, #tpu.memory_space<hbm>> -> memref<1x8x768xf32, #tpu.memory_space<hbm>>
          %dma_wait3A_835 = tpu.memref_squeeze %dma_wait3A_834 : memref<1x8x768xf32, #tpu.memory_space<hbm>> -> memref<8x768xf32, #tpu.memory_space<hbm>>
          %dma_wait3A_836 = arith.constant 0 : i32
          %dma_wait3A_837 = arith.constant 0 : i32
          %dma_wait3A_838 = tpu.memref_slice %arg8[%dma_wait3A_836, %dma_wait3A_837] : memref<16x768xf32, #tpu.memory_space<vmem>> -> memref<8x768xf32, #tpu.memory_space<vmem>>
          tpu.wait_dma2 semaphore(%arg16 : memref<!tpu.dma_semaphore, #tpu.memory_space<semaphore_mem>>) src(%dma_wait3A_838 : memref<8x768xf32, #tpu.memory_space<vmem>>) dst(%dma_wait3A_835 : memref<8x768xf32, #tpu.memory_space<hbm>>)
          %dma_wait3A_839 = arith.constant 0 : i32
          %dma_wait3A_840 = arith.constant 0 : i32
          %dma_wait3A_841 = arith.constant 0 : i32
          %dma_wait3A_842 = tpu.memref_slice %arg8[%dma_wait3A_840, %dma_wait3A_841] : memref<16x768xf32, #tpu.memory_space<vmem>> -> memref<8x768xf32, #tpu.memory_space<vmem>>
          %dma_wait3A_843 = arith.constant 0 : i32
          %dma_wait3A_844 = arith.constant 0 : i32
          %dma_wait3A_845 = tpu.memref_slice %arg5[%dma_wait3A_839, %dma_wait3A_843, %dma_wait3A_844] : memref<4096x77x768xf32, #tpu.memory_space<hbm>> -> memref<1x8x768xf32, #tpu.memory_space<hbm>>
          %dma_wait3A_846 = tpu.memref_squeeze %dma_wait3A_845 : memref<1x8x768xf32, #tpu.memory_space<hbm>> -> memref<8x768xf32, #tpu.memory_space<hbm>>
          %dma_wait3A_847 = arith.constant 0 : i32
          %dma_wait3A_848 = arith.constant 0 : i32
          %dma_wait3A_849 = tpu.memref_slice %arg5[%dma_wait3A_839, %dma_wait3A_847, %dma_wait3A_848] : memref<4096x77x768xf32, #tpu.memory_space<hbm>> -> memref<1x8x768xf32, #tpu.memory_space<hbm>>
          %dma_wait3A_850 = tpu.memref_squeeze %dma_wait3A_849 : memref<1x8x768xf32, #tpu.memory_space<hbm>> -> memref<8x768xf32, #tpu.memory_space<hbm>>
          %dma_wait3A_851 = arith.constant 0 : i32
          %dma_wait3A_852 = arith.constant 0 : i32
          %dma_wait3A_853 = tpu.memref_slice %arg8[%dma_wait3A_851, %dma_wait3A_852] : memref<16x768xf32, #tpu.memory_space<vmem>> -> memref<8x768xf32, #tpu.memory_space<vmem>>
          tpu.wait_dma2 semaphore(%arg16 : memref<!tpu.dma_semaphore, #tpu.memory_space<semaphore_mem>>) src(%dma_wait3A_853 : memref<8x768xf32, #tpu.memory_space<vmem>>) dst(%dma_wait3A_850 : memref<8x768xf32, #tpu.memory_space<hbm>>)
        } else {
        }
        %dma_start3A_817 = arith.constant 0 : i32
        %dma_start3A_818 = arith.constant 0 : i32
        %dma_start3A_819 = tpu.memref_slice %arg6[%dma_start3A_817, %dma_start3A_818] : memref<4x16xi32, #tpu.memory_space<vmem>> -> memref<1x16xi32, #tpu.memory_space<vmem>>
        %dma_start3A_820 = tpu.memref_squeeze %dma_start3A_819 : memref<1x16xi32, #tpu.memory_space<vmem>> -> memref<16xi32, #tpu.memory_space<vmem>>
        %dma_start3A_821 = arith.constant 0 : i32
        %dma_start3A_822 = arith.constant 0 : i32
        %dma_start3A_823 = tpu.memref_slice %arg3[%dma_start3A_821, %dma_start3A_822] : memref<49408x768xf32, #tpu.memory_space<hbm>> -> memref<49408x768xf32, #tpu.memory_space<hbm>>
        tpu.enqueue_indirect_dma source(%dma_start3A_823 : memref<49408x768xf32, #tpu.memory_space<hbm>>) target(%arg8 : memref<16x768xf32, #tpu.memory_space<vmem>>) offsets(%dma_start3A_820 : memref<16xi32, #tpu.memory_space<vmem>>) semaphore(%arg12 : memref<!tpu.dma_semaphore, #tpu.memory_space<semaphore_mem>>)
      } else {
      }
      %dma_wait3A_625 = arith.constant 0 : i32
      %dma_wait3A_626 = arith.constant 0 : i32
      %dma_wait3A_627 = tpu.memref_slice %arg3[%dma_wait3A_625, %dma_wait3A_626] : memref<49408x768xf32, #tpu.memory_space<hbm>> -> memref<16x768xf32, #tpu.memory_space<hbm>>
      %dma_wait3A_628 = arith.constant 0 : i32
      %dma_wait3A_629 = arith.constant 0 : i32
      %dma_wait3A_630 = tpu.memref_slice %arg3[%dma_wait3A_628, %dma_wait3A_629] : memref<49408x768xf32, #tpu.memory_space<hbm>> -> memref<16x768xf32, #tpu.memory_space<hbm>>
      tpu.wait_dma2 semaphore(%arg14 : memref<!tpu.dma_semaphore, #tpu.memory_space<semaphore_mem>>) src(%dma_wait3A_630 : memref<16x768xf32, #tpu.memory_space<hbm>>) dst(%arg10 : memref<16x768xf32, #tpu.memory_space<vmem>>)
      %add3A_631 = arith.constant 4 : i32
      %add3A_632 = arith.addi %add3A_617, %add3A_631 : i32
      %lt3A_633 = arith.constant 576 : i32
      %lt3A_634 = arith.cmpi slt, %add3A_632, %lt3A_633 : i32
      %convert_element_type3A_635 = arith.extui %lt3A_634 : i1 to i32
      %cond3A_636 = arith.constant 0 : i32
      %cond3A_637 = arith.cmpi ne, %convert_element_type3A_635, %cond3A_636 : i32
      scf.if %cond3A_637 {
        %add3A_802 = arith.constant 4 : i32
        %add3A_803 = arith.addi %add3A_617, %add3A_802 : i32
        %jit3A_804 = arith.constant 9 : i32
        %div3A_805 = arith.divsi %add3A_803, %jit3A_804 : i32
        %sign3A_806 = arith.constant 0 : i32
        %sign3A_807 = arith.cmpi sgt, %add3A_803, %sign3A_806 : i32
        %sign3A_808 = arith.extui %sign3A_807 : i1 to i32
        %sign3A_809 = arith.constant 0 : i32
        %sign3A_810 = arith.cmpi slt, %add3A_803, %sign3A_809 : i32
        %sign3A_811 = arith.extui %sign3A_810 : i1 to i32
        %sign3A_812 = arith.subi %sign3A_808, %sign3A_811 : i32
        %sign3A_813 = arith.constant 0 : i32
        %sign3A_814 = arith.cmpi sgt, %jit3A_804, %sign3A_813 : i32
        %sign3A_815 = arith.extui %sign3A_814 : i1 to i32
        %sign3A_816 = arith.constant 0 : i32
        %sign3A_817 = arith.cmpi slt, %jit3A_804, %sign3A_816 : i32
        %sign3A_818 = arith.extui %sign3A_817 : i1 to i32
        %sign3A_819 = arith.subi %sign3A_815, %sign3A_818 : i32
        %ne3A_820 = arith.cmpi ne, %sign3A_812, %sign3A_819 : i32
        %rem3A_821 = arith.remsi %add3A_803, %jit3A_804 : i32
        %ne3A_822 = arith.constant 0 : i32
        %ne3A_823 = arith.cmpi ne, %rem3A_821, %ne3A_822 : i32
        %and3A_824 = arith.andi %ne3A_820, %ne3A_823 : i1
        %sub3A_825 = arith.constant 1 : i32
        %sub3A_826 = arith.subi %div3A_805, %sub3A_825 : i32
        %select_n3A_827 = arith.select %and3A_824, %sub3A_826, %div3A_805 : i32
        %mul3A_828 = arith.constant 9 : i32
        %mul3A_829 = arith.muli %select_n3A_827, %mul3A_828 : i32
        %sub3A_830 = arith.subi %add3A_803, %mul3A_829 : i32
        %mul3A_831 = arith.constant 154 : i32
        %mul3A_832 = arith.muli %select_n3A_827, %mul3A_831 : i32
        %add3A_833 = arith.addi %mul3A_4, %mul3A_832 : i32
        %mul3A_834 = arith.constant 8 : i32
        %mul3A_835 = arith.muli %sub3A_830, %mul3A_834 : i32
        %add3A_836 = arith.addi %add3A_833, %mul3A_835 : i32
        %add3A_837 = vector.broadcast %add3A_836 : i32 to vector<16xi32>
        %add3A_838 = arith.addi %add3A_12, %add3A_837 : vector<16xi32>
        %dma_start3A_839 = arith.constant 2 : i32
        %dma_start3A_840 = arith.constant 0 : i32
        %dma_start3A_841 = tpu.memref_slice %arg6[%dma_start3A_839, %dma_start3A_840] : memref<4x16xi32, #tpu.memory_space<vmem>> -> memref<1x16xi32, #tpu.memory_space<vmem>>
        %dma_start3A_842 = tpu.memref_squeeze %dma_start3A_841 : memref<1x16xi32, #tpu.memory_space<vmem>> -> memref<16xi32, #tpu.memory_space<vmem>>
        %dma_start3A_843 = arith.constant 0 : i32
        %dma_start3A_844 = tpu.memref_slice %arg2[%dma_start3A_843] : memref<315392xi32, #tpu.memory_space<hbm>> -> memref<315392xi32, #tpu.memory_space<hbm>>
        tpu.enqueue_indirect_dma source(%dma_start3A_844 : memref<315392xi32, #tpu.memory_space<hbm>>) target(%dma_start3A_842 : memref<16xi32, #tpu.memory_space<vmem>>) offsets(%add3A_838 : vector<16xi32>) semaphore(%arg22 : memref<!tpu.dma_semaphore, #tpu.memory_space<semaphore_mem>>)
      } else {
      }
      %jit3A_638 = arith.constant 9 : i32
      %div3A_639 = arith.divsi %add3A_617, %jit3A_638 : i32
      %sign3A_640 = arith.constant 0 : i32
      %sign3A_641 = arith.cmpi sgt, %add3A_617, %sign3A_640 : i32
      %sign3A_642 = arith.extui %sign3A_641 : i1 to i32
      %sign3A_643 = arith.constant 0 : i32
      %sign3A_644 = arith.cmpi slt, %add3A_617, %sign3A_643 : i32
      %sign3A_645 = arith.extui %sign3A_644 : i1 to i32
      %sign3A_646 = arith.subi %sign3A_642, %sign3A_645 : i32
      %sign3A_647 = arith.constant 0 : i32
      %sign3A_648 = arith.cmpi sgt, %jit3A_638, %sign3A_647 : i32
      %sign3A_649 = arith.extui %sign3A_648 : i1 to i32
      %sign3A_650 = arith.constant 0 : i32
      %sign3A_651 = arith.cmpi slt, %jit3A_638, %sign3A_650 : i32
      %sign3A_652 = arith.extui %sign3A_651 : i1 to i32
      %sign3A_653 = arith.subi %sign3A_649, %sign3A_652 : i32
      %ne3A_654 = arith.cmpi ne, %sign3A_646, %sign3A_653 : i32
      %rem3A_655 = arith.remsi %add3A_617, %jit3A_638 : i32
      %ne3A_656 = arith.constant 0 : i32
      %ne3A_657 = arith.cmpi ne, %rem3A_655, %ne3A_656 : i32
      %and3A_658 = arith.andi %ne3A_654, %ne3A_657 : i1
      %sub3A_659 = arith.constant 1 : i32
      %sub3A_660 = arith.subi %div3A_639, %sub3A_659 : i32
      %select_n3A_661 = arith.select %and3A_658, %sub3A_660, %div3A_639 : i32
      %mul3A_662 = arith.constant 9 : i32
      %mul3A_663 = arith.muli %select_n3A_661, %mul3A_662 : i32
      %sub3A_664 = arith.subi %add3A_617, %mul3A_663 : i32
      %mul3A_665 = arith.constant 154 : i32
      %mul3A_666 = arith.muli %select_n3A_661, %mul3A_665 : i32
      %add3A_667 = arith.addi %mul3A_4, %mul3A_666 : i32
      %mul3A_668 = arith.constant 8 : i32
      %mul3A_669 = arith.muli %sub3A_664, %mul3A_668 : i32
      %add3A_670 = arith.addi %add3A_667, %mul3A_669 : i32
      %add3A_671 = vector.broadcast %add3A_670 : i32 to vector<16xi32>
      %add3A_672 = arith.addi %add3A_12, %add3A_671 : vector<16xi32>
      %mul3A_673 = arith.constant 8 : i32
      %mul3A_674 = arith.muli %sub3A_664, %mul3A_673 : i32
      %multiple_of3A_675 = tpu.assume_multiple %mul3A_674, 8 : i32
      %parallel_loop3A_676 = arith.constant 0 : i32
      %parallel_loop3A_677 = arith.constant 48 : i32
      %parallel_loop3A_678 = arith.constant 1 : i32
      scf.for %parallel_loop3A_802 = %parallel_loop3A_676 to %parallel_loop3A_677 step %parallel_loop3A_678  : i32 {
        %parallel_loop3A_803 = arith.constant 16 : i32
        %parallel_loop3A_804 = arith.muli %parallel_loop3A_802, %parallel_loop3A_803 : i32
        %parallel_loop3A_805 = arith.constant 0 : i32
        %parallel_loop3A_806 = arith.addi %multiple_of3A_675, %parallel_loop3A_805 : i32
        %parallel_loop3A_807 = arith.index_cast %parallel_loop3A_806 : i32 to index
        %parallel_loop3A_808 = arith.index_cast %parallel_loop3A_804 : i32 to index
        %parallel_loop3A_809 = tpu.vector_load %arg7[%parallel_loop3A_807, %parallel_loop3A_808] {strides = array<i32>} : memref<77x768xf32, #tpu.memory_space<vmem>>, vector<1x16xf32>,
        %parallel_loop3A_810 = vector.shape_cast %parallel_loop3A_809 : vector<1x16xf32> to vector<16xf32>
        %parallel_loop3A_811 = arith.constant 0 : i32
        %parallel_loop3A_812 = arith.index_cast %parallel_loop3A_811 : i32 to index
        %parallel_loop3A_813 = arith.index_cast %parallel_loop3A_804 : i32 to index
        %parallel_loop3A_814 = tpu.vector_load %arg10[%parallel_loop3A_812, %parallel_loop3A_813] {strides = array<i32>} : memref<16x768xf32, #tpu.memory_space<vmem>>, vector<1x16xf32>,
        %parallel_loop3A_815 = vector.shape_cast %parallel_loop3A_814 : vector<1x16xf32> to vector<16xf32>
        %parallel_loop3A_816 = vector.shape_cast %parallel_loop3A_810 : vector<16xf32> to vector<1x16xf32>
        tpu.vector_store %arg10[%parallel_loop3A_812, %parallel_loop3A_813], %parallel_loop3A_816 {add = true, strides = array<i32>} : memref<16x768xf32, #tpu.memory_space<vmem>>, vector<1x16xf32>,
        %parallel_loop3A_817 = arith.constant 8 : i32
        %parallel_loop3A_818 = arith.index_cast %parallel_loop3A_817 : i32 to index
        %parallel_loop3A_819 = arith.index_cast %parallel_loop3A_804 : i32 to index
        %parallel_loop3A_820 = tpu.vector_load %arg10[%parallel_loop3A_818, %parallel_loop3A_819] {strides = array<i32>} : memref<16x768xf32, #tpu.memory_space<vmem>>, vector<1x16xf32>,
        %parallel_loop3A_821 = vector.shape_cast %parallel_loop3A_820 : vector<1x16xf32> to vector<16xf32>
        %parallel_loop3A_822 = vector.shape_cast %parallel_loop3A_810 : vector<16xf32> to vector<1x16xf32>
        tpu.vector_store %arg10[%parallel_loop3A_818, %parallel_loop3A_819], %parallel_loop3A_822 {add = true, strides = array<i32>} : memref<16x768xf32, #tpu.memory_space<vmem>>, vector<1x16xf32>,
        %parallel_loop3A_823 = arith.constant 1 : i32
        %parallel_loop3A_824 = arith.addi %multiple_of3A_675, %parallel_loop3A_823 : i32
        %parallel_loop3A_825 = arith.index_cast %parallel_loop3A_824 : i32 to index
        %parallel_loop3A_826 = arith.index_cast %parallel_loop3A_804 : i32 to index
        %parallel_loop3A_827 = tpu.vector_load %arg7[%parallel_loop3A_825, %parallel_loop3A_826] {strides = array<i32>} : memref<77x768xf32, #tpu.memory_space<vmem>>, vector<1x16xf32>,
        %parallel_loop3A_828 = vector.shape_cast %parallel_loop3A_827 : vector<1x16xf32> to vector<16xf32>
        %parallel_loop3A_829 = arith.constant 1 : i32
        %parallel_loop3A_830 = arith.index_cast %parallel_loop3A_829 : i32 to index
        %parallel_loop3A_831 = arith.index_cast %parallel_loop3A_804 : i32 to index
        %parallel_loop3A_832 = tpu.vector_load %arg10[%parallel_loop3A_830, %parallel_loop3A_831] {strides = array<i32>} : memref<16x768xf32, #tpu.memory_space<vmem>>, vector<1x16xf32>,
        %parallel_loop3A_833 = vector.shape_cast %parallel_loop3A_832 : vector<1x16xf32> to vector<16xf32>
        %parallel_loop3A_834 = vector.shape_cast %parallel_loop3A_828 : vector<16xf32> to vector<1x16xf32>
        tpu.vector_store %arg10[%parallel_loop3A_830, %parallel_loop3A_831], %parallel_loop3A_834 {add = true, strides = array<i32>} : memref<16x768xf32, #tpu.memory_space<vmem>>, vector<1x16xf32>,
        %parallel_loop3A_835 = arith.constant 9 : i32
        %parallel_loop3A_836 = arith.index_cast %parallel_loop3A_835 : i32 to index
        %parallel_loop3A_837 = arith.index_cast %parallel_loop3A_804 : i32 to index
        %parallel_loop3A_838 = tpu.vector_load %arg10[%parallel_loop3A_836, %parallel_loop3A_837] {strides = array<i32>} : memref<16x768xf32, #tpu.memory_space<vmem>>, vector<1x16xf32>,
        %parallel_loop3A_839 = vector.shape_cast %parallel_loop3A_838 : vector<1x16xf32> to vector<16xf32>
        %parallel_loop3A_840 = vector.shape_cast %parallel_loop3A_828 : vector<16xf32> to vector<1x16xf32>
        tpu.vector_store %arg10[%parallel_loop3A_836, %parallel_loop3A_837], %parallel_loop3A_840 {add = true, strides = array<i32>} : memref<16x768xf32, #tpu.memory_space<vmem>>, vector<1x16xf32>,
        %parallel_loop3A_841 = arith.constant 2 : i32
        %parallel_loop3A_842 = arith.addi %multiple_of3A_675, %parallel_loop3A_841 : i32
        %parallel_loop3A_843 = arith.index_cast %parallel_loop3A_842 : i32 to index
        %parallel_loop3A_844 = arith.index_cast %parallel_loop3A_804 : i32 to index
        %parallel_loop3A_845 = tpu.vector_load %arg7[%parallel_loop3A_843, %parallel_loop3A_844] {strides = array<i32>} : memref<77x768xf32, #tpu.memory_space<vmem>>, vector<1x16xf32>,
        %parallel_loop3A_846 = vector.shape_cast %parallel_loop3A_845 : vector<1x16xf32> to vector<16xf32>
        %parallel_loop3A_847 = arith.constant 2 : i32
        %parallel_loop3A_848 = arith.index_cast %parallel_loop3A_847 : i32 to index
        %parallel_loop3A_849 = arith.index_cast %parallel_loop3A_804 : i32 to index
        %parallel_loop3A_850 = tpu.vector_load %arg10[%parallel_loop3A_848, %parallel_loop3A_849] {strides = array<i32>} : memref<16x768xf32, #tpu.memory_space<vmem>>, vector<1x16xf32>,
        %parallel_loop3A_851 = vector.shape_cast %parallel_loop3A_850 : vector<1x16xf32> to vector<16xf32>
        %parallel_loop3A_852 = vector.shape_cast %parallel_loop3A_846 : vector<16xf32> to vector<1x16xf32>
        tpu.vector_store %arg10[%parallel_loop3A_848, %parallel_loop3A_849], %parallel_loop3A_852 {add = true, strides = array<i32>} : memref<16x768xf32, #tpu.memory_space<vmem>>, vector<1x16xf32>,
        %parallel_loop3A_853 = arith.constant 10 : i32
        %parallel_loop3A_854 = arith.index_cast %parallel_loop3A_853 : i32 to index
        %parallel_loop3A_855 = arith.index_cast %parallel_loop3A_804 : i32 to index
        %parallel_loop3A_856 = tpu.vector_load %arg10[%parallel_loop3A_854, %parallel_loop3A_855] {strides = array<i32>} : memref<16x768xf32, #tpu.memory_space<vmem>>, vector<1x16xf32>,
        %parallel_loop3A_857 = vector.shape_cast %parallel_loop3A_856 : vector<1x16xf32> to vector<16xf32>
        %parallel_loop3A_858 = vector.shape_cast %parallel_loop3A_846 : vector<16xf32> to vector<1x16xf32>
        tpu.vector_store %arg10[%parallel_loop3A_854, %parallel_loop3A_855], %parallel_loop3A_858 {add = true, strides = array<i32>} : memref<16x768xf32, #tpu.memory_space<vmem>>, vector<1x16xf32>,
        %parallel_loop3A_859 = arith.constant 3 : i32
        %parallel_loop3A_860 = arith.addi %multiple_of3A_675, %parallel_loop3A_859 : i32
        %parallel_loop3A_861 = arith.index_cast %parallel_loop3A_860 : i32 to index
        %parallel_loop3A_862 = arith.index_cast %parallel_loop3A_804 : i32 to index
        %parallel_loop3A_863 = tpu.vector_load %arg7[%parallel_loop3A_861, %parallel_loop3A_862] {strides = array<i32>} : memref<77x768xf32, #tpu.memory_space<vmem>>, vector<1x16xf32>,
        %parallel_loop3A_864 = vector.shape_cast %parallel_loop3A_863 : vector<1x16xf32> to vector<16xf32>
        %parallel_loop3A_865 = arith.constant 3 : i32
        %parallel_loop3A_866 = arith.index_cast %parallel_loop3A_865 : i32 to index
        %parallel_loop3A_867 = arith.index_cast %parallel_loop3A_804 : i32 to index
        %parallel_loop3A_868 = tpu.vector_load %arg10[%parallel_loop3A_866, %parallel_loop3A_867] {strides = array<i32>} : memref<16x768xf32, #tpu.memory_space<vmem>>, vector<1x16xf32>,
        %parallel_loop3A_869 = vector.shape_cast %parallel_loop3A_868 : vector<1x16xf32> to vector<16xf32>
        %parallel_loop3A_870 = vector.shape_cast %parallel_loop3A_864 : vector<16xf32> to vector<1x16xf32>
        tpu.vector_store %arg10[%parallel_loop3A_866, %parallel_loop3A_867], %parallel_loop3A_870 {add = true, strides = array<i32>} : memref<16x768xf32, #tpu.memory_space<vmem>>, vector<1x16xf32>,
        %parallel_loop3A_871 = arith.constant 11 : i32
        %parallel_loop3A_872 = arith.index_cast %parallel_loop3A_871 : i32 to index
        %parallel_loop3A_873 = arith.index_cast %parallel_loop3A_804 : i32 to index
        %parallel_loop3A_874 = tpu.vector_load %arg10[%parallel_loop3A_872, %parallel_loop3A_873] {strides = array<i32>} : memref<16x768xf32, #tpu.memory_space<vmem>>, vector<1x16xf32>,
        %parallel_loop3A_875 = vector.shape_cast %parallel_loop3A_874 : vector<1x16xf32> to vector<16xf32>
        %parallel_loop3A_876 = vector.shape_cast %parallel_loop3A_864 : vector<16xf32> to vector<1x16xf32>
        tpu.vector_store %arg10[%parallel_loop3A_872, %parallel_loop3A_873], %parallel_loop3A_876 {add = true, strides = array<i32>} : memref<16x768xf32, #tpu.memory_space<vmem>>, vector<1x16xf32>,
        %parallel_loop3A_877 = arith.constant 4 : i32
        %parallel_loop3A_878 = arith.addi %multiple_of3A_675, %parallel_loop3A_877 : i32
        %parallel_loop3A_879 = arith.index_cast %parallel_loop3A_878 : i32 to index
        %parallel_loop3A_880 = arith.index_cast %parallel_loop3A_804 : i32 to index
        %parallel_loop3A_881 = tpu.vector_load %arg7[%parallel_loop3A_879, %parallel_loop3A_880] {strides = array<i32>} : memref<77x768xf32, #tpu.memory_space<vmem>>, vector<1x16xf32>,
        %parallel_loop3A_882 = vector.shape_cast %parallel_loop3A_881 : vector<1x16xf32> to vector<16xf32>
        %parallel_loop3A_883 = arith.constant 4 : i32
        %parallel_loop3A_884 = arith.index_cast %parallel_loop3A_883 : i32 to index
        %parallel_loop3A_885 = arith.index_cast %parallel_loop3A_804 : i32 to index
        %parallel_loop3A_886 = tpu.vector_load %arg10[%parallel_loop3A_884, %parallel_loop3A_885] {strides = array<i32>} : memref<16x768xf32, #tpu.memory_space<vmem>>, vector<1x16xf32>,
        %parallel_loop3A_887 = vector.shape_cast %parallel_loop3A_886 : vector<1x16xf32> to vector<16xf32>
        %parallel_loop3A_888 = vector.shape_cast %parallel_loop3A_882 : vector<16xf32> to vector<1x16xf32>
        tpu.vector_store %arg10[%parallel_loop3A_884, %parallel_loop3A_885], %parallel_loop3A_888 {add = true, strides = array<i32>} : memref<16x768xf32, #tpu.memory_space<vmem>>, vector<1x16xf32>,
        %parallel_loop3A_889 = arith.constant 12 : i32
        %parallel_loop3A_890 = arith.index_cast %parallel_loop3A_889 : i32 to index
        %parallel_loop3A_891 = arith.index_cast %parallel_loop3A_804 : i32 to index
        %parallel_loop3A_892 = tpu.vector_load %arg10[%parallel_loop3A_890, %parallel_loop3A_891] {strides = array<i32>} : memref<16x768xf32, #tpu.memory_space<vmem>>, vector<1x16xf32>,
        %parallel_loop3A_893 = vector.shape_cast %parallel_loop3A_892 : vector<1x16xf32> to vector<16xf32>
        %parallel_loop3A_894 = vector.shape_cast %parallel_loop3A_882 : vector<16xf32> to vector<1x16xf32>
        tpu.vector_store %arg10[%parallel_loop3A_890, %parallel_loop3A_891], %parallel_loop3A_894 {add = true, strides = array<i32>} : memref<16x768xf32, #tpu.memory_space<vmem>>, vector<1x16xf32>,
        %parallel_loop3A_895 = arith.constant 5 : i32
        %parallel_loop3A_896 = arith.addi %multiple_of3A_675, %parallel_loop3A_895 : i32
        %parallel_loop3A_897 = arith.index_cast %parallel_loop3A_896 : i32 to index
        %parallel_loop3A_898 = arith.index_cast %parallel_loop3A_804 : i32 to index
        %parallel_loop3A_899 = tpu.vector_load %arg7[%parallel_loop3A_897, %parallel_loop3A_898] {strides = array<i32>} : memref<77x768xf32, #tpu.memory_space<vmem>>, vector<1x16xf32>,
        %parallel_loop3A_900 = vector.shape_cast %parallel_loop3A_899 : vector<1x16xf32> to vector<16xf32>
        %parallel_loop3A_901 = arith.constant 5 : i32
        %parallel_loop3A_902 = arith.index_cast %parallel_loop3A_901 : i32 to index
        %parallel_loop3A_903 = arith.index_cast %parallel_loop3A_804 : i32 to index
        %parallel_loop3A_904 = tpu.vector_load %arg10[%parallel_loop3A_902, %parallel_loop3A_903] {strides = array<i32>} : memref<16x768xf32, #tpu.memory_space<vmem>>, vector<1x16xf32>,
        %parallel_loop3A_905 = vector.shape_cast %parallel_loop3A_904 : vector<1x16xf32> to vector<16xf32>
        %parallel_loop3A_906 = vector.shape_cast %parallel_loop3A_900 : vector<16xf32> to vector<1x16xf32>
        tpu.vector_store %arg10[%parallel_loop3A_902, %parallel_loop3A_903], %parallel_loop3A_906 {add = true, strides = array<i32>} : memref<16x768xf32, #tpu.memory_space<vmem>>, vector<1x16xf32>,
        %parallel_loop3A_907 = arith.constant 13 : i32
        %parallel_loop3A_908 = arith.index_cast %parallel_loop3A_907 : i32 to index
        %parallel_loop3A_909 = arith.index_cast %parallel_loop3A_804 : i32 to index
        %parallel_loop3A_910 = tpu.vector_load %arg10[%parallel_loop3A_908, %parallel_loop3A_909] {strides = array<i32>} : memref<16x768xf32, #tpu.memory_space<vmem>>, vector<1x16xf32>,
        %parallel_loop3A_911 = vector.shape_cast %parallel_loop3A_910 : vector<1x16xf32> to vector<16xf32>
        %parallel_loop3A_912 = vector.shape_cast %parallel_loop3A_900 : vector<16xf32> to vector<1x16xf32>
        tpu.vector_store %arg10[%parallel_loop3A_908, %parallel_loop3A_909], %parallel_loop3A_912 {add = true, strides = array<i32>} : memref<16x768xf32, #tpu.memory_space<vmem>>, vector<1x16xf32>,
        %parallel_loop3A_913 = arith.constant 6 : i32
        %parallel_loop3A_914 = arith.addi %multiple_of3A_675, %parallel_loop3A_913 : i32
        %parallel_loop3A_915 = arith.index_cast %parallel_loop3A_914 : i32 to index
        %parallel_loop3A_916 = arith.index_cast %parallel_loop3A_804 : i32 to index
        %parallel_loop3A_917 = tpu.vector_load %arg7[%parallel_loop3A_915, %parallel_loop3A_916] {strides = array<i32>} : memref<77x768xf32, #tpu.memory_space<vmem>>, vector<1x16xf32>,
        %parallel_loop3A_918 = vector.shape_cast %parallel_loop3A_917 : vector<1x16xf32> to vector<16xf32>
        %parallel_loop3A_919 = arith.constant 6 : i32
        %parallel_loop3A_920 = arith.index_cast %parallel_loop3A_919 : i32 to index
        %parallel_loop3A_921 = arith.index_cast %parallel_loop3A_804 : i32 to index
        %parallel_loop3A_922 = tpu.vector_load %arg10[%parallel_loop3A_920, %parallel_loop3A_921] {strides = array<i32>} : memref<16x768xf32, #tpu.memory_space<vmem>>, vector<1x16xf32>,
        %parallel_loop3A_923 = vector.shape_cast %parallel_loop3A_922 : vector<1x16xf32> to vector<16xf32>
        %parallel_loop3A_924 = vector.shape_cast %parallel_loop3A_918 : vector<16xf32> to vector<1x16xf32>
        tpu.vector_store %arg10[%parallel_loop3A_920, %parallel_loop3A_921], %parallel_loop3A_924 {add = true, strides = array<i32>} : memref<16x768xf32, #tpu.memory_space<vmem>>, vector<1x16xf32>,
        %parallel_loop3A_925 = arith.constant 14 : i32
        %parallel_loop3A_926 = arith.index_cast %parallel_loop3A_925 : i32 to index
        %parallel_loop3A_927 = arith.index_cast %parallel_loop3A_804 : i32 to index
        %parallel_loop3A_928 = tpu.vector_load %arg10[%parallel_loop3A_926, %parallel_loop3A_927] {strides = array<i32>} : memref<16x768xf32, #tpu.memory_space<vmem>>, vector<1x16xf32>,
        %parallel_loop3A_929 = vector.shape_cast %parallel_loop3A_928 : vector<1x16xf32> to vector<16xf32>
        %parallel_loop3A_930 = vector.shape_cast %parallel_loop3A_918 : vector<16xf32> to vector<1x16xf32>
        tpu.vector_store %arg10[%parallel_loop3A_926, %parallel_loop3A_927], %parallel_loop3A_930 {add = true, strides = array<i32>} : memref<16x768xf32, #tpu.memory_space<vmem>>, vector<1x16xf32>,
        %parallel_loop3A_931 = arith.constant 7 : i32
        %parallel_loop3A_932 = arith.addi %multiple_of3A_675, %parallel_loop3A_931 : i32
        %parallel_loop3A_933 = arith.index_cast %parallel_loop3A_932 : i32 to index
        %parallel_loop3A_934 = arith.index_cast %parallel_loop3A_804 : i32 to index
        %parallel_loop3A_935 = tpu.vector_load %arg7[%parallel_loop3A_933, %parallel_loop3A_934] {strides = array<i32>} : memref<77x768xf32, #tpu.memory_space<vmem>>, vector<1x16xf32>,
        %parallel_loop3A_936 = vector.shape_cast %parallel_loop3A_935 : vector<1x16xf32> to vector<16xf32>
        %parallel_loop3A_937 = arith.constant 7 : i32
        %parallel_loop3A_938 = arith.index_cast %parallel_loop3A_937 : i32 to index
        %parallel_loop3A_939 = arith.index_cast %parallel_loop3A_804 : i32 to index
        %parallel_loop3A_940 = tpu.vector_load %arg10[%parallel_loop3A_938, %parallel_loop3A_939] {strides = array<i32>} : memref<16x768xf32, #tpu.memory_space<vmem>>, vector<1x16xf32>,
        %parallel_loop3A_941 = vector.shape_cast %parallel_loop3A_940 : vector<1x16xf32> to vector<16xf32>
        %parallel_loop3A_942 = vector.shape_cast %parallel_loop3A_936 : vector<16xf32> to vector<1x16xf32>
        tpu.vector_store %arg10[%parallel_loop3A_938, %parallel_loop3A_939], %parallel_loop3A_942 {add = true, strides = array<i32>} : memref<16x768xf32, #tpu.memory_space<vmem>>, vector<1x16xf32>,
        %parallel_loop3A_943 = arith.constant 15 : i32
        %parallel_loop3A_944 = arith.index_cast %parallel_loop3A_943 : i32 to index
        %parallel_loop3A_945 = arith.index_cast %parallel_loop3A_804 : i32 to index
        %parallel_loop3A_946 = tpu.vector_load %arg10[%parallel_loop3A_944, %parallel_loop3A_945] {strides = array<i32>} : memref<16x768xf32, #tpu.memory_space<vmem>>, vector<1x16xf32>,
        %parallel_loop3A_947 = vector.shape_cast %parallel_loop3A_946 : vector<1x16xf32> to vector<16xf32>
        %parallel_loop3A_948 = vector.shape_cast %parallel_loop3A_936 : vector<16xf32> to vector<1x16xf32>
        tpu.vector_store %arg10[%parallel_loop3A_944, %parallel_loop3A_945], %parallel_loop3A_948 {add = true, strides = array<i32>} : memref<16x768xf32, #tpu.memory_space<vmem>>, vector<1x16xf32>,
      } {sc.loop_unroll_factor = 2 : i64, sc.parallel_access}
      %mul3A_679 = arith.constant 2 : i32
      %mul3A_680 = arith.muli %mul3A_679, %select_n3A_661 : i32
      %add3A_681 = arith.addi %mul3A_2, %mul3A_680 : i32
      %dma_start3A_682 = arith.constant 0 : i32
      %dma_start3A_683 = arith.constant 0 : i32
      %dma_start3A_684 = tpu.memref_slice %arg10[%dma_start3A_682, %dma_start3A_683] : memref<16x768xf32, #tpu.memory_space<vmem>> -> memref<8x768xf32, #tpu.memory_space<vmem>>
      %dma_start3A_685 = arith.constant 0 : i32
      %dma_start3A_686 = tpu.memref_slice %arg5[%add3A_681, %multiple_of3A_675, %dma_start3A_685] : memref<4096x77x768xf32, #tpu.memory_space<hbm>> -> memref<1x8x768xf32, #tpu.memory_space<hbm>>
      %dma_start3A_687 = tpu.memref_squeeze %dma_start3A_686 : memref<1x8x768xf32, #tpu.memory_space<hbm>> -> memref<8x768xf32, #tpu.memory_space<hbm>>
      %dma_start3A_688 = arith.constant 0 : i32
      %dma_start3A_689 = tpu.memref_slice %arg5[%add3A_681, %multiple_of3A_675, %dma_start3A_688] : memref<4096x77x768xf32, #tpu.memory_space<hbm>> -> memref<1x8x768xf32, #tpu.memory_space<hbm>>
      %dma_start3A_690 = tpu.memref_squeeze %dma_start3A_689 : memref<1x8x768xf32, #tpu.memory_space<hbm>> -> memref<8x768xf32, #tpu.memory_space<hbm>>
      %dma_start3A_691 = arith.constant 0 : i32
      %dma_start3A_692 = arith.constant 0 : i32
      %dma_start3A_693 = tpu.memref_slice %arg10[%dma_start3A_691, %dma_start3A_692] : memref<16x768xf32, #tpu.memory_space<vmem>> -> memref<8x768xf32, #tpu.memory_space<vmem>>
      tpu.enqueue_dma source(%dma_start3A_693 : memref<8x768xf32, #tpu.memory_space<vmem>>) target(%dma_start3A_690 : memref<8x768xf32, #tpu.memory_space<hbm>>) target_semaphore(%arg18 : memref<!tpu.dma_semaphore, #tpu.memory_space<semaphore_mem>>)
      %add3A_694 = arith.constant 1 : i32
      %add3A_695 = arith.addi %add3A_681, %add3A_694 : i32
      %dma_start3A_696 = arith.constant 8 : i32
      %dma_start3A_697 = arith.constant 0 : i32
      %dma_start3A_698 = tpu.memref_slice %arg10[%dma_start3A_696, %dma_start3A_697] : memref<16x768xf32, #tpu.memory_space<vmem>> -> memref<8x768xf32, #tpu.memory_space<vmem>>
      %dma_start3A_699 = arith.constant 0 : i32
      %dma_start3A_700 = tpu.memref_slice %arg5[%add3A_695, %multiple_of3A_675, %dma_start3A_699] : memref<4096x77x768xf32, #tpu.memory_space<hbm>> -> memref<1x8x768xf32, #tpu.memory_space<hbm>>
      %dma_start3A_701 = tpu.memref_squeeze %dma_start3A_700 : memref<1x8x768xf32, #tpu.memory_space<hbm>> -> memref<8x768xf32, #tpu.memory_space<hbm>>
      %dma_start3A_702 = arith.constant 0 : i32
      %dma_start3A_703 = tpu.memref_slice %arg5[%add3A_695, %multiple_of3A_675, %dma_start3A_702] : memref<4096x77x768xf32, #tpu.memory_space<hbm>> -> memref<1x8x768xf32, #tpu.memory_space<hbm>>
      %dma_start3A_704 = tpu.memref_squeeze %dma_start3A_703 : memref<1x8x768xf32, #tpu.memory_space<hbm>> -> memref<8x768xf32, #tpu.memory_space<hbm>>
      %dma_start3A_705 = arith.constant 8 : i32
      %dma_start3A_706 = arith.constant 0 : i32
      %dma_start3A_707 = tpu.memref_slice %arg10[%dma_start3A_705, %dma_start3A_706] : memref<16x768xf32, #tpu.memory_space<vmem>> -> memref<8x768xf32, #tpu.memory_space<vmem>>
      tpu.enqueue_dma source(%dma_start3A_707 : memref<8x768xf32, #tpu.memory_space<vmem>>) target(%dma_start3A_704 : memref<8x768xf32, #tpu.memory_space<hbm>>) target_semaphore(%arg18 : memref<!tpu.dma_semaphore, #tpu.memory_space<semaphore_mem>>)
      %mul3A_708 = arith.constant 4 : i32
      %mul3A_709 = arith.muli %scan3A_437, %mul3A_708 : i32
      %add3A_710 = arith.constant 3 : i32
      %add3A_711 = arith.addi %mul3A_709, %add3A_710 : i32
      %add3A_712 = arith.constant 2 : i32
      %add3A_713 = arith.addi %add3A_711, %add3A_712 : i32
      %lt3A_714 = arith.constant 576 : i32
      %lt3A_715 = arith.cmpi slt, %add3A_713, %lt3A_714 : i32
      %convert_element_type3A_716 = arith.extui %lt3A_715 : i1 to i32
      %cond3A_717 = arith.constant 0 : i32
      %cond3A_718 = arith.cmpi ne, %convert_element_type3A_716, %cond3A_717 : i32
      scf.if %cond3A_718 {
        %dma_wait3A_802 = arith.constant 1 : i32
        %dma_wait3A_803 = arith.constant 0 : i32
        %dma_wait3A_804 = tpu.memref_slice %arg6[%dma_wait3A_802, %dma_wait3A_803] : memref<4x16xi32, #tpu.memory_space<vmem>> -> memref<1x16xi32, #tpu.memory_space<vmem>>
        %dma_wait3A_805 = tpu.memref_squeeze %dma_wait3A_804 : memref<1x16xi32, #tpu.memory_space<vmem>> -> memref<16xi32, #tpu.memory_space<vmem>>
        %dma_wait3A_806 = arith.constant 0 : i32
        %dma_wait3A_807 = tpu.memref_slice %arg2[%dma_wait3A_806] : memref<315392xi32, #tpu.memory_space<hbm>> -> memref<16xi32, #tpu.memory_space<hbm>>
        %dma_wait3A_808 = arith.constant 0 : i32
        %dma_wait3A_809 = tpu.memref_slice %arg6[%dma_wait3A_802, %dma_wait3A_808] : memref<4x16xi32, #tpu.memory_space<vmem>> -> memref<1x16xi32, #tpu.memory_space<vmem>>
        %dma_wait3A_810 = tpu.memref_squeeze %dma_wait3A_809 : memref<1x16xi32, #tpu.memory_space<vmem>> -> memref<16xi32, #tpu.memory_space<vmem>>
        %dma_wait3A_811 = arith.constant 0 : i32
        %dma_wait3A_812 = tpu.memref_slice %arg2[%dma_wait3A_811] : memref<315392xi32, #tpu.memory_space<hbm>> -> memref<16xi32, #tpu.memory_space<hbm>>
        tpu.wait_dma2 semaphore(%arg21 : memref<!tpu.dma_semaphore, #tpu.memory_space<semaphore_mem>>) src(%dma_wait3A_812 : memref<16xi32, #tpu.memory_space<hbm>>) dst(%dma_wait3A_810 : memref<16xi32, #tpu.memory_space<vmem>>)
        %ge3A = arith.constant 2 : i32
        %ge3A_813 = arith.cmpi sge, %add3A_711, %ge3A : i32
        %convert_element_type3A_814 = arith.extui %ge3A_813 : i1 to i32
        %cond3A_815 = arith.constant 0 : i32
        %cond3A_816 = arith.cmpi ne, %convert_element_type3A_814, %cond3A_815 : i32
        scf.if %cond3A_816 {
          %dma_wait3A_824 = arith.constant 0 : i32
          %dma_wait3A_825 = arith.constant 0 : i32
          %dma_wait3A_826 = arith.constant 0 : i32
          %dma_wait3A_827 = tpu.memref_slice %arg9[%dma_wait3A_825, %dma_wait3A_826] : memref<16x768xf32, #tpu.memory_space<vmem>> -> memref<8x768xf32, #tpu.memory_space<vmem>>
          %dma_wait3A_828 = arith.constant 0 : i32
          %dma_wait3A_829 = arith.constant 0 : i32
          %dma_wait3A_830 = tpu.memref_slice %arg5[%dma_wait3A_824, %dma_wait3A_828, %dma_wait3A_829] : memref<4096x77x768xf32, #tpu.memory_space<hbm>> -> memref<1x8x768xf32, #tpu.memory_space<hbm>>
          %dma_wait3A_831 = tpu.memref_squeeze %dma_wait3A_830 : memref<1x8x768xf32, #tpu.memory_space<hbm>> -> memref<8x768xf32, #tpu.memory_space<hbm>>
          %dma_wait3A_832 = arith.constant 0 : i32
          %dma_wait3A_833 = arith.constant 0 : i32
          %dma_wait3A_834 = tpu.memref_slice %arg5[%dma_wait3A_824, %dma_wait3A_832, %dma_wait3A_833] : memref<4096x77x768xf32, #tpu.memory_space<hbm>> -> memref<1x8x768xf32, #tpu.memory_space<hbm>>
          %dma_wait3A_835 = tpu.memref_squeeze %dma_wait3A_834 : memref<1x8x768xf32, #tpu.memory_space<hbm>> -> memref<8x768xf32, #tpu.memory_space<hbm>>
          %dma_wait3A_836 = arith.constant 0 : i32
          %dma_wait3A_837 = arith.constant 0 : i32
          %dma_wait3A_838 = tpu.memref_slice %arg9[%dma_wait3A_836, %dma_wait3A_837] : memref<16x768xf32, #tpu.memory_space<vmem>> -> memref<8x768xf32, #tpu.memory_space<vmem>>
          tpu.wait_dma2 semaphore(%arg17 : memref<!tpu.dma_semaphore, #tpu.memory_space<semaphore_mem>>) src(%dma_wait3A_838 : memref<8x768xf32, #tpu.memory_space<vmem>>) dst(%dma_wait3A_835 : memref<8x768xf32, #tpu.memory_space<hbm>>)
          %dma_wait3A_839 = arith.constant 0 : i32
          %dma_wait3A_840 = arith.constant 0 : i32
          %dma_wait3A_841 = arith.constant 0 : i32
          %dma_wait3A_842 = tpu.memref_slice %arg9[%dma_wait3A_840, %dma_wait3A_841] : memref<16x768xf32, #tpu.memory_space<vmem>> -> memref<8x768xf32, #tpu.memory_space<vmem>>
          %dma_wait3A_843 = arith.constant 0 : i32
          %dma_wait3A_844 = arith.constant 0 : i32
          %dma_wait3A_845 = tpu.memref_slice %arg5[%dma_wait3A_839, %dma_wait3A_843, %dma_wait3A_844] : memref<4096x77x768xf32, #tpu.memory_space<hbm>> -> memref<1x8x768xf32, #tpu.memory_space<hbm>>
          %dma_wait3A_846 = tpu.memref_squeeze %dma_wait3A_845 : memref<1x8x768xf32, #tpu.memory_space<hbm>> -> memref<8x768xf32, #tpu.memory_space<hbm>>
          %dma_wait3A_847 = arith.constant 0 : i32
          %dma_wait3A_848 = arith.constant 0 : i32
          %dma_wait3A_849 = tpu.memref_slice %arg5[%dma_wait3A_839, %dma_wait3A_847, %dma_wait3A_848] : memref<4096x77x768xf32, #tpu.memory_space<hbm>> -> memref<1x8x768xf32, #tpu.memory_space<hbm>>
          %dma_wait3A_850 = tpu.memref_squeeze %dma_wait3A_849 : memref<1x8x768xf32, #tpu.memory_space<hbm>> -> memref<8x768xf32, #tpu.memory_space<hbm>>
          %dma_wait3A_851 = arith.constant 0 : i32
          %dma_wait3A_852 = arith.constant 0 : i32
          %dma_wait3A_853 = tpu.memref_slice %arg9[%dma_wait3A_851, %dma_wait3A_852] : memref<16x768xf32, #tpu.memory_space<vmem>> -> memref<8x768xf32, #tpu.memory_space<vmem>>
          tpu.wait_dma2 semaphore(%arg17 : memref<!tpu.dma_semaphore, #tpu.memory_space<semaphore_mem>>) src(%dma_wait3A_853 : memref<8x768xf32, #tpu.memory_space<vmem>>) dst(%dma_wait3A_850 : memref<8x768xf32, #tpu.memory_space<hbm>>)
        } else {
        }
        %dma_start3A_817 = arith.constant 1 : i32
        %dma_start3A_818 = arith.constant 0 : i32
        %dma_start3A_819 = tpu.memref_slice %arg6[%dma_start3A_817, %dma_start3A_818] : memref<4x16xi32, #tpu.memory_space<vmem>> -> memref<1x16xi32, #tpu.memory_space<vmem>>
        %dma_start3A_820 = tpu.memref_squeeze %dma_start3A_819 : memref<1x16xi32, #tpu.memory_space<vmem>> -> memref<16xi32, #tpu.memory_space<vmem>>
        %dma_start3A_821 = arith.constant 0 : i32
        %dma_start3A_822 = arith.constant 0 : i32
        %dma_start3A_823 = tpu.memref_slice %arg3[%dma_start3A_821, %dma_start3A_822] : memref<49408x768xf32, #tpu.memory_space<hbm>> -> memref<49408x768xf32, #tpu.memory_space<hbm>>
        tpu.enqueue_indirect_dma source(%dma_start3A_823 : memref<49408x768xf32, #tpu.memory_space<hbm>>) target(%arg9 : memref<16x768xf32, #tpu.memory_space<vmem>>) offsets(%dma_start3A_820 : memref<16xi32, #tpu.memory_space<vmem>>) semaphore(%arg13 : memref<!tpu.dma_semaphore, #tpu.memory_space<semaphore_mem>>)
      } else {
      }
      %dma_wait3A_719 = arith.constant 0 : i32
      %dma_wait3A_720 = arith.constant 0 : i32
      %dma_wait3A_721 = tpu.memref_slice %arg3[%dma_wait3A_719, %dma_wait3A_720] : memref<49408x768xf32, #tpu.memory_space<hbm>> -> memref<16x768xf32, #tpu.memory_space<hbm>>
      %dma_wait3A_722 = arith.constant 0 : i32
      %dma_wait3A_723 = arith.constant 0 : i32
      %dma_wait3A_724 = tpu.memref_slice %arg3[%dma_wait3A_722, %dma_wait3A_723] : memref<49408x768xf32, #tpu.memory_space<hbm>> -> memref<16x768xf32, #tpu.memory_space<hbm>>
      tpu.wait_dma2 semaphore(%arg15 : memref<!tpu.dma_semaphore, #tpu.memory_space<semaphore_mem>>) src(%dma_wait3A_724 : memref<16x768xf32, #tpu.memory_space<hbm>>) dst(%arg11 : memref<16x768xf32, #tpu.memory_space<vmem>>)
      %add3A_725 = arith.constant 4 : i32
      %add3A_726 = arith.addi %add3A_711, %add3A_725 : i32
      %lt3A_727 = arith.constant 576 : i32
      %lt3A_728 = arith.cmpi slt, %add3A_726, %lt3A_727 : i32
      %convert_element_type3A_729 = arith.extui %lt3A_728 : i1 to i32
      %cond3A_730 = arith.constant 0 : i32
      %cond3A_731 = arith.cmpi ne, %convert_element_type3A_729, %cond3A_730 : i32
      scf.if %cond3A_731 {
        %add3A_802 = arith.constant 4 : i32
        %add3A_803 = arith.addi %add3A_711, %add3A_802 : i32
        %jit3A_804 = arith.constant 9 : i32
        %div3A_805 = arith.divsi %add3A_803, %jit3A_804 : i32
        %sign3A_806 = arith.constant 0 : i32
        %sign3A_807 = arith.cmpi sgt, %add3A_803, %sign3A_806 : i32
        %sign3A_808 = arith.extui %sign3A_807 : i1 to i32
        %sign3A_809 = arith.constant 0 : i32
        %sign3A_810 = arith.cmpi slt, %add3A_803, %sign3A_809 : i32
        %sign3A_811 = arith.extui %sign3A_810 : i1 to i32
        %sign3A_812 = arith.subi %sign3A_808, %sign3A_811 : i32
        %sign3A_813 = arith.constant 0 : i32
        %sign3A_814 = arith.cmpi sgt, %jit3A_804, %sign3A_813 : i32
        %sign3A_815 = arith.extui %sign3A_814 : i1 to i32
        %sign3A_816 = arith.constant 0 : i32
        %sign3A_817 = arith.cmpi slt, %jit3A_804, %sign3A_816 : i32
        %sign3A_818 = arith.extui %sign3A_817 : i1 to i32
        %sign3A_819 = arith.subi %sign3A_815, %sign3A_818 : i32
        %ne3A_820 = arith.cmpi ne, %sign3A_812, %sign3A_819 : i32
        %rem3A_821 = arith.remsi %add3A_803, %jit3A_804 : i32
        %ne3A_822 = arith.constant 0 : i32
        %ne3A_823 = arith.cmpi ne, %rem3A_821, %ne3A_822 : i32
        %and3A_824 = arith.andi %ne3A_820, %ne3A_823 : i1
        %sub3A_825 = arith.constant 1 : i32
        %sub3A_826 = arith.subi %div3A_805, %sub3A_825 : i32
        %select_n3A_827 = arith.select %and3A_824, %sub3A_826, %div3A_805 : i32
        %mul3A_828 = arith.constant 9 : i32
        %mul3A_829 = arith.muli %select_n3A_827, %mul3A_828 : i32
        %sub3A_830 = arith.subi %add3A_803, %mul3A_829 : i32
        %mul3A_831 = arith.constant 154 : i32
        %mul3A_832 = arith.muli %select_n3A_827, %mul3A_831 : i32
        %add3A_833 = arith.addi %mul3A_4, %mul3A_832 : i32
        %mul3A_834 = arith.constant 8 : i32
        %mul3A_835 = arith.muli %sub3A_830, %mul3A_834 : i32
        %add3A_836 = arith.addi %add3A_833, %mul3A_835 : i32
        %add3A_837 = vector.broadcast %add3A_836 : i32 to vector<16xi32>
        %add3A_838 = arith.addi %add3A_12, %add3A_837 : vector<16xi32>
        %dma_start3A_839 = arith.constant 3 : i32
        %dma_start3A_840 = arith.constant 0 : i32
        %dma_start3A_841 = tpu.memref_slice %arg6[%dma_start3A_839, %dma_start3A_840] : memref<4x16xi32, #tpu.memory_space<vmem>> -> memref<1x16xi32, #tpu.memory_space<vmem>>
        %dma_start3A_842 = tpu.memref_squeeze %dma_start3A_841 : memref<1x16xi32, #tpu.memory_space<vmem>> -> memref<16xi32, #tpu.memory_space<vmem>>
        %dma_start3A_843 = arith.constant 0 : i32
        %dma_start3A_844 = tpu.memref_slice %arg2[%dma_start3A_843] : memref<315392xi32, #tpu.memory_space<hbm>> -> memref<315392xi32, #tpu.memory_space<hbm>>
        tpu.enqueue_indirect_dma source(%dma_start3A_844 : memref<315392xi32, #tpu.memory_space<hbm>>) target(%dma_start3A_842 : memref<16xi32, #tpu.memory_space<vmem>>) offsets(%add3A_838 : vector<16xi32>) semaphore(%arg23 : memref<!tpu.dma_semaphore, #tpu.memory_space<semaphore_mem>>)
      } else {
      }
      %jit3A_732 = arith.constant 9 : i32
      %div3A_733 = arith.divsi %add3A_711, %jit3A_732 : i32
      %sign3A_734 = arith.constant 0 : i32
      %sign3A_735 = arith.cmpi sgt, %add3A_711, %sign3A_734 : i32
      %sign3A_736 = arith.extui %sign3A_735 : i1 to i32
      %sign3A_737 = arith.constant 0 : i32
      %sign3A_738 = arith.cmpi slt, %add3A_711, %sign3A_737 : i32
      %sign3A_739 = arith.extui %sign3A_738 : i1 to i32
      %sign3A_740 = arith.subi %sign3A_736, %sign3A_739 : i32
      %sign3A_741 = arith.constant 0 : i32
      %sign3A_742 = arith.cmpi sgt, %jit3A_732, %sign3A_741 : i32
      %sign3A_743 = arith.extui %sign3A_742 : i1 to i32
      %sign3A_744 = arith.constant 0 : i32
      %sign3A_745 = arith.cmpi slt, %jit3A_732, %sign3A_744 : i32
      %sign3A_746 = arith.extui %sign3A_745 : i1 to i32
      %sign3A_747 = arith.subi %sign3A_743, %sign3A_746 : i32
      %ne3A_748 = arith.cmpi ne, %sign3A_740, %sign3A_747 : i32
      %rem3A_749 = arith.remsi %add3A_711, %jit3A_732 : i32
      %ne3A_750 = arith.constant 0 : i32
      %ne3A_751 = arith.cmpi ne, %rem3A_749, %ne3A_750 : i32
      %and3A_752 = arith.andi %ne3A_748, %ne3A_751 : i1
      %sub3A_753 = arith.constant 1 : i32
      %sub3A_754 = arith.subi %div3A_733, %sub3A_753 : i32
      %select_n3A_755 = arith.select %and3A_752, %sub3A_754, %div3A_733 : i32
      %mul3A_756 = arith.constant 9 : i32
      %mul3A_757 = arith.muli %select_n3A_755, %mul3A_756 : i32
      %sub3A_758 = arith.subi %add3A_711, %mul3A_757 : i32
      %mul3A_759 = arith.constant 154 : i32
      %mul3A_760 = arith.muli %select_n3A_755, %mul3A_759 : i32
      %add3A_761 = arith.addi %mul3A_4, %mul3A_760 : i32
      %mul3A_762 = arith.constant 8 : i32
      %mul3A_763 = arith.muli %sub3A_758, %mul3A_762 : i32
      %add3A_764 = arith.addi %add3A_761, %mul3A_763 : i32
      %add3A_765 = vector.broadcast %add3A_764 : i32 to vector<16xi32>
      %add3A_766 = arith.addi %add3A_12, %add3A_765 : vector<16xi32>
      %mul3A_767 = arith.constant 8 : i32
      %mul3A_768 = arith.muli %sub3A_758, %mul3A_767 : i32
      %multiple_of3A_769 = tpu.assume_multiple %mul3A_768, 8 : i32
      %parallel_loop3A_770 = arith.constant 0 : i32
      %parallel_loop3A_771 = arith.constant 48 : i32
      %parallel_loop3A_772 = arith.constant 1 : i32
      scf.for %parallel_loop3A_802 = %parallel_loop3A_770 to %parallel_loop3A_771 step %parallel_loop3A_772  : i32 {
        %parallel_loop3A_803 = arith.constant 16 : i32
        %parallel_loop3A_804 = arith.muli %parallel_loop3A_802, %parallel_loop3A_803 : i32
        %parallel_loop3A_805 = arith.constant 0 : i32
        %parallel_loop3A_806 = arith.addi %multiple_of3A_769, %parallel_loop3A_805 : i32
        %parallel_loop3A_807 = arith.index_cast %parallel_loop3A_806 : i32 to index
        %parallel_loop3A_808 = arith.index_cast %parallel_loop3A_804 : i32 to index
        %parallel_loop3A_809 = tpu.vector_load %arg7[%parallel_loop3A_807, %parallel_loop3A_808] {strides = array<i32>} : memref<77x768xf32, #tpu.memory_space<vmem>>, vector<1x16xf32>,
        %parallel_loop3A_810 = vector.shape_cast %parallel_loop3A_809 : vector<1x16xf32> to vector<16xf32>
        %parallel_loop3A_811 = arith.constant 0 : i32
        %parallel_loop3A_812 = arith.index_cast %parallel_loop3A_811 : i32 to index
        %parallel_loop3A_813 = arith.index_cast %parallel_loop3A_804 : i32 to index
        %parallel_loop3A_814 = tpu.vector_load %arg11[%parallel_loop3A_812, %parallel_loop3A_813] {strides = array<i32>} : memref<16x768xf32, #tpu.memory_space<vmem>>, vector<1x16xf32>,
        %parallel_loop3A_815 = vector.shape_cast %parallel_loop3A_814 : vector<1x16xf32> to vector<16xf32>
        %parallel_loop3A_816 = vector.shape_cast %parallel_loop3A_810 : vector<16xf32> to vector<1x16xf32>
        tpu.vector_store %arg11[%parallel_loop3A_812, %parallel_loop3A_813], %parallel_loop3A_816 {add = true, strides = array<i32>} : memref<16x768xf32, #tpu.memory_space<vmem>>, vector<1x16xf32>,
        %parallel_loop3A_817 = arith.constant 8 : i32
        %parallel_loop3A_818 = arith.index_cast %parallel_loop3A_817 : i32 to index
        %parallel_loop3A_819 = arith.index_cast %parallel_loop3A_804 : i32 to index
        %parallel_loop3A_820 = tpu.vector_load %arg11[%parallel_loop3A_818, %parallel_loop3A_819] {strides = array<i32>} : memref<16x768xf32, #tpu.memory_space<vmem>>, vector<1x16xf32>,
        %parallel_loop3A_821 = vector.shape_cast %parallel_loop3A_820 : vector<1x16xf32> to vector<16xf32>
        %parallel_loop3A_822 = vector.shape_cast %parallel_loop3A_810 : vector<16xf32> to vector<1x16xf32>
        tpu.vector_store %arg11[%parallel_loop3A_818, %parallel_loop3A_819], %parallel_loop3A_822 {add = true, strides = array<i32>} : memref<16x768xf32, #tpu.memory_space<vmem>>, vector<1x16xf32>,
        %parallel_loop3A_823 = arith.constant 1 : i32
        %parallel_loop3A_824 = arith.addi %multiple_of3A_769, %parallel_loop3A_823 : i32
        %parallel_loop3A_825 = arith.index_cast %parallel_loop3A_824 : i32 to index
        %parallel_loop3A_826 = arith.index_cast %parallel_loop3A_804 : i32 to index
        %parallel_loop3A_827 = tpu.vector_load %arg7[%parallel_loop3A_825, %parallel_loop3A_826] {strides = array<i32>} : memref<77x768xf32, #tpu.memory_space<vmem>>, vector<1x16xf32>,
        %parallel_loop3A_828 = vector.shape_cast %parallel_loop3A_827 : vector<1x16xf32> to vector<16xf32>
        %parallel_loop3A_829 = arith.constant 1 : i32
        %parallel_loop3A_830 = arith.index_cast %parallel_loop3A_829 : i32 to index
        %parallel_loop3A_831 = arith.index_cast %parallel_loop3A_804 : i32 to index
        %parallel_loop3A_832 = tpu.vector_load %arg11[%parallel_loop3A_830, %parallel_loop3A_831] {strides = array<i32>} : memref<16x768xf32, #tpu.memory_space<vmem>>, vector<1x16xf32>,
        %parallel_loop3A_833 = vector.shape_cast %parallel_loop3A_832 : vector<1x16xf32> to vector<16xf32>
        %parallel_loop3A_834 = vector.shape_cast %parallel_loop3A_828 : vector<16xf32> to vector<1x16xf32>
        tpu.vector_store %arg11[%parallel_loop3A_830, %parallel_loop3A_831], %parallel_loop3A_834 {add = true, strides = array<i32>} : memref<16x768xf32, #tpu.memory_space<vmem>>, vector<1x16xf32>,
        %parallel_loop3A_835 = arith.constant 9 : i32
        %parallel_loop3A_836 = arith.index_cast %parallel_loop3A_835 : i32 to index
        %parallel_loop3A_837 = arith.index_cast %parallel_loop3A_804 : i32 to index
        %parallel_loop3A_838 = tpu.vector_load %arg11[%parallel_loop3A_836, %parallel_loop3A_837] {strides = array<i32>} : memref<16x768xf32, #tpu.memory_space<vmem>>, vector<1x16xf32>,
        %parallel_loop3A_839 = vector.shape_cast %parallel_loop3A_838 : vector<1x16xf32> to vector<16xf32>
        %parallel_loop3A_840 = vector.shape_cast %parallel_loop3A_828 : vector<16xf32> to vector<1x16xf32>
        tpu.vector_store %arg11[%parallel_loop3A_836, %parallel_loop3A_837], %parallel_loop3A_840 {add = true, strides = array<i32>} : memref<16x768xf32, #tpu.memory_space<vmem>>, vector<1x16xf32>,
        %parallel_loop3A_841 = arith.constant 2 : i32
        %parallel_loop3A_842 = arith.addi %multiple_of3A_769, %parallel_loop3A_841 : i32
        %parallel_loop3A_843 = arith.index_cast %parallel_loop3A_842 : i32 to index
        %parallel_loop3A_844 = arith.index_cast %parallel_loop3A_804 : i32 to index
        %parallel_loop3A_845 = tpu.vector_load %arg7[%parallel_loop3A_843, %parallel_loop3A_844] {strides = array<i32>} : memref<77x768xf32, #tpu.memory_space<vmem>>, vector<1x16xf32>,
        %parallel_loop3A_846 = vector.shape_cast %parallel_loop3A_845 : vector<1x16xf32> to vector<16xf32>
        %parallel_loop3A_847 = arith.constant 2 : i32
        %parallel_loop3A_848 = arith.index_cast %parallel_loop3A_847 : i32 to index
        %parallel_loop3A_849 = arith.index_cast %parallel_loop3A_804 : i32 to index
        %parallel_loop3A_850 = tpu.vector_load %arg11[%parallel_loop3A_848, %parallel_loop3A_849] {strides = array<i32>} : memref<16x768xf32, #tpu.memory_space<vmem>>, vector<1x16xf32>,
        %parallel_loop3A_851 = vector.shape_cast %parallel_loop3A_850 : vector<1x16xf32> to vector<16xf32>
        %parallel_loop3A_852 = vector.shape_cast %parallel_loop3A_846 : vector<16xf32> to vector<1x16xf32>
        tpu.vector_store %arg11[%parallel_loop3A_848, %parallel_loop3A_849], %parallel_loop3A_852 {add = true, strides = array<i32>} : memref<16x768xf32, #tpu.memory_space<vmem>>, vector<1x16xf32>,
        %parallel_loop3A_853 = arith.constant 10 : i32
        %parallel_loop3A_854 = arith.index_cast %parallel_loop3A_853 : i32 to index
        %parallel_loop3A_855 = arith.index_cast %parallel_loop3A_804 : i32 to index
        %parallel_loop3A_856 = tpu.vector_load %arg11[%parallel_loop3A_854, %parallel_loop3A_855] {strides = array<i32>} : memref<16x768xf32, #tpu.memory_space<vmem>>, vector<1x16xf32>,
        %parallel_loop3A_857 = vector.shape_cast %parallel_loop3A_856 : vector<1x16xf32> to vector<16xf32>
        %parallel_loop3A_858 = vector.shape_cast %parallel_loop3A_846 : vector<16xf32> to vector<1x16xf32>
        tpu.vector_store %arg11[%parallel_loop3A_854, %parallel_loop3A_855], %parallel_loop3A_858 {add = true, strides = array<i32>} : memref<16x768xf32, #tpu.memory_space<vmem>>, vector<1x16xf32>,
        %parallel_loop3A_859 = arith.constant 3 : i32
        %parallel_loop3A_860 = arith.addi %multiple_of3A_769, %parallel_loop3A_859 : i32
        %parallel_loop3A_861 = arith.index_cast %parallel_loop3A_860 : i32 to index
        %parallel_loop3A_862 = arith.index_cast %parallel_loop3A_804 : i32 to index
        %parallel_loop3A_863 = tpu.vector_load %arg7[%parallel_loop3A_861, %parallel_loop3A_862] {strides = array<i32>} : memref<77x768xf32, #tpu.memory_space<vmem>>, vector<1x16xf32>,
        %parallel_loop3A_864 = vector.shape_cast %parallel_loop3A_863 : vector<1x16xf32> to vector<16xf32>
        %parallel_loop3A_865 = arith.constant 3 : i32
        %parallel_loop3A_866 = arith.index_cast %parallel_loop3A_865 : i32 to index
        %parallel_loop3A_867 = arith.index_cast %parallel_loop3A_804 : i32 to index
        %parallel_loop3A_868 = tpu.vector_load %arg11[%parallel_loop3A_866, %parallel_loop3A_867] {strides = array<i32>} : memref<16x768xf32, #tpu.memory_space<vmem>>, vector<1x16xf32>,
        %parallel_loop3A_869 = vector.shape_cast %parallel_loop3A_868 : vector<1x16xf32> to vector<16xf32>
        %parallel_loop3A_870 = vector.shape_cast %parallel_loop3A_864 : vector<16xf32> to vector<1x16xf32>
        tpu.vector_store %arg11[%parallel_loop3A_866, %parallel_loop3A_867], %parallel_loop3A_870 {add = true, strides = array<i32>} : memref<16x768xf32, #tpu.memory_space<vmem>>, vector<1x16xf32>,
        %parallel_loop3A_871 = arith.constant 11 : i32
        %parallel_loop3A_872 = arith.index_cast %parallel_loop3A_871 : i32 to index
        %parallel_loop3A_873 = arith.index_cast %parallel_loop3A_804 : i32 to index
        %parallel_loop3A_874 = tpu.vector_load %arg11[%parallel_loop3A_872, %parallel_loop3A_873] {strides = array<i32>} : memref<16x768xf32, #tpu.memory_space<vmem>>, vector<1x16xf32>,
        %parallel_loop3A_875 = vector.shape_cast %parallel_loop3A_874 : vector<1x16xf32> to vector<16xf32>
        %parallel_loop3A_876 = vector.shape_cast %parallel_loop3A_864 : vector<16xf32> to vector<1x16xf32>
        tpu.vector_store %arg11[%parallel_loop3A_872, %parallel_loop3A_873], %parallel_loop3A_876 {add = true, strides = array<i32>} : memref<16x768xf32, #tpu.memory_space<vmem>>, vector<1x16xf32>,
        %parallel_loop3A_877 = arith.constant 4 : i32
        %parallel_loop3A_878 = arith.addi %multiple_of3A_769, %parallel_loop3A_877 : i32
        %parallel_loop3A_879 = arith.index_cast %parallel_loop3A_878 : i32 to index
        %parallel_loop3A_880 = arith.index_cast %parallel_loop3A_804 : i32 to index
        %parallel_loop3A_881 = tpu.vector_load %arg7[%parallel_loop3A_879, %parallel_loop3A_880] {strides = array<i32>} : memref<77x768xf32, #tpu.memory_space<vmem>>, vector<1x16xf32>,
        %parallel_loop3A_882 = vector.shape_cast %parallel_loop3A_881 : vector<1x16xf32> to vector<16xf32>
        %parallel_loop3A_883 = arith.constant 4 : i32
        %parallel_loop3A_884 = arith.index_cast %parallel_loop3A_883 : i32 to index
        %parallel_loop3A_885 = arith.index_cast %parallel_loop3A_804 : i32 to index
        %parallel_loop3A_886 = tpu.vector_load %arg11[%parallel_loop3A_884, %parallel_loop3A_885] {strides = array<i32>} : memref<16x768xf32, #tpu.memory_space<vmem>>, vector<1x16xf32>,
        %parallel_loop3A_887 = vector.shape_cast %parallel_loop3A_886 : vector<1x16xf32> to vector<16xf32>
        %parallel_loop3A_888 = vector.shape_cast %parallel_loop3A_882 : vector<16xf32> to vector<1x16xf32>
        tpu.vector_store %arg11[%parallel_loop3A_884, %parallel_loop3A_885], %parallel_loop3A_888 {add = true, strides = array<i32>} : memref<16x768xf32, #tpu.memory_space<vmem>>, vector<1x16xf32>,
        %parallel_loop3A_889 = arith.constant 12 : i32
        %parallel_loop3A_890 = arith.index_cast %parallel_loop3A_889 : i32 to index
        %parallel_loop3A_891 = arith.index_cast %parallel_loop3A_804 : i32 to index
        %parallel_loop3A_892 = tpu.vector_load %arg11[%parallel_loop3A_890, %parallel_loop3A_891] {strides = array<i32>} : memref<16x768xf32, #tpu.memory_space<vmem>>, vector<1x16xf32>,
        %parallel_loop3A_893 = vector.shape_cast %parallel_loop3A_892 : vector<1x16xf32> to vector<16xf32>
        %parallel_loop3A_894 = vector.shape_cast %parallel_loop3A_882 : vector<16xf32> to vector<1x16xf32>
        tpu.vector_store %arg11[%parallel_loop3A_890, %parallel_loop3A_891], %parallel_loop3A_894 {add = true, strides = array<i32>} : memref<16x768xf32, #tpu.memory_space<vmem>>, vector<1x16xf32>,
        %parallel_loop3A_895 = arith.constant 5 : i32
        %parallel_loop3A_896 = arith.addi %multiple_of3A_769, %parallel_loop3A_895 : i32
        %parallel_loop3A_897 = arith.index_cast %parallel_loop3A_896 : i32 to index
        %parallel_loop3A_898 = arith.index_cast %parallel_loop3A_804 : i32 to index
        %parallel_loop3A_899 = tpu.vector_load %arg7[%parallel_loop3A_897, %parallel_loop3A_898] {strides = array<i32>} : memref<77x768xf32, #tpu.memory_space<vmem>>, vector<1x16xf32>,
        %parallel_loop3A_900 = vector.shape_cast %parallel_loop3A_899 : vector<1x16xf32> to vector<16xf32>
        %parallel_loop3A_901 = arith.constant 5 : i32
        %parallel_loop3A_902 = arith.index_cast %parallel_loop3A_901 : i32 to index
        %parallel_loop3A_903 = arith.index_cast %parallel_loop3A_804 : i32 to index
        %parallel_loop3A_904 = tpu.vector_load %arg11[%parallel_loop3A_902, %parallel_loop3A_903] {strides = array<i32>} : memref<16x768xf32, #tpu.memory_space<vmem>>, vector<1x16xf32>,
        %parallel_loop3A_905 = vector.shape_cast %parallel_loop3A_904 : vector<1x16xf32> to vector<16xf32>
        %parallel_loop3A_906 = vector.shape_cast %parallel_loop3A_900 : vector<16xf32> to vector<1x16xf32>
        tpu.vector_store %arg11[%parallel_loop3A_902, %parallel_loop3A_903], %parallel_loop3A_906 {add = true, strides = array<i32>} : memref<16x768xf32, #tpu.memory_space<vmem>>, vector<1x16xf32>,
        %parallel_loop3A_907 = arith.constant 13 : i32
        %parallel_loop3A_908 = arith.index_cast %parallel_loop3A_907 : i32 to index
        %parallel_loop3A_909 = arith.index_cast %parallel_loop3A_804 : i32 to index
        %parallel_loop3A_910 = tpu.vector_load %arg11[%parallel_loop3A_908, %parallel_loop3A_909] {strides = array<i32>} : memref<16x768xf32, #tpu.memory_space<vmem>>, vector<1x16xf32>,
        %parallel_loop3A_911 = vector.shape_cast %parallel_loop3A_910 : vector<1x16xf32> to vector<16xf32>
        %parallel_loop3A_912 = vector.shape_cast %parallel_loop3A_900 : vector<16xf32> to vector<1x16xf32>
        tpu.vector_store %arg11[%parallel_loop3A_908, %parallel_loop3A_909], %parallel_loop3A_912 {add = true, strides = array<i32>} : memref<16x768xf32, #tpu.memory_space<vmem>>, vector<1x16xf32>,
        %parallel_loop3A_913 = arith.constant 6 : i32
        %parallel_loop3A_914 = arith.addi %multiple_of3A_769, %parallel_loop3A_913 : i32
        %parallel_loop3A_915 = arith.index_cast %parallel_loop3A_914 : i32 to index
        %parallel_loop3A_916 = arith.index_cast %parallel_loop3A_804 : i32 to index
        %parallel_loop3A_917 = tpu.vector_load %arg7[%parallel_loop3A_915, %parallel_loop3A_916] {strides = array<i32>} : memref<77x768xf32, #tpu.memory_space<vmem>>, vector<1x16xf32>,
        %parallel_loop3A_918 = vector.shape_cast %parallel_loop3A_917 : vector<1x16xf32> to vector<16xf32>
        %parallel_loop3A_919 = arith.constant 6 : i32
        %parallel_loop3A_920 = arith.index_cast %parallel_loop3A_919 : i32 to index
        %parallel_loop3A_921 = arith.index_cast %parallel_loop3A_804 : i32 to index
        %parallel_loop3A_922 = tpu.vector_load %arg11[%parallel_loop3A_920, %parallel_loop3A_921] {strides = array<i32>} : memref<16x768xf32, #tpu.memory_space<vmem>>, vector<1x16xf32>,
        %parallel_loop3A_923 = vector.shape_cast %parallel_loop3A_922 : vector<1x16xf32> to vector<16xf32>
        %parallel_loop3A_924 = vector.shape_cast %parallel_loop3A_918 : vector<16xf32> to vector<1x16xf32>
        tpu.vector_store %arg11[%parallel_loop3A_920, %parallel_loop3A_921], %parallel_loop3A_924 {add = true, strides = array<i32>} : memref<16x768xf32, #tpu.memory_space<vmem>>, vector<1x16xf32>,
        %parallel_loop3A_925 = arith.constant 14 : i32
        %parallel_loop3A_926 = arith.index_cast %parallel_loop3A_925 : i32 to index
        %parallel_loop3A_927 = arith.index_cast %parallel_loop3A_804 : i32 to index
        %parallel_loop3A_928 = tpu.vector_load %arg11[%parallel_loop3A_926, %parallel_loop3A_927] {strides = array<i32>} : memref<16x768xf32, #tpu.memory_space<vmem>>, vector<1x16xf32>,
        %parallel_loop3A_929 = vector.shape_cast %parallel_loop3A_928 : vector<1x16xf32> to vector<16xf32>
        %parallel_loop3A_930 = vector.shape_cast %parallel_loop3A_918 : vector<16xf32> to vector<1x16xf32>
        tpu.vector_store %arg11[%parallel_loop3A_926, %parallel_loop3A_927], %parallel_loop3A_930 {add = true, strides = array<i32>} : memref<16x768xf32, #tpu.memory_space<vmem>>, vector<1x16xf32>,
        %parallel_loop3A_931 = arith.constant 7 : i32
        %parallel_loop3A_932 = arith.addi %multiple_of3A_769, %parallel_loop3A_931 : i32
        %parallel_loop3A_933 = arith.index_cast %parallel_loop3A_932 : i32 to index
        %parallel_loop3A_934 = arith.index_cast %parallel_loop3A_804 : i32 to index
        %parallel_loop3A_935 = tpu.vector_load %arg7[%parallel_loop3A_933, %parallel_loop3A_934] {strides = array<i32>} : memref<77x768xf32, #tpu.memory_space<vmem>>, vector<1x16xf32>,
        %parallel_loop3A_936 = vector.shape_cast %parallel_loop3A_935 : vector<1x16xf32> to vector<16xf32>
        %parallel_loop3A_937 = arith.constant 7 : i32
        %parallel_loop3A_938 = arith.index_cast %parallel_loop3A_937 : i32 to index
        %parallel_loop3A_939 = arith.index_cast %parallel_loop3A_804 : i32 to index
        %parallel_loop3A_940 = tpu.vector_load %arg11[%parallel_loop3A_938, %parallel_loop3A_939] {strides = array<i32>} : memref<16x768xf32, #tpu.memory_space<vmem>>, vector<1x16xf32>,
        %parallel_loop3A_941 = vector.shape_cast %parallel_loop3A_940 : vector<1x16xf32> to vector<16xf32>
        %parallel_loop3A_942 = vector.shape_cast %parallel_loop3A_936 : vector<16xf32> to vector<1x16xf32>
        tpu.vector_store %arg11[%parallel_loop3A_938, %parallel_loop3A_939], %parallel_loop3A_942 {add = true, strides = array<i32>} : memref<16x768xf32, #tpu.memory_space<vmem>>, vector<1x16xf32>,
        %parallel_loop3A_943 = arith.constant 15 : i32
        %parallel_loop3A_944 = arith.index_cast %parallel_loop3A_943 : i32 to index
        %parallel_loop3A_945 = arith.index_cast %parallel_loop3A_804 : i32 to index
        %parallel_loop3A_946 = tpu.vector_load %arg11[%parallel_loop3A_944, %parallel_loop3A_945] {strides = array<i32>} : memref<16x768xf32, #tpu.memory_space<vmem>>, vector<1x16xf32>,
        %parallel_loop3A_947 = vector.shape_cast %parallel_loop3A_946 : vector<1x16xf32> to vector<16xf32>
        %parallel_loop3A_948 = vector.shape_cast %parallel_loop3A_936 : vector<16xf32> to vector<1x16xf32>
        tpu.vector_store %arg11[%parallel_loop3A_944, %parallel_loop3A_945], %parallel_loop3A_948 {add = true, strides = array<i32>} : memref<16x768xf32, #tpu.memory_space<vmem>>, vector<1x16xf32>,
      } {sc.loop_unroll_factor = 2 : i64, sc.parallel_access}
      %mul3A_773 = arith.constant 2 : i32
      %mul3A_774 = arith.muli %mul3A_773, %select_n3A_755 : i32
      %add3A_775 = arith.addi %mul3A_2, %mul3A_774 : i32
      %dma_start3A_776 = arith.constant 0 : i32
      %dma_start3A_777 = arith.constant 0 : i32
      %dma_start3A_778 = tpu.memref_slice %arg11[%dma_start3A_776, %dma_start3A_777] : memref<16x768xf32, #tpu.memory_space<vmem>> -> memref<8x768xf32, #tpu.memory_space<vmem>>
      %dma_start3A_779 = arith.constant 0 : i32
      %dma_start3A_780 = tpu.memref_slice %arg5[%add3A_775, %multiple_of3A_769, %dma_start3A_779] : memref<4096x77x768xf32, #tpu.memory_space<hbm>> -> memref<1x8x768xf32, #tpu.memory_space<hbm>>
      %dma_start3A_781 = tpu.memref_squeeze %dma_start3A_780 : memref<1x8x768xf32, #tpu.memory_space<hbm>> -> memref<8x768xf32, #tpu.memory_space<hbm>>
      %dma_start3A_782 = arith.constant 0 : i32
      %dma_start3A_783 = tpu.memref_slice %arg5[%add3A_775, %multiple_of3A_769, %dma_start3A_782] : memref<4096x77x768xf32, #tpu.memory_space<hbm>> -> memref<1x8x768xf32, #tpu.memory_space<hbm>>
      %dma_start3A_784 = tpu.memref_squeeze %dma_start3A_783 : memref<1x8x768xf32, #tpu.memory_space<hbm>> -> memref<8x768xf32, #tpu.memory_space<hbm>>
      %dma_start3A_785 = arith.constant 0 : i32
      %dma_start3A_786 = arith.constant 0 : i32
      %dma_start3A_787 = tpu.memref_slice %arg11[%dma_start3A_785, %dma_start3A_786] : memref<16x768xf32, #tpu.memory_space<vmem>> -> memref<8x768xf32, #tpu.memory_space<vmem>>
      tpu.enqueue_dma source(%dma_start3A_787 : memref<8x768xf32, #tpu.memory_space<vmem>>) target(%dma_start3A_784 : memref<8x768xf32, #tpu.memory_space<hbm>>) target_semaphore(%arg19 : memref<!tpu.dma_semaphore, #tpu.memory_space<semaphore_mem>>)
      %add3A_788 = arith.constant 1 : i32
      %add3A_789 = arith.addi %add3A_775, %add3A_788 : i32
      %dma_start3A_790 = arith.constant 8 : i32
      %dma_start3A_791 = arith.constant 0 : i32
      %dma_start3A_792 = tpu.memref_slice %arg11[%dma_start3A_790, %dma_start3A_791] : memref<16x768xf32, #tpu.memory_space<vmem>> -> memref<8x768xf32, #tpu.memory_space<vmem>>
      %dma_start3A_793 = arith.constant 0 : i32
      %dma_start3A_794 = tpu.memref_slice %arg5[%add3A_789, %multiple_of3A_769, %dma_start3A_793] : memref<4096x77x768xf32, #tpu.memory_space<hbm>> -> memref<1x8x768xf32, #tpu.memory_space<hbm>>
      %dma_start3A_795 = tpu.memref_squeeze %dma_start3A_794 : memref<1x8x768xf32, #tpu.memory_space<hbm>> -> memref<8x768xf32, #tpu.memory_space<hbm>>
      %dma_start3A_796 = arith.constant 0 : i32
      %dma_start3A_797 = tpu.memref_slice %arg5[%add3A_789, %multiple_of3A_769, %dma_start3A_796] : memref<4096x77x768xf32, #tpu.memory_space<hbm>> -> memref<1x8x768xf32, #tpu.memory_space<hbm>>
      %dma_start3A_798 = tpu.memref_squeeze %dma_start3A_797 : memref<1x8x768xf32, #tpu.memory_space<hbm>> -> memref<8x768xf32, #tpu.memory_space<hbm>>
      %dma_start3A_799 = arith.constant 8 : i32
      %dma_start3A_800 = arith.constant 0 : i32
      %dma_start3A_801 = tpu.memref_slice %arg11[%dma_start3A_799, %dma_start3A_800] : memref<16x768xf32, #tpu.memory_space<vmem>> -> memref<8x768xf32, #tpu.memory_space<vmem>>
      tpu.enqueue_dma source(%dma_start3A_801 : memref<8x768xf32, #tpu.memory_space<vmem>>) target(%dma_start3A_798 : memref<8x768xf32, #tpu.memory_space<hbm>>) target_semaphore(%arg19 : memref<!tpu.dma_semaphore, #tpu.memory_space<semaphore_mem>>)
    }
    %scan3A_114 = arith.constant 144 : i32
    %dma_wait3A_115 = arith.constant 0 : i32
    %dma_wait3A_116 = arith.constant 0 : i32
    %dma_wait3A_117 = arith.constant 0 : i32
    %dma_wait3A_118 = tpu.memref_slice %arg8[%dma_wait3A_116, %dma_wait3A_117] : memref<16x768xf32, #tpu.memory_space<vmem>> -> memref<8x768xf32, #tpu.memory_space<vmem>>
    %dma_wait3A_119 = arith.constant 0 : i32
    %dma_wait3A_120 = arith.constant 0 : i32
    %dma_wait3A_121 = tpu.memref_slice %arg5[%dma_wait3A_115, %dma_wait3A_119, %dma_wait3A_120] : memref<4096x77x768xf32, #tpu.memory_space<hbm>> -> memref<1x8x768xf32, #tpu.memory_space<hbm>>
    %dma_wait3A_122 = tpu.memref_squeeze %dma_wait3A_121 : memref<1x8x768xf32, #tpu.memory_space<hbm>> -> memref<8x768xf32, #tpu.memory_space<hbm>>
    %dma_wait3A_123 = arith.constant 0 : i32
    %dma_wait3A_124 = arith.constant 0 : i32
    %dma_wait3A_125 = tpu.memref_slice %arg5[%dma_wait3A_115, %dma_wait3A_123, %dma_wait3A_124] : memref<4096x77x768xf32, #tpu.memory_space<hbm>> -> memref<1x8x768xf32, #tpu.memory_space<hbm>>
    %dma_wait3A_126 = tpu.memref_squeeze %dma_wait3A_125 : memref<1x8x768xf32, #tpu.memory_space<hbm>> -> memref<8x768xf32, #tpu.memory_space<hbm>>
    %dma_wait3A_127 = arith.constant 0 : i32
    %dma_wait3A_128 = arith.constant 0 : i32
    %dma_wait3A_129 = tpu.memref_slice %arg8[%dma_wait3A_127, %dma_wait3A_128] : memref<16x768xf32, #tpu.memory_space<vmem>> -> memref<8x768xf32, #tpu.memory_space<vmem>>
    tpu.wait_dma2 semaphore(%arg16 : memref<!tpu.dma_semaphore, #tpu.memory_space<semaphore_mem>>) src(%dma_wait3A_129 : memref<8x768xf32, #tpu.memory_space<vmem>>) dst(%dma_wait3A_126 : memref<8x768xf32, #tpu.memory_space<hbm>>)
    %dma_wait3A_130 = arith.constant 0 : i32
    %dma_wait3A_131 = arith.constant 0 : i32
    %dma_wait3A_132 = arith.constant 0 : i32
    %dma_wait3A_133 = tpu.memref_slice %arg8[%dma_wait3A_131, %dma_wait3A_132] : memref<16x768xf32, #tpu.memory_space<vmem>> -> memref<8x768xf32, #tpu.memory_space<vmem>>
    %dma_wait3A_134 = arith.constant 0 : i32
    %dma_wait3A_135 = arith.constant 0 : i32
    %dma_wait3A_136 = tpu.memref_slice %arg5[%dma_wait3A_130, %dma_wait3A_134, %dma_wait3A_135] : memref<4096x77x768xf32, #tpu.memory_space<hbm>> -> memref<1x8x768xf32, #tpu.memory_space<hbm>>
    %dma_wait3A_137 = tpu.memref_squeeze %dma_wait3A_136 : memref<1x8x768xf32, #tpu.memory_space<hbm>> -> memref<8x768xf32, #tpu.memory_space<hbm>>
    %dma_wait3A_138 = arith.constant 0 : i32
    %dma_wait3A_139 = arith.constant 0 : i32
    %dma_wait3A_140 = tpu.memref_slice %arg5[%dma_wait3A_130, %dma_wait3A_138, %dma_wait3A_139] : memref<4096x77x768xf32, #tpu.memory_space<hbm>> -> memref<1x8x768xf32, #tpu.memory_space<hbm>>
    %dma_wait3A_141 = tpu.memref_squeeze %dma_wait3A_140 : memref<1x8x768xf32, #tpu.memory_space<hbm>> -> memref<8x768xf32, #tpu.memory_space<hbm>>
    %dma_wait3A_142 = arith.constant 0 : i32
    %dma_wait3A_143 = arith.constant 0 : i32
    %dma_wait3A_144 = tpu.memref_slice %arg8[%dma_wait3A_142, %dma_wait3A_143] : memref<16x768xf32, #tpu.memory_space<vmem>> -> memref<8x768xf32, #tpu.memory_space<vmem>>
    tpu.wait_dma2 semaphore(%arg16 : memref<!tpu.dma_semaphore, #tpu.memory_space<semaphore_mem>>) src(%dma_wait3A_144 : memref<8x768xf32, #tpu.memory_space<vmem>>) dst(%dma_wait3A_141 : memref<8x768xf32, #tpu.memory_space<hbm>>)
    %dma_wait3A_145 = arith.constant 0 : i32
    %dma_wait3A_146 = arith.constant 0 : i32
    %dma_wait3A_147 = arith.constant 0 : i32
    %dma_wait3A_148 = tpu.memref_slice %arg9[%dma_wait3A_146, %dma_wait3A_147] : memref<16x768xf32, #tpu.memory_space<vmem>> -> memref<8x768xf32, #tpu.memory_space<vmem>>
    %dma_wait3A_149 = arith.constant 0 : i32
    %dma_wait3A_150 = arith.constant 0 : i32
    %dma_wait3A_151 = tpu.memref_slice %arg5[%dma_wait3A_145, %dma_wait3A_149, %dma_wait3A_150] : memref<4096x77x768xf32, #tpu.memory_space<hbm>> -> memref<1x8x768xf32, #tpu.memory_space<hbm>>
    %dma_wait3A_152 = tpu.memref_squeeze %dma_wait3A_151 : memref<1x8x768xf32, #tpu.memory_space<hbm>> -> memref<8x768xf32, #tpu.memory_space<hbm>>
    %dma_wait3A_153 = arith.constant 0 : i32
    %dma_wait3A_154 = arith.constant 0 : i32
    %dma_wait3A_155 = tpu.memref_slice %arg5[%dma_wait3A_145, %dma_wait3A_153, %dma_wait3A_154] : memref<4096x77x768xf32, #tpu.memory_space<hbm>> -> memref<1x8x768xf32, #tpu.memory_space<hbm>>
    %dma_wait3A_156 = tpu.memref_squeeze %dma_wait3A_155 : memref<1x8x768xf32, #tpu.memory_space<hbm>> -> memref<8x768xf32, #tpu.memory_space<hbm>>
    %dma_wait3A_157 = arith.constant 0 : i32
    %dma_wait3A_158 = arith.constant 0 : i32
    %dma_wait3A_159 = tpu.memref_slice %arg9[%dma_wait3A_157, %dma_wait3A_158] : memref<16x768xf32, #tpu.memory_space<vmem>> -> memref<8x768xf32, #tpu.memory_space<vmem>>
    tpu.wait_dma2 semaphore(%arg17 : memref<!tpu.dma_semaphore, #tpu.memory_space<semaphore_mem>>) src(%dma_wait3A_159 : memref<8x768xf32, #tpu.memory_space<vmem>>) dst(%dma_wait3A_156 : memref<8x768xf32, #tpu.memory_space<hbm>>)
    %dma_wait3A_160 = arith.constant 0 : i32
    %dma_wait3A_161 = arith.constant 0 : i32
    %dma_wait3A_162 = arith.constant 0 : i32
    %dma_wait3A_163 = tpu.memref_slice %arg9[%dma_wait3A_161, %dma_wait3A_162] : memref<16x768xf32, #tpu.memory_space<vmem>> -> memref<8x768xf32, #tpu.memory_space<vmem>>
    %dma_wait3A_164 = arith.constant 0 : i32
    %dma_wait3A_165 = arith.constant 0 : i32
    %dma_wait3A_166 = tpu.memref_slice %arg5[%dma_wait3A_160, %dma_wait3A_164, %dma_wait3A_165] : memref<4096x77x768xf32, #tpu.memory_space<hbm>> -> memref<1x8x768xf32, #tpu.memory_space<hbm>>
    %dma_wait3A_167 = tpu.memref_squeeze %dma_wait3A_166 : memref<1x8x768xf32, #tpu.memory_space<hbm>> -> memref<8x768xf32, #tpu.memory_space<hbm>>
    %dma_wait3A_168 = arith.constant 0 : i32
    %dma_wait3A_169 = arith.constant 0 : i32
    %dma_wait3A_170 = tpu.memref_slice %arg5[%dma_wait3A_160, %dma_wait3A_168, %dma_wait3A_169] : memref<4096x77x768xf32, #tpu.memory_space<hbm>> -> memref<1x8x768xf32, #tpu.memory_space<hbm>>
    %dma_wait3A_171 = tpu.memref_squeeze %dma_wait3A_170 : memref<1x8x768xf32, #tpu.memory_space<hbm>> -> memref<8x768xf32, #tpu.memory_space<hbm>>
    %dma_wait3A_172 = arith.constant 0 : i32
    %dma_wait3A_173 = arith.constant 0 : i32
    %dma_wait3A_174 = tpu.memref_slice %arg9[%dma_wait3A_172, %dma_wait3A_173] : memref<16x768xf32, #tpu.memory_space<vmem>> -> memref<8x768xf32, #tpu.memory_space<vmem>>
    tpu.wait_dma2 semaphore(%arg17 : memref<!tpu.dma_semaphore, #tpu.memory_space<semaphore_mem>>) src(%dma_wait3A_174 : memref<8x768xf32, #tpu.memory_space<vmem>>) dst(%dma_wait3A_171 : memref<8x768xf32, #tpu.memory_space<hbm>>)
    %dma_wait3A_175 = arith.constant 0 : i32
    %dma_wait3A_176 = arith.constant 0 : i32
    %dma_wait3A_177 = arith.constant 0 : i32
    %dma_wait3A_178 = tpu.memref_slice %arg10[%dma_wait3A_176, %dma_wait3A_177] : memref<16x768xf32, #tpu.memory_space<vmem>> -> memref<8x768xf32, #tpu.memory_space<vmem>>
    %dma_wait3A_179 = arith.constant 0 : i32
    %dma_wait3A_180 = arith.constant 0 : i32
    %dma_wait3A_181 = tpu.memref_slice %arg5[%dma_wait3A_175, %dma_wait3A_179, %dma_wait3A_180] : memref<4096x77x768xf32, #tpu.memory_space<hbm>> -> memref<1x8x768xf32, #tpu.memory_space<hbm>>
    %dma_wait3A_182 = tpu.memref_squeeze %dma_wait3A_181 : memref<1x8x768xf32, #tpu.memory_space<hbm>> -> memref<8x768xf32, #tpu.memory_space<hbm>>
    %dma_wait3A_183 = arith.constant 0 : i32
    %dma_wait3A_184 = arith.constant 0 : i32
    %dma_wait3A_185 = tpu.memref_slice %arg5[%dma_wait3A_175, %dma_wait3A_183, %dma_wait3A_184] : memref<4096x77x768xf32, #tpu.memory_space<hbm>> -> memref<1x8x768xf32, #tpu.memory_space<hbm>>
    %dma_wait3A_186 = tpu.memref_squeeze %dma_wait3A_185 : memref<1x8x768xf32, #tpu.memory_space<hbm>> -> memref<8x768xf32, #tpu.memory_space<hbm>>
    %dma_wait3A_187 = arith.constant 0 : i32
    %dma_wait3A_188 = arith.constant 0 : i32
    %dma_wait3A_189 = tpu.memref_slice %arg10[%dma_wait3A_187, %dma_wait3A_188] : memref<16x768xf32, #tpu.memory_space<vmem>> -> memref<8x768xf32, #tpu.memory_space<vmem>>
    tpu.wait_dma2 semaphore(%arg18 : memref<!tpu.dma_semaphore, #tpu.memory_space<semaphore_mem>>) src(%dma_wait3A_189 : memref<8x768xf32, #tpu.memory_space<vmem>>) dst(%dma_wait3A_186 : memref<8x768xf32, #tpu.memory_space<hbm>>)
    %dma_wait3A_190 = arith.constant 0 : i32
    %dma_wait3A_191 = arith.constant 0 : i32
    %dma_wait3A_192 = arith.constant 0 : i32
    %dma_wait3A_193 = tpu.memref_slice %arg10[%dma_wait3A_191, %dma_wait3A_192] : memref<16x768xf32, #tpu.memory_space<vmem>> -> memref<8x768xf32, #tpu.memory_space<vmem>>
    %dma_wait3A_194 = arith.constant 0 : i32
    %dma_wait3A_195 = arith.constant 0 : i32
    %dma_wait3A_196 = tpu.memref_slice %arg5[%dma_wait3A_190, %dma_wait3A_194, %dma_wait3A_195] : memref<4096x77x768xf32, #tpu.memory_space<hbm>> -> memref<1x8x768xf32, #tpu.memory_space<hbm>>
    %dma_wait3A_197 = tpu.memref_squeeze %dma_wait3A_196 : memref<1x8x768xf32, #tpu.memory_space<hbm>> -> memref<8x768xf32, #tpu.memory_space<hbm>>
    %dma_wait3A_198 = arith.constant 0 : i32
    %dma_wait3A_199 = arith.constant 0 : i32
    %dma_wait3A_200 = tpu.memref_slice %arg5[%dma_wait3A_190, %dma_wait3A_198, %dma_wait3A_199] : memref<4096x77x768xf32, #tpu.memory_space<hbm>> -> memref<1x8x768xf32, #tpu.memory_space<hbm>>
    %dma_wait3A_201 = tpu.memref_squeeze %dma_wait3A_200 : memref<1x8x768xf32, #tpu.memory_space<hbm>> -> memref<8x768xf32, #tpu.memory_space<hbm>>
    %dma_wait3A_202 = arith.constant 0 : i32
    %dma_wait3A_203 = arith.constant 0 : i32
    %dma_wait3A_204 = tpu.memref_slice %arg10[%dma_wait3A_202, %dma_wait3A_203] : memref<16x768xf32, #tpu.memory_space<vmem>> -> memref<8x768xf32, #tpu.memory_space<vmem>>
    tpu.wait_dma2 semaphore(%arg18 : memref<!tpu.dma_semaphore, #tpu.memory_space<semaphore_mem>>) src(%dma_wait3A_204 : memref<8x768xf32, #tpu.memory_space<vmem>>) dst(%dma_wait3A_201 : memref<8x768xf32, #tpu.memory_space<hbm>>)
    %dma_wait3A_205 = arith.constant 0 : i32
    %dma_wait3A_206 = arith.constant 0 : i32
    %dma_wait3A_207 = arith.constant 0 : i32
    %dma_wait3A_208 = tpu.memref_slice %arg11[%dma_wait3A_206, %dma_wait3A_207] : memref<16x768xf32, #tpu.memory_space<vmem>> -> memref<8x768xf32, #tpu.memory_space<vmem>>
    %dma_wait3A_209 = arith.constant 0 : i32
    %dma_wait3A_210 = arith.constant 0 : i32
    %dma_wait3A_211 = tpu.memref_slice %arg5[%dma_wait3A_205, %dma_wait3A_209, %dma_wait3A_210] : memref<4096x77x768xf32, #tpu.memory_space<hbm>> -> memref<1x8x768xf32, #tpu.memory_space<hbm>>
    %dma_wait3A_212 = tpu.memref_squeeze %dma_wait3A_211 : memref<1x8x768xf32, #tpu.memory_space<hbm>> -> memref<8x768xf32, #tpu.memory_space<hbm>>
    %dma_wait3A_213 = arith.constant 0 : i32
    %dma_wait3A_214 = arith.constant 0 : i32
    %dma_wait3A_215 = tpu.memref_slice %arg5[%dma_wait3A_205, %dma_wait3A_213, %dma_wait3A_214] : memref<4096x77x768xf32, #tpu.memory_space<hbm>> -> memref<1x8x768xf32, #tpu.memory_space<hbm>>
    %dma_wait3A_216 = tpu.memref_squeeze %dma_wait3A_215 : memref<1x8x768xf32, #tpu.memory_space<hbm>> -> memref<8x768xf32, #tpu.memory_space<hbm>>
    %dma_wait3A_217 = arith.constant 0 : i32
    %dma_wait3A_218 = arith.constant 0 : i32
    %dma_wait3A_219 = tpu.memref_slice %arg11[%dma_wait3A_217, %dma_wait3A_218] : memref<16x768xf32, #tpu.memory_space<vmem>> -> memref<8x768xf32, #tpu.memory_space<vmem>>
    tpu.wait_dma2 semaphore(%arg19 : memref<!tpu.dma_semaphore, #tpu.memory_space<semaphore_mem>>) src(%dma_wait3A_219 : memref<8x768xf32, #tpu.memory_space<vmem>>) dst(%dma_wait3A_216 : memref<8x768xf32, #tpu.memory_space<hbm>>)
    %dma_wait3A_220 = arith.constant 0 : i32
    %dma_wait3A_221 = arith.constant 0 : i32
    %dma_wait3A_222 = arith.constant 0 : i32
    %dma_wait3A_223 = tpu.memref_slice %arg11[%dma_wait3A_221, %dma_wait3A_222] : memref<16x768xf32, #tpu.memory_space<vmem>> -> memref<8x768xf32, #tpu.memory_space<vmem>>
    %dma_wait3A_224 = arith.constant 0 : i32
    %dma_wait3A_225 = arith.constant 0 : i32
    %dma_wait3A_226 = tpu.memref_slice %arg5[%dma_wait3A_220, %dma_wait3A_224, %dma_wait3A_225] : memref<4096x77x768xf32, #tpu.memory_space<hbm>> -> memref<1x8x768xf32, #tpu.memory_space<hbm>>
    %dma_wait3A_227 = tpu.memref_squeeze %dma_wait3A_226 : memref<1x8x768xf32, #tpu.memory_space<hbm>> -> memref<8x768xf32, #tpu.memory_space<hbm>>
    %dma_wait3A_228 = arith.constant 0 : i32
    %dma_wait3A_229 = arith.constant 0 : i32
    %dma_wait3A_230 = tpu.memref_slice %arg5[%dma_wait3A_220, %dma_wait3A_228, %dma_wait3A_229] : memref<4096x77x768xf32, #tpu.memory_space<hbm>> -> memref<1x8x768xf32, #tpu.memory_space<hbm>>
    %dma_wait3A_231 = tpu.memref_squeeze %dma_wait3A_230 : memref<1x8x768xf32, #tpu.memory_space<hbm>> -> memref<8x768xf32, #tpu.memory_space<hbm>>
    %dma_wait3A_232 = arith.constant 0 : i32
    %dma_wait3A_233 = arith.constant 0 : i32
    %dma_wait3A_234 = tpu.memref_slice %arg11[%dma_wait3A_232, %dma_wait3A_233] : memref<16x768xf32, #tpu.memory_space<vmem>> -> memref<8x768xf32, #tpu.memory_space<vmem>>
    tpu.wait_dma2 semaphore(%arg19 : memref<!tpu.dma_semaphore, #tpu.memory_space<semaphore_mem>>) src(%dma_wait3A_234 : memref<8x768xf32, #tpu.memory_space<vmem>>) dst(%dma_wait3A_231 : memref<8x768xf32, #tpu.memory_space<hbm>>)
    %add3A_235 = arith.constant 0 : i32
    %add3A_236 = arith.addi %mul3A_4, %add3A_235 : i32
    %add3A_237 = vector.broadcast %add3A_236 : i32 to vector<16xi32>
    %add3A_238 = arith.addi %add3A_27, %add3A_237 : vector<16xi32>
    %dma_start3A_239 = arith.constant 0 : i32
    %dma_start3A_240 = arith.constant 0 : i32
    %dma_start3A_241 = tpu.memref_slice %arg6[%dma_start3A_239, %dma_start3A_240] : memref<4x16xi32, #tpu.memory_space<vmem>> -> memref<1x16xi32, #tpu.memory_space<vmem>>
    %dma_start3A_242 = tpu.memref_squeeze %dma_start3A_241 : memref<1x16xi32, #tpu.memory_space<vmem>> -> memref<16xi32, #tpu.memory_space<vmem>>
    %dma_start3A_243 = arith.constant 0 : i32
    %dma_start3A_244 = tpu.memref_slice %arg2[%dma_start3A_243] : memref<315392xi32, #tpu.memory_space<hbm>> -> memref<315392xi32, #tpu.memory_space<hbm>>
    tpu.enqueue_indirect_dma source(%dma_start3A_244 : memref<315392xi32, #tpu.memory_space<hbm>>) target(%dma_start3A_242 : memref<16xi32, #tpu.memory_space<vmem>>) offsets(%add3A_238 : vector<16xi32>) semaphore(%arg20 : memref<!tpu.dma_semaphore, #tpu.memory_space<semaphore_mem>>)
    %add3A_245 = arith.constant 154 : i32
    %add3A_246 = arith.addi %mul3A_4, %add3A_245 : i32
    %add3A_247 = vector.broadcast %add3A_246 : i32 to vector<16xi32>
    %add3A_248 = arith.addi %add3A_27, %add3A_247 : vector<16xi32>
    %dma_start3A_249 = arith.constant 1 : i32
    %dma_start3A_250 = arith.constant 0 : i32
    %dma_start3A_251 = tpu.memref_slice %arg6[%dma_start3A_249, %dma_start3A_250] : memref<4x16xi32, #tpu.memory_space<vmem>> -> memref<1x16xi32, #tpu.memory_space<vmem>>
    %dma_start3A_252 = tpu.memref_squeeze %dma_start3A_251 : memref<1x16xi32, #tpu.memory_space<vmem>> -> memref<16xi32, #tpu.memory_space<vmem>>
    %dma_start3A_253 = arith.constant 0 : i32
    %dma_start3A_254 = tpu.memref_slice %arg2[%dma_start3A_253] : memref<315392xi32, #tpu.memory_space<hbm>> -> memref<315392xi32, #tpu.memory_space<hbm>>
    tpu.enqueue_indirect_dma source(%dma_start3A_254 : memref<315392xi32, #tpu.memory_space<hbm>>) target(%dma_start3A_252 : memref<16xi32, #tpu.memory_space<vmem>>) offsets(%add3A_248 : vector<16xi32>) semaphore(%arg21 : memref<!tpu.dma_semaphore, #tpu.memory_space<semaphore_mem>>)
    %add3A_255 = arith.constant 308 : i32
    %add3A_256 = arith.addi %mul3A_4, %add3A_255 : i32
    %add3A_257 = vector.broadcast %add3A_256 : i32 to vector<16xi32>
    %add3A_258 = arith.addi %add3A_27, %add3A_257 : vector<16xi32>
    %dma_start3A_259 = arith.constant 2 : i32
    %dma_start3A_260 = arith.constant 0 : i32
    %dma_start3A_261 = tpu.memref_slice %arg6[%dma_start3A_259, %dma_start3A_260] : memref<4x16xi32, #tpu.memory_space<vmem>> -> memref<1x16xi32, #tpu.memory_space<vmem>>
    %dma_start3A_262 = tpu.memref_squeeze %dma_start3A_261 : memref<1x16xi32, #tpu.memory_space<vmem>> -> memref<16xi32, #tpu.memory_space<vmem>>
    %dma_start3A_263 = arith.constant 0 : i32
    %dma_start3A_264 = tpu.memref_slice %arg2[%dma_start3A_263] : memref<315392xi32, #tpu.memory_space<hbm>> -> memref<315392xi32, #tpu.memory_space<hbm>>
    tpu.enqueue_indirect_dma source(%dma_start3A_264 : memref<315392xi32, #tpu.memory_space<hbm>>) target(%dma_start3A_262 : memref<16xi32, #tpu.memory_space<vmem>>) offsets(%add3A_258 : vector<16xi32>) semaphore(%arg22 : memref<!tpu.dma_semaphore, #tpu.memory_space<semaphore_mem>>)
    %add3A_265 = arith.constant 462 : i32
    %add3A_266 = arith.addi %mul3A_4, %add3A_265 : i32
    %add3A_267 = vector.broadcast %add3A_266 : i32 to vector<16xi32>
    %add3A_268 = arith.addi %add3A_27, %add3A_267 : vector<16xi32>
    %dma_start3A_269 = arith.constant 3 : i32
    %dma_start3A_270 = arith.constant 0 : i32
    %dma_start3A_271 = tpu.memref_slice %arg6[%dma_start3A_269, %dma_start3A_270] : memref<4x16xi32, #tpu.memory_space<vmem>> -> memref<1x16xi32, #tpu.memory_space<vmem>>
    %dma_start3A_272 = tpu.memref_squeeze %dma_start3A_271 : memref<1x16xi32, #tpu.memory_space<vmem>> -> memref<16xi32, #tpu.memory_space<vmem>>
    %dma_start3A_273 = arith.constant 0 : i32
    %dma_start3A_274 = tpu.memref_slice %arg2[%dma_start3A_273] : memref<315392xi32, #tpu.memory_space<hbm>> -> memref<315392xi32, #tpu.memory_space<hbm>>
    tpu.enqueue_indirect_dma source(%dma_start3A_274 : memref<315392xi32, #tpu.memory_space<hbm>>) target(%dma_start3A_272 : memref<16xi32, #tpu.memory_space<vmem>>) offsets(%add3A_268 : vector<16xi32>) semaphore(%arg23 : memref<!tpu.dma_semaphore, #tpu.memory_space<semaphore_mem>>)
    %dma_wait3A_275 = arith.constant 0 : i32
    %dma_wait3A_276 = arith.constant 0 : i32
    %dma_wait3A_277 = tpu.memref_slice %arg6[%dma_wait3A_275, %dma_wait3A_276] : memref<4x16xi32, #tpu.memory_space<vmem>> -> memref<1x16xi32, #tpu.memory_space<vmem>>
    %dma_wait3A_278 = tpu.memref_squeeze %dma_wait3A_277 : memref<1x16xi32, #tpu.memory_space<vmem>> -> memref<16xi32, #tpu.memory_space<vmem>>
    %dma_wait3A_279 = arith.constant 0 : i32
    %dma_wait3A_280 = tpu.memref_slice %arg2[%dma_wait3A_279] : memref<315392xi32, #tpu.memory_space<hbm>> -> memref<16xi32, #tpu.memory_space<hbm>>
    %dma_wait3A_281 = arith.constant 0 : i32
    %dma_wait3A_282 = tpu.memref_slice %arg6[%dma_wait3A_275, %dma_wait3A_281] : memref<4x16xi32, #tpu.memory_space<vmem>> -> memref<1x16xi32, #tpu.memory_space<vmem>>
    %dma_wait3A_283 = tpu.memref_squeeze %dma_wait3A_282 : memref<1x16xi32, #tpu.memory_space<vmem>> -> memref<16xi32, #tpu.memory_space<vmem>>
    %dma_wait3A_284 = arith.constant 0 : i32
    %dma_wait3A_285 = tpu.memref_slice %arg2[%dma_wait3A_284] : memref<315392xi32, #tpu.memory_space<hbm>> -> memref<16xi32, #tpu.memory_space<hbm>>
    tpu.wait_dma2 semaphore(%arg20 : memref<!tpu.dma_semaphore, #tpu.memory_space<semaphore_mem>>) src(%dma_wait3A_285 : memref<16xi32, #tpu.memory_space<hbm>>) dst(%dma_wait3A_283 : memref<16xi32, #tpu.memory_space<vmem>>)
    %dma_start3A_286 = arith.constant 0 : i32
    %dma_start3A_287 = arith.constant 0 : i32
    %dma_start3A_288 = tpu.memref_slice %arg6[%dma_start3A_286, %dma_start3A_287] : memref<4x16xi32, #tpu.memory_space<vmem>> -> memref<1x16xi32, #tpu.memory_space<vmem>>
    %dma_start3A_289 = tpu.memref_squeeze %dma_start3A_288 : memref<1x16xi32, #tpu.memory_space<vmem>> -> memref<16xi32, #tpu.memory_space<vmem>>
    %dma_start3A_290 = arith.constant 0 : i32
    %dma_start3A_291 = arith.constant 0 : i32
    %dma_start3A_292 = tpu.memref_slice %arg3[%dma_start3A_290, %dma_start3A_291] : memref<49408x768xf32, #tpu.memory_space<hbm>> -> memref<49408x768xf32, #tpu.memory_space<hbm>>
    tpu.enqueue_indirect_dma source(%dma_start3A_292 : memref<49408x768xf32, #tpu.memory_space<hbm>>) target(%arg8 : memref<16x768xf32, #tpu.memory_space<vmem>>) offsets(%dma_start3A_289 : memref<16xi32, #tpu.memory_space<vmem>>) semaphore(%arg12 : memref<!tpu.dma_semaphore, #tpu.memory_space<semaphore_mem>>)
    %dma_wait3A_293 = arith.constant 1 : i32
    %dma_wait3A_294 = arith.constant 0 : i32
    %dma_wait3A_295 = tpu.memref_slice %arg6[%dma_wait3A_293, %dma_wait3A_294] : memref<4x16xi32, #tpu.memory_space<vmem>> -> memref<1x16xi32, #tpu.memory_space<vmem>>
    %dma_wait3A_296 = tpu.memref_squeeze %dma_wait3A_295 : memref<1x16xi32, #tpu.memory_space<vmem>> -> memref<16xi32, #tpu.memory_space<vmem>>
    %dma_wait3A_297 = arith.constant 0 : i32
    %dma_wait3A_298 = tpu.memref_slice %arg2[%dma_wait3A_297] : memref<315392xi32, #tpu.memory_space<hbm>> -> memref<16xi32, #tpu.memory_space<hbm>>
    %dma_wait3A_299 = arith.constant 0 : i32
    %dma_wait3A_300 = tpu.memref_slice %arg6[%dma_wait3A_293, %dma_wait3A_299] : memref<4x16xi32, #tpu.memory_space<vmem>> -> memref<1x16xi32, #tpu.memory_space<vmem>>
    %dma_wait3A_301 = tpu.memref_squeeze %dma_wait3A_300 : memref<1x16xi32, #tpu.memory_space<vmem>> -> memref<16xi32, #tpu.memory_space<vmem>>
    %dma_wait3A_302 = arith.constant 0 : i32
    %dma_wait3A_303 = tpu.memref_slice %arg2[%dma_wait3A_302] : memref<315392xi32, #tpu.memory_space<hbm>> -> memref<16xi32, #tpu.memory_space<hbm>>
    tpu.wait_dma2 semaphore(%arg21 : memref<!tpu.dma_semaphore, #tpu.memory_space<semaphore_mem>>) src(%dma_wait3A_303 : memref<16xi32, #tpu.memory_space<hbm>>) dst(%dma_wait3A_301 : memref<16xi32, #tpu.memory_space<vmem>>)
    %dma_start3A_304 = arith.constant 1 : i32
    %dma_start3A_305 = arith.constant 0 : i32
    %dma_start3A_306 = tpu.memref_slice %arg6[%dma_start3A_304, %dma_start3A_305] : memref<4x16xi32, #tpu.memory_space<vmem>> -> memref<1x16xi32, #tpu.memory_space<vmem>>
    %dma_start3A_307 = tpu.memref_squeeze %dma_start3A_306 : memref<1x16xi32, #tpu.memory_space<vmem>> -> memref<16xi32, #tpu.memory_space<vmem>>
    %dma_start3A_308 = arith.constant 0 : i32
    %dma_start3A_309 = arith.constant 0 : i32
    %dma_start3A_310 = tpu.memref_slice %arg3[%dma_start3A_308, %dma_start3A_309] : memref<49408x768xf32, #tpu.memory_space<hbm>> -> memref<49408x768xf32, #tpu.memory_space<hbm>>
    tpu.enqueue_indirect_dma source(%dma_start3A_310 : memref<49408x768xf32, #tpu.memory_space<hbm>>) target(%arg9 : memref<16x768xf32, #tpu.memory_space<vmem>>) offsets(%dma_start3A_307 : memref<16xi32, #tpu.memory_space<vmem>>) semaphore(%arg13 : memref<!tpu.dma_semaphore, #tpu.memory_space<semaphore_mem>>)
    %scan3A_311 = arith.constant 0 : i32
    %scan3A_312 = arith.constant 0 : i32
    %scan3A_313 = arith.constant 16 : i32
    %scan3A_314 = arith.addi %scan3A_312, %scan3A_313 : i32
    %scan3A_315 = arith.constant 1 : i32
    scf.for %scan3A_437 = %scan3A_312 to %scan3A_314 step %scan3A_315  : i32 {
      %mul3A_438 = arith.constant 4 : i32
      %mul3A_439 = arith.muli %scan3A_437, %mul3A_438 : i32
      %add3A_440 = arith.constant 0 : i32
      %add3A_441 = arith.addi %mul3A_439, %add3A_440 : i32
      %add3A_442 = arith.constant 2 : i32
      %add3A_443 = arith.addi %add3A_441, %add3A_442 : i32
      %lt3A = arith.constant 64 : i32
      %lt3A_444 = arith.cmpi slt, %add3A_443, %lt3A : i32
      %convert_element_type3A = arith.extui %lt3A_444 : i1 to i32
      %cond3A = arith.constant 0 : i32
      %cond3A_445 = arith.cmpi ne, %convert_element_type3A, %cond3A : i32
      scf.if %cond3A_445 {
        %dma_wait3A_674 = arith.constant 2 : i32
        %dma_wait3A_675 = arith.constant 0 : i32
        %dma_wait3A_676 = tpu.memref_slice %arg6[%dma_wait3A_674, %dma_wait3A_675] : memref<4x16xi32, #tpu.memory_space<vmem>> -> memref<1x16xi32, #tpu.memory_space<vmem>>
        %dma_wait3A_677 = tpu.memref_squeeze %dma_wait3A_676 : memref<1x16xi32, #tpu.memory_space<vmem>> -> memref<16xi32, #tpu.memory_space<vmem>>
        %dma_wait3A_678 = arith.constant 0 : i32
        %dma_wait3A_679 = tpu.memref_slice %arg2[%dma_wait3A_678] : memref<315392xi32, #tpu.memory_space<hbm>> -> memref<16xi32, #tpu.memory_space<hbm>>
        %dma_wait3A_680 = arith.constant 0 : i32
        %dma_wait3A_681 = tpu.memref_slice %arg6[%dma_wait3A_674, %dma_wait3A_680] : memref<4x16xi32, #tpu.memory_space<vmem>> -> memref<1x16xi32, #tpu.memory_space<vmem>>
        %dma_wait3A_682 = tpu.memref_squeeze %dma_wait3A_681 : memref<1x16xi32, #tpu.memory_space<vmem>> -> memref<16xi32, #tpu.memory_space<vmem>>
        %dma_wait3A_683 = arith.constant 0 : i32
        %dma_wait3A_684 = tpu.memref_slice %arg2[%dma_wait3A_683] : memref<315392xi32, #tpu.memory_space<hbm>> -> memref<16xi32, #tpu.memory_space<hbm>>
        tpu.wait_dma2 semaphore(%arg22 : memref<!tpu.dma_semaphore, #tpu.memory_space<semaphore_mem>>) src(%dma_wait3A_684 : memref<16xi32, #tpu.memory_space<hbm>>) dst(%dma_wait3A_682 : memref<16xi32, #tpu.memory_space<vmem>>)
        %ge3A = arith.constant 2 : i32
        %ge3A_685 = arith.cmpi sge, %add3A_441, %ge3A : i32
        %convert_element_type3A_686 = arith.extui %ge3A_685 : i1 to i32
        %cond3A_687 = arith.constant 0 : i32
        %cond3A_688 = arith.cmpi ne, %convert_element_type3A_686, %cond3A_687 : i32
        scf.if %cond3A_688 {
          %dma_wait3A_696 = arith.constant 0 : i32
          %dma_wait3A_697 = arith.constant 0 : i32
          %dma_wait3A_698 = arith.constant 0 : i32
          %dma_wait3A_699 = tpu.memref_slice %arg10[%dma_wait3A_697, %dma_wait3A_698] : memref<16x768xf32, #tpu.memory_space<vmem>> -> memref<5x768xf32, #tpu.memory_space<vmem>>
          %dma_wait3A_700 = arith.constant 0 : i32
          %dma_wait3A_701 = arith.constant 0 : i32
          %dma_wait3A_702 = tpu.memref_slice %arg5[%dma_wait3A_696, %dma_wait3A_700, %dma_wait3A_701] : memref<4096x77x768xf32, #tpu.memory_space<hbm>> -> memref<1x5x768xf32, #tpu.memory_space<hbm>>
          %dma_wait3A_703 = tpu.memref_squeeze %dma_wait3A_702 : memref<1x5x768xf32, #tpu.memory_space<hbm>> -> memref<5x768xf32, #tpu.memory_space<hbm>>
          %dma_wait3A_704 = arith.constant 0 : i32
          %dma_wait3A_705 = arith.constant 0 : i32
          %dma_wait3A_706 = tpu.memref_slice %arg5[%dma_wait3A_696, %dma_wait3A_704, %dma_wait3A_705] : memref<4096x77x768xf32, #tpu.memory_space<hbm>> -> memref<1x5x768xf32, #tpu.memory_space<hbm>>
          %dma_wait3A_707 = tpu.memref_squeeze %dma_wait3A_706 : memref<1x5x768xf32, #tpu.memory_space<hbm>> -> memref<5x768xf32, #tpu.memory_space<hbm>>
          %dma_wait3A_708 = arith.constant 0 : i32
          %dma_wait3A_709 = arith.constant 0 : i32
          %dma_wait3A_710 = tpu.memref_slice %arg10[%dma_wait3A_708, %dma_wait3A_709] : memref<16x768xf32, #tpu.memory_space<vmem>> -> memref<5x768xf32, #tpu.memory_space<vmem>>
          tpu.wait_dma2 semaphore(%arg18 : memref<!tpu.dma_semaphore, #tpu.memory_space<semaphore_mem>>) src(%dma_wait3A_710 : memref<5x768xf32, #tpu.memory_space<vmem>>) dst(%dma_wait3A_707 : memref<5x768xf32, #tpu.memory_space<hbm>>)
          %dma_wait3A_711 = arith.constant 0 : i32
          %dma_wait3A_712 = arith.constant 0 : i32
          %dma_wait3A_713 = arith.constant 0 : i32
          %dma_wait3A_714 = tpu.memref_slice %arg10[%dma_wait3A_712, %dma_wait3A_713] : memref<16x768xf32, #tpu.memory_space<vmem>> -> memref<5x768xf32, #tpu.memory_space<vmem>>
          %dma_wait3A_715 = arith.constant 0 : i32
          %dma_wait3A_716 = arith.constant 0 : i32
          %dma_wait3A_717 = tpu.memref_slice %arg5[%dma_wait3A_711, %dma_wait3A_715, %dma_wait3A_716] : memref<4096x77x768xf32, #tpu.memory_space<hbm>> -> memref<1x5x768xf32, #tpu.memory_space<hbm>>
          %dma_wait3A_718 = tpu.memref_squeeze %dma_wait3A_717 : memref<1x5x768xf32, #tpu.memory_space<hbm>> -> memref<5x768xf32, #tpu.memory_space<hbm>>
          %dma_wait3A_719 = arith.constant 0 : i32
          %dma_wait3A_720 = arith.constant 0 : i32
          %dma_wait3A_721 = tpu.memref_slice %arg5[%dma_wait3A_711, %dma_wait3A_719, %dma_wait3A_720] : memref<4096x77x768xf32, #tpu.memory_space<hbm>> -> memref<1x5x768xf32, #tpu.memory_space<hbm>>
          %dma_wait3A_722 = tpu.memref_squeeze %dma_wait3A_721 : memref<1x5x768xf32, #tpu.memory_space<hbm>> -> memref<5x768xf32, #tpu.memory_space<hbm>>
          %dma_wait3A_723 = arith.constant 0 : i32
          %dma_wait3A_724 = arith.constant 0 : i32
          %dma_wait3A_725 = tpu.memref_slice %arg10[%dma_wait3A_723, %dma_wait3A_724] : memref<16x768xf32, #tpu.memory_space<vmem>> -> memref<5x768xf32, #tpu.memory_space<vmem>>
          tpu.wait_dma2 semaphore(%arg18 : memref<!tpu.dma_semaphore, #tpu.memory_space<semaphore_mem>>) src(%dma_wait3A_725 : memref<5x768xf32, #tpu.memory_space<vmem>>) dst(%dma_wait3A_722 : memref<5x768xf32, #tpu.memory_space<hbm>>)
        } else {
        }
        %dma_start3A_689 = arith.constant 2 : i32
        %dma_start3A_690 = arith.constant 0 : i32
        %dma_start3A_691 = tpu.memref_slice %arg6[%dma_start3A_689, %dma_start3A_690] : memref<4x16xi32, #tpu.memory_space<vmem>> -> memref<1x16xi32, #tpu.memory_space<vmem>>
        %dma_start3A_692 = tpu.memref_squeeze %dma_start3A_691 : memref<1x16xi32, #tpu.memory_space<vmem>> -> memref<16xi32, #tpu.memory_space<vmem>>
        %dma_start3A_693 = arith.constant 0 : i32
        %dma_start3A_694 = arith.constant 0 : i32
        %dma_start3A_695 = tpu.memref_slice %arg3[%dma_start3A_693, %dma_start3A_694] : memref<49408x768xf32, #tpu.memory_space<hbm>> -> memref<49408x768xf32, #tpu.memory_space<hbm>>
        tpu.enqueue_indirect_dma source(%dma_start3A_695 : memref<49408x768xf32, #tpu.memory_space<hbm>>) target(%arg10 : memref<16x768xf32, #tpu.memory_space<vmem>>) offsets(%dma_start3A_692 : memref<16xi32, #tpu.memory_space<vmem>>) semaphore(%arg14 : memref<!tpu.dma_semaphore, #tpu.memory_space<semaphore_mem>>)
      } else {
      }
      %dma_wait3A_446 = arith.constant 0 : i32
      %dma_wait3A_447 = arith.constant 0 : i32
      %dma_wait3A_448 = tpu.memref_slice %arg3[%dma_wait3A_446, %dma_wait3A_447] : memref<49408x768xf32, #tpu.memory_space<hbm>> -> memref<16x768xf32, #tpu.memory_space<hbm>>
      %dma_wait3A_449 = arith.constant 0 : i32
      %dma_wait3A_450 = arith.constant 0 : i32
      %dma_wait3A_451 = tpu.memref_slice %arg3[%dma_wait3A_449, %dma_wait3A_450] : memref<49408x768xf32, #tpu.memory_space<hbm>> -> memref<16x768xf32, #tpu.memory_space<hbm>>
      tpu.wait_dma2 semaphore(%arg12 : memref<!tpu.dma_semaphore, #tpu.memory_space<semaphore_mem>>) src(%dma_wait3A_451 : memref<16x768xf32, #tpu.memory_space<hbm>>) dst(%arg8 : memref<16x768xf32, #tpu.memory_space<vmem>>)
      %add3A_452 = arith.constant 4 : i32
      %add3A_453 = arith.addi %add3A_441, %add3A_452 : i32
      %lt3A_454 = arith.constant 64 : i32
      %lt3A_455 = arith.cmpi slt, %add3A_453, %lt3A_454 : i32
      %convert_element_type3A_456 = arith.extui %lt3A_455 : i1 to i32
      %cond3A_457 = arith.constant 0 : i32
      %cond3A_458 = arith.cmpi ne, %convert_element_type3A_456, %cond3A_457 : i32
      scf.if %cond3A_458 {
        %add3A_674 = arith.constant 4 : i32
        %add3A_675 = arith.addi %add3A_441, %add3A_674 : i32
        %mul3A_676 = arith.constant 154 : i32
        %mul3A_677 = arith.muli %add3A_675, %mul3A_676 : i32
        %add3A_678 = arith.addi %mul3A_4, %mul3A_677 : i32
        %add3A_679 = vector.broadcast %add3A_678 : i32 to vector<16xi32>
        %add3A_680 = arith.addi %add3A_27, %add3A_679 : vector<16xi32>
        %dma_start3A_681 = arith.constant 0 : i32
        %dma_start3A_682 = arith.constant 0 : i32
        %dma_start3A_683 = tpu.memref_slice %arg6[%dma_start3A_681, %dma_start3A_682] : memref<4x16xi32, #tpu.memory_space<vmem>> -> memref<1x16xi32, #tpu.memory_space<vmem>>
        %dma_start3A_684 = tpu.memref_squeeze %dma_start3A_683 : memref<1x16xi32, #tpu.memory_space<vmem>> -> memref<16xi32, #tpu.memory_space<vmem>>
        %dma_start3A_685 = arith.constant 0 : i32
        %dma_start3A_686 = tpu.memref_slice %arg2[%dma_start3A_685] : memref<315392xi32, #tpu.memory_space<hbm>> -> memref<315392xi32, #tpu.memory_space<hbm>>
        tpu.enqueue_indirect_dma source(%dma_start3A_686 : memref<315392xi32, #tpu.memory_space<hbm>>) target(%dma_start3A_684 : memref<16xi32, #tpu.memory_space<vmem>>) offsets(%add3A_680 : vector<16xi32>) semaphore(%arg20 : memref<!tpu.dma_semaphore, #tpu.memory_space<semaphore_mem>>)
      } else {
      }
      %parallel_loop3A = arith.constant 0 : i32
      %parallel_loop3A_459 = arith.constant 48 : i32
      %parallel_loop3A_460 = arith.constant 1 : i32
      scf.for %parallel_loop3A_674 = %parallel_loop3A to %parallel_loop3A_459 step %parallel_loop3A_460  : i32 {
        %parallel_loop3A_675 = arith.constant 16 : i32
        %parallel_loop3A_676 = arith.muli %parallel_loop3A_674, %parallel_loop3A_675 : i32
        %parallel_loop3A_677 = arith.constant 72 : i32
        %parallel_loop3A_678 = arith.index_cast %parallel_loop3A_677 : i32 to index
        %parallel_loop3A_679 = arith.index_cast %parallel_loop3A_676 : i32 to index
        %parallel_loop3A_680 = tpu.vector_load %arg7[%parallel_loop3A_678, %parallel_loop3A_679] {strides = array<i32>} : memref<77x768xf32, #tpu.memory_space<vmem>>, vector<1x16xf32>,
        %parallel_loop3A_681 = vector.shape_cast %parallel_loop3A_680 : vector<1x16xf32> to vector<16xf32>
        %parallel_loop3A_682 = arith.constant 0 : i32
        %parallel_loop3A_683 = arith.index_cast %parallel_loop3A_682 : i32 to index
        %parallel_loop3A_684 = arith.index_cast %parallel_loop3A_676 : i32 to index
        %parallel_loop3A_685 = tpu.vector_load %arg8[%parallel_loop3A_683, %parallel_loop3A_684] {strides = array<i32>} : memref<16x768xf32, #tpu.memory_space<vmem>>, vector<1x16xf32>,
        %parallel_loop3A_686 = vector.shape_cast %parallel_loop3A_685 : vector<1x16xf32> to vector<16xf32>
        %parallel_loop3A_687 = vector.shape_cast %parallel_loop3A_681 : vector<16xf32> to vector<1x16xf32>
        tpu.vector_store %arg8[%parallel_loop3A_683, %parallel_loop3A_684], %parallel_loop3A_687 {add = true, strides = array<i32>} : memref<16x768xf32, #tpu.memory_space<vmem>>, vector<1x16xf32>,
        %parallel_loop3A_688 = arith.constant 8 : i32
        %parallel_loop3A_689 = arith.index_cast %parallel_loop3A_688 : i32 to index
        %parallel_loop3A_690 = arith.index_cast %parallel_loop3A_676 : i32 to index
        %parallel_loop3A_691 = tpu.vector_load %arg8[%parallel_loop3A_689, %parallel_loop3A_690] {strides = array<i32>} : memref<16x768xf32, #tpu.memory_space<vmem>>, vector<1x16xf32>,
        %parallel_loop3A_692 = vector.shape_cast %parallel_loop3A_691 : vector<1x16xf32> to vector<16xf32>
        %parallel_loop3A_693 = vector.shape_cast %parallel_loop3A_681 : vector<16xf32> to vector<1x16xf32>
        tpu.vector_store %arg8[%parallel_loop3A_689, %parallel_loop3A_690], %parallel_loop3A_693 {add = true, strides = array<i32>} : memref<16x768xf32, #tpu.memory_space<vmem>>, vector<1x16xf32>,
        %parallel_loop3A_694 = arith.constant 73 : i32
        %parallel_loop3A_695 = arith.index_cast %parallel_loop3A_694 : i32 to index
        %parallel_loop3A_696 = arith.index_cast %parallel_loop3A_676 : i32 to index
        %parallel_loop3A_697 = tpu.vector_load %arg7[%parallel_loop3A_695, %parallel_loop3A_696] {strides = array<i32>} : memref<77x768xf32, #tpu.memory_space<vmem>>, vector<1x16xf32>,
        %parallel_loop3A_698 = vector.shape_cast %parallel_loop3A_697 : vector<1x16xf32> to vector<16xf32>
        %parallel_loop3A_699 = arith.constant 1 : i32
        %parallel_loop3A_700 = arith.index_cast %parallel_loop3A_699 : i32 to index
        %parallel_loop3A_701 = arith.index_cast %parallel_loop3A_676 : i32 to index
        %parallel_loop3A_702 = tpu.vector_load %arg8[%parallel_loop3A_700, %parallel_loop3A_701] {strides = array<i32>} : memref<16x768xf32, #tpu.memory_space<vmem>>, vector<1x16xf32>,
        %parallel_loop3A_703 = vector.shape_cast %parallel_loop3A_702 : vector<1x16xf32> to vector<16xf32>
        %parallel_loop3A_704 = vector.shape_cast %parallel_loop3A_698 : vector<16xf32> to vector<1x16xf32>
        tpu.vector_store %arg8[%parallel_loop3A_700, %parallel_loop3A_701], %parallel_loop3A_704 {add = true, strides = array<i32>} : memref<16x768xf32, #tpu.memory_space<vmem>>, vector<1x16xf32>,
        %parallel_loop3A_705 = arith.constant 9 : i32
        %parallel_loop3A_706 = arith.index_cast %parallel_loop3A_705 : i32 to index
        %parallel_loop3A_707 = arith.index_cast %parallel_loop3A_676 : i32 to index
        %parallel_loop3A_708 = tpu.vector_load %arg8[%parallel_loop3A_706, %parallel_loop3A_707] {strides = array<i32>} : memref<16x768xf32, #tpu.memory_space<vmem>>, vector<1x16xf32>,
        %parallel_loop3A_709 = vector.shape_cast %parallel_loop3A_708 : vector<1x16xf32> to vector<16xf32>
        %parallel_loop3A_710 = vector.shape_cast %parallel_loop3A_698 : vector<16xf32> to vector<1x16xf32>
        tpu.vector_store %arg8[%parallel_loop3A_706, %parallel_loop3A_707], %parallel_loop3A_710 {add = true, strides = array<i32>} : memref<16x768xf32, #tpu.memory_space<vmem>>, vector<1x16xf32>,
        %parallel_loop3A_711 = arith.constant 74 : i32
        %parallel_loop3A_712 = arith.index_cast %parallel_loop3A_711 : i32 to index
        %parallel_loop3A_713 = arith.index_cast %parallel_loop3A_676 : i32 to index
        %parallel_loop3A_714 = tpu.vector_load %arg7[%parallel_loop3A_712, %parallel_loop3A_713] {strides = array<i32>} : memref<77x768xf32, #tpu.memory_space<vmem>>, vector<1x16xf32>,
        %parallel_loop3A_715 = vector.shape_cast %parallel_loop3A_714 : vector<1x16xf32> to vector<16xf32>
        %parallel_loop3A_716 = arith.constant 2 : i32
        %parallel_loop3A_717 = arith.index_cast %parallel_loop3A_716 : i32 to index
        %parallel_loop3A_718 = arith.index_cast %parallel_loop3A_676 : i32 to index
        %parallel_loop3A_719 = tpu.vector_load %arg8[%parallel_loop3A_717, %parallel_loop3A_718] {strides = array<i32>} : memref<16x768xf32, #tpu.memory_space<vmem>>, vector<1x16xf32>,
        %parallel_loop3A_720 = vector.shape_cast %parallel_loop3A_719 : vector<1x16xf32> to vector<16xf32>
        %parallel_loop3A_721 = vector.shape_cast %parallel_loop3A_715 : vector<16xf32> to vector<1x16xf32>
        tpu.vector_store %arg8[%parallel_loop3A_717, %parallel_loop3A_718], %parallel_loop3A_721 {add = true, strides = array<i32>} : memref<16x768xf32, #tpu.memory_space<vmem>>, vector<1x16xf32>,
        %parallel_loop3A_722 = arith.constant 10 : i32
        %parallel_loop3A_723 = arith.index_cast %parallel_loop3A_722 : i32 to index
        %parallel_loop3A_724 = arith.index_cast %parallel_loop3A_676 : i32 to index
        %parallel_loop3A_725 = tpu.vector_load %arg8[%parallel_loop3A_723, %parallel_loop3A_724] {strides = array<i32>} : memref<16x768xf32, #tpu.memory_space<vmem>>, vector<1x16xf32>,
        %parallel_loop3A_726 = vector.shape_cast %parallel_loop3A_725 : vector<1x16xf32> to vector<16xf32>
        %parallel_loop3A_727 = vector.shape_cast %parallel_loop3A_715 : vector<16xf32> to vector<1x16xf32>
        tpu.vector_store %arg8[%parallel_loop3A_723, %parallel_loop3A_724], %parallel_loop3A_727 {add = true, strides = array<i32>} : memref<16x768xf32, #tpu.memory_space<vmem>>, vector<1x16xf32>,
        %parallel_loop3A_728 = arith.constant 75 : i32
        %parallel_loop3A_729 = arith.index_cast %parallel_loop3A_728 : i32 to index
        %parallel_loop3A_730 = arith.index_cast %parallel_loop3A_676 : i32 to index
        %parallel_loop3A_731 = tpu.vector_load %arg7[%parallel_loop3A_729, %parallel_loop3A_730] {strides = array<i32>} : memref<77x768xf32, #tpu.memory_space<vmem>>, vector<1x16xf32>,
        %parallel_loop3A_732 = vector.shape_cast %parallel_loop3A_731 : vector<1x16xf32> to vector<16xf32>
        %parallel_loop3A_733 = arith.constant 3 : i32
        %parallel_loop3A_734 = arith.index_cast %parallel_loop3A_733 : i32 to index
        %parallel_loop3A_735 = arith.index_cast %parallel_loop3A_676 : i32 to index
        %parallel_loop3A_736 = tpu.vector_load %arg8[%parallel_loop3A_734, %parallel_loop3A_735] {strides = array<i32>} : memref<16x768xf32, #tpu.memory_space<vmem>>, vector<1x16xf32>,
        %parallel_loop3A_737 = vector.shape_cast %parallel_loop3A_736 : vector<1x16xf32> to vector<16xf32>
        %parallel_loop3A_738 = vector.shape_cast %parallel_loop3A_732 : vector<16xf32> to vector<1x16xf32>
        tpu.vector_store %arg8[%parallel_loop3A_734, %parallel_loop3A_735], %parallel_loop3A_738 {add = true, strides = array<i32>} : memref<16x768xf32, #tpu.memory_space<vmem>>, vector<1x16xf32>,
        %parallel_loop3A_739 = arith.constant 11 : i32
        %parallel_loop3A_740 = arith.index_cast %parallel_loop3A_739 : i32 to index
        %parallel_loop3A_741 = arith.index_cast %parallel_loop3A_676 : i32 to index
        %parallel_loop3A_742 = tpu.vector_load %arg8[%parallel_loop3A_740, %parallel_loop3A_741] {strides = array<i32>} : memref<16x768xf32, #tpu.memory_space<vmem>>, vector<1x16xf32>,
        %parallel_loop3A_743 = vector.shape_cast %parallel_loop3A_742 : vector<1x16xf32> to vector<16xf32>
        %parallel_loop3A_744 = vector.shape_cast %parallel_loop3A_732 : vector<16xf32> to vector<1x16xf32>
        tpu.vector_store %arg8[%parallel_loop3A_740, %parallel_loop3A_741], %parallel_loop3A_744 {add = true, strides = array<i32>} : memref<16x768xf32, #tpu.memory_space<vmem>>, vector<1x16xf32>,
        %parallel_loop3A_745 = arith.constant 76 : i32
        %parallel_loop3A_746 = arith.index_cast %parallel_loop3A_745 : i32 to index
        %parallel_loop3A_747 = arith.index_cast %parallel_loop3A_676 : i32 to index
        %parallel_loop3A_748 = tpu.vector_load %arg7[%parallel_loop3A_746, %parallel_loop3A_747] {strides = array<i32>} : memref<77x768xf32, #tpu.memory_space<vmem>>, vector<1x16xf32>,
        %parallel_loop3A_749 = vector.shape_cast %parallel_loop3A_748 : vector<1x16xf32> to vector<16xf32>
        %parallel_loop3A_750 = arith.constant 4 : i32
        %parallel_loop3A_751 = arith.index_cast %parallel_loop3A_750 : i32 to index
        %parallel_loop3A_752 = arith.index_cast %parallel_loop3A_676 : i32 to index
        %parallel_loop3A_753 = tpu.vector_load %arg8[%parallel_loop3A_751, %parallel_loop3A_752] {strides = array<i32>} : memref<16x768xf32, #tpu.memory_space<vmem>>, vector<1x16xf32>,
        %parallel_loop3A_754 = vector.shape_cast %parallel_loop3A_753 : vector<1x16xf32> to vector<16xf32>
        %parallel_loop3A_755 = vector.shape_cast %parallel_loop3A_749 : vector<16xf32> to vector<1x16xf32>
        tpu.vector_store %arg8[%parallel_loop3A_751, %parallel_loop3A_752], %parallel_loop3A_755 {add = true, strides = array<i32>} : memref<16x768xf32, #tpu.memory_space<vmem>>, vector<1x16xf32>,
        %parallel_loop3A_756 = arith.constant 12 : i32
        %parallel_loop3A_757 = arith.index_cast %parallel_loop3A_756 : i32 to index
        %parallel_loop3A_758 = arith.index_cast %parallel_loop3A_676 : i32 to index
        %parallel_loop3A_759 = tpu.vector_load %arg8[%parallel_loop3A_757, %parallel_loop3A_758] {strides = array<i32>} : memref<16x768xf32, #tpu.memory_space<vmem>>, vector<1x16xf32>,
        %parallel_loop3A_760 = vector.shape_cast %parallel_loop3A_759 : vector<1x16xf32> to vector<16xf32>
        %parallel_loop3A_761 = vector.shape_cast %parallel_loop3A_749 : vector<16xf32> to vector<1x16xf32>
        tpu.vector_store %arg8[%parallel_loop3A_757, %parallel_loop3A_758], %parallel_loop3A_761 {add = true, strides = array<i32>} : memref<16x768xf32, #tpu.memory_space<vmem>>, vector<1x16xf32>,
      } {sc.loop_unroll_factor = 2 : i64, sc.parallel_access}
      %mul3A_461 = arith.constant 2 : i32
      %mul3A_462 = arith.muli %mul3A_461, %add3A_441 : i32
      %add3A_463 = arith.addi %mul3A_2, %mul3A_462 : i32
      %dma_start3A_464 = arith.constant 0 : i32
      %dma_start3A_465 = arith.constant 0 : i32
      %dma_start3A_466 = tpu.memref_slice %arg8[%dma_start3A_464, %dma_start3A_465] : memref<16x768xf32, #tpu.memory_space<vmem>> -> memref<5x768xf32, #tpu.memory_space<vmem>>
      %dma_start3A_467 = arith.constant 72 : i32
      %dma_start3A_468 = arith.constant 0 : i32
      %dma_start3A_469 = tpu.memref_slice %arg5[%add3A_463, %dma_start3A_467, %dma_start3A_468] : memref<4096x77x768xf32, #tpu.memory_space<hbm>> -> memref<1x5x768xf32, #tpu.memory_space<hbm>>
      %dma_start3A_470 = tpu.memref_squeeze %dma_start3A_469 : memref<1x5x768xf32, #tpu.memory_space<hbm>> -> memref<5x768xf32, #tpu.memory_space<hbm>>
      %dma_start3A_471 = arith.constant 72 : i32
      %dma_start3A_472 = arith.constant 0 : i32
      %dma_start3A_473 = tpu.memref_slice %arg5[%add3A_463, %dma_start3A_471, %dma_start3A_472] : memref<4096x77x768xf32, #tpu.memory_space<hbm>> -> memref<1x5x768xf32, #tpu.memory_space<hbm>>
      %dma_start3A_474 = tpu.memref_squeeze %dma_start3A_473 : memref<1x5x768xf32, #tpu.memory_space<hbm>> -> memref<5x768xf32, #tpu.memory_space<hbm>>
      %dma_start3A_475 = arith.constant 0 : i32
      %dma_start3A_476 = arith.constant 0 : i32
      %dma_start3A_477 = tpu.memref_slice %arg8[%dma_start3A_475, %dma_start3A_476] : memref<16x768xf32, #tpu.memory_space<vmem>> -> memref<5x768xf32, #tpu.memory_space<vmem>>
      tpu.enqueue_dma source(%dma_start3A_477 : memref<5x768xf32, #tpu.memory_space<vmem>>) target(%dma_start3A_474 : memref<5x768xf32, #tpu.memory_space<hbm>>) target_semaphore(%arg16 : memref<!tpu.dma_semaphore, #tpu.memory_space<semaphore_mem>>)
      %add3A_478 = arith.constant 1 : i32
      %add3A_479 = arith.addi %add3A_463, %add3A_478 : i32
      %dma_start3A_480 = arith.constant 8 : i32
      %dma_start3A_481 = arith.constant 0 : i32
      %dma_start3A_482 = tpu.memref_slice %arg8[%dma_start3A_480, %dma_start3A_481] : memref<16x768xf32, #tpu.memory_space<vmem>> -> memref<5x768xf32, #tpu.memory_space<vmem>>
      %dma_start3A_483 = arith.constant 72 : i32
      %dma_start3A_484 = arith.constant 0 : i32
      %dma_start3A_485 = tpu.memref_slice %arg5[%add3A_479, %dma_start3A_483, %dma_start3A_484] : memref<4096x77x768xf32, #tpu.memory_space<hbm>> -> memref<1x5x768xf32, #tpu.memory_space<hbm>>
      %dma_start3A_486 = tpu.memref_squeeze %dma_start3A_485 : memref<1x5x768xf32, #tpu.memory_space<hbm>> -> memref<5x768xf32, #tpu.memory_space<hbm>>
      %dma_start3A_487 = arith.constant 72 : i32
      %dma_start3A_488 = arith.constant 0 : i32
      %dma_start3A_489 = tpu.memref_slice %arg5[%add3A_479, %dma_start3A_487, %dma_start3A_488] : memref<4096x77x768xf32, #tpu.memory_space<hbm>> -> memref<1x5x768xf32, #tpu.memory_space<hbm>>
      %dma_start3A_490 = tpu.memref_squeeze %dma_start3A_489 : memref<1x5x768xf32, #tpu.memory_space<hbm>> -> memref<5x768xf32, #tpu.memory_space<hbm>>
      %dma_start3A_491 = arith.constant 8 : i32
      %dma_start3A_492 = arith.constant 0 : i32
      %dma_start3A_493 = tpu.memref_slice %arg8[%dma_start3A_491, %dma_start3A_492] : memref<16x768xf32, #tpu.memory_space<vmem>> -> memref<5x768xf32, #tpu.memory_space<vmem>>
      tpu.enqueue_dma source(%dma_start3A_493 : memref<5x768xf32, #tpu.memory_space<vmem>>) target(%dma_start3A_490 : memref<5x768xf32, #tpu.memory_space<hbm>>) target_semaphore(%arg16 : memref<!tpu.dma_semaphore, #tpu.memory_space<semaphore_mem>>)
      %mul3A_494 = arith.constant 4 : i32
      %mul3A_495 = arith.muli %scan3A_437, %mul3A_494 : i32
      %add3A_496 = arith.constant 1 : i32
      %add3A_497 = arith.addi %mul3A_495, %add3A_496 : i32
      %add3A_498 = arith.constant 2 : i32
      %add3A_499 = arith.addi %add3A_497, %add3A_498 : i32
      %lt3A_500 = arith.constant 64 : i32
      %lt3A_501 = arith.cmpi slt, %add3A_499, %lt3A_500 : i32
      %convert_element_type3A_502 = arith.extui %lt3A_501 : i1 to i32
      %cond3A_503 = arith.constant 0 : i32
      %cond3A_504 = arith.cmpi ne, %convert_element_type3A_502, %cond3A_503 : i32
      scf.if %cond3A_504 {
        %dma_wait3A_674 = arith.constant 3 : i32
        %dma_wait3A_675 = arith.constant 0 : i32
        %dma_wait3A_676 = tpu.memref_slice %arg6[%dma_wait3A_674, %dma_wait3A_675] : memref<4x16xi32, #tpu.memory_space<vmem>> -> memref<1x16xi32, #tpu.memory_space<vmem>>
        %dma_wait3A_677 = tpu.memref_squeeze %dma_wait3A_676 : memref<1x16xi32, #tpu.memory_space<vmem>> -> memref<16xi32, #tpu.memory_space<vmem>>
        %dma_wait3A_678 = arith.constant 0 : i32
        %dma_wait3A_679 = tpu.memref_slice %arg2[%dma_wait3A_678] : memref<315392xi32, #tpu.memory_space<hbm>> -> memref<16xi32, #tpu.memory_space<hbm>>
        %dma_wait3A_680 = arith.constant 0 : i32
        %dma_wait3A_681 = tpu.memref_slice %arg6[%dma_wait3A_674, %dma_wait3A_680] : memref<4x16xi32, #tpu.memory_space<vmem>> -> memref<1x16xi32, #tpu.memory_space<vmem>>
        %dma_wait3A_682 = tpu.memref_squeeze %dma_wait3A_681 : memref<1x16xi32, #tpu.memory_space<vmem>> -> memref<16xi32, #tpu.memory_space<vmem>>
        %dma_wait3A_683 = arith.constant 0 : i32
        %dma_wait3A_684 = tpu.memref_slice %arg2[%dma_wait3A_683] : memref<315392xi32, #tpu.memory_space<hbm>> -> memref<16xi32, #tpu.memory_space<hbm>>
        tpu.wait_dma2 semaphore(%arg23 : memref<!tpu.dma_semaphore, #tpu.memory_space<semaphore_mem>>) src(%dma_wait3A_684 : memref<16xi32, #tpu.memory_space<hbm>>) dst(%dma_wait3A_682 : memref<16xi32, #tpu.memory_space<vmem>>)
        %ge3A = arith.constant 2 : i32
        %ge3A_685 = arith.cmpi sge, %add3A_497, %ge3A : i32
        %convert_element_type3A_686 = arith.extui %ge3A_685 : i1 to i32
        %cond3A_687 = arith.constant 0 : i32
        %cond3A_688 = arith.cmpi ne, %convert_element_type3A_686, %cond3A_687 : i32
        scf.if %cond3A_688 {
          %dma_wait3A_696 = arith.constant 0 : i32
          %dma_wait3A_697 = arith.constant 0 : i32
          %dma_wait3A_698 = arith.constant 0 : i32
          %dma_wait3A_699 = tpu.memref_slice %arg11[%dma_wait3A_697, %dma_wait3A_698] : memref<16x768xf32, #tpu.memory_space<vmem>> -> memref<5x768xf32, #tpu.memory_space<vmem>>
          %dma_wait3A_700 = arith.constant 0 : i32
          %dma_wait3A_701 = arith.constant 0 : i32
          %dma_wait3A_702 = tpu.memref_slice %arg5[%dma_wait3A_696, %dma_wait3A_700, %dma_wait3A_701] : memref<4096x77x768xf32, #tpu.memory_space<hbm>> -> memref<1x5x768xf32, #tpu.memory_space<hbm>>
          %dma_wait3A_703 = tpu.memref_squeeze %dma_wait3A_702 : memref<1x5x768xf32, #tpu.memory_space<hbm>> -> memref<5x768xf32, #tpu.memory_space<hbm>>
          %dma_wait3A_704 = arith.constant 0 : i32
          %dma_wait3A_705 = arith.constant 0 : i32
          %dma_wait3A_706 = tpu.memref_slice %arg5[%dma_wait3A_696, %dma_wait3A_704, %dma_wait3A_705] : memref<4096x77x768xf32, #tpu.memory_space<hbm>> -> memref<1x5x768xf32, #tpu.memory_space<hbm>>
          %dma_wait3A_707 = tpu.memref_squeeze %dma_wait3A_706 : memref<1x5x768xf32, #tpu.memory_space<hbm>> -> memref<5x768xf32, #tpu.memory_space<hbm>>
          %dma_wait3A_708 = arith.constant 0 : i32
          %dma_wait3A_709 = arith.constant 0 : i32
          %dma_wait3A_710 = tpu.memref_slice %arg11[%dma_wait3A_708, %dma_wait3A_709] : memref<16x768xf32, #tpu.memory_space<vmem>> -> memref<5x768xf32, #tpu.memory_space<vmem>>
          tpu.wait_dma2 semaphore(%arg19 : memref<!tpu.dma_semaphore, #tpu.memory_space<semaphore_mem>>) src(%dma_wait3A_710 : memref<5x768xf32, #tpu.memory_space<vmem>>) dst(%dma_wait3A_707 : memref<5x768xf32, #tpu.memory_space<hbm>>)
          %dma_wait3A_711 = arith.constant 0 : i32
          %dma_wait3A_712 = arith.constant 0 : i32
          %dma_wait3A_713 = arith.constant 0 : i32
          %dma_wait3A_714 = tpu.memref_slice %arg11[%dma_wait3A_712, %dma_wait3A_713] : memref<16x768xf32, #tpu.memory_space<vmem>> -> memref<5x768xf32, #tpu.memory_space<vmem>>
          %dma_wait3A_715 = arith.constant 0 : i32
          %dma_wait3A_716 = arith.constant 0 : i32
          %dma_wait3A_717 = tpu.memref_slice %arg5[%dma_wait3A_711, %dma_wait3A_715, %dma_wait3A_716] : memref<4096x77x768xf32, #tpu.memory_space<hbm>> -> memref<1x5x768xf32, #tpu.memory_space<hbm>>
          %dma_wait3A_718 = tpu.memref_squeeze %dma_wait3A_717 : memref<1x5x768xf32, #tpu.memory_space<hbm>> -> memref<5x768xf32, #tpu.memory_space<hbm>>
          %dma_wait3A_719 = arith.constant 0 : i32
          %dma_wait3A_720 = arith.constant 0 : i32
          %dma_wait3A_721 = tpu.memref_slice %arg5[%dma_wait3A_711, %dma_wait3A_719, %dma_wait3A_720] : memref<4096x77x768xf32, #tpu.memory_space<hbm>> -> memref<1x5x768xf32, #tpu.memory_space<hbm>>
          %dma_wait3A_722 = tpu.memref_squeeze %dma_wait3A_721 : memref<1x5x768xf32, #tpu.memory_space<hbm>> -> memref<5x768xf32, #tpu.memory_space<hbm>>
          %dma_wait3A_723 = arith.constant 0 : i32
          %dma_wait3A_724 = arith.constant 0 : i32
          %dma_wait3A_725 = tpu.memref_slice %arg11[%dma_wait3A_723, %dma_wait3A_724] : memref<16x768xf32, #tpu.memory_space<vmem>> -> memref<5x768xf32, #tpu.memory_space<vmem>>
          tpu.wait_dma2 semaphore(%arg19 : memref<!tpu.dma_semaphore, #tpu.memory_space<semaphore_mem>>) src(%dma_wait3A_725 : memref<5x768xf32, #tpu.memory_space<vmem>>) dst(%dma_wait3A_722 : memref<5x768xf32, #tpu.memory_space<hbm>>)
        } else {
        }
        %dma_start3A_689 = arith.constant 3 : i32
        %dma_start3A_690 = arith.constant 0 : i32
        %dma_start3A_691 = tpu.memref_slice %arg6[%dma_start3A_689, %dma_start3A_690] : memref<4x16xi32, #tpu.memory_space<vmem>> -> memref<1x16xi32, #tpu.memory_space<vmem>>
        %dma_start3A_692 = tpu.memref_squeeze %dma_start3A_691 : memref<1x16xi32, #tpu.memory_space<vmem>> -> memref<16xi32, #tpu.memory_space<vmem>>
        %dma_start3A_693 = arith.constant 0 : i32
        %dma_start3A_694 = arith.constant 0 : i32
        %dma_start3A_695 = tpu.memref_slice %arg3[%dma_start3A_693, %dma_start3A_694] : memref<49408x768xf32, #tpu.memory_space<hbm>> -> memref<49408x768xf32, #tpu.memory_space<hbm>>
        tpu.enqueue_indirect_dma source(%dma_start3A_695 : memref<49408x768xf32, #tpu.memory_space<hbm>>) target(%arg11 : memref<16x768xf32, #tpu.memory_space<vmem>>) offsets(%dma_start3A_692 : memref<16xi32, #tpu.memory_space<vmem>>) semaphore(%arg15 : memref<!tpu.dma_semaphore, #tpu.memory_space<semaphore_mem>>)
      } else {
      }
      %dma_wait3A_505 = arith.constant 0 : i32
      %dma_wait3A_506 = arith.constant 0 : i32
      %dma_wait3A_507 = tpu.memref_slice %arg3[%dma_wait3A_505, %dma_wait3A_506] : memref<49408x768xf32, #tpu.memory_space<hbm>> -> memref<16x768xf32, #tpu.memory_space<hbm>>
      %dma_wait3A_508 = arith.constant 0 : i32
      %dma_wait3A_509 = arith.constant 0 : i32
      %dma_wait3A_510 = tpu.memref_slice %arg3[%dma_wait3A_508, %dma_wait3A_509] : memref<49408x768xf32, #tpu.memory_space<hbm>> -> memref<16x768xf32, #tpu.memory_space<hbm>>
      tpu.wait_dma2 semaphore(%arg13 : memref<!tpu.dma_semaphore, #tpu.memory_space<semaphore_mem>>) src(%dma_wait3A_510 : memref<16x768xf32, #tpu.memory_space<hbm>>) dst(%arg9 : memref<16x768xf32, #tpu.memory_space<vmem>>)
      %add3A_511 = arith.constant 4 : i32
      %add3A_512 = arith.addi %add3A_497, %add3A_511 : i32
      %lt3A_513 = arith.constant 64 : i32
      %lt3A_514 = arith.cmpi slt, %add3A_512, %lt3A_513 : i32
      %convert_element_type3A_515 = arith.extui %lt3A_514 : i1 to i32
      %cond3A_516 = arith.constant 0 : i32
      %cond3A_517 = arith.cmpi ne, %convert_element_type3A_515, %cond3A_516 : i32
      scf.if %cond3A_517 {
        %add3A_674 = arith.constant 4 : i32
        %add3A_675 = arith.addi %add3A_497, %add3A_674 : i32
        %mul3A_676 = arith.constant 154 : i32
        %mul3A_677 = arith.muli %add3A_675, %mul3A_676 : i32
        %add3A_678 = arith.addi %mul3A_4, %mul3A_677 : i32
        %add3A_679 = vector.broadcast %add3A_678 : i32 to vector<16xi32>
        %add3A_680 = arith.addi %add3A_27, %add3A_679 : vector<16xi32>
        %dma_start3A_681 = arith.constant 1 : i32
        %dma_start3A_682 = arith.constant 0 : i32
        %dma_start3A_683 = tpu.memref_slice %arg6[%dma_start3A_681, %dma_start3A_682] : memref<4x16xi32, #tpu.memory_space<vmem>> -> memref<1x16xi32, #tpu.memory_space<vmem>>
        %dma_start3A_684 = tpu.memref_squeeze %dma_start3A_683 : memref<1x16xi32, #tpu.memory_space<vmem>> -> memref<16xi32, #tpu.memory_space<vmem>>
        %dma_start3A_685 = arith.constant 0 : i32
        %dma_start3A_686 = tpu.memref_slice %arg2[%dma_start3A_685] : memref<315392xi32, #tpu.memory_space<hbm>> -> memref<315392xi32, #tpu.memory_space<hbm>>
        tpu.enqueue_indirect_dma source(%dma_start3A_686 : memref<315392xi32, #tpu.memory_space<hbm>>) target(%dma_start3A_684 : memref<16xi32, #tpu.memory_space<vmem>>) offsets(%add3A_680 : vector<16xi32>) semaphore(%arg21 : memref<!tpu.dma_semaphore, #tpu.memory_space<semaphore_mem>>)
      } else {
      }
      %parallel_loop3A_518 = arith.constant 0 : i32
      %parallel_loop3A_519 = arith.constant 48 : i32
      %parallel_loop3A_520 = arith.constant 1 : i32
      scf.for %parallel_loop3A_674 = %parallel_loop3A_518 to %parallel_loop3A_519 step %parallel_loop3A_520  : i32 {
        %parallel_loop3A_675 = arith.constant 16 : i32
        %parallel_loop3A_676 = arith.muli %parallel_loop3A_674, %parallel_loop3A_675 : i32
        %parallel_loop3A_677 = arith.constant 72 : i32
        %parallel_loop3A_678 = arith.index_cast %parallel_loop3A_677 : i32 to index
        %parallel_loop3A_679 = arith.index_cast %parallel_loop3A_676 : i32 to index
        %parallel_loop3A_680 = tpu.vector_load %arg7[%parallel_loop3A_678, %parallel_loop3A_679] {strides = array<i32>} : memref<77x768xf32, #tpu.memory_space<vmem>>, vector<1x16xf32>,
        %parallel_loop3A_681 = vector.shape_cast %parallel_loop3A_680 : vector<1x16xf32> to vector<16xf32>
        %parallel_loop3A_682 = arith.constant 0 : i32
        %parallel_loop3A_683 = arith.index_cast %parallel_loop3A_682 : i32 to index
        %parallel_loop3A_684 = arith.index_cast %parallel_loop3A_676 : i32 to index
        %parallel_loop3A_685 = tpu.vector_load %arg9[%parallel_loop3A_683, %parallel_loop3A_684] {strides = array<i32>} : memref<16x768xf32, #tpu.memory_space<vmem>>, vector<1x16xf32>,
        %parallel_loop3A_686 = vector.shape_cast %parallel_loop3A_685 : vector<1x16xf32> to vector<16xf32>
        %parallel_loop3A_687 = vector.shape_cast %parallel_loop3A_681 : vector<16xf32> to vector<1x16xf32>
        tpu.vector_store %arg9[%parallel_loop3A_683, %parallel_loop3A_684], %parallel_loop3A_687 {add = true, strides = array<i32>} : memref<16x768xf32, #tpu.memory_space<vmem>>, vector<1x16xf32>,
        %parallel_loop3A_688 = arith.constant 8 : i32
        %parallel_loop3A_689 = arith.index_cast %parallel_loop3A_688 : i32 to index
        %parallel_loop3A_690 = arith.index_cast %parallel_loop3A_676 : i32 to index
        %parallel_loop3A_691 = tpu.vector_load %arg9[%parallel_loop3A_689, %parallel_loop3A_690] {strides = array<i32>} : memref<16x768xf32, #tpu.memory_space<vmem>>, vector<1x16xf32>,
        %parallel_loop3A_692 = vector.shape_cast %parallel_loop3A_691 : vector<1x16xf32> to vector<16xf32>
        %parallel_loop3A_693 = vector.shape_cast %parallel_loop3A_681 : vector<16xf32> to vector<1x16xf32>
        tpu.vector_store %arg9[%parallel_loop3A_689, %parallel_loop3A_690], %parallel_loop3A_693 {add = true, strides = array<i32>} : memref<16x768xf32, #tpu.memory_space<vmem>>, vector<1x16xf32>,
        %parallel_loop3A_694 = arith.constant 73 : i32
        %parallel_loop3A_695 = arith.index_cast %parallel_loop3A_694 : i32 to index
        %parallel_loop3A_696 = arith.index_cast %parallel_loop3A_676 : i32 to index
        %parallel_loop3A_697 = tpu.vector_load %arg7[%parallel_loop3A_695, %parallel_loop3A_696] {strides = array<i32>} : memref<77x768xf32, #tpu.memory_space<vmem>>, vector<1x16xf32>,
        %parallel_loop3A_698 = vector.shape_cast %parallel_loop3A_697 : vector<1x16xf32> to vector<16xf32>
        %parallel_loop3A_699 = arith.constant 1 : i32
        %parallel_loop3A_700 = arith.index_cast %parallel_loop3A_699 : i32 to index
        %parallel_loop3A_701 = arith.index_cast %parallel_loop3A_676 : i32 to index
        %parallel_loop3A_702 = tpu.vector_load %arg9[%parallel_loop3A_700, %parallel_loop3A_701] {strides = array<i32>} : memref<16x768xf32, #tpu.memory_space<vmem>>, vector<1x16xf32>,
        %parallel_loop3A_703 = vector.shape_cast %parallel_loop3A_702 : vector<1x16xf32> to vector<16xf32>
        %parallel_loop3A_704 = vector.shape_cast %parallel_loop3A_698 : vector<16xf32> to vector<1x16xf32>
        tpu.vector_store %arg9[%parallel_loop3A_700, %parallel_loop3A_701], %parallel_loop3A_704 {add = true, strides = array<i32>} : memref<16x768xf32, #tpu.memory_space<vmem>>, vector<1x16xf32>,
        %parallel_loop3A_705 = arith.constant 9 : i32
        %parallel_loop3A_706 = arith.index_cast %parallel_loop3A_705 : i32 to index
        %parallel_loop3A_707 = arith.index_cast %parallel_loop3A_676 : i32 to index
        %parallel_loop3A_708 = tpu.vector_load %arg9[%parallel_loop3A_706, %parallel_loop3A_707] {strides = array<i32>} : memref<16x768xf32, #tpu.memory_space<vmem>>, vector<1x16xf32>,
        %parallel_loop3A_709 = vector.shape_cast %parallel_loop3A_708 : vector<1x16xf32> to vector<16xf32>
        %parallel_loop3A_710 = vector.shape_cast %parallel_loop3A_698 : vector<16xf32> to vector<1x16xf32>
        tpu.vector_store %arg9[%parallel_loop3A_706, %parallel_loop3A_707], %parallel_loop3A_710 {add = true, strides = array<i32>} : memref<16x768xf32, #tpu.memory_space<vmem>>, vector<1x16xf32>,
        %parallel_loop3A_711 = arith.constant 74 : i32
        %parallel_loop3A_712 = arith.index_cast %parallel_loop3A_711 : i32 to index
        %parallel_loop3A_713 = arith.index_cast %parallel_loop3A_676 : i32 to index
        %parallel_loop3A_714 = tpu.vector_load %arg7[%parallel_loop3A_712, %parallel_loop3A_713] {strides = array<i32>} : memref<77x768xf32, #tpu.memory_space<vmem>>, vector<1x16xf32>,
        %parallel_loop3A_715 = vector.shape_cast %parallel_loop3A_714 : vector<1x16xf32> to vector<16xf32>
        %parallel_loop3A_716 = arith.constant 2 : i32
        %parallel_loop3A_717 = arith.index_cast %parallel_loop3A_716 : i32 to index
        %parallel_loop3A_718 = arith.index_cast %parallel_loop3A_676 : i32 to index
        %parallel_loop3A_719 = tpu.vector_load %arg9[%parallel_loop3A_717, %parallel_loop3A_718] {strides = array<i32>} : memref<16x768xf32, #tpu.memory_space<vmem>>, vector<1x16xf32>,
        %parallel_loop3A_720 = vector.shape_cast %parallel_loop3A_719 : vector<1x16xf32> to vector<16xf32>
        %parallel_loop3A_721 = vector.shape_cast %parallel_loop3A_715 : vector<16xf32> to vector<1x16xf32>
        tpu.vector_store %arg9[%parallel_loop3A_717, %parallel_loop3A_718], %parallel_loop3A_721 {add = true, strides = array<i32>} : memref<16x768xf32, #tpu.memory_space<vmem>>, vector<1x16xf32>,
        %parallel_loop3A_722 = arith.constant 10 : i32
        %parallel_loop3A_723 = arith.index_cast %parallel_loop3A_722 : i32 to index
        %parallel_loop3A_724 = arith.index_cast %parallel_loop3A_676 : i32 to index
        %parallel_loop3A_725 = tpu.vector_load %arg9[%parallel_loop3A_723, %parallel_loop3A_724] {strides = array<i32>} : memref<16x768xf32, #tpu.memory_space<vmem>>, vector<1x16xf32>,
        %parallel_loop3A_726 = vector.shape_cast %parallel_loop3A_725 : vector<1x16xf32> to vector<16xf32>
        %parallel_loop3A_727 = vector.shape_cast %parallel_loop3A_715 : vector<16xf32> to vector<1x16xf32>
        tpu.vector_store %arg9[%parallel_loop3A_723, %parallel_loop3A_724], %parallel_loop3A_727 {add = true, strides = array<i32>} : memref<16x768xf32, #tpu.memory_space<vmem>>, vector<1x16xf32>,
        %parallel_loop3A_728 = arith.constant 75 : i32
        %parallel_loop3A_729 = arith.index_cast %parallel_loop3A_728 : i32 to index
        %parallel_loop3A_730 = arith.index_cast %parallel_loop3A_676 : i32 to index
        %parallel_loop3A_731 = tpu.vector_load %arg7[%parallel_loop3A_729, %parallel_loop3A_730] {strides = array<i32>} : memref<77x768xf32, #tpu.memory_space<vmem>>, vector<1x16xf32>,
        %parallel_loop3A_732 = vector.shape_cast %parallel_loop3A_731 : vector<1x16xf32> to vector<16xf32>
        %parallel_loop3A_733 = arith.constant 3 : i32
        %parallel_loop3A_734 = arith.index_cast %parallel_loop3A_733 : i32 to index
        %parallel_loop3A_735 = arith.index_cast %parallel_loop3A_676 : i32 to index
        %parallel_loop3A_736 = tpu.vector_load %arg9[%parallel_loop3A_734, %parallel_loop3A_735] {strides = array<i32>} : memref<16x768xf32, #tpu.memory_space<vmem>>, vector<1x16xf32>,
        %parallel_loop3A_737 = vector.shape_cast %parallel_loop3A_736 : vector<1x16xf32> to vector<16xf32>
        %parallel_loop3A_738 = vector.shape_cast %parallel_loop3A_732 : vector<16xf32> to vector<1x16xf32>
        tpu.vector_store %arg9[%parallel_loop3A_734, %parallel_loop3A_735], %parallel_loop3A_738 {add = true, strides = array<i32>} : memref<16x768xf32, #tpu.memory_space<vmem>>, vector<1x16xf32>,
        %parallel_loop3A_739 = arith.constant 11 : i32
        %parallel_loop3A_740 = arith.index_cast %parallel_loop3A_739 : i32 to index
        %parallel_loop3A_741 = arith.index_cast %parallel_loop3A_676 : i32 to index
        %parallel_loop3A_742 = tpu.vector_load %arg9[%parallel_loop3A_740, %parallel_loop3A_741] {strides = array<i32>} : memref<16x768xf32, #tpu.memory_space<vmem>>, vector<1x16xf32>,
        %parallel_loop3A_743 = vector.shape_cast %parallel_loop3A_742 : vector<1x16xf32> to vector<16xf32>
        %parallel_loop3A_744 = vector.shape_cast %parallel_loop3A_732 : vector<16xf32> to vector<1x16xf32>
        tpu.vector_store %arg9[%parallel_loop3A_740, %parallel_loop3A_741], %parallel_loop3A_744 {add = true, strides = array<i32>} : memref<16x768xf32, #tpu.memory_space<vmem>>, vector<1x16xf32>,
        %parallel_loop3A_745 = arith.constant 76 : i32
        %parallel_loop3A_746 = arith.index_cast %parallel_loop3A_745 : i32 to index
        %parallel_loop3A_747 = arith.index_cast %parallel_loop3A_676 : i32 to index
        %parallel_loop3A_748 = tpu.vector_load %arg7[%parallel_loop3A_746, %parallel_loop3A_747] {strides = array<i32>} : memref<77x768xf32, #tpu.memory_space<vmem>>, vector<1x16xf32>,
        %parallel_loop3A_749 = vector.shape_cast %parallel_loop3A_748 : vector<1x16xf32> to vector<16xf32>
        %parallel_loop3A_750 = arith.constant 4 : i32
        %parallel_loop3A_751 = arith.index_cast %parallel_loop3A_750 : i32 to index
        %parallel_loop3A_752 = arith.index_cast %parallel_loop3A_676 : i32 to index
        %parallel_loop3A_753 = tpu.vector_load %arg9[%parallel_loop3A_751, %parallel_loop3A_752] {strides = array<i32>} : memref<16x768xf32, #tpu.memory_space<vmem>>, vector<1x16xf32>,
        %parallel_loop3A_754 = vector.shape_cast %parallel_loop3A_753 : vector<1x16xf32> to vector<16xf32>
        %parallel_loop3A_755 = vector.shape_cast %parallel_loop3A_749 : vector<16xf32> to vector<1x16xf32>
        tpu.vector_store %arg9[%parallel_loop3A_751, %parallel_loop3A_752], %parallel_loop3A_755 {add = true, strides = array<i32>} : memref<16x768xf32, #tpu.memory_space<vmem>>, vector<1x16xf32>,
        %parallel_loop3A_756 = arith.constant 12 : i32
        %parallel_loop3A_757 = arith.index_cast %parallel_loop3A_756 : i32 to index
        %parallel_loop3A_758 = arith.index_cast %parallel_loop3A_676 : i32 to index
        %parallel_loop3A_759 = tpu.vector_load %arg9[%parallel_loop3A_757, %parallel_loop3A_758] {strides = array<i32>} : memref<16x768xf32, #tpu.memory_space<vmem>>, vector<1x16xf32>,
        %parallel_loop3A_760 = vector.shape_cast %parallel_loop3A_759 : vector<1x16xf32> to vector<16xf32>
        %parallel_loop3A_761 = vector.shape_cast %parallel_loop3A_749 : vector<16xf32> to vector<1x16xf32>
        tpu.vector_store %arg9[%parallel_loop3A_757, %parallel_loop3A_758], %parallel_loop3A_761 {add = true, strides = array<i32>} : memref<16x768xf32, #tpu.memory_space<vmem>>, vector<1x16xf32>,
      } {sc.loop_unroll_factor = 2 : i64, sc.parallel_access}
      %mul3A_521 = arith.constant 2 : i32
      %mul3A_522 = arith.muli %mul3A_521, %add3A_497 : i32
      %add3A_523 = arith.addi %mul3A_2, %mul3A_522 : i32
      %dma_start3A_524 = arith.constant 0 : i32
      %dma_start3A_525 = arith.constant 0 : i32
      %dma_start3A_526 = tpu.memref_slice %arg9[%dma_start3A_524, %dma_start3A_525] : memref<16x768xf32, #tpu.memory_space<vmem>> -> memref<5x768xf32, #tpu.memory_space<vmem>>
      %dma_start3A_527 = arith.constant 72 : i32
      %dma_start3A_528 = arith.constant 0 : i32
      %dma_start3A_529 = tpu.memref_slice %arg5[%add3A_523, %dma_start3A_527, %dma_start3A_528] : memref<4096x77x768xf32, #tpu.memory_space<hbm>> -> memref<1x5x768xf32, #tpu.memory_space<hbm>>
      %dma_start3A_530 = tpu.memref_squeeze %dma_start3A_529 : memref<1x5x768xf32, #tpu.memory_space<hbm>> -> memref<5x768xf32, #tpu.memory_space<hbm>>
      %dma_start3A_531 = arith.constant 72 : i32
      %dma_start3A_532 = arith.constant 0 : i32
      %dma_start3A_533 = tpu.memref_slice %arg5[%add3A_523, %dma_start3A_531, %dma_start3A_532] : memref<4096x77x768xf32, #tpu.memory_space<hbm>> -> memref<1x5x768xf32, #tpu.memory_space<hbm>>
      %dma_start3A_534 = tpu.memref_squeeze %dma_start3A_533 : memref<1x5x768xf32, #tpu.memory_space<hbm>> -> memref<5x768xf32, #tpu.memory_space<hbm>>
      %dma_start3A_535 = arith.constant 0 : i32
      %dma_start3A_536 = arith.constant 0 : i32
      %dma_start3A_537 = tpu.memref_slice %arg9[%dma_start3A_535, %dma_start3A_536] : memref<16x768xf32, #tpu.memory_space<vmem>> -> memref<5x768xf32, #tpu.memory_space<vmem>>
      tpu.enqueue_dma source(%dma_start3A_537 : memref<5x768xf32, #tpu.memory_space<vmem>>) target(%dma_start3A_534 : memref<5x768xf32, #tpu.memory_space<hbm>>) target_semaphore(%arg17 : memref<!tpu.dma_semaphore, #tpu.memory_space<semaphore_mem>>)
      %add3A_538 = arith.constant 1 : i32
      %add3A_539 = arith.addi %add3A_523, %add3A_538 : i32
      %dma_start3A_540 = arith.constant 8 : i32
      %dma_start3A_541 = arith.constant 0 : i32
      %dma_start3A_542 = tpu.memref_slice %arg9[%dma_start3A_540, %dma_start3A_541] : memref<16x768xf32, #tpu.memory_space<vmem>> -> memref<5x768xf32, #tpu.memory_space<vmem>>
      %dma_start3A_543 = arith.constant 72 : i32
      %dma_start3A_544 = arith.constant 0 : i32
      %dma_start3A_545 = tpu.memref_slice %arg5[%add3A_539, %dma_start3A_543, %dma_start3A_544] : memref<4096x77x768xf32, #tpu.memory_space<hbm>> -> memref<1x5x768xf32, #tpu.memory_space<hbm>>
      %dma_start3A_546 = tpu.memref_squeeze %dma_start3A_545 : memref<1x5x768xf32, #tpu.memory_space<hbm>> -> memref<5x768xf32, #tpu.memory_space<hbm>>
      %dma_start3A_547 = arith.constant 72 : i32
      %dma_start3A_548 = arith.constant 0 : i32
      %dma_start3A_549 = tpu.memref_slice %arg5[%add3A_539, %dma_start3A_547, %dma_start3A_548] : memref<4096x77x768xf32, #tpu.memory_space<hbm>> -> memref<1x5x768xf32, #tpu.memory_space<hbm>>
      %dma_start3A_550 = tpu.memref_squeeze %dma_start3A_549 : memref<1x5x768xf32, #tpu.memory_space<hbm>> -> memref<5x768xf32, #tpu.memory_space<hbm>>
      %dma_start3A_551 = arith.constant 8 : i32
      %dma_start3A_552 = arith.constant 0 : i32
      %dma_start3A_553 = tpu.memref_slice %arg9[%dma_start3A_551, %dma_start3A_552] : memref<16x768xf32, #tpu.memory_space<vmem>> -> memref<5x768xf32, #tpu.memory_space<vmem>>
      tpu.enqueue_dma source(%dma_start3A_553 : memref<5x768xf32, #tpu.memory_space<vmem>>) target(%dma_start3A_550 : memref<5x768xf32, #tpu.memory_space<hbm>>) target_semaphore(%arg17 : memref<!tpu.dma_semaphore, #tpu.memory_space<semaphore_mem>>)
      %mul3A_554 = arith.constant 4 : i32
      %mul3A_555 = arith.muli %scan3A_437, %mul3A_554 : i32
      %add3A_556 = arith.constant 2 : i32
      %add3A_557 = arith.addi %mul3A_555, %add3A_556 : i32
      %add3A_558 = arith.constant 2 : i32
      %add3A_559 = arith.addi %add3A_557, %add3A_558 : i32
      %lt3A_560 = arith.constant 64 : i32
      %lt3A_561 = arith.cmpi slt, %add3A_559, %lt3A_560 : i32
      %convert_element_type3A_562 = arith.extui %lt3A_561 : i1 to i32
      %cond3A_563 = arith.constant 0 : i32
      %cond3A_564 = arith.cmpi ne, %convert_element_type3A_562, %cond3A_563 : i32
      scf.if %cond3A_564 {
        %dma_wait3A_674 = arith.constant 0 : i32
        %dma_wait3A_675 = arith.constant 0 : i32
        %dma_wait3A_676 = tpu.memref_slice %arg6[%dma_wait3A_674, %dma_wait3A_675] : memref<4x16xi32, #tpu.memory_space<vmem>> -> memref<1x16xi32, #tpu.memory_space<vmem>>
        %dma_wait3A_677 = tpu.memref_squeeze %dma_wait3A_676 : memref<1x16xi32, #tpu.memory_space<vmem>> -> memref<16xi32, #tpu.memory_space<vmem>>
        %dma_wait3A_678 = arith.constant 0 : i32
        %dma_wait3A_679 = tpu.memref_slice %arg2[%dma_wait3A_678] : memref<315392xi32, #tpu.memory_space<hbm>> -> memref<16xi32, #tpu.memory_space<hbm>>
        %dma_wait3A_680 = arith.constant 0 : i32
        %dma_wait3A_681 = tpu.memref_slice %arg6[%dma_wait3A_674, %dma_wait3A_680] : memref<4x16xi32, #tpu.memory_space<vmem>> -> memref<1x16xi32, #tpu.memory_space<vmem>>
        %dma_wait3A_682 = tpu.memref_squeeze %dma_wait3A_681 : memref<1x16xi32, #tpu.memory_space<vmem>> -> memref<16xi32, #tpu.memory_space<vmem>>
        %dma_wait3A_683 = arith.constant 0 : i32
        %dma_wait3A_684 = tpu.memref_slice %arg2[%dma_wait3A_683] : memref<315392xi32, #tpu.memory_space<hbm>> -> memref<16xi32, #tpu.memory_space<hbm>>
        tpu.wait_dma2 semaphore(%arg20 : memref<!tpu.dma_semaphore, #tpu.memory_space<semaphore_mem>>) src(%dma_wait3A_684 : memref<16xi32, #tpu.memory_space<hbm>>) dst(%dma_wait3A_682 : memref<16xi32, #tpu.memory_space<vmem>>)
        %ge3A = arith.constant 2 : i32
        %ge3A_685 = arith.cmpi sge, %add3A_557, %ge3A : i32
        %convert_element_type3A_686 = arith.extui %ge3A_685 : i1 to i32
        %cond3A_687 = arith.constant 0 : i32
        %cond3A_688 = arith.cmpi ne, %convert_element_type3A_686, %cond3A_687 : i32
        scf.if %cond3A_688 {
          %dma_wait3A_696 = arith.constant 0 : i32
          %dma_wait3A_697 = arith.constant 0 : i32
          %dma_wait3A_698 = arith.constant 0 : i32
          %dma_wait3A_699 = tpu.memref_slice %arg8[%dma_wait3A_697, %dma_wait3A_698] : memref<16x768xf32, #tpu.memory_space<vmem>> -> memref<5x768xf32, #tpu.memory_space<vmem>>
          %dma_wait3A_700 = arith.constant 0 : i32
          %dma_wait3A_701 = arith.constant 0 : i32
          %dma_wait3A_702 = tpu.memref_slice %arg5[%dma_wait3A_696, %dma_wait3A_700, %dma_wait3A_701] : memref<4096x77x768xf32, #tpu.memory_space<hbm>> -> memref<1x5x768xf32, #tpu.memory_space<hbm>>
          %dma_wait3A_703 = tpu.memref_squeeze %dma_wait3A_702 : memref<1x5x768xf32, #tpu.memory_space<hbm>> -> memref<5x768xf32, #tpu.memory_space<hbm>>
          %dma_wait3A_704 = arith.constant 0 : i32
          %dma_wait3A_705 = arith.constant 0 : i32
          %dma_wait3A_706 = tpu.memref_slice %arg5[%dma_wait3A_696, %dma_wait3A_704, %dma_wait3A_705] : memref<4096x77x768xf32, #tpu.memory_space<hbm>> -> memref<1x5x768xf32, #tpu.memory_space<hbm>>
          %dma_wait3A_707 = tpu.memref_squeeze %dma_wait3A_706 : memref<1x5x768xf32, #tpu.memory_space<hbm>> -> memref<5x768xf32, #tpu.memory_space<hbm>>
          %dma_wait3A_708 = arith.constant 0 : i32
          %dma_wait3A_709 = arith.constant 0 : i32
          %dma_wait3A_710 = tpu.memref_slice %arg8[%dma_wait3A_708, %dma_wait3A_709] : memref<16x768xf32, #tpu.memory_space<vmem>> -> memref<5x768xf32, #tpu.memory_space<vmem>>
          tpu.wait_dma2 semaphore(%arg16 : memref<!tpu.dma_semaphore, #tpu.memory_space<semaphore_mem>>) src(%dma_wait3A_710 : memref<5x768xf32, #tpu.memory_space<vmem>>) dst(%dma_wait3A_707 : memref<5x768xf32, #tpu.memory_space<hbm>>)
          %dma_wait3A_711 = arith.constant 0 : i32
          %dma_wait3A_712 = arith.constant 0 : i32
          %dma_wait3A_713 = arith.constant 0 : i32
          %dma_wait3A_714 = tpu.memref_slice %arg8[%dma_wait3A_712, %dma_wait3A_713] : memref<16x768xf32, #tpu.memory_space<vmem>> -> memref<5x768xf32, #tpu.memory_space<vmem>>
          %dma_wait3A_715 = arith.constant 0 : i32
          %dma_wait3A_716 = arith.constant 0 : i32
          %dma_wait3A_717 = tpu.memref_slice %arg5[%dma_wait3A_711, %dma_wait3A_715, %dma_wait3A_716] : memref<4096x77x768xf32, #tpu.memory_space<hbm>> -> memref<1x5x768xf32, #tpu.memory_space<hbm>>
          %dma_wait3A_718 = tpu.memref_squeeze %dma_wait3A_717 : memref<1x5x768xf32, #tpu.memory_space<hbm>> -> memref<5x768xf32, #tpu.memory_space<hbm>>
          %dma_wait3A_719 = arith.constant 0 : i32
          %dma_wait3A_720 = arith.constant 0 : i32
          %dma_wait3A_721 = tpu.memref_slice %arg5[%dma_wait3A_711, %dma_wait3A_719, %dma_wait3A_720] : memref<4096x77x768xf32, #tpu.memory_space<hbm>> -> memref<1x5x768xf32, #tpu.memory_space<hbm>>
          %dma_wait3A_722 = tpu.memref_squeeze %dma_wait3A_721 : memref<1x5x768xf32, #tpu.memory_space<hbm>> -> memref<5x768xf32, #tpu.memory_space<hbm>>
          %dma_wait3A_723 = arith.constant 0 : i32
          %dma_wait3A_724 = arith.constant 0 : i32
          %dma_wait3A_725 = tpu.memref_slice %arg8[%dma_wait3A_723, %dma_wait3A_724] : memref<16x768xf32, #tpu.memory_space<vmem>> -> memref<5x768xf32, #tpu.memory_space<vmem>>
          tpu.wait_dma2 semaphore(%arg16 : memref<!tpu.dma_semaphore, #tpu.memory_space<semaphore_mem>>) src(%dma_wait3A_725 : memref<5x768xf32, #tpu.memory_space<vmem>>) dst(%dma_wait3A_722 : memref<5x768xf32, #tpu.memory_space<hbm>>)
        } else {
        }
        %dma_start3A_689 = arith.constant 0 : i32
        %dma_start3A_690 = arith.constant 0 : i32
        %dma_start3A_691 = tpu.memref_slice %arg6[%dma_start3A_689, %dma_start3A_690] : memref<4x16xi32, #tpu.memory_space<vmem>> -> memref<1x16xi32, #tpu.memory_space<vmem>>
        %dma_start3A_692 = tpu.memref_squeeze %dma_start3A_691 : memref<1x16xi32, #tpu.memory_space<vmem>> -> memref<16xi32, #tpu.memory_space<vmem>>
        %dma_start3A_693 = arith.constant 0 : i32
        %dma_start3A_694 = arith.constant 0 : i32
        %dma_start3A_695 = tpu.memref_slice %arg3[%dma_start3A_693, %dma_start3A_694] : memref<49408x768xf32, #tpu.memory_space<hbm>> -> memref<49408x768xf32, #tpu.memory_space<hbm>>
        tpu.enqueue_indirect_dma source(%dma_start3A_695 : memref<49408x768xf32, #tpu.memory_space<hbm>>) target(%arg8 : memref<16x768xf32, #tpu.memory_space<vmem>>) offsets(%dma_start3A_692 : memref<16xi32, #tpu.memory_space<vmem>>) semaphore(%arg12 : memref<!tpu.dma_semaphore, #tpu.memory_space<semaphore_mem>>)
      } else {
      }
      %dma_wait3A_565 = arith.constant 0 : i32
      %dma_wait3A_566 = arith.constant 0 : i32
      %dma_wait3A_567 = tpu.memref_slice %arg3[%dma_wait3A_565, %dma_wait3A_566] : memref<49408x768xf32, #tpu.memory_space<hbm>> -> memref<16x768xf32, #tpu.memory_space<hbm>>
      %dma_wait3A_568 = arith.constant 0 : i32
      %dma_wait3A_569 = arith.constant 0 : i32
      %dma_wait3A_570 = tpu.memref_slice %arg3[%dma_wait3A_568, %dma_wait3A_569] : memref<49408x768xf32, #tpu.memory_space<hbm>> -> memref<16x768xf32, #tpu.memory_space<hbm>>
      tpu.wait_dma2 semaphore(%arg14 : memref<!tpu.dma_semaphore, #tpu.memory_space<semaphore_mem>>) src(%dma_wait3A_570 : memref<16x768xf32, #tpu.memory_space<hbm>>) dst(%arg10 : memref<16x768xf32, #tpu.memory_space<vmem>>)
      %add3A_571 = arith.constant 4 : i32
      %add3A_572 = arith.addi %add3A_557, %add3A_571 : i32
      %lt3A_573 = arith.constant 64 : i32
      %lt3A_574 = arith.cmpi slt, %add3A_572, %lt3A_573 : i32
      %convert_element_type3A_575 = arith.extui %lt3A_574 : i1 to i32
      %cond3A_576 = arith.constant 0 : i32
      %cond3A_577 = arith.cmpi ne, %convert_element_type3A_575, %cond3A_576 : i32
      scf.if %cond3A_577 {
        %add3A_674 = arith.constant 4 : i32
        %add3A_675 = arith.addi %add3A_557, %add3A_674 : i32
        %mul3A_676 = arith.constant 154 : i32
        %mul3A_677 = arith.muli %add3A_675, %mul3A_676 : i32
        %add3A_678 = arith.addi %mul3A_4, %mul3A_677 : i32
        %add3A_679 = vector.broadcast %add3A_678 : i32 to vector<16xi32>
        %add3A_680 = arith.addi %add3A_27, %add3A_679 : vector<16xi32>
        %dma_start3A_681 = arith.constant 2 : i32
        %dma_start3A_682 = arith.constant 0 : i32
        %dma_start3A_683 = tpu.memref_slice %arg6[%dma_start3A_681, %dma_start3A_682] : memref<4x16xi32, #tpu.memory_space<vmem>> -> memref<1x16xi32, #tpu.memory_space<vmem>>
        %dma_start3A_684 = tpu.memref_squeeze %dma_start3A_683 : memref<1x16xi32, #tpu.memory_space<vmem>> -> memref<16xi32, #tpu.memory_space<vmem>>
        %dma_start3A_685 = arith.constant 0 : i32
        %dma_start3A_686 = tpu.memref_slice %arg2[%dma_start3A_685] : memref<315392xi32, #tpu.memory_space<hbm>> -> memref<315392xi32, #tpu.memory_space<hbm>>
        tpu.enqueue_indirect_dma source(%dma_start3A_686 : memref<315392xi32, #tpu.memory_space<hbm>>) target(%dma_start3A_684 : memref<16xi32, #tpu.memory_space<vmem>>) offsets(%add3A_680 : vector<16xi32>) semaphore(%arg22 : memref<!tpu.dma_semaphore, #tpu.memory_space<semaphore_mem>>)
      } else {
      }
      %parallel_loop3A_578 = arith.constant 0 : i32
      %parallel_loop3A_579 = arith.constant 48 : i32
      %parallel_loop3A_580 = arith.constant 1 : i32
      scf.for %parallel_loop3A_674 = %parallel_loop3A_578 to %parallel_loop3A_579 step %parallel_loop3A_580  : i32 {
        %parallel_loop3A_675 = arith.constant 16 : i32
        %parallel_loop3A_676 = arith.muli %parallel_loop3A_674, %parallel_loop3A_675 : i32
        %parallel_loop3A_677 = arith.constant 72 : i32
        %parallel_loop3A_678 = arith.index_cast %parallel_loop3A_677 : i32 to index
        %parallel_loop3A_679 = arith.index_cast %parallel_loop3A_676 : i32 to index
        %parallel_loop3A_680 = tpu.vector_load %arg7[%parallel_loop3A_678, %parallel_loop3A_679] {strides = array<i32>} : memref<77x768xf32, #tpu.memory_space<vmem>>, vector<1x16xf32>,
        %parallel_loop3A_681 = vector.shape_cast %parallel_loop3A_680 : vector<1x16xf32> to vector<16xf32>
        %parallel_loop3A_682 = arith.constant 0 : i32
        %parallel_loop3A_683 = arith.index_cast %parallel_loop3A_682 : i32 to index
        %parallel_loop3A_684 = arith.index_cast %parallel_loop3A_676 : i32 to index
        %parallel_loop3A_685 = tpu.vector_load %arg10[%parallel_loop3A_683, %parallel_loop3A_684] {strides = array<i32>} : memref<16x768xf32, #tpu.memory_space<vmem>>, vector<1x16xf32>,
        %parallel_loop3A_686 = vector.shape_cast %parallel_loop3A_685 : vector<1x16xf32> to vector<16xf32>
        %parallel_loop3A_687 = vector.shape_cast %parallel_loop3A_681 : vector<16xf32> to vector<1x16xf32>
        tpu.vector_store %arg10[%parallel_loop3A_683, %parallel_loop3A_684], %parallel_loop3A_687 {add = true, strides = array<i32>} : memref<16x768xf32, #tpu.memory_space<vmem>>, vector<1x16xf32>,
        %parallel_loop3A_688 = arith.constant 8 : i32
        %parallel_loop3A_689 = arith.index_cast %parallel_loop3A_688 : i32 to index
        %parallel_loop3A_690 = arith.index_cast %parallel_loop3A_676 : i32 to index
        %parallel_loop3A_691 = tpu.vector_load %arg10[%parallel_loop3A_689, %parallel_loop3A_690] {strides = array<i32>} : memref<16x768xf32, #tpu.memory_space<vmem>>, vector<1x16xf32>,
        %parallel_loop3A_692 = vector.shape_cast %parallel_loop3A_691 : vector<1x16xf32> to vector<16xf32>
        %parallel_loop3A_693 = vector.shape_cast %parallel_loop3A_681 : vector<16xf32> to vector<1x16xf32>
        tpu.vector_store %arg10[%parallel_loop3A_689, %parallel_loop3A_690], %parallel_loop3A_693 {add = true, strides = array<i32>} : memref<16x768xf32, #tpu.memory_space<vmem>>, vector<1x16xf32>,
        %parallel_loop3A_694 = arith.constant 73 : i32
        %parallel_loop3A_695 = arith.index_cast %parallel_loop3A_694 : i32 to index
        %parallel_loop3A_696 = arith.index_cast %parallel_loop3A_676 : i32 to index
        %parallel_loop3A_697 = tpu.vector_load %arg7[%parallel_loop3A_695, %parallel_loop3A_696] {strides = array<i32>} : memref<77x768xf32, #tpu.memory_space<vmem>>, vector<1x16xf32>,
        %parallel_loop3A_698 = vector.shape_cast %parallel_loop3A_697 : vector<1x16xf32> to vector<16xf32>
        %parallel_loop3A_699 = arith.constant 1 : i32
        %parallel_loop3A_700 = arith.index_cast %parallel_loop3A_699 : i32 to index
        %parallel_loop3A_701 = arith.index_cast %parallel_loop3A_676 : i32 to index
        %parallel_loop3A_702 = tpu.vector_load %arg10[%parallel_loop3A_700, %parallel_loop3A_701] {strides = array<i32>} : memref<16x768xf32, #tpu.memory_space<vmem>>, vector<1x16xf32>,
        %parallel_loop3A_703 = vector.shape_cast %parallel_loop3A_702 : vector<1x16xf32> to vector<16xf32>
        %parallel_loop3A_704 = vector.shape_cast %parallel_loop3A_698 : vector<16xf32> to vector<1x16xf32>
        tpu.vector_store %arg10[%parallel_loop3A_700, %parallel_loop3A_701], %parallel_loop3A_704 {add = true, strides = array<i32>} : memref<16x768xf32, #tpu.memory_space<vmem>>, vector<1x16xf32>,
        %parallel_loop3A_705 = arith.constant 9 : i32
        %parallel_loop3A_706 = arith.index_cast %parallel_loop3A_705 : i32 to index
        %parallel_loop3A_707 = arith.index_cast %parallel_loop3A_676 : i32 to index
        %parallel_loop3A_708 = tpu.vector_load %arg10[%parallel_loop3A_706, %parallel_loop3A_707] {strides = array<i32>} : memref<16x768xf32, #tpu.memory_space<vmem>>, vector<1x16xf32>,
        %parallel_loop3A_709 = vector.shape_cast %parallel_loop3A_708 : vector<1x16xf32> to vector<16xf32>
        %parallel_loop3A_710 = vector.shape_cast %parallel_loop3A_698 : vector<16xf32> to vector<1x16xf32>
        tpu.vector_store %arg10[%parallel_loop3A_706, %parallel_loop3A_707], %parallel_loop3A_710 {add = true, strides = array<i32>} : memref<16x768xf32, #tpu.memory_space<vmem>>, vector<1x16xf32>,
        %parallel_loop3A_711 = arith.constant 74 : i32
        %parallel_loop3A_712 = arith.index_cast %parallel_loop3A_711 : i32 to index
        %parallel_loop3A_713 = arith.index_cast %parallel_loop3A_676 : i32 to index
        %parallel_loop3A_714 = tpu.vector_load %arg7[%parallel_loop3A_712, %parallel_loop3A_713] {strides = array<i32>} : memref<77x768xf32, #tpu.memory_space<vmem>>, vector<1x16xf32>,
        %parallel_loop3A_715 = vector.shape_cast %parallel_loop3A_714 : vector<1x16xf32> to vector<16xf32>
        %parallel_loop3A_716 = arith.constant 2 : i32
        %parallel_loop3A_717 = arith.index_cast %parallel_loop3A_716 : i32 to index
        %parallel_loop3A_718 = arith.index_cast %parallel_loop3A_676 : i32 to index
        %parallel_loop3A_719 = tpu.vector_load %arg10[%parallel_loop3A_717, %parallel_loop3A_718] {strides = array<i32>} : memref<16x768xf32, #tpu.memory_space<vmem>>, vector<1x16xf32>,
        %parallel_loop3A_720 = vector.shape_cast %parallel_loop3A_719 : vector<1x16xf32> to vector<16xf32>
        %parallel_loop3A_721 = vector.shape_cast %parallel_loop3A_715 : vector<16xf32> to vector<1x16xf32>
        tpu.vector_store %arg10[%parallel_loop3A_717, %parallel_loop3A_718], %parallel_loop3A_721 {add = true, strides = array<i32>} : memref<16x768xf32, #tpu.memory_space<vmem>>, vector<1x16xf32>,
        %parallel_loop3A_722 = arith.constant 10 : i32
        %parallel_loop3A_723 = arith.index_cast %parallel_loop3A_722 : i32 to index
        %parallel_loop3A_724 = arith.index_cast %parallel_loop3A_676 : i32 to index
        %parallel_loop3A_725 = tpu.vector_load %arg10[%parallel_loop3A_723, %parallel_loop3A_724] {strides = array<i32>} : memref<16x768xf32, #tpu.memory_space<vmem>>, vector<1x16xf32>,
        %parallel_loop3A_726 = vector.shape_cast %parallel_loop3A_725 : vector<1x16xf32> to vector<16xf32>
        %parallel_loop3A_727 = vector.shape_cast %parallel_loop3A_715 : vector<16xf32> to vector<1x16xf32>
        tpu.vector_store %arg10[%parallel_loop3A_723, %parallel_loop3A_724], %parallel_loop3A_727 {add = true, strides = array<i32>} : memref<16x768xf32, #tpu.memory_space<vmem>>, vector<1x16xf32>,
        %parallel_loop3A_728 = arith.constant 75 : i32
        %parallel_loop3A_729 = arith.index_cast %parallel_loop3A_728 : i32 to index
        %parallel_loop3A_730 = arith.index_cast %parallel_loop3A_676 : i32 to index
        %parallel_loop3A_731 = tpu.vector_load %arg7[%parallel_loop3A_729, %parallel_loop3A_730] {strides = array<i32>} : memref<77x768xf32, #tpu.memory_space<vmem>>, vector<1x16xf32>,
        %parallel_loop3A_732 = vector.shape_cast %parallel_loop3A_731 : vector<1x16xf32> to vector<16xf32>
        %parallel_loop3A_733 = arith.constant 3 : i32
        %parallel_loop3A_734 = arith.index_cast %parallel_loop3A_733 : i32 to index
        %parallel_loop3A_735 = arith.index_cast %parallel_loop3A_676 : i32 to index
        %parallel_loop3A_736 = tpu.vector_load %arg10[%parallel_loop3A_734, %parallel_loop3A_735] {strides = array<i32>} : memref<16x768xf32, #tpu.memory_space<vmem>>, vector<1x16xf32>,
        %parallel_loop3A_737 = vector.shape_cast %parallel_loop3A_736 : vector<1x16xf32> to vector<16xf32>
        %parallel_loop3A_738 = vector.shape_cast %parallel_loop3A_732 : vector<16xf32> to vector<1x16xf32>
        tpu.vector_store %arg10[%parallel_loop3A_734, %parallel_loop3A_735], %parallel_loop3A_738 {add = true, strides = array<i32>} : memref<16x768xf32, #tpu.memory_space<vmem>>, vector<1x16xf32>,
        %parallel_loop3A_739 = arith.constant 11 : i32
        %parallel_loop3A_740 = arith.index_cast %parallel_loop3A_739 : i32 to index
        %parallel_loop3A_741 = arith.index_cast %parallel_loop3A_676 : i32 to index
        %parallel_loop3A_742 = tpu.vector_load %arg10[%parallel_loop3A_740, %parallel_loop3A_741] {strides = array<i32>} : memref<16x768xf32, #tpu.memory_space<vmem>>, vector<1x16xf32>,
        %parallel_loop3A_743 = vector.shape_cast %parallel_loop3A_742 : vector<1x16xf32> to vector<16xf32>
        %parallel_loop3A_744 = vector.shape_cast %parallel_loop3A_732 : vector<16xf32> to vector<1x16xf32>
        tpu.vector_store %arg10[%parallel_loop3A_740, %parallel_loop3A_741], %parallel_loop3A_744 {add = true, strides = array<i32>} : memref<16x768xf32, #tpu.memory_space<vmem>>, vector<1x16xf32>,
        %parallel_loop3A_745 = arith.constant 76 : i32
        %parallel_loop3A_746 = arith.index_cast %parallel_loop3A_745 : i32 to index
        %parallel_loop3A_747 = arith.index_cast %parallel_loop3A_676 : i32 to index
        %parallel_loop3A_748 = tpu.vector_load %arg7[%parallel_loop3A_746, %parallel_loop3A_747] {strides = array<i32>} : memref<77x768xf32, #tpu.memory_space<vmem>>, vector<1x16xf32>,
        %parallel_loop3A_749 = vector.shape_cast %parallel_loop3A_748 : vector<1x16xf32> to vector<16xf32>
        %parallel_loop3A_750 = arith.constant 4 : i32
        %parallel_loop3A_751 = arith.index_cast %parallel_loop3A_750 : i32 to index
        %parallel_loop3A_752 = arith.index_cast %parallel_loop3A_676 : i32 to index
        %parallel_loop3A_753 = tpu.vector_load %arg10[%parallel_loop3A_751, %parallel_loop3A_752] {strides = array<i32>} : memref<16x768xf32, #tpu.memory_space<vmem>>, vector<1x16xf32>,
        %parallel_loop3A_754 = vector.shape_cast %parallel_loop3A_753 : vector<1x16xf32> to vector<16xf32>
        %parallel_loop3A_755 = vector.shape_cast %parallel_loop3A_749 : vector<16xf32> to vector<1x16xf32>
        tpu.vector_store %arg10[%parallel_loop3A_751, %parallel_loop3A_752], %parallel_loop3A_755 {add = true, strides = array<i32>} : memref<16x768xf32, #tpu.memory_space<vmem>>, vector<1x16xf32>,
        %parallel_loop3A_756 = arith.constant 12 : i32
        %parallel_loop3A_757 = arith.index_cast %parallel_loop3A_756 : i32 to index
        %parallel_loop3A_758 = arith.index_cast %parallel_loop3A_676 : i32 to index
        %parallel_loop3A_759 = tpu.vector_load %arg10[%parallel_loop3A_757, %parallel_loop3A_758] {strides = array<i32>} : memref<16x768xf32, #tpu.memory_space<vmem>>, vector<1x16xf32>,
        %parallel_loop3A_760 = vector.shape_cast %parallel_loop3A_759 : vector<1x16xf32> to vector<16xf32>
        %parallel_loop3A_761 = vector.shape_cast %parallel_loop3A_749 : vector<16xf32> to vector<1x16xf32>
        tpu.vector_store %arg10[%parallel_loop3A_757, %parallel_loop3A_758], %parallel_loop3A_761 {add = true, strides = array<i32>} : memref<16x768xf32, #tpu.memory_space<vmem>>, vector<1x16xf32>,
      } {sc.loop_unroll_factor = 2 : i64, sc.parallel_access}
      %mul3A_581 = arith.constant 2 : i32
      %mul3A_582 = arith.muli %mul3A_581, %add3A_557 : i32
      %add3A_583 = arith.addi %mul3A_2, %mul3A_582 : i32
      %dma_start3A_584 = arith.constant 0 : i32
      %dma_start3A_585 = arith.constant 0 : i32
      %dma_start3A_586 = tpu.memref_slice %arg10[%dma_start3A_584, %dma_start3A_585] : memref<16x768xf32, #tpu.memory_space<vmem>> -> memref<5x768xf32, #tpu.memory_space<vmem>>
      %dma_start3A_587 = arith.constant 72 : i32
      %dma_start3A_588 = arith.constant 0 : i32
      %dma_start3A_589 = tpu.memref_slice %arg5[%add3A_583, %dma_start3A_587, %dma_start3A_588] : memref<4096x77x768xf32, #tpu.memory_space<hbm>> -> memref<1x5x768xf32, #tpu.memory_space<hbm>>
      %dma_start3A_590 = tpu.memref_squeeze %dma_start3A_589 : memref<1x5x768xf32, #tpu.memory_space<hbm>> -> memref<5x768xf32, #tpu.memory_space<hbm>>
      %dma_start3A_591 = arith.constant 72 : i32
      %dma_start3A_592 = arith.constant 0 : i32
      %dma_start3A_593 = tpu.memref_slice %arg5[%add3A_583, %dma_start3A_591, %dma_start3A_592] : memref<4096x77x768xf32, #tpu.memory_space<hbm>> -> memref<1x5x768xf32, #tpu.memory_space<hbm>>
      %dma_start3A_594 = tpu.memref_squeeze %dma_start3A_593 : memref<1x5x768xf32, #tpu.memory_space<hbm>> -> memref<5x768xf32, #tpu.memory_space<hbm>>
      %dma_start3A_595 = arith.constant 0 : i32
      %dma_start3A_596 = arith.constant 0 : i32
      %dma_start3A_597 = tpu.memref_slice %arg10[%dma_start3A_595, %dma_start3A_596] : memref<16x768xf32, #tpu.memory_space<vmem>> -> memref<5x768xf32, #tpu.memory_space<vmem>>
      tpu.enqueue_dma source(%dma_start3A_597 : memref<5x768xf32, #tpu.memory_space<vmem>>) target(%dma_start3A_594 : memref<5x768xf32, #tpu.memory_space<hbm>>) target_semaphore(%arg18 : memref<!tpu.dma_semaphore, #tpu.memory_space<semaphore_mem>>)
      %add3A_598 = arith.constant 1 : i32
      %add3A_599 = arith.addi %add3A_583, %add3A_598 : i32
      %dma_start3A_600 = arith.constant 8 : i32
      %dma_start3A_601 = arith.constant 0 : i32
      %dma_start3A_602 = tpu.memref_slice %arg10[%dma_start3A_600, %dma_start3A_601] : memref<16x768xf32, #tpu.memory_space<vmem>> -> memref<5x768xf32, #tpu.memory_space<vmem>>
      %dma_start3A_603 = arith.constant 72 : i32
      %dma_start3A_604 = arith.constant 0 : i32
      %dma_start3A_605 = tpu.memref_slice %arg5[%add3A_599, %dma_start3A_603, %dma_start3A_604] : memref<4096x77x768xf32, #tpu.memory_space<hbm>> -> memref<1x5x768xf32, #tpu.memory_space<hbm>>
      %dma_start3A_606 = tpu.memref_squeeze %dma_start3A_605 : memref<1x5x768xf32, #tpu.memory_space<hbm>> -> memref<5x768xf32, #tpu.memory_space<hbm>>
      %dma_start3A_607 = arith.constant 72 : i32
      %dma_start3A_608 = arith.constant 0 : i32
      %dma_start3A_609 = tpu.memref_slice %arg5[%add3A_599, %dma_start3A_607, %dma_start3A_608] : memref<4096x77x768xf32, #tpu.memory_space<hbm>> -> memref<1x5x768xf32, #tpu.memory_space<hbm>>
      %dma_start3A_610 = tpu.memref_squeeze %dma_start3A_609 : memref<1x5x768xf32, #tpu.memory_space<hbm>> -> memref<5x768xf32, #tpu.memory_space<hbm>>
      %dma_start3A_611 = arith.constant 8 : i32
      %dma_start3A_612 = arith.constant 0 : i32
      %dma_start3A_613 = tpu.memref_slice %arg10[%dma_start3A_611, %dma_start3A_612] : memref<16x768xf32, #tpu.memory_space<vmem>> -> memref<5x768xf32, #tpu.memory_space<vmem>>
      tpu.enqueue_dma source(%dma_start3A_613 : memref<5x768xf32, #tpu.memory_space<vmem>>) target(%dma_start3A_610 : memref<5x768xf32, #tpu.memory_space<hbm>>) target_semaphore(%arg18 : memref<!tpu.dma_semaphore, #tpu.memory_space<semaphore_mem>>)
      %mul3A_614 = arith.constant 4 : i32
      %mul3A_615 = arith.muli %scan3A_437, %mul3A_614 : i32
      %add3A_616 = arith.constant 3 : i32
      %add3A_617 = arith.addi %mul3A_615, %add3A_616 : i32
      %add3A_618 = arith.constant 2 : i32
      %add3A_619 = arith.addi %add3A_617, %add3A_618 : i32
      %lt3A_620 = arith.constant 64 : i32
      %lt3A_621 = arith.cmpi slt, %add3A_619, %lt3A_620 : i32
      %convert_element_type3A_622 = arith.extui %lt3A_621 : i1 to i32
      %cond3A_623 = arith.constant 0 : i32
      %cond3A_624 = arith.cmpi ne, %convert_element_type3A_622, %cond3A_623 : i32
      scf.if %cond3A_624 {
        %dma_wait3A_674 = arith.constant 1 : i32
        %dma_wait3A_675 = arith.constant 0 : i32
        %dma_wait3A_676 = tpu.memref_slice %arg6[%dma_wait3A_674, %dma_wait3A_675] : memref<4x16xi32, #tpu.memory_space<vmem>> -> memref<1x16xi32, #tpu.memory_space<vmem>>
        %dma_wait3A_677 = tpu.memref_squeeze %dma_wait3A_676 : memref<1x16xi32, #tpu.memory_space<vmem>> -> memref<16xi32, #tpu.memory_space<vmem>>
        %dma_wait3A_678 = arith.constant 0 : i32
        %dma_wait3A_679 = tpu.memref_slice %arg2[%dma_wait3A_678] : memref<315392xi32, #tpu.memory_space<hbm>> -> memref<16xi32, #tpu.memory_space<hbm>>
        %dma_wait3A_680 = arith.constant 0 : i32
        %dma_wait3A_681 = tpu.memref_slice %arg6[%dma_wait3A_674, %dma_wait3A_680] : memref<4x16xi32, #tpu.memory_space<vmem>> -> memref<1x16xi32, #tpu.memory_space<vmem>>
        %dma_wait3A_682 = tpu.memref_squeeze %dma_wait3A_681 : memref<1x16xi32, #tpu.memory_space<vmem>> -> memref<16xi32, #tpu.memory_space<vmem>>
        %dma_wait3A_683 = arith.constant 0 : i32
        %dma_wait3A_684 = tpu.memref_slice %arg2[%dma_wait3A_683] : memref<315392xi32, #tpu.memory_space<hbm>> -> memref<16xi32, #tpu.memory_space<hbm>>
        tpu.wait_dma2 semaphore(%arg21 : memref<!tpu.dma_semaphore, #tpu.memory_space<semaphore_mem>>) src(%dma_wait3A_684 : memref<16xi32, #tpu.memory_space<hbm>>) dst(%dma_wait3A_682 : memref<16xi32, #tpu.memory_space<vmem>>)
        %ge3A = arith.constant 2 : i32
        %ge3A_685 = arith.cmpi sge, %add3A_617, %ge3A : i32
        %convert_element_type3A_686 = arith.extui %ge3A_685 : i1 to i32
        %cond3A_687 = arith.constant 0 : i32
        %cond3A_688 = arith.cmpi ne, %convert_element_type3A_686, %cond3A_687 : i32
        scf.if %cond3A_688 {
          %dma_wait3A_696 = arith.constant 0 : i32
          %dma_wait3A_697 = arith.constant 0 : i32
          %dma_wait3A_698 = arith.constant 0 : i32
          %dma_wait3A_699 = tpu.memref_slice %arg9[%dma_wait3A_697, %dma_wait3A_698] : memref<16x768xf32, #tpu.memory_space<vmem>> -> memref<5x768xf32, #tpu.memory_space<vmem>>
          %dma_wait3A_700 = arith.constant 0 : i32
          %dma_wait3A_701 = arith.constant 0 : i32
          %dma_wait3A_702 = tpu.memref_slice %arg5[%dma_wait3A_696, %dma_wait3A_700, %dma_wait3A_701] : memref<4096x77x768xf32, #tpu.memory_space<hbm>> -> memref<1x5x768xf32, #tpu.memory_space<hbm>>
          %dma_wait3A_703 = tpu.memref_squeeze %dma_wait3A_702 : memref<1x5x768xf32, #tpu.memory_space<hbm>> -> memref<5x768xf32, #tpu.memory_space<hbm>>
          %dma_wait3A_704 = arith.constant 0 : i32
          %dma_wait3A_705 = arith.constant 0 : i32
          %dma_wait3A_706 = tpu.memref_slice %arg5[%dma_wait3A_696, %dma_wait3A_704, %dma_wait3A_705] : memref<4096x77x768xf32, #tpu.memory_space<hbm>> -> memref<1x5x768xf32, #tpu.memory_space<hbm>>
          %dma_wait3A_707 = tpu.memref_squeeze %dma_wait3A_706 : memref<1x5x768xf32, #tpu.memory_space<hbm>> -> memref<5x768xf32, #tpu.memory_space<hbm>>
          %dma_wait3A_708 = arith.constant 0 : i32
          %dma_wait3A_709 = arith.constant 0 : i32
          %dma_wait3A_710 = tpu.memref_slice %arg9[%dma_wait3A_708, %dma_wait3A_709] : memref<16x768xf32, #tpu.memory_space<vmem>> -> memref<5x768xf32, #tpu.memory_space<vmem>>
          tpu.wait_dma2 semaphore(%arg17 : memref<!tpu.dma_semaphore, #tpu.memory_space<semaphore_mem>>) src(%dma_wait3A_710 : memref<5x768xf32, #tpu.memory_space<vmem>>) dst(%dma_wait3A_707 : memref<5x768xf32, #tpu.memory_space<hbm>>)
          %dma_wait3A_711 = arith.constant 0 : i32
          %dma_wait3A_712 = arith.constant 0 : i32
          %dma_wait3A_713 = arith.constant 0 : i32
          %dma_wait3A_714 = tpu.memref_slice %arg9[%dma_wait3A_712, %dma_wait3A_713] : memref<16x768xf32, #tpu.memory_space<vmem>> -> memref<5x768xf32, #tpu.memory_space<vmem>>
          %dma_wait3A_715 = arith.constant 0 : i32
          %dma_wait3A_716 = arith.constant 0 : i32
          %dma_wait3A_717 = tpu.memref_slice %arg5[%dma_wait3A_711, %dma_wait3A_715, %dma_wait3A_716] : memref<4096x77x768xf32, #tpu.memory_space<hbm>> -> memref<1x5x768xf32, #tpu.memory_space<hbm>>
          %dma_wait3A_718 = tpu.memref_squeeze %dma_wait3A_717 : memref<1x5x768xf32, #tpu.memory_space<hbm>> -> memref<5x768xf32, #tpu.memory_space<hbm>>
          %dma_wait3A_719 = arith.constant 0 : i32
          %dma_wait3A_720 = arith.constant 0 : i32
          %dma_wait3A_721 = tpu.memref_slice %arg5[%dma_wait3A_711, %dma_wait3A_719, %dma_wait3A_720] : memref<4096x77x768xf32, #tpu.memory_space<hbm>> -> memref<1x5x768xf32, #tpu.memory_space<hbm>>
          %dma_wait3A_722 = tpu.memref_squeeze %dma_wait3A_721 : memref<1x5x768xf32, #tpu.memory_space<hbm>> -> memref<5x768xf32, #tpu.memory_space<hbm>>
          %dma_wait3A_723 = arith.constant 0 : i32
          %dma_wait3A_724 = arith.constant 0 : i32
          %dma_wait3A_725 = tpu.memref_slice %arg9[%dma_wait3A_723, %dma_wait3A_724] : memref<16x768xf32, #tpu.memory_space<vmem>> -> memref<5x768xf32, #tpu.memory_space<vmem>>
          tpu.wait_dma2 semaphore(%arg17 : memref<!tpu.dma_semaphore, #tpu.memory_space<semaphore_mem>>) src(%dma_wait3A_725 : memref<5x768xf32, #tpu.memory_space<vmem>>) dst(%dma_wait3A_722 : memref<5x768xf32, #tpu.memory_space<hbm>>)
        } else {
        }
        %dma_start3A_689 = arith.constant 1 : i32
        %dma_start3A_690 = arith.constant 0 : i32
        %dma_start3A_691 = tpu.memref_slice %arg6[%dma_start3A_689, %dma_start3A_690] : memref<4x16xi32, #tpu.memory_space<vmem>> -> memref<1x16xi32, #tpu.memory_space<vmem>>
        %dma_start3A_692 = tpu.memref_squeeze %dma_start3A_691 : memref<1x16xi32, #tpu.memory_space<vmem>> -> memref<16xi32, #tpu.memory_space<vmem>>
        %dma_start3A_693 = arith.constant 0 : i32
        %dma_start3A_694 = arith.constant 0 : i32
        %dma_start3A_695 = tpu.memref_slice %arg3[%dma_start3A_693, %dma_start3A_694] : memref<49408x768xf32, #tpu.memory_space<hbm>> -> memref<49408x768xf32, #tpu.memory_space<hbm>>
        tpu.enqueue_indirect_dma source(%dma_start3A_695 : memref<49408x768xf32, #tpu.memory_space<hbm>>) target(%arg9 : memref<16x768xf32, #tpu.memory_space<vmem>>) offsets(%dma_start3A_692 : memref<16xi32, #tpu.memory_space<vmem>>) semaphore(%arg13 : memref<!tpu.dma_semaphore, #tpu.memory_space<semaphore_mem>>)
      } else {
      }
      %dma_wait3A_625 = arith.constant 0 : i32
      %dma_wait3A_626 = arith.constant 0 : i32
      %dma_wait3A_627 = tpu.memref_slice %arg3[%dma_wait3A_625, %dma_wait3A_626] : memref<49408x768xf32, #tpu.memory_space<hbm>> -> memref<16x768xf32, #tpu.memory_space<hbm>>
      %dma_wait3A_628 = arith.constant 0 : i32
      %dma_wait3A_629 = arith.constant 0 : i32
      %dma_wait3A_630 = tpu.memref_slice %arg3[%dma_wait3A_628, %dma_wait3A_629] : memref<49408x768xf32, #tpu.memory_space<hbm>> -> memref<16x768xf32, #tpu.memory_space<hbm>>
      tpu.wait_dma2 semaphore(%arg15 : memref<!tpu.dma_semaphore, #tpu.memory_space<semaphore_mem>>) src(%dma_wait3A_630 : memref<16x768xf32, #tpu.memory_space<hbm>>) dst(%arg11 : memref<16x768xf32, #tpu.memory_space<vmem>>)
      %add3A_631 = arith.constant 4 : i32
      %add3A_632 = arith.addi %add3A_617, %add3A_631 : i32
      %lt3A_633 = arith.constant 64 : i32
      %lt3A_634 = arith.cmpi slt, %add3A_632, %lt3A_633 : i32
      %convert_element_type3A_635 = arith.extui %lt3A_634 : i1 to i32
      %cond3A_636 = arith.constant 0 : i32
      %cond3A_637 = arith.cmpi ne, %convert_element_type3A_635, %cond3A_636 : i32
      scf.if %cond3A_637 {
        %add3A_674 = arith.constant 4 : i32
        %add3A_675 = arith.addi %add3A_617, %add3A_674 : i32
        %mul3A_676 = arith.constant 154 : i32
        %mul3A_677 = arith.muli %add3A_675, %mul3A_676 : i32
        %add3A_678 = arith.addi %mul3A_4, %mul3A_677 : i32
        %add3A_679 = vector.broadcast %add3A_678 : i32 to vector<16xi32>
        %add3A_680 = arith.addi %add3A_27, %add3A_679 : vector<16xi32>
        %dma_start3A_681 = arith.constant 3 : i32
        %dma_start3A_682 = arith.constant 0 : i32
        %dma_start3A_683 = tpu.memref_slice %arg6[%dma_start3A_681, %dma_start3A_682] : memref<4x16xi32, #tpu.memory_space<vmem>> -> memref<1x16xi32, #tpu.memory_space<vmem>>
        %dma_start3A_684 = tpu.memref_squeeze %dma_start3A_683 : memref<1x16xi32, #tpu.memory_space<vmem>> -> memref<16xi32, #tpu.memory_space<vmem>>
        %dma_start3A_685 = arith.constant 0 : i32
        %dma_start3A_686 = tpu.memref_slice %arg2[%dma_start3A_685] : memref<315392xi32, #tpu.memory_space<hbm>> -> memref<315392xi32, #tpu.memory_space<hbm>>
        tpu.enqueue_indirect_dma source(%dma_start3A_686 : memref<315392xi32, #tpu.memory_space<hbm>>) target(%dma_start3A_684 : memref<16xi32, #tpu.memory_space<vmem>>) offsets(%add3A_680 : vector<16xi32>) semaphore(%arg23 : memref<!tpu.dma_semaphore, #tpu.memory_space<semaphore_mem>>)
      } else {
      }
      %parallel_loop3A_638 = arith.constant 0 : i32
      %parallel_loop3A_639 = arith.constant 48 : i32
      %parallel_loop3A_640 = arith.constant 1 : i32
      scf.for %parallel_loop3A_674 = %parallel_loop3A_638 to %parallel_loop3A_639 step %parallel_loop3A_640  : i32 {
        %parallel_loop3A_675 = arith.constant 16 : i32
        %parallel_loop3A_676 = arith.muli %parallel_loop3A_674, %parallel_loop3A_675 : i32
        %parallel_loop3A_677 = arith.constant 72 : i32
        %parallel_loop3A_678 = arith.index_cast %parallel_loop3A_677 : i32 to index
        %parallel_loop3A_679 = arith.index_cast %parallel_loop3A_676 : i32 to index
        %parallel_loop3A_680 = tpu.vector_load %arg7[%parallel_loop3A_678, %parallel_loop3A_679] {strides = array<i32>} : memref<77x768xf32, #tpu.memory_space<vmem>>, vector<1x16xf32>,
        %parallel_loop3A_681 = vector.shape_cast %parallel_loop3A_680 : vector<1x16xf32> to vector<16xf32>
        %parallel_loop3A_682 = arith.constant 0 : i32
        %parallel_loop3A_683 = arith.index_cast %parallel_loop3A_682 : i32 to index
        %parallel_loop3A_684 = arith.index_cast %parallel_loop3A_676 : i32 to index
        %parallel_loop3A_685 = tpu.vector_load %arg11[%parallel_loop3A_683, %parallel_loop3A_684] {strides = array<i32>} : memref<16x768xf32, #tpu.memory_space<vmem>>, vector<1x16xf32>,
        %parallel_loop3A_686 = vector.shape_cast %parallel_loop3A_685 : vector<1x16xf32> to vector<16xf32>
        %parallel_loop3A_687 = vector.shape_cast %parallel_loop3A_681 : vector<16xf32> to vector<1x16xf32>
        tpu.vector_store %arg11[%parallel_loop3A_683, %parallel_loop3A_684], %parallel_loop3A_687 {add = true, strides = array<i32>} : memref<16x768xf32, #tpu.memory_space<vmem>>, vector<1x16xf32>,
        %parallel_loop3A_688 = arith.constant 8 : i32
        %parallel_loop3A_689 = arith.index_cast %parallel_loop3A_688 : i32 to index
        %parallel_loop3A_690 = arith.index_cast %parallel_loop3A_676 : i32 to index
        %parallel_loop3A_691 = tpu.vector_load %arg11[%parallel_loop3A_689, %parallel_loop3A_690] {strides = array<i32>} : memref<16x768xf32, #tpu.memory_space<vmem>>, vector<1x16xf32>,
        %parallel_loop3A_692 = vector.shape_cast %parallel_loop3A_691 : vector<1x16xf32> to vector<16xf32>
        %parallel_loop3A_693 = vector.shape_cast %parallel_loop3A_681 : vector<16xf32> to vector<1x16xf32>
        tpu.vector_store %arg11[%parallel_loop3A_689, %parallel_loop3A_690], %parallel_loop3A_693 {add = true, strides = array<i32>} : memref<16x768xf32, #tpu.memory_space<vmem>>, vector<1x16xf32>,
        %parallel_loop3A_694 = arith.constant 73 : i32
        %parallel_loop3A_695 = arith.index_cast %parallel_loop3A_694 : i32 to index
        %parallel_loop3A_696 = arith.index_cast %parallel_loop3A_676 : i32 to index
        %parallel_loop3A_697 = tpu.vector_load %arg7[%parallel_loop3A_695, %parallel_loop3A_696] {strides = array<i32>} : memref<77x768xf32, #tpu.memory_space<vmem>>, vector<1x16xf32>,
        %parallel_loop3A_698 = vector.shape_cast %parallel_loop3A_697 : vector<1x16xf32> to vector<16xf32>
        %parallel_loop3A_699 = arith.constant 1 : i32
        %parallel_loop3A_700 = arith.index_cast %parallel_loop3A_699 : i32 to index
        %parallel_loop3A_701 = arith.index_cast %parallel_loop3A_676 : i32 to index
        %parallel_loop3A_702 = tpu.vector_load %arg11[%parallel_loop3A_700, %parallel_loop3A_701] {strides = array<i32>} : memref<16x768xf32, #tpu.memory_space<vmem>>, vector<1x16xf32>,
        %parallel_loop3A_703 = vector.shape_cast %parallel_loop3A_702 : vector<1x16xf32> to vector<16xf32>
        %parallel_loop3A_704 = vector.shape_cast %parallel_loop3A_698 : vector<16xf32> to vector<1x16xf32>
        tpu.vector_store %arg11[%parallel_loop3A_700, %parallel_loop3A_701], %parallel_loop3A_704 {add = true, strides = array<i32>} : memref<16x768xf32, #tpu.memory_space<vmem>>, vector<1x16xf32>,
        %parallel_loop3A_705 = arith.constant 9 : i32
        %parallel_loop3A_706 = arith.index_cast %parallel_loop3A_705 : i32 to index
        %parallel_loop3A_707 = arith.index_cast %parallel_loop3A_676 : i32 to index
        %parallel_loop3A_708 = tpu.vector_load %arg11[%parallel_loop3A_706, %parallel_loop3A_707] {strides = array<i32>} : memref<16x768xf32, #tpu.memory_space<vmem>>, vector<1x16xf32>,
        %parallel_loop3A_709 = vector.shape_cast %parallel_loop3A_708 : vector<1x16xf32> to vector<16xf32>
        %parallel_loop3A_710 = vector.shape_cast %parallel_loop3A_698 : vector<16xf32> to vector<1x16xf32>
        tpu.vector_store %arg11[%parallel_loop3A_706, %parallel_loop3A_707], %parallel_loop3A_710 {add = true, strides = array<i32>} : memref<16x768xf32, #tpu.memory_space<vmem>>, vector<1x16xf32>,
        %parallel_loop3A_711 = arith.constant 74 : i32
        %parallel_loop3A_712 = arith.index_cast %parallel_loop3A_711 : i32 to index
        %parallel_loop3A_713 = arith.index_cast %parallel_loop3A_676 : i32 to index
        %parallel_loop3A_714 = tpu.vector_load %arg7[%parallel_loop3A_712, %parallel_loop3A_713] {strides = array<i32>} : memref<77x768xf32, #tpu.memory_space<vmem>>, vector<1x16xf32>,
        %parallel_loop3A_715 = vector.shape_cast %parallel_loop3A_714 : vector<1x16xf32> to vector<16xf32>
        %parallel_loop3A_716 = arith.constant 2 : i32
        %parallel_loop3A_717 = arith.index_cast %parallel_loop3A_716 : i32 to index
        %parallel_loop3A_718 = arith.index_cast %parallel_loop3A_676 : i32 to index
        %parallel_loop3A_719 = tpu.vector_load %arg11[%parallel_loop3A_717, %parallel_loop3A_718] {strides = array<i32>} : memref<16x768xf32, #tpu.memory_space<vmem>>, vector<1x16xf32>,
        %parallel_loop3A_720 = vector.shape_cast %parallel_loop3A_719 : vector<1x16xf32> to vector<16xf32>
        %parallel_loop3A_721 = vector.shape_cast %parallel_loop3A_715 : vector<16xf32> to vector<1x16xf32>
        tpu.vector_store %arg11[%parallel_loop3A_717, %parallel_loop3A_718], %parallel_loop3A_721 {add = true, strides = array<i32>} : memref<16x768xf32, #tpu.memory_space<vmem>>, vector<1x16xf32>,
        %parallel_loop3A_722 = arith.constant 10 : i32
        %parallel_loop3A_723 = arith.index_cast %parallel_loop3A_722 : i32 to index
        %parallel_loop3A_724 = arith.index_cast %parallel_loop3A_676 : i32 to index
        %parallel_loop3A_725 = tpu.vector_load %arg11[%parallel_loop3A_723, %parallel_loop3A_724] {strides = array<i32>} : memref<16x768xf32, #tpu.memory_space<vmem>>, vector<1x16xf32>,
        %parallel_loop3A_726 = vector.shape_cast %parallel_loop3A_725 : vector<1x16xf32> to vector<16xf32>
        %parallel_loop3A_727 = vector.shape_cast %parallel_loop3A_715 : vector<16xf32> to vector<1x16xf32>
        tpu.vector_store %arg11[%parallel_loop3A_723, %parallel_loop3A_724], %parallel_loop3A_727 {add = true, strides = array<i32>} : memref<16x768xf32, #tpu.memory_space<vmem>>, vector<1x16xf32>,
        %parallel_loop3A_728 = arith.constant 75 : i32
        %parallel_loop3A_729 = arith.index_cast %parallel_loop3A_728 : i32 to index
        %parallel_loop3A_730 = arith.index_cast %parallel_loop3A_676 : i32 to index
        %parallel_loop3A_731 = tpu.vector_load %arg7[%parallel_loop3A_729, %parallel_loop3A_730] {strides = array<i32>} : memref<77x768xf32, #tpu.memory_space<vmem>>, vector<1x16xf32>,
        %parallel_loop3A_732 = vector.shape_cast %parallel_loop3A_731 : vector<1x16xf32> to vector<16xf32>
        %parallel_loop3A_733 = arith.constant 3 : i32
        %parallel_loop3A_734 = arith.index_cast %parallel_loop3A_733 : i32 to index
        %parallel_loop3A_735 = arith.index_cast %parallel_loop3A_676 : i32 to index
        %parallel_loop3A_736 = tpu.vector_load %arg11[%parallel_loop3A_734, %parallel_loop3A_735] {strides = array<i32>} : memref<16x768xf32, #tpu.memory_space<vmem>>, vector<1x16xf32>,
        %parallel_loop3A_737 = vector.shape_cast %parallel_loop3A_736 : vector<1x16xf32> to vector<16xf32>
        %parallel_loop3A_738 = vector.shape_cast %parallel_loop3A_732 : vector<16xf32> to vector<1x16xf32>
        tpu.vector_store %arg11[%parallel_loop3A_734, %parallel_loop3A_735], %parallel_loop3A_738 {add = true, strides = array<i32>} : memref<16x768xf32, #tpu.memory_space<vmem>>, vector<1x16xf32>,
        %parallel_loop3A_739 = arith.constant 11 : i32
        %parallel_loop3A_740 = arith.index_cast %parallel_loop3A_739 : i32 to index
        %parallel_loop3A_741 = arith.index_cast %parallel_loop3A_676 : i32 to index
        %parallel_loop3A_742 = tpu.vector_load %arg11[%parallel_loop3A_740, %parallel_loop3A_741] {strides = array<i32>} : memref<16x768xf32, #tpu.memory_space<vmem>>, vector<1x16xf32>,
        %parallel_loop3A_743 = vector.shape_cast %parallel_loop3A_742 : vector<1x16xf32> to vector<16xf32>
        %parallel_loop3A_744 = vector.shape_cast %parallel_loop3A_732 : vector<16xf32> to vector<1x16xf32>
        tpu.vector_store %arg11[%parallel_loop3A_740, %parallel_loop3A_741], %parallel_loop3A_744 {add = true, strides = array<i32>} : memref<16x768xf32, #tpu.memory_space<vmem>>, vector<1x16xf32>,
        %parallel_loop3A_745 = arith.constant 76 : i32
        %parallel_loop3A_746 = arith.index_cast %parallel_loop3A_745 : i32 to index
        %parallel_loop3A_747 = arith.index_cast %parallel_loop3A_676 : i32 to index
        %parallel_loop3A_748 = tpu.vector_load %arg7[%parallel_loop3A_746, %parallel_loop3A_747] {strides = array<i32>} : memref<77x768xf32, #tpu.memory_space<vmem>>, vector<1x16xf32>,
        %parallel_loop3A_749 = vector.shape_cast %parallel_loop3A_748 : vector<1x16xf32> to vector<16xf32>
        %parallel_loop3A_750 = arith.constant 4 : i32
        %parallel_loop3A_751 = arith.index_cast %parallel_loop3A_750 : i32 to index
        %parallel_loop3A_752 = arith.index_cast %parallel_loop3A_676 : i32 to index
        %parallel_loop3A_753 = tpu.vector_load %arg11[%parallel_loop3A_751, %parallel_loop3A_752] {strides = array<i32>} : memref<16x768xf32, #tpu.memory_space<vmem>>, vector<1x16xf32>,
        %parallel_loop3A_754 = vector.shape_cast %parallel_loop3A_753 : vector<1x16xf32> to vector<16xf32>
        %parallel_loop3A_755 = vector.shape_cast %parallel_loop3A_749 : vector<16xf32> to vector<1x16xf32>
        tpu.vector_store %arg11[%parallel_loop3A_751, %parallel_loop3A_752], %parallel_loop3A_755 {add = true, strides = array<i32>} : memref<16x768xf32, #tpu.memory_space<vmem>>, vector<1x16xf32>,
        %parallel_loop3A_756 = arith.constant 12 : i32
        %parallel_loop3A_757 = arith.index_cast %parallel_loop3A_756 : i32 to index
        %parallel_loop3A_758 = arith.index_cast %parallel_loop3A_676 : i32 to index
        %parallel_loop3A_759 = tpu.vector_load %arg11[%parallel_loop3A_757, %parallel_loop3A_758] {strides = array<i32>} : memref<16x768xf32, #tpu.memory_space<vmem>>, vector<1x16xf32>,
        %parallel_loop3A_760 = vector.shape_cast %parallel_loop3A_759 : vector<1x16xf32> to vector<16xf32>
        %parallel_loop3A_761 = vector.shape_cast %parallel_loop3A_749 : vector<16xf32> to vector<1x16xf32>
        tpu.vector_store %arg11[%parallel_loop3A_757, %parallel_loop3A_758], %parallel_loop3A_761 {add = true, strides = array<i32>} : memref<16x768xf32, #tpu.memory_space<vmem>>, vector<1x16xf32>,
      } {sc.loop_unroll_factor = 2 : i64, sc.parallel_access}
      %mul3A_641 = arith.constant 2 : i32
      %mul3A_642 = arith.muli %mul3A_641, %add3A_617 : i32
      %add3A_643 = arith.addi %mul3A_2, %mul3A_642 : i32
      %dma_start3A_644 = arith.constant 0 : i32
      %dma_start3A_645 = arith.constant 0 : i32
      %dma_start3A_646 = tpu.memref_slice %arg11[%dma_start3A_644, %dma_start3A_645] : memref<16x768xf32, #tpu.memory_space<vmem>> -> memref<5x768xf32, #tpu.memory_space<vmem>>
      %dma_start3A_647 = arith.constant 72 : i32
      %dma_start3A_648 = arith.constant 0 : i32
      %dma_start3A_649 = tpu.memref_slice %arg5[%add3A_643, %dma_start3A_647, %dma_start3A_648] : memref<4096x77x768xf32, #tpu.memory_space<hbm>> -> memref<1x5x768xf32, #tpu.memory_space<hbm>>
      %dma_start3A_650 = tpu.memref_squeeze %dma_start3A_649 : memref<1x5x768xf32, #tpu.memory_space<hbm>> -> memref<5x768xf32, #tpu.memory_space<hbm>>
      %dma_start3A_651 = arith.constant 72 : i32
      %dma_start3A_652 = arith.constant 0 : i32
      %dma_start3A_653 = tpu.memref_slice %arg5[%add3A_643, %dma_start3A_651, %dma_start3A_652] : memref<4096x77x768xf32, #tpu.memory_space<hbm>> -> memref<1x5x768xf32, #tpu.memory_space<hbm>>
      %dma_start3A_654 = tpu.memref_squeeze %dma_start3A_653 : memref<1x5x768xf32, #tpu.memory_space<hbm>> -> memref<5x768xf32, #tpu.memory_space<hbm>>
      %dma_start3A_655 = arith.constant 0 : i32
      %dma_start3A_656 = arith.constant 0 : i32
      %dma_start3A_657 = tpu.memref_slice %arg11[%dma_start3A_655, %dma_start3A_656] : memref<16x768xf32, #tpu.memory_space<vmem>> -> memref<5x768xf32, #tpu.memory_space<vmem>>
      tpu.enqueue_dma source(%dma_start3A_657 : memref<5x768xf32, #tpu.memory_space<vmem>>) target(%dma_start3A_654 : memref<5x768xf32, #tpu.memory_space<hbm>>) target_semaphore(%arg19 : memref<!tpu.dma_semaphore, #tpu.memory_space<semaphore_mem>>)
      %add3A_658 = arith.constant 1 : i32
      %add3A_659 = arith.addi %add3A_643, %add3A_658 : i32
      %dma_start3A_660 = arith.constant 8 : i32
      %dma_start3A_661 = arith.constant 0 : i32
      %dma_start3A_662 = tpu.memref_slice %arg11[%dma_start3A_660, %dma_start3A_661] : memref<16x768xf32, #tpu.memory_space<vmem>> -> memref<5x768xf32, #tpu.memory_space<vmem>>
      %dma_start3A_663 = arith.constant 72 : i32
      %dma_start3A_664 = arith.constant 0 : i32
      %dma_start3A_665 = tpu.memref_slice %arg5[%add3A_659, %dma_start3A_663, %dma_start3A_664] : memref<4096x77x768xf32, #tpu.memory_space<hbm>> -> memref<1x5x768xf32, #tpu.memory_space<hbm>>
      %dma_start3A_666 = tpu.memref_squeeze %dma_start3A_665 : memref<1x5x768xf32, #tpu.memory_space<hbm>> -> memref<5x768xf32, #tpu.memory_space<hbm>>
      %dma_start3A_667 = arith.constant 72 : i32
      %dma_start3A_668 = arith.constant 0 : i32
      %dma_start3A_669 = tpu.memref_slice %arg5[%add3A_659, %dma_start3A_667, %dma_start3A_668] : memref<4096x77x768xf32, #tpu.memory_space<hbm>> -> memref<1x5x768xf32, #tpu.memory_space<hbm>>
      %dma_start3A_670 = tpu.memref_squeeze %dma_start3A_669 : memref<1x5x768xf32, #tpu.memory_space<hbm>> -> memref<5x768xf32, #tpu.memory_space<hbm>>
      %dma_start3A_671 = arith.constant 8 : i32
      %dma_start3A_672 = arith.constant 0 : i32
      %dma_start3A_673 = tpu.memref_slice %arg11[%dma_start3A_671, %dma_start3A_672] : memref<16x768xf32, #tpu.memory_space<vmem>> -> memref<5x768xf32, #tpu.memory_space<vmem>>
      tpu.enqueue_dma source(%dma_start3A_673 : memref<5x768xf32, #tpu.memory_space<vmem>>) target(%dma_start3A_670 : memref<5x768xf32, #tpu.memory_space<hbm>>) target_semaphore(%arg19 : memref<!tpu.dma_semaphore, #tpu.memory_space<semaphore_mem>>)
    }
    %scan3A_316 = arith.constant 16 : i32
    %dma_wait3A_317 = arith.constant 0 : i32
    %dma_wait3A_318 = arith.constant 0 : i32
    %dma_wait3A_319 = arith.constant 0 : i32
    %dma_wait3A_320 = tpu.memref_slice %arg8[%dma_wait3A_318, %dma_wait3A_319] : memref<16x768xf32, #tpu.memory_space<vmem>> -> memref<5x768xf32, #tpu.memory_space<vmem>>
    %dma_wait3A_321 = arith.constant 0 : i32
    %dma_wait3A_322 = arith.constant 0 : i32
    %dma_wait3A_323 = tpu.memref_slice %arg5[%dma_wait3A_317, %dma_wait3A_321, %dma_wait3A_322] : memref<4096x77x768xf32, #tpu.memory_space<hbm>> -> memref<1x5x768xf32, #tpu.memory_space<hbm>>
    %dma_wait3A_324 = tpu.memref_squeeze %dma_wait3A_323 : memref<1x5x768xf32, #tpu.memory_space<hbm>> -> memref<5x768xf32, #tpu.memory_space<hbm>>
    %dma_wait3A_325 = arith.constant 0 : i32
    %dma_wait3A_326 = arith.constant 0 : i32
    %dma_wait3A_327 = tpu.memref_slice %arg5[%dma_wait3A_317, %dma_wait3A_325, %dma_wait3A_326] : memref<4096x77x768xf32, #tpu.memory_space<hbm>> -> memref<1x5x768xf32, #tpu.memory_space<hbm>>
    %dma_wait3A_328 = tpu.memref_squeeze %dma_wait3A_327 : memref<1x5x768xf32, #tpu.memory_space<hbm>> -> memref<5x768xf32, #tpu.memory_space<hbm>>
    %dma_wait3A_329 = arith.constant 0 : i32
    %dma_wait3A_330 = arith.constant 0 : i32
    %dma_wait3A_331 = tpu.memref_slice %arg8[%dma_wait3A_329, %dma_wait3A_330] : memref<16x768xf32, #tpu.memory_space<vmem>> -> memref<5x768xf32, #tpu.memory_space<vmem>>
    tpu.wait_dma2 semaphore(%arg16 : memref<!tpu.dma_semaphore, #tpu.memory_space<semaphore_mem>>) src(%dma_wait3A_331 : memref<5x768xf32, #tpu.memory_space<vmem>>) dst(%dma_wait3A_328 : memref<5x768xf32, #tpu.memory_space<hbm>>)
    %dma_wait3A_332 = arith.constant 0 : i32
    %dma_wait3A_333 = arith.constant 0 : i32
    %dma_wait3A_334 = arith.constant 0 : i32
    %dma_wait3A_335 = tpu.memref_slice %arg8[%dma_wait3A_333, %dma_wait3A_334] : memref<16x768xf32, #tpu.memory_space<vmem>> -> memref<5x768xf32, #tpu.memory_space<vmem>>
    %dma_wait3A_336 = arith.constant 0 : i32
    %dma_wait3A_337 = arith.constant 0 : i32
    %dma_wait3A_338 = tpu.memref_slice %arg5[%dma_wait3A_332, %dma_wait3A_336, %dma_wait3A_337] : memref<4096x77x768xf32, #tpu.memory_space<hbm>> -> memref<1x5x768xf32, #tpu.memory_space<hbm>>
    %dma_wait3A_339 = tpu.memref_squeeze %dma_wait3A_338 : memref<1x5x768xf32, #tpu.memory_space<hbm>> -> memref<5x768xf32, #tpu.memory_space<hbm>>
    %dma_wait3A_340 = arith.constant 0 : i32
    %dma_wait3A_341 = arith.constant 0 : i32
    %dma_wait3A_342 = tpu.memref_slice %arg5[%dma_wait3A_332, %dma_wait3A_340, %dma_wait3A_341] : memref<4096x77x768xf32, #tpu.memory_space<hbm>> -> memref<1x5x768xf32, #tpu.memory_space<hbm>>
    %dma_wait3A_343 = tpu.memref_squeeze %dma_wait3A_342 : memref<1x5x768xf32, #tpu.memory_space<hbm>> -> memref<5x768xf32, #tpu.memory_space<hbm>>
    %dma_wait3A_344 = arith.constant 0 : i32
    %dma_wait3A_345 = arith.constant 0 : i32
    %dma_wait3A_346 = tpu.memref_slice %arg8[%dma_wait3A_344, %dma_wait3A_345] : memref<16x768xf32, #tpu.memory_space<vmem>> -> memref<5x768xf32, #tpu.memory_space<vmem>>
    tpu.wait_dma2 semaphore(%arg16 : memref<!tpu.dma_semaphore, #tpu.memory_space<semaphore_mem>>) src(%dma_wait3A_346 : memref<5x768xf32, #tpu.memory_space<vmem>>) dst(%dma_wait3A_343 : memref<5x768xf32, #tpu.memory_space<hbm>>)
    %dma_wait3A_347 = arith.constant 0 : i32
    %dma_wait3A_348 = arith.constant 0 : i32
    %dma_wait3A_349 = arith.constant 0 : i32
    %dma_wait3A_350 = tpu.memref_slice %arg9[%dma_wait3A_348, %dma_wait3A_349] : memref<16x768xf32, #tpu.memory_space<vmem>> -> memref<5x768xf32, #tpu.memory_space<vmem>>
    %dma_wait3A_351 = arith.constant 0 : i32
    %dma_wait3A_352 = arith.constant 0 : i32
    %dma_wait3A_353 = tpu.memref_slice %arg5[%dma_wait3A_347, %dma_wait3A_351, %dma_wait3A_352] : memref<4096x77x768xf32, #tpu.memory_space<hbm>> -> memref<1x5x768xf32, #tpu.memory_space<hbm>>
    %dma_wait3A_354 = tpu.memref_squeeze %dma_wait3A_353 : memref<1x5x768xf32, #tpu.memory_space<hbm>> -> memref<5x768xf32, #tpu.memory_space<hbm>>
    %dma_wait3A_355 = arith.constant 0 : i32
    %dma_wait3A_356 = arith.constant 0 : i32
    %dma_wait3A_357 = tpu.memref_slice %arg5[%dma_wait3A_347, %dma_wait3A_355, %dma_wait3A_356] : memref<4096x77x768xf32, #tpu.memory_space<hbm>> -> memref<1x5x768xf32, #tpu.memory_space<hbm>>
    %dma_wait3A_358 = tpu.memref_squeeze %dma_wait3A_357 : memref<1x5x768xf32, #tpu.memory_space<hbm>> -> memref<5x768xf32, #tpu.memory_space<hbm>>
    %dma_wait3A_359 = arith.constant 0 : i32
    %dma_wait3A_360 = arith.constant 0 : i32
    %dma_wait3A_361 = tpu.memref_slice %arg9[%dma_wait3A_359, %dma_wait3A_360] : memref<16x768xf32, #tpu.memory_space<vmem>> -> memref<5x768xf32, #tpu.memory_space<vmem>>
    tpu.wait_dma2 semaphore(%arg17 : memref<!tpu.dma_semaphore, #tpu.memory_space<semaphore_mem>>) src(%dma_wait3A_361 : memref<5x768xf32, #tpu.memory_space<vmem>>) dst(%dma_wait3A_358 : memref<5x768xf32, #tpu.memory_space<hbm>>)
    %dma_wait3A_362 = arith.constant 0 : i32
    %dma_wait3A_363 = arith.constant 0 : i32
    %dma_wait3A_364 = arith.constant 0 : i32
    %dma_wait3A_365 = tpu.memref_slice %arg9[%dma_wait3A_363, %dma_wait3A_364] : memref<16x768xf32, #tpu.memory_space<vmem>> -> memref<5x768xf32, #tpu.memory_space<vmem>>
    %dma_wait3A_366 = arith.constant 0 : i32
    %dma_wait3A_367 = arith.constant 0 : i32
    %dma_wait3A_368 = tpu.memref_slice %arg5[%dma_wait3A_362, %dma_wait3A_366, %dma_wait3A_367] : memref<4096x77x768xf32, #tpu.memory_space<hbm>> -> memref<1x5x768xf32, #tpu.memory_space<hbm>>
    %dma_wait3A_369 = tpu.memref_squeeze %dma_wait3A_368 : memref<1x5x768xf32, #tpu.memory_space<hbm>> -> memref<5x768xf32, #tpu.memory_space<hbm>>
    %dma_wait3A_370 = arith.constant 0 : i32
    %dma_wait3A_371 = arith.constant 0 : i32
    %dma_wait3A_372 = tpu.memref_slice %arg5[%dma_wait3A_362, %dma_wait3A_370, %dma_wait3A_371] : memref<4096x77x768xf32, #tpu.memory_space<hbm>> -> memref<1x5x768xf32, #tpu.memory_space<hbm>>
    %dma_wait3A_373 = tpu.memref_squeeze %dma_wait3A_372 : memref<1x5x768xf32, #tpu.memory_space<hbm>> -> memref<5x768xf32, #tpu.memory_space<hbm>>
    %dma_wait3A_374 = arith.constant 0 : i32
    %dma_wait3A_375 = arith.constant 0 : i32
    %dma_wait3A_376 = tpu.memref_slice %arg9[%dma_wait3A_374, %dma_wait3A_375] : memref<16x768xf32, #tpu.memory_space<vmem>> -> memref<5x768xf32, #tpu.memory_space<vmem>>
    tpu.wait_dma2 semaphore(%arg17 : memref<!tpu.dma_semaphore, #tpu.memory_space<semaphore_mem>>) src(%dma_wait3A_376 : memref<5x768xf32, #tpu.memory_space<vmem>>) dst(%dma_wait3A_373 : memref<5x768xf32, #tpu.memory_space<hbm>>)
    %dma_wait3A_377 = arith.constant 0 : i32
    %dma_wait3A_378 = arith.constant 0 : i32
    %dma_wait3A_379 = arith.constant 0 : i32
    %dma_wait3A_380 = tpu.memref_slice %arg10[%dma_wait3A_378, %dma_wait3A_379] : memref<16x768xf32, #tpu.memory_space<vmem>> -> memref<5x768xf32, #tpu.memory_space<vmem>>
    %dma_wait3A_381 = arith.constant 0 : i32
    %dma_wait3A_382 = arith.constant 0 : i32
    %dma_wait3A_383 = tpu.memref_slice %arg5[%dma_wait3A_377, %dma_wait3A_381, %dma_wait3A_382] : memref<4096x77x768xf32, #tpu.memory_space<hbm>> -> memref<1x5x768xf32, #tpu.memory_space<hbm>>
    %dma_wait3A_384 = tpu.memref_squeeze %dma_wait3A_383 : memref<1x5x768xf32, #tpu.memory_space<hbm>> -> memref<5x768xf32, #tpu.memory_space<hbm>>
    %dma_wait3A_385 = arith.constant 0 : i32
    %dma_wait3A_386 = arith.constant 0 : i32
    %dma_wait3A_387 = tpu.memref_slice %arg5[%dma_wait3A_377, %dma_wait3A_385, %dma_wait3A_386] : memref<4096x77x768xf32, #tpu.memory_space<hbm>> -> memref<1x5x768xf32, #tpu.memory_space<hbm>>
    %dma_wait3A_388 = tpu.memref_squeeze %dma_wait3A_387 : memref<1x5x768xf32, #tpu.memory_space<hbm>> -> memref<5x768xf32, #tpu.memory_space<hbm>>
    %dma_wait3A_389 = arith.constant 0 : i32
    %dma_wait3A_390 = arith.constant 0 : i32
    %dma_wait3A_391 = tpu.memref_slice %arg10[%dma_wait3A_389, %dma_wait3A_390] : memref<16x768xf32, #tpu.memory_space<vmem>> -> memref<5x768xf32, #tpu.memory_space<vmem>>
    tpu.wait_dma2 semaphore(%arg18 : memref<!tpu.dma_semaphore, #tpu.memory_space<semaphore_mem>>) src(%dma_wait3A_391 : memref<5x768xf32, #tpu.memory_space<vmem>>) dst(%dma_wait3A_388 : memref<5x768xf32, #tpu.memory_space<hbm>>)
    %dma_wait3A_392 = arith.constant 0 : i32
    %dma_wait3A_393 = arith.constant 0 : i32
    %dma_wait3A_394 = arith.constant 0 : i32
    %dma_wait3A_395 = tpu.memref_slice %arg10[%dma_wait3A_393, %dma_wait3A_394] : memref<16x768xf32, #tpu.memory_space<vmem>> -> memref<5x768xf32, #tpu.memory_space<vmem>>
    %dma_wait3A_396 = arith.constant 0 : i32
    %dma_wait3A_397 = arith.constant 0 : i32
    %dma_wait3A_398 = tpu.memref_slice %arg5[%dma_wait3A_392, %dma_wait3A_396, %dma_wait3A_397] : memref<4096x77x768xf32, #tpu.memory_space<hbm>> -> memref<1x5x768xf32, #tpu.memory_space<hbm>>
    %dma_wait3A_399 = tpu.memref_squeeze %dma_wait3A_398 : memref<1x5x768xf32, #tpu.memory_space<hbm>> -> memref<5x768xf32, #tpu.memory_space<hbm>>
    %dma_wait3A_400 = arith.constant 0 : i32
    %dma_wait3A_401 = arith.constant 0 : i32
    %dma_wait3A_402 = tpu.memref_slice %arg5[%dma_wait3A_392, %dma_wait3A_400, %dma_wait3A_401] : memref<4096x77x768xf32, #tpu.memory_space<hbm>> -> memref<1x5x768xf32, #tpu.memory_space<hbm>>
    %dma_wait3A_403 = tpu.memref_squeeze %dma_wait3A_402 : memref<1x5x768xf32, #tpu.memory_space<hbm>> -> memref<5x768xf32, #tpu.memory_space<hbm>>
    %dma_wait3A_404 = arith.constant 0 : i32
    %dma_wait3A_405 = arith.constant 0 : i32
    %dma_wait3A_406 = tpu.memref_slice %arg10[%dma_wait3A_404, %dma_wait3A_405] : memref<16x768xf32, #tpu.memory_space<vmem>> -> memref<5x768xf32, #tpu.memory_space<vmem>>
    tpu.wait_dma2 semaphore(%arg18 : memref<!tpu.dma_semaphore, #tpu.memory_space<semaphore_mem>>) src(%dma_wait3A_406 : memref<5x768xf32, #tpu.memory_space<vmem>>) dst(%dma_wait3A_403 : memref<5x768xf32, #tpu.memory_space<hbm>>)
    %dma_wait3A_407 = arith.constant 0 : i32
    %dma_wait3A_408 = arith.constant 0 : i32
    %dma_wait3A_409 = arith.constant 0 : i32
    %dma_wait3A_410 = tpu.memref_slice %arg11[%dma_wait3A_408, %dma_wait3A_409] : memref<16x768xf32, #tpu.memory_space<vmem>> -> memref<5x768xf32, #tpu.memory_space<vmem>>
    %dma_wait3A_411 = arith.constant 0 : i32
    %dma_wait3A_412 = arith.constant 0 : i32
    %dma_wait3A_413 = tpu.memref_slice %arg5[%dma_wait3A_407, %dma_wait3A_411, %dma_wait3A_412] : memref<4096x77x768xf32, #tpu.memory_space<hbm>> -> memref<1x5x768xf32, #tpu.memory_space<hbm>>
    %dma_wait3A_414 = tpu.memref_squeeze %dma_wait3A_413 : memref<1x5x768xf32, #tpu.memory_space<hbm>> -> memref<5x768xf32, #tpu.memory_space<hbm>>
    %dma_wait3A_415 = arith.constant 0 : i32
    %dma_wait3A_416 = arith.constant 0 : i32
    %dma_wait3A_417 = tpu.memref_slice %arg5[%dma_wait3A_407, %dma_wait3A_415, %dma_wait3A_416] : memref<4096x77x768xf32, #tpu.memory_space<hbm>> -> memref<1x5x768xf32, #tpu.memory_space<hbm>>
    %dma_wait3A_418 = tpu.memref_squeeze %dma_wait3A_417 : memref<1x5x768xf32, #tpu.memory_space<hbm>> -> memref<5x768xf32, #tpu.memory_space<hbm>>
    %dma_wait3A_419 = arith.constant 0 : i32
    %dma_wait3A_420 = arith.constant 0 : i32
    %dma_wait3A_421 = tpu.memref_slice %arg11[%dma_wait3A_419, %dma_wait3A_420] : memref<16x768xf32, #tpu.memory_space<vmem>> -> memref<5x768xf32, #tpu.memory_space<vmem>>
    tpu.wait_dma2 semaphore(%arg19 : memref<!tpu.dma_semaphore, #tpu.memory_space<semaphore_mem>>) src(%dma_wait3A_421 : memref<5x768xf32, #tpu.memory_space<vmem>>) dst(%dma_wait3A_418 : memref<5x768xf32, #tpu.memory_space<hbm>>)
    %dma_wait3A_422 = arith.constant 0 : i32
    %dma_wait3A_423 = arith.constant 0 : i32
    %dma_wait3A_424 = arith.constant 0 : i32
    %dma_wait3A_425 = tpu.memref_slice %arg11[%dma_wait3A_423, %dma_wait3A_424] : memref<16x768xf32, #tpu.memory_space<vmem>> -> memref<5x768xf32, #tpu.memory_space<vmem>>
    %dma_wait3A_426 = arith.constant 0 : i32
    %dma_wait3A_427 = arith.constant 0 : i32
    %dma_wait3A_428 = tpu.memref_slice %arg5[%dma_wait3A_422, %dma_wait3A_426, %dma_wait3A_427] : memref<4096x77x768xf32, #tpu.memory_space<hbm>> -> memref<1x5x768xf32, #tpu.memory_space<hbm>>
    %dma_wait3A_429 = tpu.memref_squeeze %dma_wait3A_428 : memref<1x5x768xf32, #tpu.memory_space<hbm>> -> memref<5x768xf32, #tpu.memory_space<hbm>>
    %dma_wait3A_430 = arith.constant 0 : i32
    %dma_wait3A_431 = arith.constant 0 : i32
    %dma_wait3A_432 = tpu.memref_slice %arg5[%dma_wait3A_422, %dma_wait3A_430, %dma_wait3A_431] : memref<4096x77x768xf32, #tpu.memory_space<hbm>> -> memref<1x5x768xf32, #tpu.memory_space<hbm>>
    %dma_wait3A_433 = tpu.memref_squeeze %dma_wait3A_432 : memref<1x5x768xf32, #tpu.memory_space<hbm>> -> memref<5x768xf32, #tpu.memory_space<hbm>>
    %dma_wait3A_434 = arith.constant 0 : i32
    %dma_wait3A_435 = arith.constant 0 : i32
    %dma_wait3A_436 = tpu.memref_slice %arg11[%dma_wait3A_434, %dma_wait3A_435] : memref<16x768xf32, #tpu.memory_space<vmem>> -> memref<5x768xf32, #tpu.memory_space<vmem>>
    tpu.wait_dma2 semaphore(%arg19 : memref<!tpu.dma_semaphore, #tpu.memory_space<semaphore_mem>>) src(%dma_wait3A_436 : memref<5x768xf32, #tpu.memory_space<vmem>>) dst(%dma_wait3A_433 : memref<5x768xf32, #tpu.memory_space<hbm>>)
    return
  }
}

</mosaic_0001>

<sc_bundles>
// kernel: kernel.3.cloned.1.call-start
scs
__scs_entry_jumppad:
0x0: {  	(pc) =	sbr.rel $0x88, $3  }
0x1: {  	(tag) =	ssettag $0x0;
	lr =	simm.s32 $0x1  }
0x2: {  	[smem:$0x3F9E] =	sst lr;
	_ =	strace $0xD0000000  }
0x3: {  	_ = 	snop  }
0x4: {  	_ = 	snop  }
0x5: {  	_ = 	snop  }
0x6: {  	_ = 	snop  }
0x7: {  	_ = 	snop  }
__scs_overlays_trampoline_lowered:
0x8: {  	[smem:$0x3FAD] =	sst s0  }
0x9: {  	[smem:$0x3FAE] =	sst s1  }
0xa: {  	[smem:$0x3FAF] =	sst s2  }
0xb: {  	[smem:$0x3FB0] =	sst s3  }
0xc: {  	[smem:$0x3FB1] =	sst s4  }
0xd: {  	[smem:$0x3FB2] =	sst s5  }
0xe: {  	[smem:$0x3FB3] =	sst s6  }
0xf: {  	[smem:$0x3FB4] =	sst s7  }
0x10: {  	[smem:$0x3FB5] =	sst s8  }
0x11: {  	[smem:$0x3FB6] =	sst s9;
	s0 =	simm.s32 @!p0 $0x0  }
0x12: {  	s1 =	sld [smem:$0x3F9C];
	s0 =	simm.s32 @p0 $0x1  }
0x13: {  	[smem:$0x3FB7] =	sst s0;
	s0 =	simm.s32 @!p1 $0x0  }
0x14: {  	s2 =	sld [smem:$0x3F9B];
	s0 =	simm.s32 @p1 $0x1  }
0x15: {  	[smem:$0x3FB8] =	sst s0;
	s0 =	simm.s32 @!p2 $0x0  }
0x16: {  	s3 =	sld [smem:$0x3FDB];
	s0 =	simm.s32 @p2 $0x1  }
0x17: {  	s4 =	simm.s32 $0x1BF5;
	[smem:$0x3FBA] =	sst s0  }
0x18: {  	s0 =	sld [smem:$0x3F9D];
	_ =	swait.ge [sflag:s4], $0x0  }
0x19: {  	s7 =	sld [smem:$0x3F9E]  }
0x1a: {  	s8 =	sadd.s32 $0xFFFFE003, lr  }
0x1b: {  	s9 =	sadd.s32 $0xFFFFFEF7, lr;
	s5 =	simm.s32 $0xFFFFFFFF;
	p2 =	slt.u32 s8, $0xFFFFF086  }
0x1c: {  	p1 =	slt.u32 s9, $0xF7A;
	s5 =	simm.s32 @!p2 $0x0  }
0x1d: {  	s5 =	simm.s32 @p1 $0x1;
	p0 =	seq.s32 s7, s2  }
0x1e: {  	s7 =	smul.u32 @!p0 $0xF7A, s2;
	p2 =	seq.s32 @!p0 s5, $0x0  }
0x1f: {  	s9 =	smul.u32 $0xF7A, s1;
	s8 =	simm.s32 @!p0 $0x1BF5;
	p2 =	por !p2, p0  }
0x20: {  	[sflag:s8] =	ssyncset.s32 @!p0 $0xFFFFF086;
	s6 =	sadd.s32 @!p0 s3, s7;
	s7 =	simm.s32 @!p0 $0x108  }
0x21: {  	s3 =	sadd.s32 s3, s9;
	s6 =	sadd.s32 @!p0 $0x88, s6;
	s7 =	simm.s32 @p2 $0x1082  }
0x22: {  	[simem:s7], [sflag:s8] =	dma.local @!p0 [hbm:s6], $0xF7A  }
0x23: {  	s9 =	sor.u32 $0xD0000000, s2;
	s6 =	simm.s32 $0x108;
	_ =	swait.ge @!p0 [sflag:s8], $0x0  }
0x24: {  	s3 =	sadd.s32 $0x88, s3;
	s6 =	simm.s32 @!p1 $0x1082;
	[sflag:s4] =	ssyncset.s32 $0xFFFFF086  }
0x25: {  	[simem:s6], [sflag:s4] =	dma.local [hbm:s3], $0xF7A  }
0x26: {  	[smem:$0x3F9E] =	sst s1;
	(tag) =	ssettag s2;
	_ =	strace s9  }
0x27: {  	s1 =	sld [smem:$0x3FAE]  }
0x28: {  	s2 =	sld [smem:$0x3FAF]  }
0x29: {  	s4 =	sld [smem:$0x3FB1]  }
0x2a: {  	p0 =	seq.s32 s5, $0x0;
	s5 =	sld [smem:$0x3FB2]  }
0x2b: {  	s6 =	sld [smem:$0x3FB3]  }
0x2c: {  	s7 =	sld [smem:$0x3FB4]  }
0x2d: {  	s3 =	simm.s32 $0x108;
	s8 =	sld [smem:$0x3FB5]  }
0x2e: {  	s3 =	simm.s32 @!p0 $0x1082;
	s9 =	sld [smem:$0x3FB6]  }
0x2f: {  	lr =	sadd.s32 s0, s3;
	s0 =	sld [smem:$0x3FAD]  }
0x30: {  	s3 =	sld [smem:$0x3FB0]  }
0x31: {  	[smem:$0x3FB9] =	sst s10  }
0x32: {  	s10 =	sld [smem:$0x3FB7];
	_ =	sdelay $0x3  }
0x33: {  	p0 =	seq.s32 s10, $0x1;
	s10 =	sld [smem:$0x3FB9];
	_ =	sdelay $0x3  }
0x34: {  	[smem:$0x3FB9] =	sst s10  }
0x35: {  	s10 =	sld [smem:$0x3FB8];
	_ =	sdelay $0x3  }
0x36: {  	p1 =	seq.s32 s10, $0x1;
	s10 =	sld [smem:$0x3FB9];
	_ =	sdelay $0x3  }
0x37: {  	[smem:$0x3FB9] =	sst s10  }
0x38: {  	s10 =	sld [smem:$0x3FBA]  }
0x39: {  	_ = 	snop;
	(pc) =	sbr.ind lr, $3  }
0x3a: {  	_ = 	snop  }
0x3b: {  	_ = 	snop  }
0x3c: {  	p2 =	seq.s32 s10, $0x1;
	s10 =	sld [smem:$0x3FB9]  }
0x3d: {  	_ =	shalt  }
0x3e: {  	_ =	shalt  }
0x3f: {  	_ =	shalt  }
0x40: {  	_ =	shalt  }
0x41: {  	_ =	shalt  }
0x42: {  	_ =	shalt  }
0x43: {  	_ =	shalt  }
0x44: {  	_ =	shalt  }
0x45: {  	_ =	shalt  }
0x46: {  	_ =	shalt  }
0x47: {  	_ =	shalt  }
0x48: {  	_ =	shalt  }
0x49: {  	_ =	shalt  }
0x4a: {  	_ =	shalt  }
0x4b: {  	_ =	shalt  }
0x4c: {  	_ =	shalt  }
0x4d: {  	_ =	shalt  }
0x4e: {  	_ =	shalt  }
0x4f: {  	_ =	shalt  }
0x50: {  	_ =	shalt  }
0x51: {  	_ =	shalt  }
0x52: {  	_ =	shalt  }
0x53: {  	_ =	shalt  }
0x54: {  	_ =	shalt  }
0x55: {  	_ =	shalt  }
0x56: {  	_ =	shalt  }
0x57: {  	_ =	shalt  }
0x58: {  	_ =	shalt  }
0x59: {  	_ =	shalt  }
0x5a: {  	_ =	shalt  }
0x5b: {  	_ =	shalt  }
0x5c: {  	_ =	shalt  }
0x5d: {  	_ =	shalt  }
0x5e: {  	_ =	shalt  }
0x5f: {  	_ =	shalt  }
0x60: {  	_ =	shalt  }
0x61: {  	_ =	shalt  }
0x62: {  	_ =	shalt  }
0x63: {  	_ =	shalt  }
0x64: {  	_ =	shalt  }
0x65: {  	_ =	shalt  }
0x66: {  	_ =	shalt  }
0x67: {  	_ =	shalt  }
0x68: {  	_ =	shalt  }
0x69: {  	_ =	shalt  }
0x6a: {  	_ =	shalt  }
0x6b: {  	_ =	shalt  }
0x6c: {  	_ =	shalt  }
0x6d: {  	_ =	shalt  }
0x6e: {  	_ =	shalt  }
0x6f: {  	_ =	shalt  }
0x70: {  	_ =	shalt  }
0x71: {  	_ =	shalt  }
0x72: {  	_ =	shalt  }
0x73: {  	_ =	shalt  }
0x74: {  	_ =	shalt  }
0x75: {  	_ =	shalt  }
0x76: {  	_ =	shalt  }
0x77: {  	_ =	shalt  }
0x78: {  	_ =	shalt  }
0x79: {  	_ =	shalt  }
0x7a: {  	_ =	shalt  }
0x7b: {  	_ =	shalt  }
0x7c: {  	_ =	shalt  }
0x7d: {  	_ =	shalt  }
0x7e: {  	_ =	shalt  }
0x7f: {  	_ =	shalt  }
0x80: {  	_ =	shalt  }
0x81: {  	_ =	shalt  }
0x82: {  	_ =	shalt  }
0x83: {  	_ =	shalt  }
0x84: {  	_ =	shalt  }
0x85: {  	_ =	shalt  }
0x86: {  	_ =	shalt  }
0x87: {  	_ =	shalt  }
.Lfunc_end0:
.L_simem_size_0:
called_computation_lowered:
.L_overlay_start_0:
0x88: {  	s2 =	sld [smem:$0x3FD9]  }
0x89: {  	s3 =	sld [smem:$0x3FFE];
	_ =	sdelay $0x1  }
0x8a: {  	s1 =	srdreg.scid  }
0x8b: {  	s0 =	sand.u32 $0x1, s1  }
0x8c: {  	s17 =	sshll.u32 s0, $0xA;
	s2 =	sadd.s32 s3, s2  }
0x8d: {  	s2 =	sadd.s32 s2, s17  }
0x8e: {  	[smem:$0x3FC5] =	sst s2  }
0x8f: {  	_ = 	snop  }
0x90: {  	s2 =	sld [smem:$0x3FC8]  }
0x91: {  	s18 =	sld [smem:$0x3FC7]  }
0x92: {  	s4 =	sld [smem:$0x3FD0];
	(tm) =	ssettm $0x1  }
0x93: {  	s5 =	sld [smem:$0x3FFB];
	_ =	sdelay $0x3  }
0x94: {  	_ =	strace s5  }
0x95: {  	s5 =	sld [smem:$0x3FFC];
	_ =	sdelay $0x3  }
0x96: {  	_ =	strace s5  }
0x97: {  	s5 =	sld [smem:$0x3FFD];
	_ =	sdelay $0x3  }
0x98: {  	_ =	strace s5  }
0x99: {  	_ =	strace $0x8FFFFFFF  }
0x9a: {  	s19 =	sld [smem:$0x3FDB];
	_ =	sdelay $0x1  }
0x9b: {  	s6 =	simm.s32 $_scs_section_size  }
0x9c: {  	s7 =	simm.s32 $_size__tile_overlayer_lowered;
	s8 =	simm.s32 $_tile_overlayer_lowered  }
0x9d: {  	s22 =	simm.s32 $0x1BFF;
	s21 =	sshll.u32 s8, $0x1;
	s5 =	sadd.s32 s6, s19  }
0x9e: {  	s9 =	simm.s32 $0x0;
	s20 =	sshll.u32 s7, $0x1;
	s7 =	sadd.s32 s21, s5  }
0x9f: {  	[timem:s9], [sflag:s22] =	dma.local [hbm:s7], s20  }
0xa0: {  	_ =	swait.ge [sflag:s22], s20  }
0xa1: {  	s6 =	ssub.s32 $0x0, s20;
	[sflag:s22] =	ssyncset.done $0x0  }
0xa2: {  	[sflag:s22] =	ssyncadd.s32 s6;
	_ =	sdelay $0x1  }
0xa3: {  	s23 =	simm.s32 $0x1B8B  }
0xa4: {  	_ =	swait.ge [sflag:s23], $0x1  }
0xa5: {  	[sflag:s23] =	ssyncset.done $0x0  }
0xa6: {  	s25 =	simm.s32 $0x1B8E;
	s24 =	sld [smem:$0x3FFE];
	[sflag:s23] =	ssyncadd.s32 $0xFFFFFFFF  }
0xa7: {  	s26 =	simm.s32 $execute0_lowered;
	[smem:$0x3FD2] =	sst s25  }
0xa8: {  	s7 =	sshll.u32 s26, $0x1;
	_ =	strace $0x80000046;
	[dreg:$0x1] =	wrdreg $0xFFFFFFFF  }
0xa9: {  	s28 =	simm.s32 $_size_execute0_lowered;
	s5 =	sadd.s32 s5, s7;
	[dreg:$0x0] =	wrdreg $0x0  }
0xaa: {  	s7 =	sshll.u32 s28, $0x1;
	[dreg:$0x2] =	wrdreg s5  }
0xab: {  	[dreg:$0x3] =	wrdreg s7  }
0xac: {  	[dreg:$0x4] =	wrdreg $0xC0  }
0xad: {  	_ =	task [dreg:s9], $0x5FFFF  }
0xae: {  	[dreg:$0x1] =	wrdreg $0xFFFFFFFF  }
0xaf: {  	[dreg:$0x0] =	wrdreg $0x60  }
0xb0: {  	[dreg:$0x2] =	wrdreg s4  }
0xb1: {  	[dreg:$0x3] =	wrdreg s2  }
0xb2: {  	[dreg:$0x4] =	wrdreg s18  }
0xb3: {  	[dreg:$0x5] =	wrdreg s24  }
0xb4: {  	[dreg:$0x6] =	wrdreg $0x9  }
0xb5: {  	_ =	task.clear_ibuf [dreg:s9], $0x7FFFF;
	_ =	strace $0x90000046  }
0xb6: {  	s29 =	simm.s32 $0x9;
	_ =	strace $0x80000048  }
0xb7: {  	_ =	swait.ge [sflag:s29], $0x1  }
0xb8: {  	[sflag:s29] =	ssyncadd.s32 $0xFFFFFFFF  }
0xb9: {  	_ =	strace $0x90000048  }
0xba: {  	_ =	sfence  }
0xbb: {  	s30 =	sld [smem:$0x0];
	_ =	sdelay $0x2  }
0xbc: {  	s31 =	sshll.u32 s1, $0xD;
	s1 =	sshrl.u32 s1, $0x2  }
0xbd: {  	s3 =	sand.u32 $0x4000, s31;
	s1 =	sadd.s32 s1, s30  }
0xbe: {  	s0 =	sor.u32 s3, s0;
	s1 =	sshll.u32 s1, $0x11  }
0xbf: {  	s0 =	sor.u32 s1, s0  }
0xc0: {  	s0 =	sadd.s32 $0x8F2B, s0  }
0xc1: {  	[sflag:s0] =	ssyncadd.remote.s32 $0x1  }
0xc2: {  	_ =	sfence.sel $0xFFFF  }
0xc3: {  	[dreg:$0x0] =	wrdreg $0xFFFFFFFF;
	(pc) =	sbr.abs _section_cstart, $3  }
0xc4: {  	[dreg:$0x1] =	wrdreg $0xFFFFFFFF  }
0xc5: {  	_ =	task.clear_ibuf [dreg:s9], $0x2FFFF;
	_ =	strace $0x9FFFFFFF  }
0xc6: {  	(tm) =	ssettm $0x7FFFFFFF  }
0xc7: {  	_ =	shalt  }
tec
execute0_lowered:
.L_overlay_start_1:
0x0: {  	(tag) =	ssettag $0x1  }
0x1: {  	s31 =	rddreg [dreg:$0x0]  }
0x2: {  	s22 =	rddreg [dreg:$0x1];
	s0 =	srdreg.scid  }
0x3: {  	s1 =	stileid.u32;
	s3 =	rddreg [dreg:$0x3];
	s5 =	simm.s32 $0x0  }
0x4: {  	v0 =	vimm.s32 $0x504F4E4D;
	v1 =	vimm.s32 $0x76543210;
	s0 =	sand.u32 $0x1, s0;
	s4 =	sshll.u32 s1, $0x1;
	[smem:$0x7FF] =	sst s5  }
0x5: {  	v2 =	vimm.s32 $0x54535251;
	vm0 =	vcmask $0x1F10;
	s2 =	sadd.s32 $0x400, s3;
	s23 =	sadd.s32 $0x100, s22;
	s24 =	sadd.s32 $0x200, s22  }
0x6: {  	v3 =	vimm.s32 $0x4B4A4948;
	v4 =	vimm.s32 $0x98979695;
	v1 =	vunpack.c.l.s4.s8 v1;
	s4 =	sor.u32 s0, s4;
	_ =	strace $0x80000047;
	[dreg:$0xa] =	wrdreg s2  }
0x7: {  	vm1 =	vcmask $0xF00;
	v0 =	vunpack.c.0.s8.s32 v0;
	v2 =	vunpack.c.0.s8.s32 v2;
	s0 =	ssub.s32 $0x2, s0;
	[dreg:$0xc] =	wrdreg s23;
	s16 =	smul.u32 $0x2680, s4  }
0x8: {  	v11 =	vlaneseq.u32;
	v3 =	vunpack.c.0.s8.s32 v3;
	[dreg:$0xd] =	wrdreg s24;
	s17 =	sshrl.u32 s0, $0x1;
	s18 =	sshll.u32 s4, $0x7;
	v1 =	vunpack.c.0.s8.s32 v1  }
0x9: {  	v10 =	vshrl.u32 v11, $0x3;
	v0 =	vsel vm0, v2, v0;
	v2 =	vunpack.c.0.s8.s32 v4;
	s11 =	ssub.s32 s0, s17;
	[dreg:$0xb] =	wrdreg s18;
	s12 =	sor.u32 $0x8, s16  }
0xa: {  	v9 =	vand.u32 $0x7, v11;
	v11 =	vor.u32 $0x8, v11;
	s13 =	sor.u32 $0x10, s16;
	s25 =	sadd.s32 $0x436, s16;
	v0 =	vcombine.low v1, v0;
	[dreg:$0x9] =	wrdreg s16  }
0xb: {  	v10 =	vmul.u32 $0x8, v10;
	s19 =	sor.u32 $0x18, s16;
	s30 =	smax.u32 s11, $0x1;
	v1 =	vnsel vm1, $0x99, v3;
	v4 =	vand.u32 $0xFF, v2;
	[dreg:$0x11] =	wrdreg s25  }
0xc: {  	s20 =	sadd.s32 $0x9A, s16;
	s26 =	sadd.s32 $0x268, s16;
	[dreg:$0x12] =	wrdreg s30;
	v3 =	vsel vm0, $0x4C, v1;
	vm0 =	vcmask $0x2F20;
	v1 =	vadd.s32 s12, v0  }
0xd: {  	s6 =	sadd.s32 $0x134, s16;
	s28 =	sadd.s32 $0x302, s16;
	[dreg:$0xe] =	wrdreg s26;
	v2 =	vadd.s32 s13, v0;
	v8 =	vsel vm0, v4, v3;
	v3 =	vadd.s32 s19, v0  }
0xe: {  	s21 =	sadd.s32 $0x1CE, s16;
	s29 =	sadd.s32 $0x39C, s16;
	[dreg:$0xf] =	wrdreg s28;
	v7 =	vor.u32 s16, v0;
	vm0 =	vmmov $0xffff;
	v4 =	vadd.s32 s20, v8  }
0xf: {  	s2 =	simm.s32 $0x0;
	[dreg:$0x10] =	wrdreg s29;
	v5 =	vadd.s32 s6, v8;
	v6 =	vadd.s32 s21, v8;
	v8 =	vadd.s32 s16, v8  }
.LBB2_1:
0x10: {  	[dreg:$0x13] =	wrdreg s2  }
0x11: {  	s0 =	rddreg [dreg:$0x2];
	s1 =	simm.s32 $0x200;
	s9 =	simm.s32 $0xD  }
0x12: {  	[tilespmem:s1], [sflag:$0xD] =	stream.linear.gather [hbm4b:s0+s5], $0xF000, $0x38;
	[tilespmem:$0x1B200] =	vst v63  }
0x13: {  	_ =	swait.ge [sflag:s9], $0xF000  }
0x14: {  	[sflag:s9] =	ssyncset.done $0x0  }
0x15: {  	[sflag:s9] =	ssyncadd.s32 $0xFFFF1000  }
0x16: {  	[tilespmem:s5], [sflag:$0x9] =	stream.indirect_vreg.gather [hbm4b:s31+s5], $0x1, v7, vm0, $0xb8;
	[tilespmem:$0x1B200] =	vst v63  }
0x17: {  	s10 =	simm.s32 $0x80  }
0x18: {  	[tilespmem:s10], [sflag:$0xA] =	stream.indirect_vreg.gather [hbm4b:s31+s5], $0x1, v1, vm0, $0xb8;
	[tilespmem:$0x1B200] =	vst v63  }
0x19: {  	s11 =	simm.s32 $0x100  }
0x1a: {  	[tilespmem:s11], [sflag:$0xB] =	stream.indirect_vreg.gather [hbm4b:s31+s5], $0x1, v2, vm0, $0xb8;
	[tilespmem:$0x1B200] =	vst v63  }
0x1b: {  	s12 =	simm.s32 $0x180;
	s13 =	simm.s32 $0x9  }
0x1c: {  	[tilespmem:s12], [sflag:$0xC] =	stream.indirect_vreg.gather [hbm4b:s31+s5], $0x1, v3, vm0, $0xb8;
	[tilespmem:$0x1B200] =	vst v63  }
0x1d: {  	_ =	swait.ge [sflag:s13], $0x10  }
0x1e: {  	[sflag:s13] =	ssyncset.done $0x0  }
0x1f: {  	[sflag:s13] =	ssyncadd.s32 $0xFFFFFFF0  }
0x20: {  	v12 =	vld [tilespmem:$0x0];
	_ =	sdelay $0x4  }
0x21: {  	v13 =	vshrl.u32 v12, $0x3  }
0x22: {  	v13 =	vmul.u32 $0x30, v13  }
0x23: {  	v12 =	vand.u32 $0x7, v12  }
0x24: {  	v12 =	vor.u32 v12, v13  }
0x25: {  	v13 =	vperm.xlane v12, v9;
	_ =	sdelay $0x1  }
0x26: {  	v13 =	vadd.s32 v10, v13;
	_ =	sdelay $0x3  }
0x27: {  	s14 =	simm.s32 $0xF200;
	v12 =	vperm.xlane v12, v11  }
0x28: {  	[tilespmem:s14], [sflag:$0x1] =	stream.indirect_vreg.gather [hbm4b:s22+s5], $0x80, v13, vm0, $0xb8;
	[tilespmem:$0x1B200] =	vst v63  }
0x29: {  	s15 =	simm.s32 $0xFA00;
	v12 =	vadd.s32 v10, v12  }
0x2a: {  	[tilespmem:s15], [sflag:$0x1] =	stream.indirect_vreg.gather [hbm4b:s23+s5], $0x80, v13, vm0, $0xb8;
	[tilespmem:$0x1B200] =	vst v63  }
0x2b: {  	s16 =	simm.s32 $0x10200  }
0x2c: {  	[tilespmem:s16], [sflag:$0x1] =	stream.indirect_vreg.gather [hbm4b:s24+s5], $0x80, v13, vm0, $0xb8;
	[tilespmem:$0x1B200] =	vst v63  }
0x2d: {  	s17 =	simm.s32 $0x10A00  }
0x2e: {  	[tilespmem:s17], [sflag:$0x1] =	stream.indirect_vreg.gather [hbm4b:s22+s5], $0x80, v12, vm0, $0xb8;
	[tilespmem:$0x1B200] =	vst v63  }
0x2f: {  	s18 =	simm.s32 $0x11200  }
0x30: {  	[tilespmem:s18], [sflag:$0x1] =	stream.indirect_vreg.gather [hbm4b:s23+s5], $0x80, v12, vm0, $0xb8;
	[tilespmem:$0x1B200] =	vst v63  }
0x31: {  	s19 =	simm.s32 $0x11A00;
	s20 =	simm.s32 $0xA  }
0x32: {  	[tilespmem:s19], [sflag:$0x1] =	stream.indirect_vreg.gather [hbm4b:s24+s5], $0x80, v12, vm0, $0xb8;
	[tilespmem:$0x1B200] =	vst v63  }
0x33: {  	_ =	swait.ge [sflag:s20], $0x10  }
0x34: {  	[sflag:s20] =	ssyncset.done $0x0  }
0x35: {  	[sflag:s20] =	ssyncadd.s32 $0xFFFFFFF0  }
0x36: {  	v62 =	vld [tilespmem:$0x80];
	_ =	sdelay $0x4  }
0x37: {  	v63 =	vshrl.u32 v62, $0x3  }
0x38: {  	v13 =	vmul.u32 $0x30, v63  }
0x39: {  	v12 =	vand.u32 $0x7, v62  }
0x3a: {  	v12 =	vor.u32 v12, v13  }
0x3b: {  	v13 =	vperm.xlane v12, v9;
	_ =	sdelay $0x1  }
0x3c: {  	v13 =	vadd.s32 v10, v13;
	_ =	sdelay $0x3  }
0x3d: {  	s21 =	simm.s32 $0x12200;
	v12 =	vperm.xlane v12, v11  }
0x3e: {  	[tilespmem:s21], [sflag:$0x2] =	stream.indirect_vreg.gather [hbm4b:s22+s5], $0x80, v13, vm0, $0xb8;
	[tilespmem:$0x1B200] =	vst v63  }
0x3f: {  	s25 =	simm.s32 $0x12A00;
	v12 =	vadd.s32 v10, v12  }
0x40: {  	[tilespmem:s25], [sflag:$0x2] =	stream.indirect_vreg.gather [hbm4b:s23+s5], $0x80, v13, vm0, $0xb8;
	[tilespmem:$0x1B200] =	vst v63  }
0x41: {  	s26 =	simm.s32 $0x13200  }
0x42: {  	[tilespmem:s26], [sflag:$0x2] =	stream.indirect_vreg.gather [hbm4b:s24+s5], $0x80, v13, vm0, $0xb8;
	[tilespmem:$0x1B200] =	vst v63  }
0x43: {  	s28 =	simm.s32 $0x13A00  }
0x44: {  	[tilespmem:s28], [sflag:$0x2] =	stream.indirect_vreg.gather [hbm4b:s22+s5], $0x80, v12, vm0, $0xb8;
	[tilespmem:$0x1B200] =	vst v63  }
0x45: {  	s29 =	simm.s32 $0x14200  }
0x46: {  	[tilespmem:s29], [sflag:$0x2] =	stream.indirect_vreg.gather [hbm4b:s23+s5], $0x80, v12, vm0, $0xb8;
	[tilespmem:$0x1B200] =	vst v63  }
0x47: {  	s30 =	simm.s32 $0x14A00;
	s1 =	simm.s32 $0x0  }
0x48: {  	[tilespmem:s30], [sflag:$0x2] =	stream.indirect_vreg.gather [hbm4b:s24+s5], $0x80, v12, vm0, $0xb8;
	[tilespmem:$0x1B200] =	vst v63  }
.LBB2_2:
0x49: {  	s0 =	simm.s32 $0xB  }
0x4a: {  	_ =	swait.ge [sflag:s0], $0x10  }
0x4b: {  	p1 =	seq.s32 s1, $0x0;
	[sflag:s0] =	ssyncset.done $0x0  }
0x4c: {  	[sflag:s0] =	ssyncadd.s32 $0xFFFFFFF0;
	s0 =	simm.s32 @!p1 $0x7  }
0x4d: {  	_ =	swait.ge @!p1 [sflag:s0], $0x1800  }
0x4e: {  	[sflag:s0] =	ssyncset.done @!p1 $0x0  }
0x4f: {  	[sflag:s0] =	ssyncadd.s32 @!p1 $0xFFFFE800  }
0x50: {  	_ =	swait.ge @!p1 [sflag:s0], $0x1800  }
0x51: {  	[sflag:s0] =	ssyncset.done @!p1 $0x0  }
0x52: {  	[sflag:s0] =	ssyncadd.s32 @!p1 $0xFFFFE800  }
0x53: {  	v12 =	vld [tilespmem:$0x100];
	_ =	sdelay $0x4  }
0x54: {  	v13 =	vshrl.u32 v12, $0x3  }
0x55: {  	v13 =	vmul.u32 $0x30, v13  }
0x56: {  	v12 =	vand.u32 $0x7, v12  }
0x57: {  	v12 =	vor.u32 v12, v13  }
0x58: {  	v13 =	vperm.xlane v12, v9;
	_ =	sdelay $0x1  }
0x59: {  	v13 =	vadd.s32 v10, v13;
	_ =	sdelay $0x2  }
0x5a: {  	s30 =	sshll.u32 s1, $0x2;
	p0 =	seq.s32 s1, $0x8F  }
0x5b: {  	s18 =	simm.s32 $0x15200;
	s0 =	sadd.s32 @!p0 $0x4, s30;
	v12 =	vperm.xlane v12, v11  }
0x5c: {  	[tilespmem:s18], [sflag:$0x3] =	stream.indirect_vreg.gather [hbm4b:s22+s5], $0x80, v13, vm0, $0xb8;
	[tilespmem:$0x1B200] =	vst v63  }
0x5d: {  	s19 =	simm.s32 $0x15A00;
	s3 =	smul.u32 @!p0 $0xE38F, s0;
	v12 =	vadd.s32 v10, v12  }
0x5e: {  	[tilespmem:s19], [sflag:$0x3] =	stream.indirect_vreg.gather [hbm4b:s23+s5], $0x80, v13, vm0, $0xb8;
	[tilespmem:$0x1B200] =	vst v63  }
0x5f: {  	s20 =	simm.s32 $0x16200;
	s3 =	sshrl.u32 @!p0 s3, $0x13  }
0x60: {  	[tilespmem:s20], [sflag:$0x3] =	stream.indirect_vreg.gather [hbm4b:s24+s5], $0x80, v13, vm0, $0xb8;
	[tilespmem:$0x1B200] =	vst v63  }
0x61: {  	s21 =	simm.s32 $0x16A00;
	s4 =	smul.u32 @!p0 $0x1FFFFFF7, s3;
	v13 =	vimm.s32 @!p0 $0x76543210  }
0x62: {  	v14 =	vimm.s32 @!p0 $0x504F4E4D;
	v15 =	vimm.s32 @!p0 $0x54535251;
	v13 =	vunpack.c.l.s4.s8 @!p0 v13;
	[tilespmem:s21], [sflag:$0x3] =	stream.indirect_vreg.gather [hbm4b:s22+s5], $0x80, v12, vm0, $0xb8;
	[tilespmem:$0x1B200] =	vst v63  }
0x63: {  	v14 =	vunpack.c.0.s8.s32 @!p0 v14;
	v15 =	vunpack.c.0.s8.s32 @!p0 v15;
	[dreg:$0x14] =	wrdreg s1;
	s3 =	smul.u32 @!p0 $0x9A, s3;
	s22 =	simm.s32 $0x17200  }
0x64: {  	vm1 =	vcmask @!p0 $0x1F10;
	v13 =	vunpack.c.0.s8.s32 @!p0 v13;
	[tilespmem:s22], [sflag:$0x3] =	stream.indirect_vreg.gather [hbm4b:s23+s5], $0x80, v12, vm0, $0xb8;
	[tilespmem:$0x1B200] =	vst v63  }
0x65: {  	v14 =	vsel @!p0 vm1, v15, v14;
	s1 =	rddreg [dreg:$0x9];
	s0 =	sadd.s32 @!p0 s0, s4;
	s23 =	smul.u32 $0xE38F, s30  }
0x66: {  	s3 =	sadd.s32 @!p0 s1, s3;
	s0 =	sshll.u32 @!p0 s0, $0x3;
	v13 =	vcombine.low @!p0 v13, v14  }
0x67: {  	s0 =	sadd.s32 @!p0 s0, s3;
	s17 =	sshrl.u32 s23, $0x13  }
0x68: {  	s26 =	simm.s32 $0x17A00;
	s28 =	simm.s32 $0x1;
	v13 =	vadd.s32 @!p0 s0, v13;
	s25 =	smul.u32 $0x1FFFFFF7, s17  }
0x69: {  	[tilespmem:s26], [sflag:$0x3] =	stream.indirect_vreg.gather [hbm4b:s24+s5], $0x80, v12, vm0, $0xb8;
	[tilespmem:$0x1B200] =	vst v63  }
0x6a: {  	_ =	swait.ge [sflag:s28], $0x3000;
	s0 =	sadd.s32 s30, s25  }
0x6b: {  	[sflag:s28] =	ssyncset.done $0x0;
	s19 =	sand.u32 $0x1FFFFFFF, s0  }
0x6c: {  	vm2 =	vmmov @!p0 $0xffff;
	[sflag:s28] =	ssyncadd.s32 $0xFFFFD000;
	s0 =	simm.s32 @!p0 $0x0;
	s2 =	smul.u32 $0x6000, s19  }
0x6d: {  	[tilespmem:s0], [sflag:$0x9] =	stream.indirect_vreg.gather @!p0 [hbm4b:s31+s0], $0x1, v13, vm2, $0xb8;
	[tilespmem:$0x1B200] =	vst v63  }
0x6e: {  	s3 =	sshra.s32 s2, $0x2  }
0x6f: {  	s0 =	sor.u32 $0x200, s3  }
0x70: {  	s23 =	simm.s32 $0x0;
	[dreg:$0x5] =	wrdreg s0  }
0x71: {  	s15 =	sand.u32 $0x60, s23;
	s14 =	sand.u32 $0x1C00, s23;
	s0 =	rddreg [dreg:$0x5]  }
0x72: {  	s6 =	sor.u32 $0x10, s15;
	s0 =	sadd.s32 s14, s0  }
0x73: {  	s13 =	sadd.s32 s6, s0  }
0x74: {  	v12 =	vld [tilespmem:s13+$0x0];
	_ =	sdelay $0x2  }
0x75: {  	s4 =	sadd.s32 $0xF200, s14;
	s0 =	sadd.s32 s15, s0  }
0x76: {  	s7 =	sadd.s32 $0x10A00, s14;
	s11 =	sor.u32 s6, s4;
	v13 =	vld [tilespmem:s0+$0x0]  }
0x77: {  	s12 =	sor.u32 s6, s7;
	[tilespmem:s11+$0x0] =	vst.add.f32.msk $0xffff, v12  }
0x78: {  	[tilespmem:s12+$0x0] =	vst.add.f32.msk $0xffff, v12  }
0x79: {  	v12 =	vld [tilespmem:s13+$0x80]  }
0x7a: {  	s16 =	sor.u32 s15, s4  }
0x7b: {  	s8 =	sor.u32 s15, s7;
	[tilespmem:s16+$0x0] =	vst.add.f32.msk $0xffff, v13  }
0x7c: {  	[tilespmem:s8+$0x0] =	vst.add.f32.msk $0xffff, v13  }
0x7d: {  	s9 =	sadd.s32 $0x10A80, s14;
	s10 =	sor.u32 $0x80, s11;
	v13 =	vld [tilespmem:s0+$0x80]  }
0x7e: {  	s12 =	sor.u32 s6, s9;
	[tilespmem:s10+$0x0] =	vst.add.f32.msk $0xffff, v12  }
0x7f: {  	[tilespmem:s12+$0x0] =	vst.add.f32.msk $0xffff, v12  }
0x80: {  	v12 =	vld [tilespmem:s13+$0x100]  }
0x81: {  	s18 =	sor.u32 $0x80, s16  }
0x82: {  	s3 =	sor.u32 s15, s9;
	[tilespmem:s18+$0x0] =	vst.add.f32.msk $0xffff, v13  }
0x83: {  	[tilespmem:s3+$0x0] =	vst.add.f32.msk $0xffff, v13  }
0x84: {  	s20 =	sadd.s32 $0x10B00, s14;
	s21 =	sor.u32 $0x100, s11;
	v13 =	vld [tilespmem:s0+$0x100]  }
0x85: {  	s22 =	sor.u32 s6, s20;
	[tilespmem:s21+$0x0] =	vst.add.f32.msk $0xffff, v12  }
0x86: {  	[tilespmem:s22+$0x0] =	vst.add.f32.msk $0xffff, v12  }
0x87: {  	v12 =	vld [tilespmem:s13+$0x180]  }
0x88: {  	s24 =	sor.u32 $0x100, s16  }
0x89: {  	s3 =	sor.u32 s15, s20;
	[tilespmem:s24+$0x0] =	vst.add.f32.msk $0xffff, v13  }
0x8a: {  	[tilespmem:s3+$0x0] =	vst.add.f32.msk $0xffff, v13  }
0x8b: {  	s25 =	sadd.s32 $0x10B80, s14;
	s26 =	sor.u32 $0x180, s11;
	v13 =	vld [tilespmem:s0+$0x180]  }
0x8c: {  	s28 =	sor.u32 s6, s25;
	[tilespmem:s26+$0x0] =	vst.add.f32.msk $0xffff, v12  }
0x8d: {  	[tilespmem:s28+$0x0] =	vst.add.f32.msk $0xffff, v12  }
0x8e: {  	v12 =	vld [tilespmem:s13+$0x200]  }
0x8f: {  	s31 =	sor.u32 $0x180, s16  }
0x90: {  	s3 =	sor.u32 s15, s25;
	[tilespmem:s31+$0x0] =	vst.add.f32.msk $0xffff, v13  }
0x91: {  	[tilespmem:s3+$0x0] =	vst.add.f32.msk $0xffff, v13  }
0x92: {  	s1 =	sadd.s32 $0x10C00, s14;
	v13 =	vld [tilespmem:s0+$0x200]  }
0x93: {  	s2 =	sor.u32 s6, s1;
	[tilespmem:s11+$0x200] =	vst.add.f32.msk $0xffff, v12  }
0x94: {  	[tilespmem:s2+$0x0] =	vst.add.f32.msk $0xffff, v12  }
0x95: {  	v12 =	vld [tilespmem:s13+$0x280];
	_ =	sdelay $0x1  }
0x96: {  	s3 =	sor.u32 s15, s1;
	[tilespmem:s16+$0x200] =	vst.add.f32.msk $0xffff, v13  }
0x97: {  	[tilespmem:s3+$0x0] =	vst.add.f32.msk $0xffff, v13  }
0x98: {  	s18 =	sadd.s32 $0x10C80, s14;
	v13 =	vld [tilespmem:s0+$0x280]  }
0x99: {  	s4 =	sor.u32 s6, s18;
	[tilespmem:s11+$0x280] =	vst.add.f32.msk $0xffff, v12  }
0x9a: {  	s29 =	simm.s32 $0x100;
	s7 =	rddreg [dreg:$0x5];
	s12 =	simm.s32 $0x20;
	[tilespmem:s4+$0x0] =	vst.add.f32.msk $0xffff, v12  }
0x9b: {  	s8 =	sand.u32 $0x3, s23;
	s24 =	sand.u32 $0x60, s12;
	s4 =	sand.u32 $0x1C00, s29;
	v12 =	vld [tilespmem:s13+$0x300]  }
0x9c: {  	s20 =	sshll.u32 s8, $0x5;
	s3 =	sor.u32 $0x10, s24;
	s11 =	sadd.s32 s4, s7  }
0x9d: {  	s20 =	sadd.s32 $0x0, s20;
	[tilespmem:s16+$0x280] =	vst.add.f32.msk $0xffff, v13;
	s21 =	sadd.s32 s3, s11  }
0x9e: {  	s9 =	sadd.s32 $0x10, s20;
	s28 =	sor.u32 s15, s18;
	v14 =	vld [tilespmem:s21+$0x0]  }
0x9f: {  	s10 =	sor.u32 $0x300, s9;
	s26 =	sadd.s32 $0x10D00, s14;
	[tilespmem:s28+$0x0] =	vst.add.f32.msk $0xffff, v13  }
0xa0: {  	s25 =	sor.u32 s6, s26;
	[tilespmem:s10+$0xF200] =	vst.add.f32.msk $0xffff, v12  }
0xa1: {  	s31 =	sadd.s32 $0xF200, s4;
	[tilespmem:s25+$0x0] =	vst.add.f32.msk $0xffff, v12  }
0xa2: {  	s28 =	sadd.s32 $0x10A00, s4;
	s16 =	sor.u32 s3, s31;
	v12 =	vld [tilespmem:s13+$0x380]  }
0xa3: {  	s1 =	sor.u32 s3, s28;
	[tilespmem:s16+$0x0] =	vst.add.f32.msk $0xffff, v14  }
0xa4: {  	s13 =	sadd.s32 s24, s11;
	[tilespmem:s1+$0x0] =	vst.add.f32.msk $0xffff, v14  }
0xa5: {  	v13 =	vld [tilespmem:s13+$0x0]  }
0xa6: {  	s2 =	sor.u32 $0x380, s9;
	s11 =	sadd.s32 $0x10D80, s14;
	v14 =	vld [tilespmem:s21+$0x80]  }
0xa7: {  	s6 =	sor.u32 s6, s11;
	[tilespmem:s2+$0xF200] =	vst.add.f32.msk $0xffff, v12  }
0xa8: {  	[tilespmem:s6+$0x0] =	vst.add.f32.msk $0xffff, v12  }
0xa9: {  	s14 =	sor.u32 s24, s31;
	v12 =	vld [tilespmem:s0+$0x300]  }
0xaa: {  	s7 =	sor.u32 s24, s28;
	[tilespmem:s14+$0x0] =	vst.add.f32.msk $0xffff, v13  }
0xab: {  	[tilespmem:s7+$0x0] =	vst.add.f32.msk $0xffff, v13  }
0xac: {  	s9 =	sadd.s32 $0x10A80, s4;
	s10 =	sor.u32 $0x80, s16;
	v13 =	vld [tilespmem:s13+$0x80]  }
0xad: {  	s8 =	sor.u32 $0x300, s20;
	s20 =	sor.u32 s3, s9;
	[tilespmem:s10+$0x0] =	vst.add.f32.msk $0xffff, v14  }
0xae: {  	[tilespmem:s20+$0x0] =	vst.add.f32.msk $0xffff, v14  }
0xaf: {  	v14 =	vld [tilespmem:s21+$0x100]  }
0xb0: {  	s22 =	sor.u32 $0x80, s14;
	[tilespmem:s8+$0xF200] =	vst.add.f32.msk $0xffff, v12  }
0xb1: {  	s25 =	sor.u32 s24, s9;
	[tilespmem:s22+$0x0] =	vst.add.f32.msk $0xffff, v13  }
0xb2: {  	[tilespmem:s25+$0x0] =	vst.add.f32.msk $0xffff, v13  }
0xb3: {  	s26 =	sor.u32 s15, s26;
	v13 =	vld [tilespmem:s13+$0x100]  }
0xb4: {  	s28 =	sadd.s32 $0x10B00, s4;
	s31 =	sor.u32 $0x100, s16;
	[tilespmem:s26+$0x0] =	vst.add.f32.msk $0xffff, v12  }
0xb5: {  	s1 =	sor.u32 s3, s28;
	[tilespmem:s31+$0x0] =	vst.add.f32.msk $0xffff, v14  }
0xb6: {  	[tilespmem:s1+$0x0] =	vst.add.f32.msk $0xffff, v14  }
0xb7: {  	s2 =	sor.u32 $0x100, s14;
	v12 =	vld [tilespmem:s21+$0x180]  }
0xb8: {  	s18 =	sor.u32 s24, s28;
	[tilespmem:s2+$0x0] =	vst.add.f32.msk $0xffff, v13  }
0xb9: {  	[tilespmem:s18+$0x0] =	vst.add.f32.msk $0xffff, v13  }
0xba: {  	v13 =	vld [tilespmem:s13+$0x180]  }
0xbb: {  	s7 =	sadd.s32 $0x10B80, s4;
	s8 =	sor.u32 $0x180, s16;
	v14 =	vld [tilespmem:s0+$0x380]  }
0xbc: {  	s9 =	sor.u32 s3, s7;
	[tilespmem:s8+$0x0] =	vst.add.f32.msk $0xffff, v12  }
0xbd: {  	[tilespmem:s9+$0x0] =	vst.add.f32.msk $0xffff, v12  }
0xbe: {  	s10 =	sor.u32 $0x180, s14;
	v12 =	vld [tilespmem:s21+$0x200]  }
0xbf: {  	s6 =	sor.u32 s24, s7;
	[tilespmem:s10+$0x0] =	vst.add.f32.msk $0xffff, v13  }
0xc0: {  	s18 =	sor.u32 s23, s23;
	[tilespmem:s6+$0x0] =	vst.add.f32.msk $0xffff, v13  }
0xc1: {  	s0 =	sor.u32 $0x380, s18;
	v15 =	vld [tilespmem:s13+$0x200]  }
0xc2: {  	s20 =	sadd.s32 $0x10C00, s4;
	[tilespmem:s0+$0xF200] =	vst.add.f32.msk $0xffff, v14  }
0xc3: {  	s22 =	sor.u32 s3, s20;
	[tilespmem:s16+$0x200] =	vst.add.f32.msk $0xffff, v12  }
0xc4: {  	[tilespmem:s22+$0x0] =	vst.add.f32.msk $0xffff, v12  }
0xc5: {  	v13 =	vld [tilespmem:s21+$0x280]  }
0xc6: {  	s25 =	sor.u32 s24, s20;
	[tilespmem:s14+$0x200] =	vst.add.f32.msk $0xffff, v15  }
0xc7: {  	s26 =	sor.u32 $0x2, s30;
	[tilespmem:s25+$0x0] =	vst.add.f32.msk $0xffff, v15  }
0xc8: {  	[dreg:$0x15] =	wrdreg s26  }
0xc9: {  	s28 =	sor.u32 s29, s12;
	s11 =	sor.u32 s15, s11;
	v12 =	vld [tilespmem:s13+$0x280]  }
0xca: {  	s15 =	simm.s32 $0x2;
	s31 =	sadd.s32 $0x10C80, s4;
	s20 =	simm.s32 $0x100;
	[tilespmem:s11+$0x0] =	vst.add.f32.msk $0xffff, v14  }
0xcb: {  	s6 =	sor.u32 s24, s31;
	s22 =	sor.u32 $0x380, s28;
	[tilespmem:s16+$0x280] =	vst.add.f32.msk $0xffff, v13;
	s11 =	sor.u32 s3, s31  }
.LBB2_3:
0xcc: {  	s16 =	rddreg [dreg:$0x5]  }
0xcd: {  	[tilespmem:s11+$0x0] =	vst.add.f32.msk $0xffff, v13;
	s23 =	sadd.s32 $0x1, s23;
	s29 =	sadd.s32 $0x100, s29;
	s12 =	sadd.s32 $0x20, s12  }
0xce: {  	s28 =	sand.u32 $0x3, s23;
	v13 =	vld [tilespmem:s21+$0x300];
	s1 =	sand.u32 $0x60, s12;
	s8 =	sand.u32 $0x1C00, s29  }
0xcf: {  	s11 =	sshll.u32 s28, $0x5;
	s31 =	sadd.s32 s8, s16;
	s2 =	sor.u32 $0x10, s1;
	[tilespmem:s14+$0x280] =	vst.add.f32.msk $0xffff, v12  }
0xd0: {  	s11 =	sadd.s32 s11, s20;
	s14 =	sadd.s32 s2, s31;
	[tilespmem:s6+$0x0] =	vst.add.f32.msk $0xffff, v12  }
0xd1: {  	s18 =	sadd.s32 $0x10, s11;
	v14 =	vld [tilespmem:s14+$0x0]  }
0xd2: {  	s7 =	sor.u32 $0x300, s18;
	v12 =	vld [tilespmem:s13+$0x300]  }
0xd3: {  	s0 =	sadd.s32 $0x10D00, s4;
	s6 =	sadd.s32 s1, s31;
	[tilespmem:s7+$0xF200] =	vst.add.f32.msk $0xffff, v13  }
0xd4: {  	s9 =	sor.u32 s3, s0;
	v15 =	vld [tilespmem:s6+$0x0]  }
0xd5: {  	s10 =	sadd.s32 $0xF200, s8;
	[tilespmem:s9+$0x0] =	vst.add.f32.msk $0xffff, v13  }
0xd6: {  	s31 =	sor.u32 s2, s10;
	s7 =	sadd.s32 $0x10A00, s8;
	v13 =	vld [tilespmem:s21+$0x380]  }
0xd7: {  	s28 =	sor.u32 s24, s0;
	s0 =	sor.u32 s1, s7;
	s7 =	sor.u32 s2, s7;
	[tilespmem:s31+$0x0] =	vst.add.f32.msk $0xffff, v14  }
0xd8: {  	s21 =	smov.u32 s14;
	s14 =	sor.u32 s1, s10;
	[tilespmem:s7+$0x0] =	vst.add.f32.msk $0xffff, v14  }
0xd9: {  	[tilespmem:s14+$0x0] =	vst.add.f32.msk $0xffff, v15  }
0xda: {  	v14 =	vld [tilespmem:s21+$0x80]  }
0xdb: {  	s4 =	sadd.s32 $0x10D80, s4;
	s25 =	sor.u32 $0x380, s18;
	[tilespmem:s0+$0x0] =	vst.add.f32.msk $0xffff, v15  }
0xdc: {  	s18 =	sor.u32 s24, s4;
	s4 =	sor.u32 s3, s4;
	[tilespmem:s25+$0xF200] =	vst.add.f32.msk $0xffff, v13  }
0xdd: {  	[tilespmem:s4+$0x0] =	vst.add.f32.msk $0xffff, v13  }
0xde: {  	s11 =	sor.u32 $0x300, s11;
	s4 =	smov.u32 s8;
	v13 =	vld [tilespmem:s6+$0x80]  }
0xdf: {  	s3 =	smov.u32 s2;
	s8 =	sor.u32 $0x80, s31;
	[tilespmem:s11+$0xF200] =	vst.add.f32.msk $0xffff, v12;
	s7 =	sadd.s32 $0x10A80, s4  }
0xe0: {  	s0 =	sor.u32 s3, s7;
	[tilespmem:s8+$0x0] =	vst.add.f32.msk $0xffff, v14  }
0xe1: {  	[tilespmem:s0+$0x0] =	vst.add.f32.msk $0xffff, v14  }
0xe2: {  	s24 =	smov.u32 s1;
	s9 =	sor.u32 $0x80, s14;
	v14 =	vld [tilespmem:s21+$0x100]  }
0xe3: {  	s25 =	sor.u32 s24, s7;
	[tilespmem:s9+$0x0] =	vst.add.f32.msk $0xffff, v13  }
0xe4: {  	[tilespmem:s25+$0x0] =	vst.add.f32.msk $0xffff, v13  }
0xe5: {  	v13 =	vld [tilespmem:s6+$0x100]  }
0xe6: {  	s2 =	sadd.s32 $0x10B00, s4;
	s7 =	sor.u32 $0x100, s31;
	[tilespmem:s28+$0x0] =	vst.add.f32.msk $0xffff, v12  }
0xe7: {  	s0 =	sor.u32 s3, s2;
	[tilespmem:s7+$0x0] =	vst.add.f32.msk $0xffff, v14  }
0xe8: {  	[tilespmem:s0+$0x0] =	vst.add.f32.msk $0xffff, v14  }
0xe9: {  	s10 =	sor.u32 $0x100, s14;
	v12 =	vld [tilespmem:s21+$0x180]  }
0xea: {  	s8 =	sor.u32 s24, s2;
	[tilespmem:s10+$0x0] =	vst.add.f32.msk $0xffff, v13  }
0xeb: {  	[tilespmem:s8+$0x0] =	vst.add.f32.msk $0xffff, v13  }
0xec: {  	v13 =	vld [tilespmem:s6+$0x180]  }
0xed: {  	s9 =	sadd.s32 $0x10B80, s4;
	s10 =	sor.u32 $0x180, s31;
	v14 =	vld [tilespmem:s13+$0x380]  }
0xee: {  	s0 =	sor.u32 s3, s9;
	[tilespmem:s10+$0x0] =	vst.add.f32.msk $0xffff, v12  }
0xef: {  	s26 =	sor.u32 s29, s12;
	[tilespmem:s0+$0x0] =	vst.add.f32.msk $0xffff, v12  }
0xf0: {  	s16 =	sor.u32 $0x380, s26;
	s26 =	sor.u32 $0x180, s14;
	v12 =	vld [tilespmem:s21+$0x200]  }
0xf1: {  	s11 =	sor.u32 s24, s9;
	[tilespmem:s26+$0x0] =	vst.add.f32.msk $0xffff, v13  }
0xf2: {  	s13 =	smov.u32 s6;
	[tilespmem:s11+$0x0] =	vst.add.f32.msk $0xffff, v13  }
0xf3: {  	v15 =	vld [tilespmem:s13+$0x200]  }
0xf4: {  	s25 =	sadd.s32 $0x10C00, s4;
	[tilespmem:s22+$0xF200] =	vst.add.f32.msk $0xffff, v14  }
0xf5: {  	s0 =	sor.u32 s3, s25;
	[tilespmem:s31+$0x200] =	vst.add.f32.msk $0xffff, v12  }
0xf6: {  	s15 =	sadd.s32 $0x2, s15;
	[tilespmem:s0+$0x0] =	vst.add.f32.msk $0xffff, v12  }
0xf7: {  	p2 =	slt.u32 s15, $0x2E;
	v13 =	vld [tilespmem:s21+$0x280]  }
.Ltmp0:
0xf8: {  	s26 =	sor.u32 s24, s25;
	[tilespmem:s14+$0x200] =	vst.add.f32.msk $0xffff, v15;
	(pc) =	sbr.rel @p2 .LBB2_3-.Ltmp0, $4  }
0xf9: {  	[tilespmem:s26+$0x0] =	vst.add.f32.msk $0xffff, v15  }
0xfa: {  	v12 =	vld [tilespmem:s13+$0x280]  }
0xfb: {  	s20 =	smov.u32 s29;
	s28 =	sadd.s32 $0x10C80, s4;
	[tilespmem:s18+$0x0] =	vst.add.f32.msk $0xffff, v14  }
0xfc: {  	s6 =	sor.u32 s24, s28;
	s11 =	sor.u32 s3, s28;
	s22 =	smov.u32 s16;
	[tilespmem:s31+$0x280] =	vst.add.f32.msk $0xffff, v13  }
0xfd: {  	[tilespmem:s11+$0x0] =	vst.add.f32.msk $0xffff, v13;
	s0 =	sadd.s32 $0x1, s23  }
0xfe: {  	s0 =	sand.u32 $0x3, s0;
	v13 =	vld [tilespmem:s21+$0x300]  }
0xff: {  	s0 =	sshll.u32 s0, $0x5;
	[tilespmem:s14+$0x280] =	vst.add.f32.msk $0xffff, v12  }
0x100: {  	[tilespmem:s6+$0x0] =	vst.add.f32.msk $0xffff, v12;
	s0 =	sadd.s32 s0, s20  }
0x101: {  	v12 =	vld [tilespmem:s13+$0x300];
	s1 =	sadd.s32 $0x10, s0  }
0x102: {  	s2 =	sadd.s32 $0x10D00, s4;
	s8 =	sor.u32 $0x300, s1  }
0x103: {  	s9 =	sor.u32 s3, s2;
	[tilespmem:s8+$0xF200] =	vst.add.f32.msk $0xffff, v13  }
0x104: {  	[tilespmem:s9+$0x0] =	vst.add.f32.msk $0xffff, v13  }
0x105: {  	s0 =	sor.u32 $0x300, s0;
	v13 =	vld [tilespmem:s21+$0x380]  }
0x106: {  	s2 =	sor.u32 s24, s2;
	[tilespmem:s0+$0xF200] =	vst.add.f32.msk $0xffff, v12  }
0x107: {  	[tilespmem:s2+$0x0] =	vst.add.f32.msk $0xffff, v12  }
0x108: {  	v12 =	vld [tilespmem:s13+$0x380]  }
0x109: {  	s10 =	sshll.u32 s17, $0x1  }
0x10a: {  	s11 =	sadd.s32 $0x10D80, s4;
	s1 =	sor.u32 $0x380, s1;
	s2 =	rddreg [dreg:$0xb]  }
0x10b: {  	s12 =	smul.u32 $0x1800, s19;
	s13 =	sor.u32 s3, s11;
	s0 =	sadd.s32 s2, s10;
	[tilespmem:s1+$0xF200] =	vst.add.f32.msk $0xffff, v13  }
0x10c: {  	s0 =	smul.u32 $0xF000, s0;
	[tilespmem:s13+$0x0] =	vst.add.f32.msk $0xffff, v13  }
0x10d: {  	s14 =	sor.u32 s24, s11;
	[tilespmem:s22+$0xF200] =	vst.add.f32.msk $0xffff, v12  }
0x10e: {  	s0 =	sadd.s32 s0, s12;
	[tilespmem:s14+$0x0] =	vst.add.f32.msk $0xffff, v12  }
0x10f: {  	s0 =	sshrl.u32 s0, $0x3;
	s1 =	rddreg [dreg:$0xa]  }
0x110: {  	s15 =	simm.s32 $0xF200;
	s0 =	sadd.s32 s1, s0  }
0x111: {  	[hbm4b:s0+s5] =	stream.linear.scatter [tilespmem:s15], [sflag:$0x5], $0x1800, $0x38;
	[tilespmem:$0x1B200] =	vst v63  }
0x112: {  	s16 =	simm.s32 $0x10A00;
	s17 =	simm.s32 $0xC;
	s0 =	sadd.s32 $0x1E00, s0  }
0x113: {  	[hbm4b:s0+s5] =	stream.linear.scatter [tilespmem:s16], [sflag:$0x5], $0x1800, $0x38;
	[tilespmem:$0x1B200] =	vst v63  }
0x114: {  	_ =	swait.ge [sflag:s17], $0x10  }
0x115: {  	[sflag:s17] =	ssyncset.done $0x0  }
0x116: {  	s0 =	simm.s32 @!p1 $0x8;
	[sflag:s17] =	ssyncadd.s32 $0xFFFFFFF0  }
0x117: {  	_ =	swait.ge @!p1 [sflag:s0], $0x1800  }
0x118: {  	[sflag:s0] =	ssyncset.done @!p1 $0x0  }
0x119: {  	[sflag:s0] =	ssyncadd.s32 @!p1 $0xFFFFE800  }
0x11a: {  	_ =	swait.ge @!p1 [sflag:s0], $0x1800  }
0x11b: {  	[sflag:s0] =	ssyncset.done @!p1 $0x0  }
0x11c: {  	[sflag:s0] =	ssyncadd.s32 @!p1 $0xFFFFE800  }
0x11d: {  	v12 =	vld [tilespmem:$0x180];
	_ =	sdelay $0x4  }
0x11e: {  	v13 =	vshrl.u32 v12, $0x3  }
0x11f: {  	v13 =	vmul.u32 $0x30, v13  }
0x120: {  	v12 =	vand.u32 $0x7, v12  }
0x121: {  	v12 =	vor.u32 v12, v13  }
0x122: {  	v13 =	vperm.xlane v12, v9;
	_ =	sdelay $0x1  }
0x123: {  	v13 =	vadd.s32 v10, v13;
	_ =	sdelay $0x3  }
0x124: {  	s18 =	simm.s32 $0x18200;
	s0 =	rddreg [dreg:$0x1];
	v12 =	vperm.xlane v12, v11  }
0x125: {  	[tilespmem:s18], [sflag:$0x4] =	stream.indirect_vreg.gather [hbm4b:s0+s5], $0x80, v13, vm0, $0xb8;
	[tilespmem:$0x1B200] =	vst v63  }
0x126: {  	s20 =	simm.s32 $0x18A00;
	s19 =	rddreg [dreg:$0xc];
	v12 =	vadd.s32 v10, v12  }
0x127: {  	[tilespmem:s20], [sflag:$0x4] =	stream.indirect_vreg.gather [hbm4b:s19+s5], $0x80, v13, vm0, $0xb8;
	[tilespmem:$0x1B200] =	vst v63  }
0x128: {  	s22 =	simm.s32 $0x19200;
	s21 =	rddreg [dreg:$0xd]  }
0x129: {  	[tilespmem:s22], [sflag:$0x4] =	stream.indirect_vreg.gather [hbm4b:s21+s5], $0x80, v13, vm0, $0xb8;
	[tilespmem:$0x1B200] =	vst v63  }
0x12a: {  	s23 =	simm.s32 $0x19A00  }
0x12b: {  	[tilespmem:s23], [sflag:$0x4] =	stream.indirect_vreg.gather [hbm4b:s0+s5], $0x80, v12, vm0, $0xb8;
	[tilespmem:$0x1B200] =	vst v63  }
0x12c: {  	s24 =	simm.s32 $0x1A200;
	s0 =	sadd.s32 @!p0 $0x5, s30  }
0x12d: {  	[tilespmem:s24], [sflag:$0x4] =	stream.indirect_vreg.gather [hbm4b:s19+s5], $0x80, v12, vm0, $0xb8;
	[tilespmem:$0x1B200] =	vst v63  }
0x12e: {  	s25 =	simm.s32 $0x1AA00;
	s26 =	sor.u32 $0x1, s30;
	s1 =	smulhi.u32 @!p0 $0x38E38E39, s0  }
0x12f: {  	[tilespmem:s25], [sflag:$0x4] =	stream.indirect_vreg.gather [hbm4b:s21+s5], $0x80, v12, vm0, $0xb8;
	v12 =	vimm.s32 @!p0 $0x76543210;
	[tilespmem:$0x1B200] =	vst v63  }
0x130: {  	v14 =	vimm.s32 @!p0 $0x54535251;
	s28 =	smulhi.u32 $0x38E38E39, s26;
	v13 =	vimm.s32 @!p0 $0x504F4E4D;
	s1 =	sshrl.u32 @!p0 s1, $0x1;
	v12 =	vunpack.c.l.s4.s8 @!p0 v12  }
0x131: {  	v14 =	vunpack.c.0.s8.s32 @!p0 v14;
	v13 =	vunpack.c.0.s8.s32 @!p0 v13;
	s2 =	smul.u32 @!p0 $0x1FFFFFF7, s1  }
0x132: {  	s1 =	smul.u32 @!p0 $0x9A, s1;
	v12 =	vunpack.c.0.s8.s32 @!p0 v12  }
0x133: {  	s4 =	rddreg [dreg:$0x9];
	v13 =	vsel @!p0 vm1, v14, v13;
	s19 =	sshrl.u32 s28, $0x1;
	s0 =	sadd.s32 @!p0 s0, s2  }
0x134: {  	s1 =	sadd.s32 @!p0 s4, s1;
	s4 =	smul.u32 $0x1FFFFFF7, s19;
	s0 =	sshll.u32 @!p0 s0, $0x3;
	v12 =	vcombine.low @!p0 v12, v13  }
0x135: {  	s0 =	sadd.s32 @!p0 s0, s1  }
0x136: {  	s6 =	simm.s32 $0x2;
	v12 =	vadd.s32 @!p0 s0, v12;
	s0 =	sadd.s32 s26, s4  }
0x137: {  	_ =	swait.ge [sflag:s6], $0x3000;
	s23 =	sand.u32 $0x1FFFFFFF, s0  }
0x138: {  	[sflag:s6] =	ssyncset.done $0x0;
	s7 =	smul.u32 $0x6000, s23  }
0x139: {  	[sflag:s6] =	ssyncadd.s32 $0xFFFFD000;
	s1 =	simm.s32 @!p0 $0x80  }
0x13a: {  	s3 =	rddreg [dreg:$0x0];
	s0 =	simm.s32 @!p0 $0x0;
	s8 =	sshra.s32 s7, $0x2  }
0x13b: {  	[tilespmem:s1], [sflag:$0xA] =	stream.indirect_vreg.gather @!p0 [hbm4b:s3+s0], $0x1, v12, vm2, $0xb8;
	[tilespmem:$0x1B200] =	vst v63  }
0x13c: {  	s0 =	sor.u32 $0x200, s8  }
0x13d: {  	s24 =	simm.s32 $0x0;
	[dreg:$0x6] =	wrdreg s0  }
0x13e: {  	s15 =	sand.u32 $0x60, s24;
	s16 =	sand.u32 $0x1C00, s24;
	s0 =	rddreg [dreg:$0x6]  }
0x13f: {  	s6 =	sor.u32 $0x10, s15;
	s0 =	sadd.s32 s16, s0  }
0x140: {  	s14 =	sadd.s32 s6, s0  }
0x141: {  	v12 =	vld [tilespmem:s14+$0x0];
	_ =	sdelay $0x2  }
0x142: {  	s9 =	sor.u32 $0x12200, s16;
	s17 =	sadd.s32 s15, s0  }
0x143: {  	s10 =	sadd.s32 $0x13A00, s16;
	s2 =	sor.u32 s6, s9;
	v13 =	vld [tilespmem:s17+$0x0]  }
0x144: {  	s11 =	sor.u32 s6, s10;
	[tilespmem:s2+$0x0] =	vst.add.f32.msk $0xffff, v12  }
0x145: {  	[tilespmem:s11+$0x0] =	vst.add.f32.msk $0xffff, v12  }
0x146: {  	v12 =	vld [tilespmem:s14+$0x80]  }
0x147: {  	s0 =	sor.u32 s15, s9  }
0x148: {  	s1 =	sor.u32 s15, s10;
	[tilespmem:s0+$0x0] =	vst.add.f32.msk $0xffff, v13  }
0x149: {  	[tilespmem:s1+$0x0] =	vst.add.f32.msk $0xffff, v13  }
0x14a: {  	s12 =	sadd.s32 $0x13A80, s16;
	s13 =	sor.u32 $0x80, s2;
	v13 =	vld [tilespmem:s17+$0x80]  }
0x14b: {  	s18 =	sor.u32 s6, s12;
	[tilespmem:s13+$0x0] =	vst.add.f32.msk $0xffff, v12  }
0x14c: {  	[tilespmem:s18+$0x0] =	vst.add.f32.msk $0xffff, v12  }
0x14d: {  	v12 =	vld [tilespmem:s14+$0x100]  }
0x14e: {  	s20 =	sor.u32 $0x80, s0  }
0x14f: {  	s1 =	sor.u32 s15, s12;
	[tilespmem:s20+$0x0] =	vst.add.f32.msk $0xffff, v13  }
0x150: {  	[tilespmem:s1+$0x0] =	vst.add.f32.msk $0xffff, v13  }
0x151: {  	s21 =	sadd.s32 $0x13B00, s16;
	s22 =	sor.u32 $0x100, s2;
	v13 =	vld [tilespmem:s17+$0x100]  }
0x152: {  	s25 =	sor.u32 s6, s21;
	[tilespmem:s22+$0x0] =	vst.add.f32.msk $0xffff, v12  }
0x153: {  	[tilespmem:s25+$0x0] =	vst.add.f32.msk $0xffff, v12  }
0x154: {  	v12 =	vld [tilespmem:s14+$0x180]  }
0x155: {  	s26 =	sor.u32 $0x100, s0  }
0x156: {  	s1 =	sor.u32 s15, s21;
	[tilespmem:s26+$0x0] =	vst.add.f32.msk $0xffff, v13  }
0x157: {  	[tilespmem:s1+$0x0] =	vst.add.f32.msk $0xffff, v13  }
0x158: {  	s28 =	sadd.s32 $0x13B80, s16;
	s4 =	sor.u32 $0x180, s2;
	v13 =	vld [tilespmem:s17+$0x180]  }
0x159: {  	s7 =	sor.u32 s6, s28;
	[tilespmem:s4+$0x0] =	vst.add.f32.msk $0xffff, v12  }
0x15a: {  	[tilespmem:s7+$0x0] =	vst.add.f32.msk $0xffff, v12  }
0x15b: {  	v12 =	vld [tilespmem:s14+$0x200]  }
0x15c: {  	s8 =	sor.u32 $0x180, s0  }
0x15d: {  	s1 =	sor.u32 s15, s28;
	[tilespmem:s8+$0x0] =	vst.add.f32.msk $0xffff, v13  }
0x15e: {  	[tilespmem:s1+$0x0] =	vst.add.f32.msk $0xffff, v13  }
0x15f: {  	s9 =	sadd.s32 $0x13C00, s16;
	v13 =	vld [tilespmem:s17+$0x200]  }
0x160: {  	s10 =	sor.u32 s6, s9;
	[tilespmem:s2+$0x200] =	vst.add.f32.msk $0xffff, v12  }
0x161: {  	[tilespmem:s10+$0x0] =	vst.add.f32.msk $0xffff, v12  }
0x162: {  	v12 =	vld [tilespmem:s14+$0x280];
	_ =	sdelay $0x1  }
0x163: {  	s1 =	sor.u32 s15, s9;
	[tilespmem:s0+$0x200] =	vst.add.f32.msk $0xffff, v13  }
0x164: {  	[tilespmem:s1+$0x0] =	vst.add.f32.msk $0xffff, v13  }
0x165: {  	s11 =	sadd.s32 $0x13C80, s16;
	v13 =	vld [tilespmem:s17+$0x280]  }
0x166: {  	s12 =	simm.s32 $0x100;
	s13 =	simm.s32 $0x20;
	s18 =	sor.u32 s6, s11;
	[tilespmem:s2+$0x280] =	vst.add.f32.msk $0xffff, v12  }
0x167: {  	s20 =	rddreg [dreg:$0x6];
	s3 =	sand.u32 $0x60, s13;
	s21 =	sand.u32 $0x1C00, s12;
	[tilespmem:s18+$0x0] =	vst.add.f32.msk $0xffff, v12  }
0x168: {  	s22 =	sand.u32 $0x3, s24;
	s4 =	sor.u32 $0x10, s3;
	s7 =	sadd.s32 s21, s20;
	v12 =	vld [tilespmem:s14+$0x300]  }
0x169: {  	s29 =	sadd.s32 s4, s7;
	s2 =	sshll.u32 s22, $0x5  }
0x16a: {  	v14 =	vld [tilespmem:s29+$0x0];
	s2 =	sadd.s32 $0x0, s2  }
0x16b: {  	s1 =	sor.u32 s15, s11;
	[tilespmem:s0+$0x280] =	vst.add.f32.msk $0xffff, v13;
	s25 =	sadd.s32 $0x10, s2  }
0x16c: {  	s8 =	sadd.s32 $0x13D00, s16;
	[tilespmem:s1+$0x0] =	vst.add.f32.msk $0xffff, v13;
	s9 =	sor.u32 $0x300, s25  }
0x16d: {  	s26 =	sor.u32 s6, s8;
	[tilespmem:s9+$0x12200] =	vst.add.f32.msk $0xffff, v12  }
0x16e: {  	s28 =	sor.u32 $0x12200, s21;
	[tilespmem:s26+$0x0] =	vst.add.f32.msk $0xffff, v12  }
0x16f: {  	s20 =	sadd.s32 $0x13A00, s21;
	s18 =	sor.u32 s4, s28;
	v12 =	vld [tilespmem:s14+$0x380]  }
0x170: {  	s10 =	sor.u32 s4, s20;
	[tilespmem:s18+$0x0] =	vst.add.f32.msk $0xffff, v14  }
0x171: {  	[tilespmem:s10+$0x0] =	vst.add.f32.msk $0xffff, v14;
	s14 =	sadd.s32 s3, s7  }
0x172: {  	v13 =	vld [tilespmem:s14+$0x0]  }
0x173: {  	s11 =	sadd.s32 $0x13D80, s16;
	s0 =	sor.u32 $0x380, s25;
	v14 =	vld [tilespmem:s29+$0x80]  }
0x174: {  	s22 =	sor.u32 s6, s11;
	[tilespmem:s0+$0x12200] =	vst.add.f32.msk $0xffff, v12  }
0x175: {  	[tilespmem:s22+$0x0] =	vst.add.f32.msk $0xffff, v12  }
0x176: {  	v12 =	vld [tilespmem:s17+$0x300];
	s22 =	sor.u32 s3, s28  }
0x177: {  	s25 =	sor.u32 s3, s20;
	[tilespmem:s22+$0x0] =	vst.add.f32.msk $0xffff, v13  }
0x178: {  	[tilespmem:s25+$0x0] =	vst.add.f32.msk $0xffff, v13  }
0x179: {  	s26 =	sor.u32 $0x300, s2;
	s2 =	sor.u32 $0x80, s18;
	s28 =	sadd.s32 $0x13A80, s21;
	v13 =	vld [tilespmem:s14+$0x80]  }
0x17a: {  	[tilespmem:s2+$0x0] =	vst.add.f32.msk $0xffff, v14;
	s6 =	sor.u32 s4, s28  }
0x17b: {  	[tilespmem:s6+$0x0] =	vst.add.f32.msk $0xffff, v14  }
0x17c: {  	v14 =	vld [tilespmem:s29+$0x100]  }
0x17d: {  	s7 =	sor.u32 $0x80, s22;
	[tilespmem:s26+$0x12200] =	vst.add.f32.msk $0xffff, v12  }
0x17e: {  	s9 =	sor.u32 s3, s28;
	[tilespmem:s7+$0x0] =	vst.add.f32.msk $0xffff, v13  }
0x17f: {  	[tilespmem:s9+$0x0] =	vst.add.f32.msk $0xffff, v13  }
0x180: {  	s10 =	sor.u32 s15, s8;
	v13 =	vld [tilespmem:s14+$0x100]  }
0x181: {  	s16 =	sadd.s32 $0x13B00, s21;
	s20 =	sor.u32 $0x100, s18;
	[tilespmem:s10+$0x0] =	vst.add.f32.msk $0xffff, v12  }
0x182: {  	s25 =	sor.u32 s4, s16;
	[tilespmem:s20+$0x0] =	vst.add.f32.msk $0xffff, v14  }
0x183: {  	[tilespmem:s25+$0x0] =	vst.add.f32.msk $0xffff, v14  }
0x184: {  	s26 =	sor.u32 $0x100, s22;
	v12 =	vld [tilespmem:s29+$0x180]  }
0x185: {  	s1 =	sor.u32 s3, s16;
	[tilespmem:s26+$0x0] =	vst.add.f32.msk $0xffff, v13  }
0x186: {  	[tilespmem:s1+$0x0] =	vst.add.f32.msk $0xffff, v13  }
0x187: {  	v13 =	vld [tilespmem:s14+$0x180]  }
0x188: {  	s2 =	sor.u32 $0x180, s18;
	s28 =	sadd.s32 $0x13B80, s21;
	v14 =	vld [tilespmem:s17+$0x380]  }
0x189: {  	s6 =	sor.u32 s4, s28;
	[tilespmem:s2+$0x0] =	vst.add.f32.msk $0xffff, v12  }
0x18a: {  	[tilespmem:s6+$0x0] =	vst.add.f32.msk $0xffff, v12  }
0x18b: {  	s7 =	sor.u32 $0x180, s22;
	v12 =	vld [tilespmem:s29+$0x200]  }
0x18c: {  	s0 =	sor.u32 s3, s28;
	[tilespmem:s7+$0x0] =	vst.add.f32.msk $0xffff, v13  }
0x18d: {  	s8 =	sor.u32 s24, s24;
	[tilespmem:s0+$0x0] =	vst.add.f32.msk $0xffff, v13  }
0x18e: {  	s9 =	sor.u32 $0x380, s8;
	v15 =	vld [tilespmem:s14+$0x200]  }
0x18f: {  	s10 =	sadd.s32 $0x13C00, s21;
	[tilespmem:s9+$0x12200] =	vst.add.f32.msk $0xffff, v14  }
0x190: {  	s16 =	sor.u32 s4, s10;
	[tilespmem:s18+$0x200] =	vst.add.f32.msk $0xffff, v12  }
0x191: {  	[tilespmem:s16+$0x0] =	vst.add.f32.msk $0xffff, v12  }
0x192: {  	v13 =	vld [tilespmem:s29+$0x280]  }
0x193: {  	s17 =	sor.u32 s3, s10;
	[tilespmem:s22+$0x200] =	vst.add.f32.msk $0xffff, v15  }
0x194: {  	s20 =	sor.u32 $0x3, s30;
	[tilespmem:s17+$0x0] =	vst.add.f32.msk $0xffff, v15  }
0x195: {  	[dreg:$0x16] =	wrdreg s20  }
0x196: {  	s25 =	sor.u32 s12, s13;
	s26 =	sor.u32 s15, s11;
	v12 =	vld [tilespmem:s14+$0x280]  }
0x197: {  	s31 =	simm.s32 $0x100;
	s28 =	sadd.s32 $0x13C80, s21;
	s15 =	sor.u32 $0x380, s25;
	[tilespmem:s26+$0x0] =	vst.add.f32.msk $0xffff, v14  }
0x198: {  	s11 =	sor.u32 s4, s28;
	s6 =	sor.u32 s3, s28;
	s20 =	simm.s32 $0x2;
	[tilespmem:s18+$0x280] =	vst.add.f32.msk $0xffff, v13  }
.LBB2_5:
0x199: {  	s0 =	rddreg [dreg:$0x6];
	s12 =	sadd.s32 $0x100, s12;
	s13 =	sadd.s32 $0x20, s13  }
0x19a: {  	[tilespmem:s11+$0x0] =	vst.add.f32.msk $0xffff, v13;
	s24 =	sadd.s32 $0x1, s24;
	s2 =	sand.u32 $0x60, s13;
	s7 =	sand.u32 $0x1C00, s12  }
0x19b: {  	s1 =	sand.u32 $0x3, s24;
	v13 =	vld [tilespmem:s29+$0x300];
	s0 =	sadd.s32 s7, s0;
	s8 =	sor.u32 $0x10, s2  }
0x19c: {  	s1 =	sshll.u32 s1, $0x5;
	s18 =	sadd.s32 s2, s0;
	s0 =	sadd.s32 s8, s0;
	[tilespmem:s22+$0x280] =	vst.add.f32.msk $0xffff, v12  }
0x19d: {  	s1 =	sadd.s32 s1, s31;
	v14 =	vld [tilespmem:s0+$0x0]  }
0x19e: {  	s9 =	sadd.s32 $0x10, s1;
	[tilespmem:s6+$0x0] =	vst.add.f32.msk $0xffff, v12  }
0x19f: {  	s10 =	sor.u32 $0x300, s9;
	v12 =	vld [tilespmem:s14+$0x300]  }
0x1a0: {  	s26 =	sadd.s32 $0x13D00, s21;
	[tilespmem:s10+$0x12200] =	vst.add.f32.msk $0xffff, v13  }
0x1a1: {  	s16 =	sor.u32 s12, s13;
	s28 =	sor.u32 s4, s26;
	v15 =	vld [tilespmem:s18+$0x0]  }
0x1a2: {  	s6 =	sor.u32 $0x380, s16;
	s16 =	sor.u32 $0x12200, s7;
	[tilespmem:s28+$0x0] =	vst.add.f32.msk $0xffff, v13  }
0x1a3: {  	s17 =	sadd.s32 $0x13A00, s7;
	s22 =	sor.u32 s2, s16;
	s16 =	sor.u32 s8, s16;
	v13 =	vld [tilespmem:s29+$0x380]  }
0x1a4: {  	s29 =	smov.u32 s0;
	s0 =	sor.u32 s8, s17;
	[tilespmem:s16+$0x0] =	vst.add.f32.msk $0xffff, v14  }
0x1a5: {  	[tilespmem:s0+$0x0] =	vst.add.f32.msk $0xffff, v14  }
0x1a6: {  	v14 =	vld [tilespmem:s29+$0x80]  }
0x1a7: {  	s10 =	sor.u32 s2, s17;
	[tilespmem:s22+$0x0] =	vst.add.f32.msk $0xffff, v15  }
0x1a8: {  	s21 =	sadd.s32 $0x13D80, s21;
	s9 =	sor.u32 $0x380, s9;
	[tilespmem:s10+$0x0] =	vst.add.f32.msk $0xffff, v15  }
0x1a9: {  	s0 =	sor.u32 s4, s21;
	[tilespmem:s9+$0x12200] =	vst.add.f32.msk $0xffff, v13  }
0x1aa: {  	s11 =	sor.u32 s3, s26;
	[tilespmem:s0+$0x0] =	vst.add.f32.msk $0xffff, v13  }
0x1ab: {  	s26 =	sor.u32 s3, s21;
	s1 =	sor.u32 $0x300, s1;
	s21 =	smov.u32 s7;
	v13 =	vld [tilespmem:s18+$0x80]  }
0x1ac: {  	s4 =	smov.u32 s8;
	s8 =	sadd.s32 $0x13A80, s21;
	s9 =	sor.u32 $0x80, s16;
	[tilespmem:s1+$0x12200] =	vst.add.f32.msk $0xffff, v12  }
0x1ad: {  	s0 =	sor.u32 s4, s8;
	[tilespmem:s9+$0x0] =	vst.add.f32.msk $0xffff, v14  }
0x1ae: {  	[tilespmem:s0+$0x0] =	vst.add.f32.msk $0xffff, v14  }
0x1af: {  	s3 =	smov.u32 s2;
	s17 =	sor.u32 $0x80, s22;
	v14 =	vld [tilespmem:s29+$0x100]  }
0x1b0: {  	s10 =	sor.u32 s3, s8;
	[tilespmem:s17+$0x0] =	vst.add.f32.msk $0xffff, v13  }
0x1b1: {  	[tilespmem:s10+$0x0] =	vst.add.f32.msk $0xffff, v13  }
0x1b2: {  	v13 =	vld [tilespmem:s18+$0x100]  }
0x1b3: {  	s7 =	sadd.s32 $0x13B00, s21;
	s8 =	sor.u32 $0x100, s16;
	[tilespmem:s11+$0x0] =	vst.add.f32.msk $0xffff, v12  }
0x1b4: {  	s0 =	sor.u32 s4, s7;
	[tilespmem:s8+$0x0] =	vst.add.f32.msk $0xffff, v14  }
0x1b5: {  	[tilespmem:s0+$0x0] =	vst.add.f32.msk $0xffff, v14  }
0x1b6: {  	s25 =	sor.u32 $0x100, s22;
	v12 =	vld [tilespmem:s29+$0x180]  }
0x1b7: {  	s9 =	sor.u32 s3, s7;
	[tilespmem:s25+$0x0] =	vst.add.f32.msk $0xffff, v13  }
0x1b8: {  	[tilespmem:s9+$0x0] =	vst.add.f32.msk $0xffff, v13  }
0x1b9: {  	v13 =	vld [tilespmem:s18+$0x180]  }
0x1ba: {  	s10 =	sadd.s32 $0x13B80, s21;
	s11 =	sor.u32 $0x180, s16;
	v14 =	vld [tilespmem:s14+$0x380]  }
0x1bb: {  	s0 =	sor.u32 s4, s10;
	[tilespmem:s11+$0x0] =	vst.add.f32.msk $0xffff, v12  }
0x1bc: {  	[tilespmem:s0+$0x0] =	vst.add.f32.msk $0xffff, v12  }
0x1bd: {  	s28 =	sor.u32 $0x180, s22;
	v12 =	vld [tilespmem:s29+$0x200]  }
0x1be: {  	s17 =	sor.u32 s3, s10;
	[tilespmem:s28+$0x0] =	vst.add.f32.msk $0xffff, v13  }
0x1bf: {  	s14 =	smov.u32 s18;
	[tilespmem:s17+$0x0] =	vst.add.f32.msk $0xffff, v13  }
0x1c0: {  	v15 =	vld [tilespmem:s14+$0x200]  }
0x1c1: {  	s18 =	sadd.s32 $0x13C00, s21;
	[tilespmem:s15+$0x12200] =	vst.add.f32.msk $0xffff, v14  }
0x1c2: {  	s0 =	sor.u32 s4, s18;
	[tilespmem:s16+$0x200] =	vst.add.f32.msk $0xffff, v12  }
0x1c3: {  	s20 =	sadd.s32 $0x2, s20;
	[tilespmem:s0+$0x0] =	vst.add.f32.msk $0xffff, v12  }
0x1c4: {  	p0 =	slt.u32 s20, $0x2E;
	v13 =	vld [tilespmem:s29+$0x280]  }
.Ltmp1:
0x1c5: {  	s25 =	sor.u32 s3, s18;
	[tilespmem:s22+$0x200] =	vst.add.f32.msk $0xffff, v15;
	(pc) =	sbr.rel @p0 .LBB2_5-.Ltmp1, $4  }
0x1c6: {  	[tilespmem:s25+$0x0] =	vst.add.f32.msk $0xffff, v15  }
0x1c7: {  	v12 =	vld [tilespmem:s14+$0x280]  }
0x1c8: {  	s31 =	smov.u32 s12;
	s28 =	sadd.s32 $0x13C80, s21;
	[tilespmem:s26+$0x0] =	vst.add.f32.msk $0xffff, v14  }
0x1c9: {  	s11 =	sor.u32 s4, s28;
	s15 =	smov.u32 s6;
	s6 =	sor.u32 s3, s28;
	[tilespmem:s16+$0x280] =	vst.add.f32.msk $0xffff, v13  }
0x1ca: {  	[tilespmem:s11+$0x0] =	vst.add.f32.msk $0xffff, v13;
	s0 =	sadd.s32 $0x1, s24  }
0x1cb: {  	s0 =	sand.u32 $0x3, s0;
	v13 =	vld [tilespmem:s29+$0x300]  }
0x1cc: {  	s0 =	sshll.u32 s0, $0x5;
	[tilespmem:s22+$0x280] =	vst.add.f32.msk $0xffff, v12  }
0x1cd: {  	[tilespmem:s6+$0x0] =	vst.add.f32.msk $0xffff, v12;
	s0 =	sadd.s32 s0, s31  }
0x1ce: {  	v12 =	vld [tilespmem:s14+$0x300];
	s1 =	sadd.s32 $0x10, s0  }
0x1cf: {  	s2 =	sadd.s32 $0x13D00, s21;
	s17 =	sor.u32 $0x300, s1  }
0x1d0: {  	s18 =	sor.u32 s4, s2;
	[tilespmem:s17+$0x12200] =	vst.add.f32.msk $0xffff, v13  }
0x1d1: {  	[tilespmem:s18+$0x0] =	vst.add.f32.msk $0xffff, v13  }
0x1d2: {  	s0 =	sor.u32 $0x300, s0;
	v13 =	vld [tilespmem:s29+$0x380]  }
0x1d3: {  	s2 =	sor.u32 s3, s2;
	[tilespmem:s0+$0x12200] =	vst.add.f32.msk $0xffff, v12  }
0x1d4: {  	[tilespmem:s2+$0x0] =	vst.add.f32.msk $0xffff, v12  }
0x1d5: {  	v12 =	vld [tilespmem:s14+$0x380];
	_ =	sdelay $0x1  }
0x1d6: {  	s20 =	sadd.s32 $0x13D80, s21;
	s1 =	sor.u32 $0x380, s1  }
0x1d7: {  	s19 =	sshll.u32 s19, $0x1;
	s22 =	sor.u32 s4, s20;
	s2 =	rddreg [dreg:$0xb];
	[tilespmem:s1+$0x12200] =	vst.add.f32.msk $0xffff, v13  }
0x1d8: {  	s21 =	smul.u32 $0x1800, s23;
	s0 =	sadd.s32 s2, s19;
	[tilespmem:s22+$0x0] =	vst.add.f32.msk $0xffff, v13  }
0x1d9: {  	s23 =	sor.u32 s3, s20;
	s0 =	smul.u32 $0xF000, s0;
	[tilespmem:s15+$0x12200] =	vst.add.f32.msk $0xffff, v12  }
0x1da: {  	[tilespmem:s23+$0x0] =	vst.add.f32.msk $0xffff, v12  }
0x1db: {  	s0 =	sadd.s32 s0, s21;
	s31 =	rddreg [dreg:$0x14]  }
0x1dc: {  	s24 =	sshrl.u32 s0, $0x3;
	p0 =	sne.s32 s31, $0x8F  }
.Ltmp2:
0x1dd: {  	s0 =	sadd.s32 $0xF000, s0;
	s25 =	rddreg [dreg:$0xa];
	(pc) =	sbr.rel @p0 .LBB2_8-.Ltmp2, $4  }
0x1de: {  	s28 =	simm.s32 $0x12200;
	s0 =	sshrl.u32 s0, $0x3;
	s26 =	sadd.s32 s25, s24  }
0x1df: {  	[hbm4b:s26+s5] =	stream.linear.scatter [tilespmem:s28], [sflag:$0x6], $0x1800, $0x38;
	[tilespmem:$0x1B200] =	vst v63  }
0x1e0: {  	s29 =	simm.s32 $0x13A00;
	s0 =	sadd.s32 s25, s0  }
0x1e1: {  	[hbm4b:s0+s5] =	stream.linear.scatter [tilespmem:s29], [sflag:$0x6], $0x1800, $0x38;
	[tilespmem:$0x1B200] =	vst v63  }
.Ltmp3:
0x1e2: {  	(pc) =	sbr.rel .LBB2_9-.Ltmp3, $4  }
0x1e3: {  	s0 =	simm.s32 $0x3  }
0x1e4: {  	_ =	swait.ge [sflag:s0], $0x3000  }
0x1e5: {  	[sflag:s0] =	ssyncset.done $0x0  }
0x1e6: {  	[sflag:s0] =	ssyncadd.s32 $0xFFFFD000  }
.LBB2_8:
0x1e7: {  	s0 =	simm.s32 $0x9  }
0x1e8: {  	_ =	swait.ge [sflag:s0], $0x10  }
0x1e9: {  	[sflag:s0] =	ssyncset.done $0x0  }
0x1ea: {  	s19 =	simm.s32 $0x5;
	[sflag:s0] =	ssyncadd.s32 $0xFFFFFFF0  }
0x1eb: {  	_ =	swait.ge [sflag:s19], $0x1800  }
0x1ec: {  	[sflag:s19] =	ssyncset.done $0x0  }
0x1ed: {  	[sflag:s19] =	ssyncadd.s32 $0xFFFFE800  }
0x1ee: {  	_ =	swait.ge [sflag:s19], $0x1800  }
0x1ef: {  	[sflag:s19] =	ssyncset.done $0x0  }
0x1f0: {  	[sflag:s19] =	ssyncadd.s32 $0xFFFFE800  }
0x1f1: {  	v12 =	vld [tilespmem:$0x0];
	_ =	sdelay $0x4  }
0x1f2: {  	v13 =	vshrl.u32 v12, $0x3  }
0x1f3: {  	v13 =	vmul.u32 $0x30, v13  }
0x1f4: {  	v12 =	vand.u32 $0x7, v12  }
0x1f5: {  	v12 =	vor.u32 v12, v13  }
0x1f6: {  	v13 =	vperm.xlane v12, v9;
	_ =	sdelay $0x1  }
0x1f7: {  	v13 =	vadd.s32 v10, v13;
	_ =	sdelay $0x2  }
0x1f8: {  	s23 =	sadd.s32 $0x6, s30  }
0x1f9: {  	s1 =	simm.s32 $0xF200;
	s24 =	smulhi.u32 $0x38E38E39, s23;
	s0 =	rddreg [dreg:$0x1];
	v12 =	vperm.xlane v12, v11  }
0x1fa: {  	[tilespmem:s1], [sflag:$0x1] =	stream.indirect_vreg.gather [hbm4b:s0+s5], $0x80, v13, vm0, $0xb8;
	[tilespmem:$0x1B200] =	vst v63  }
0x1fb: {  	s20 =	simm.s32 $0xFA00;
	s2 =	rddreg [dreg:$0xc];
	v12 =	vadd.s32 v10, v12;
	s1 =	sshrl.u32 s24, $0x1  }
0x1fc: {  	[tilespmem:s20], [sflag:$0x1] =	stream.indirect_vreg.gather [hbm4b:s2+s5], $0x80, v13, vm0, $0xb8;
	[tilespmem:$0x1B200] =	vst v63  }
0x1fd: {  	s21 =	simm.s32 $0x10200;
	s3 =	rddreg [dreg:$0xd];
	s25 =	smul.u32 $0x1FFFFFF7, s1  }
0x1fe: {  	[tilespmem:s21], [sflag:$0x1] =	stream.indirect_vreg.gather [hbm4b:s3+s5], $0x80, v13, vm0, $0xb8;
	[tilespmem:$0x1B200] =	vst v63  }
0x1ff: {  	s22 =	simm.s32 $0x10A00;
	s1 =	smul.u32 $0x9A, s1  }
0x200: {  	[tilespmem:s22], [sflag:$0x1] =	stream.indirect_vreg.gather [hbm4b:s0+s5], $0x80, v12, vm0, $0xb8;
	[tilespmem:$0x1B200] =	vst v63  }
0x201: {  	s26 =	rddreg [dreg:$0x9];
	s0 =	sadd.s32 s23, s25  }
0x202: {  	s4 =	simm.s32 $0x11200;
	s1 =	sadd.s32 s26, s1;
	s0 =	sshll.u32 s0, $0x3  }
0x203: {  	[tilespmem:s4], [sflag:$0x1] =	stream.indirect_vreg.gather [hbm4b:s2+s5], $0x80, v12, vm0, $0xb8;
	[tilespmem:$0x1B200] =	vst v63  }
0x204: {  	s28 =	simm.s32 $0x11A00;
	s29 =	simm.s32 $0x3;
	s0 =	sadd.s32 s0, s1  }
0x205: {  	v63 =	vadd.s32 s0, v0;
	[tilespmem:s28], [sflag:$0x1] =	stream.indirect_vreg.gather [hbm4b:s3+s5], $0x80, v12, vm0, $0xb8;
	[tilespmem:$0x1B200] =	vst v63  }
0x206: {  	_ =	swait.ge [sflag:s29], $0x3000  }
0x207: {  	[sflag:s29] =	ssyncset.done $0x0  }
0x208: {  	[sflag:s29] =	ssyncadd.s32 $0xFFFFD000  }
0x209: {  	s31 =	simm.s32 $0x100;
	s0 =	rddreg [dreg:$0x0]  }
0x20a: {  	[tilespmem:s31], [sflag:$0xB] =	stream.indirect_vreg.gather [hbm4b:s0+s5], $0x1, v63, vm0, $0xb8;
	[tilespmem:$0x1B200] =	vst v63  }
.LBB2_9:
0x20b: {  	s1 =	rddreg [dreg:$0x15]  }
0x20c: {  	s0 =	smulhi.u32 $0x38E38E39, s1;
	_ =	sdelay $0x1  }
0x20d: {  	s19 =	sshrl.u32 s0, $0x1  }
0x20e: {  	s0 =	smul.u32 $0x1FFFFFF7, s19;
	_ =	sdelay $0x1  }
0x20f: {  	s0 =	sadd.s32 s1, s0  }
0x210: {  	s0 =	sand.u32 $0x1FFFFFFF, s0  }
0x211: {  	s16 =	smul.u32 $0x6000, s0;
	_ =	sdelay $0x1  }
0x212: {  	s1 =	sshra.s32 s16, $0x2  }
0x213: {  	s1 =	sor.u32 $0x200, s1  }
0x214: {  	s23 =	simm.s32 $0x0;
	[dreg:$0x7] =	wrdreg s1  }
0x215: {  	s15 =	sand.u32 $0x60, s23;
	s14 =	sand.u32 $0x1C00, s23;
	s1 =	rddreg [dreg:$0x7]  }
0x216: {  	s6 =	sor.u32 $0x10, s15;
	s1 =	sadd.s32 s14, s1  }
0x217: {  	s16 =	sadd.s32 s6, s1  }
0x218: {  	s20 =	sadd.s32 s15, s1;
	v12 =	vld [tilespmem:s16+$0x0]  }
0x219: {  	v13 =	vld [tilespmem:s20+$0x0];
	_ =	sdelay $0x1  }
0x21a: {  	s17 =	sadd.s32 $0x15200, s14  }
0x21b: {  	s3 =	sor.u32 s6, s17  }
0x21c: {  	s2 =	sadd.s32 $0x16A00, s14;
	s1 =	sor.u32 s15, s17;
	[tilespmem:s3+$0x0] =	vst.add.f32.msk $0xffff, v12  }
0x21d: {  	s4 =	sor.u32 s6, s2;
	[tilespmem:s1+$0x0] =	vst.add.f32.msk $0xffff, v13  }
0x21e: {  	s2 =	sor.u32 s15, s2;
	[tilespmem:s4+$0x0] =	vst.add.f32.msk $0xffff, v12  }
0x21f: {  	[tilespmem:s2+$0x0] =	vst.add.f32.msk $0xffff, v13  }
0x220: {  	v12 =	vld [tilespmem:s16+$0x80]  }
0x221: {  	v13 =	vld [tilespmem:s20+$0x80];
	_ =	sdelay $0x2  }
0x222: {  	s21 =	sor.u32 $0x80, s3  }
0x223: {  	s18 =	sadd.s32 $0x16A80, s14;
	s24 =	sor.u32 $0x80, s1;
	[tilespmem:s21+$0x0] =	vst.add.f32.msk $0xffff, v12  }
0x224: {  	s22 =	sor.u32 s6, s18;
	[tilespmem:s24+$0x0] =	vst.add.f32.msk $0xffff, v13  }
0x225: {  	s2 =	sor.u32 s15, s18;
	[tilespmem:s22+$0x0] =	vst.add.f32.msk $0xffff, v12  }
0x226: {  	[tilespmem:s2+$0x0] =	vst.add.f32.msk $0xffff, v13  }
0x227: {  	v12 =	vld [tilespmem:s16+$0x100]  }
0x228: {  	v13 =	vld [tilespmem:s20+$0x100];
	_ =	sdelay $0x2  }
0x229: {  	s26 =	sor.u32 $0x100, s3  }
0x22a: {  	s25 =	sadd.s32 $0x16B00, s14;
	s31 =	sor.u32 $0x100, s1;
	[tilespmem:s26+$0x0] =	vst.add.f32.msk $0xffff, v12  }
0x22b: {  	s28 =	sor.u32 s6, s25;
	[tilespmem:s31+$0x0] =	vst.add.f32.msk $0xffff, v13  }
0x22c: {  	s2 =	sor.u32 s15, s25;
	[tilespmem:s28+$0x0] =	vst.add.f32.msk $0xffff, v12  }
0x22d: {  	[tilespmem:s2+$0x0] =	vst.add.f32.msk $0xffff, v13  }
0x22e: {  	v12 =	vld [tilespmem:s16+$0x180]  }
0x22f: {  	v13 =	vld [tilespmem:s20+$0x180];
	_ =	sdelay $0x2  }
0x230: {  	s8 =	sor.u32 $0x180, s3  }
0x231: {  	s7 =	sadd.s32 $0x16B80, s14;
	s10 =	sor.u32 $0x180, s1;
	[tilespmem:s8+$0x0] =	vst.add.f32.msk $0xffff, v12  }
0x232: {  	s9 =	sor.u32 s6, s7;
	[tilespmem:s10+$0x0] =	vst.add.f32.msk $0xffff, v13  }
0x233: {  	s2 =	sor.u32 s15, s7;
	[tilespmem:s9+$0x0] =	vst.add.f32.msk $0xffff, v12  }
0x234: {  	[tilespmem:s2+$0x0] =	vst.add.f32.msk $0xffff, v13  }
0x235: {  	v12 =	vld [tilespmem:s16+$0x200]  }
0x236: {  	v13 =	vld [tilespmem:s20+$0x200];
	_ =	sdelay $0x3  }
0x237: {  	s11 =	sadd.s32 $0x16C00, s14;
	[tilespmem:s3+$0x200] =	vst.add.f32.msk $0xffff, v12  }
0x238: {  	s12 =	sor.u32 s6, s11;
	[tilespmem:s1+$0x200] =	vst.add.f32.msk $0xffff, v13  }
0x239: {  	s2 =	sor.u32 s15, s11;
	[tilespmem:s12+$0x0] =	vst.add.f32.msk $0xffff, v12  }
0x23a: {  	[tilespmem:s2+$0x0] =	vst.add.f32.msk $0xffff, v13  }
0x23b: {  	v12 =	vld [tilespmem:s16+$0x280]  }
0x23c: {  	v13 =	vld [tilespmem:s20+$0x280];
	_ =	sdelay $0x3  }
0x23d: {  	s13 =	sadd.s32 $0x16C80, s14;
	[tilespmem:s3+$0x280] =	vst.add.f32.msk $0xffff, v12  }
0x23e: {  	s17 =	sor.u32 s6, s13;
	[tilespmem:s1+$0x280] =	vst.add.f32.msk $0xffff, v13  }
0x23f: {  	s18 =	rddreg [dreg:$0x7];
	s7 =	sand.u32 $0x3, s23;
	s12 =	simm.s32 $0x100;
	[tilespmem:s17+$0x0] =	vst.add.f32.msk $0xffff, v12  }
0x240: {  	s2 =	sor.u32 s15, s13;
	s13 =	simm.s32 $0x20;
	s21 =	sand.u32 $0x1C00, s12;
	v12 =	vld [tilespmem:s16+$0x300]  }
0x241: {  	s7 =	sshll.u32 s7, $0x5;
	s22 =	sadd.s32 s21, s18;
	s3 =	sand.u32 $0x60, s13;
	[tilespmem:s2+$0x0] =	vst.add.f32.msk $0xffff, v13  }
0x242: {  	s25 =	sadd.s32 $0x0, s7;
	s4 =	sor.u32 $0x10, s3;
	s29 =	sadd.s32 s3, s22;
	v13 =	vld [tilespmem:s20+$0x300]  }
0x243: {  	s7 =	sadd.s32 $0x10, s25;
	s24 =	sadd.s32 s4, s22;
	v15 =	vld [tilespmem:s29+$0x0]  }
0x244: {  	s8 =	sadd.s32 $0x16D00, s14;
	s9 =	sor.u32 $0x300, s7;
	v14 =	vld [tilespmem:s24+$0x0]  }
0x245: {  	s26 =	sor.u32 s6, s8;
	[tilespmem:s9+$0x15200] =	vst.add.f32.msk $0xffff, v12  }
0x246: {  	s9 =	sor.u32 $0x300, s25;
	[tilespmem:s26+$0x0] =	vst.add.f32.msk $0xffff, v12  }
0x247: {  	s28 =	sadd.s32 $0x15200, s21;
	[tilespmem:s9+$0x15200] =	vst.add.f32.msk $0xffff, v13  }
0x248: {  	s31 =	sadd.s32 $0x16A00, s21;
	v12 =	vld [tilespmem:s16+$0x380];
	s16 =	sor.u32 s4, s28  }
0x249: {  	s10 =	sor.u32 s4, s31;
	[tilespmem:s16+$0x0] =	vst.add.f32.msk $0xffff, v14  }
0x24a: {  	[tilespmem:s10+$0x0] =	vst.add.f32.msk $0xffff, v14  }
0x24b: {  	s10 =	sadd.s32 $0x16D80, s14;
	s14 =	sor.u32 s3, s28;
	v14 =	vld [tilespmem:s24+$0x80]  }
0x24c: {  	s7 =	sor.u32 $0x380, s7;
	[tilespmem:s14+$0x0] =	vst.add.f32.msk $0xffff, v15  }
0x24d: {  	s6 =	sor.u32 s6, s10;
	[tilespmem:s7+$0x15200] =	vst.add.f32.msk $0xffff, v12  }
0x24e: {  	s7 =	sor.u32 s3, s31;
	[tilespmem:s6+$0x0] =	vst.add.f32.msk $0xffff, v12  }
0x24f: {  	[tilespmem:s7+$0x0] =	vst.add.f32.msk $0xffff, v15  }
0x250: {  	s11 =	sadd.s32 $0x16A80, s21;
	s17 =	sor.u32 $0x80, s16;
	v12 =	vld [tilespmem:s29+$0x80]  }
0x251: {  	s18 =	sor.u32 s4, s11;
	[tilespmem:s17+$0x0] =	vst.add.f32.msk $0xffff, v14  }
0x252: {  	[tilespmem:s18+$0x0] =	vst.add.f32.msk $0xffff, v14  }
0x253: {  	s25 =	sor.u32 s15, s8;
	v14 =	vld [tilespmem:s24+$0x100]  }
0x254: {  	[tilespmem:s25+$0x0] =	vst.add.f32.msk $0xffff, v13;
	s22 =	sor.u32 $0x80, s14  }
0x255: {  	s2 =	sor.u32 s3, s11;
	[tilespmem:s22+$0x0] =	vst.add.f32.msk $0xffff, v12  }
0x256: {  	[tilespmem:s2+$0x0] =	vst.add.f32.msk $0xffff, v12  }
0x257: {  	s26 =	sadd.s32 $0x16B00, s21;
	s28 =	sor.u32 $0x100, s16;
	v12 =	vld [tilespmem:s29+$0x100]  }
0x258: {  	s31 =	sor.u32 s4, s26;
	[tilespmem:s28+$0x0] =	vst.add.f32.msk $0xffff, v14  }
0x259: {  	[tilespmem:s31+$0x0] =	vst.add.f32.msk $0xffff, v14  }
0x25a: {  	v13 =	vld [tilespmem:s24+$0x180]  }
0x25b: {  	s6 =	sor.u32 $0x100, s14;
	v14 =	vld [tilespmem:s20+$0x380]  }
0x25c: {  	s2 =	sor.u32 s3, s26;
	[tilespmem:s6+$0x0] =	vst.add.f32.msk $0xffff, v12  }
0x25d: {  	[tilespmem:s2+$0x0] =	vst.add.f32.msk $0xffff, v12  }
0x25e: {  	s8 =	sor.u32 $0x180, s16;
	s7 =	sadd.s32 $0x16B80, s21;
	v12 =	vld [tilespmem:s29+$0x180]  }
0x25f: {  	s9 =	sor.u32 s4, s7;
	[tilespmem:s8+$0x0] =	vst.add.f32.msk $0xffff, v13  }
0x260: {  	s17 =	sor.u32 s23, s23;
	[tilespmem:s9+$0x0] =	vst.add.f32.msk $0xffff, v13  }
0x261: {  	s18 =	sor.u32 $0x380, s17;
	v13 =	vld [tilespmem:s24+$0x200]  }
0x262: {  	s11 =	sor.u32 $0x180, s14;
	[tilespmem:s18+$0x15200] =	vst.add.f32.msk $0xffff, v14  }
0x263: {  	s1 =	sor.u32 s3, s7;
	[tilespmem:s11+$0x0] =	vst.add.f32.msk $0xffff, v12  }
0x264: {  	[tilespmem:s1+$0x0] =	vst.add.f32.msk $0xffff, v12  }
0x265: {  	s20 =	sadd.s32 $0x16C00, s21;
	v12 =	vld [tilespmem:s29+$0x200]  }
0x266: {  	s22 =	sor.u32 s4, s20;
	[tilespmem:s16+$0x200] =	vst.add.f32.msk $0xffff, v13  }
0x267: {  	[tilespmem:s22+$0x0] =	vst.add.f32.msk $0xffff, v13  }
0x268: {  	s28 =	sor.u32 s15, s10;
	v13 =	vld [tilespmem:s24+$0x280]  }
0x269: {  	[tilespmem:s28+$0x0] =	vst.add.f32.msk $0xffff, v14  }
0x26a: {  	s25 =	sor.u32 s3, s20;
	[tilespmem:s14+$0x200] =	vst.add.f32.msk $0xffff, v12  }
0x26b: {  	s26 =	sor.u32 s12, s13;
	[tilespmem:s25+$0x0] =	vst.add.f32.msk $0xffff, v12  }
0x26c: {  	s15 =	sor.u32 $0x380, s26;
	s31 =	sadd.s32 $0x16C80, s21;
	s20 =	simm.s32 $0x2;
	v12 =	vld [tilespmem:s29+$0x280]  }
0x26d: {  	s6 =	sor.u32 s3, s31;
	s11 =	sor.u32 s4, s31;
	s22 =	simm.s32 $0x100;
	[tilespmem:s16+$0x280] =	vst.add.f32.msk $0xffff, v13  }
.LBB2_10:
0x26e: {  	s1 =	rddreg [dreg:$0x7];
	s12 =	sadd.s32 $0x100, s12;
	s13 =	sadd.s32 $0x20, s13  }
0x26f: {  	[tilespmem:s11+$0x0] =	vst.add.f32.msk $0xffff, v13;
	s23 =	sadd.s32 $0x1, s23;
	s7 =	sand.u32 $0x60, s13;
	s8 =	sand.u32 $0x1C00, s12  }
0x270: {  	s2 =	sand.u32 $0x3, s23;
	v13 =	vld [tilespmem:s24+$0x300];
	s1 =	sadd.s32 s8, s1;
	s9 =	sor.u32 $0x10, s7  }
0x271: {  	s2 =	sshll.u32 s2, $0x5;
	s18 =	sadd.s32 s7, s1;
	s1 =	sadd.s32 s9, s1;
	[tilespmem:s14+$0x280] =	vst.add.f32.msk $0xffff, v12  }
0x272: {  	s2 =	sadd.s32 s2, s22;
	v14 =	vld [tilespmem:s1+$0x0]  }
0x273: {  	s10 =	sadd.s32 $0x10, s2;
	[tilespmem:s6+$0x0] =	vst.add.f32.msk $0xffff, v12  }
0x274: {  	s25 =	sor.u32 $0x300, s10;
	v12 =	vld [tilespmem:s29+$0x300]  }
0x275: {  	s22 =	sadd.s32 $0x16D00, s21;
	[tilespmem:s25+$0x15200] =	vst.add.f32.msk $0xffff, v13  }
0x276: {  	s26 =	sor.u32 s4, s22;
	v15 =	vld [tilespmem:s18+$0x0]  }
0x277: {  	s16 =	sor.u32 s12, s13;
	s28 =	sadd.s32 $0x15200, s8;
	[tilespmem:s26+$0x0] =	vst.add.f32.msk $0xffff, v13  }
0x278: {  	s31 =	sadd.s32 $0x16A00, s8;
	s6 =	sor.u32 $0x380, s16;
	s16 =	sor.u32 s9, s28;
	v13 =	vld [tilespmem:s24+$0x380]  }
0x279: {  	s24 =	smov.u32 s1;
	s1 =	sor.u32 s9, s31;
	[tilespmem:s16+$0x0] =	vst.add.f32.msk $0xffff, v14  }
0x27a: {  	[tilespmem:s1+$0x0] =	vst.add.f32.msk $0xffff, v14  }
0x27b: {  	s14 =	sor.u32 s7, s28;
	v14 =	vld [tilespmem:s24+$0x80]  }
0x27c: {  	s17 =	sor.u32 s7, s31;
	[tilespmem:s14+$0x0] =	vst.add.f32.msk $0xffff, v15  }
0x27d: {  	s21 =	sadd.s32 $0x16D80, s21;
	s10 =	sor.u32 $0x380, s10;
	[tilespmem:s17+$0x0] =	vst.add.f32.msk $0xffff, v15  }
0x27e: {  	s1 =	sor.u32 s4, s21;
	[tilespmem:s10+$0x15200] =	vst.add.f32.msk $0xffff, v13  }
0x27f: {  	[tilespmem:s1+$0x0] =	vst.add.f32.msk $0xffff, v13  }
0x280: {  	s2 =	sor.u32 $0x300, s2;
	s26 =	sor.u32 s3, s21;
	s21 =	smov.u32 s8;
	v13 =	vld [tilespmem:s18+$0x80]  }
0x281: {  	s4 =	smov.u32 s9;
	s9 =	sadd.s32 $0x16A80, s21;
	s10 =	sor.u32 $0x80, s16;
	[tilespmem:s2+$0x15200] =	vst.add.f32.msk $0xffff, v12  }
0x282: {  	s1 =	sor.u32 s4, s9;
	[tilespmem:s10+$0x0] =	vst.add.f32.msk $0xffff, v14  }
0x283: {  	[tilespmem:s1+$0x0] =	vst.add.f32.msk $0xffff, v14  }
0x284: {  	s11 =	sor.u32 s3, s22;
	s25 =	sor.u32 $0x80, s14;
	s3 =	smov.u32 s7;
	v14 =	vld [tilespmem:s24+$0x100]  }
0x285: {  	s17 =	sor.u32 s3, s9;
	[tilespmem:s25+$0x0] =	vst.add.f32.msk $0xffff, v13  }
0x286: {  	[tilespmem:s17+$0x0] =	vst.add.f32.msk $0xffff, v13  }
0x287: {  	v13 =	vld [tilespmem:s18+$0x100]  }
0x288: {  	s8 =	sadd.s32 $0x16B00, s21;
	s9 =	sor.u32 $0x100, s16;
	[tilespmem:s11+$0x0] =	vst.add.f32.msk $0xffff, v12  }
0x289: {  	s1 =	sor.u32 s4, s8;
	[tilespmem:s9+$0x0] =	vst.add.f32.msk $0xffff, v14  }
0x28a: {  	[tilespmem:s1+$0x0] =	vst.add.f32.msk $0xffff, v14  }
0x28b: {  	s31 =	sor.u32 $0x100, s14;
	v12 =	vld [tilespmem:s24+$0x180]  }
0x28c: {  	s10 =	sor.u32 s3, s8;
	[tilespmem:s31+$0x0] =	vst.add.f32.msk $0xffff, v13  }
0x28d: {  	[tilespmem:s10+$0x0] =	vst.add.f32.msk $0xffff, v13  }
0x28e: {  	v13 =	vld [tilespmem:s18+$0x180]  }
0x28f: {  	s17 =	sor.u32 $0x180, s16;
	s11 =	sadd.s32 $0x16B80, s21;
	v14 =	vld [tilespmem:s29+$0x380]  }
0x290: {  	s1 =	sor.u32 s4, s11;
	[tilespmem:s17+$0x0] =	vst.add.f32.msk $0xffff, v12  }
0x291: {  	[tilespmem:s1+$0x0] =	vst.add.f32.msk $0xffff, v12  }
0x292: {  	s28 =	sor.u32 $0x180, s14;
	v12 =	vld [tilespmem:s24+$0x200]  }
0x293: {  	s29 =	smov.u32 s18;
	s18 =	sor.u32 s3, s11;
	[tilespmem:s28+$0x0] =	vst.add.f32.msk $0xffff, v13  }
0x294: {  	[tilespmem:s18+$0x0] =	vst.add.f32.msk $0xffff, v13  }
0x295: {  	v15 =	vld [tilespmem:s29+$0x200]  }
0x296: {  	s25 =	sadd.s32 $0x16C00, s21;
	[tilespmem:s15+$0x15200] =	vst.add.f32.msk $0xffff, v14  }
0x297: {  	s1 =	sor.u32 s4, s25;
	[tilespmem:s16+$0x200] =	vst.add.f32.msk $0xffff, v12  }
0x298: {  	s20 =	sadd.s32 $0x2, s20;
	[tilespmem:s1+$0x0] =	vst.add.f32.msk $0xffff, v12  }
0x299: {  	p1 =	slt.u32 s20, $0x2E;
	v13 =	vld [tilespmem:s24+$0x280]  }
.Ltmp4:
0x29a: {  	s28 =	sor.u32 s3, s25;
	[tilespmem:s14+$0x200] =	vst.add.f32.msk $0xffff, v15;
	(pc) =	sbr.rel @p1 .LBB2_10-.Ltmp4, $4  }
0x29b: {  	[tilespmem:s28+$0x0] =	vst.add.f32.msk $0xffff, v15  }
0x29c: {  	v12 =	vld [tilespmem:s29+$0x280]  }
0x29d: {  	s22 =	smov.u32 s12;
	s31 =	sadd.s32 $0x16C80, s21;
	[tilespmem:s26+$0x0] =	vst.add.f32.msk $0xffff, v14  }
0x29e: {  	s11 =	sor.u32 s4, s31;
	s15 =	smov.u32 s6;
	s6 =	sor.u32 s3, s31;
	[tilespmem:s16+$0x280] =	vst.add.f32.msk $0xffff, v13  }
0x29f: {  	[tilespmem:s11+$0x0] =	vst.add.f32.msk $0xffff, v13;
	s1 =	sadd.s32 $0x1, s23  }
0x2a0: {  	s1 =	sand.u32 $0x3, s1;
	v13 =	vld [tilespmem:s24+$0x300]  }
0x2a1: {  	s1 =	sshll.u32 s1, $0x5;
	[tilespmem:s14+$0x280] =	vst.add.f32.msk $0xffff, v12  }
0x2a2: {  	[tilespmem:s6+$0x0] =	vst.add.f32.msk $0xffff, v12;
	s1 =	sadd.s32 s1, s22  }
0x2a3: {  	v12 =	vld [tilespmem:s29+$0x300];
	s2 =	sadd.s32 $0x10, s1  }
0x2a4: {  	s17 =	sadd.s32 $0x16D00, s21;
	s7 =	sor.u32 $0x300, s2  }
0x2a5: {  	s18 =	sor.u32 s4, s17;
	[tilespmem:s7+$0x15200] =	vst.add.f32.msk $0xffff, v13  }
0x2a6: {  	[tilespmem:s18+$0x0] =	vst.add.f32.msk $0xffff, v13  }
0x2a7: {  	s1 =	sor.u32 $0x300, s1;
	v13 =	vld [tilespmem:s24+$0x380]  }
0x2a8: {  	s6 =	sor.u32 s3, s17;
	[tilespmem:s1+$0x15200] =	vst.add.f32.msk $0xffff, v12  }
0x2a9: {  	[tilespmem:s6+$0x0] =	vst.add.f32.msk $0xffff, v12  }
0x2aa: {  	v12 =	vld [tilespmem:s29+$0x380]  }
0x2ab: {  	s20 =	sshll.u32 s19, $0x1;
	s0 =	smul.u32 $0x1800, s0;
	s6 =	rddreg [dreg:$0xb]  }
0x2ac: {  	s22 =	sadd.s32 $0x16D80, s21;
	s2 =	sor.u32 $0x380, s2;
	s1 =	sadd.s32 s6, s20  }
0x2ad: {  	s23 =	sor.u32 s4, s22;
	s1 =	smul.u32 $0xF000, s1;
	[tilespmem:s2+$0x15200] =	vst.add.f32.msk $0xffff, v13  }
0x2ae: {  	[tilespmem:s23+$0x0] =	vst.add.f32.msk $0xffff, v13  }
0x2af: {  	s24 =	sor.u32 s3, s22;
	s0 =	sadd.s32 s1, s0;
	[tilespmem:s15+$0x15200] =	vst.add.f32.msk $0xffff, v12  }
0x2b0: {  	s25 =	sshrl.u32 s0, $0x3;
	[tilespmem:s24+$0x0] =	vst.add.f32.msk $0xffff, v12  }
.Ltmp5:
0x2b1: {  	s0 =	sadd.s32 $0xF000, s0;
	s26 =	rddreg [dreg:$0xa];
	(pc) =	sbr.rel @p0 .LBB2_13-.Ltmp5, $4  }
0x2b2: {  	s29 =	simm.s32 $0x15200;
	s0 =	sshrl.u32 s0, $0x3;
	s28 =	sadd.s32 s26, s25  }
0x2b3: {  	[hbm4b:s28+s5] =	stream.linear.scatter [tilespmem:s29], [sflag:$0x7], $0x1800, $0x38;
	[tilespmem:$0x1B200] =	vst v63  }
0x2b4: {  	s31 =	simm.s32 $0x16A00;
	s0 =	sadd.s32 s26, s0  }
0x2b5: {  	[hbm4b:s0+s5] =	stream.linear.scatter [tilespmem:s31], [sflag:$0x7], $0x1800, $0x38;
	[tilespmem:$0x1B200] =	vst v63  }
.Ltmp6:
0x2b6: {  	s0 =	simm.s32 $0x4;
	(pc) =	sbr.rel .LBB2_14-.Ltmp6, $4  }
0x2b7: {  	_ =	swait.ge [sflag:s0], $0x3000  }
0x2b8: {  	[sflag:s0] =	ssyncset.done $0x0  }
0x2b9: {  	[sflag:s0] =	ssyncadd.s32 $0xFFFFD000  }
0x2ba: {  	s31 =	rddreg [dreg:$0x0]  }
.LBB2_13:
0x2bb: {  	s0 =	simm.s32 $0xA  }
0x2bc: {  	_ =	swait.ge [sflag:s0], $0x10  }
0x2bd: {  	[sflag:s0] =	ssyncset.done $0x0  }
0x2be: {  	s19 =	simm.s32 $0x6;
	[sflag:s0] =	ssyncadd.s32 $0xFFFFFFF0  }
0x2bf: {  	_ =	swait.ge [sflag:s19], $0x1800  }
0x2c0: {  	[sflag:s19] =	ssyncset.done $0x0  }
0x2c1: {  	[sflag:s19] =	ssyncadd.s32 $0xFFFFE800  }
0x2c2: {  	_ =	swait.ge [sflag:s19], $0x1800  }
0x2c3: {  	[sflag:s19] =	ssyncset.done $0x0  }
0x2c4: {  	[sflag:s19] =	ssyncadd.s32 $0xFFFFE800  }
0x2c5: {  	v12 =	vld [tilespmem:$0x80];
	_ =	sdelay $0x4  }
0x2c6: {  	v13 =	vshrl.u32 v12, $0x3  }
0x2c7: {  	v13 =	vmul.u32 $0x30, v13  }
0x2c8: {  	v12 =	vand.u32 $0x7, v12  }
0x2c9: {  	v12 =	vor.u32 v12, v13  }
0x2ca: {  	v13 =	vperm.xlane v12, v9;
	_ =	sdelay $0x1  }
0x2cb: {  	v13 =	vadd.s32 v10, v13;
	_ =	sdelay $0x2  }
0x2cc: {  	s23 =	sadd.s32 $0x7, s30  }
0x2cd: {  	s1 =	simm.s32 $0x12200;
	s24 =	smulhi.u32 $0x38E38E39, s23;
	s0 =	rddreg [dreg:$0x1];
	v12 =	vperm.xlane v12, v11  }
0x2ce: {  	[tilespmem:s1], [sflag:$0x2] =	stream.indirect_vreg.gather [hbm4b:s0+s5], $0x80, v13, vm0, $0xb8;
	[tilespmem:$0x1B200] =	vst v63  }
0x2cf: {  	s20 =	simm.s32 $0x12A00;
	s2 =	rddreg [dreg:$0xc];
	v12 =	vadd.s32 v10, v12;
	s1 =	sshrl.u32 s24, $0x1  }
0x2d0: {  	[tilespmem:s20], [sflag:$0x2] =	stream.indirect_vreg.gather [hbm4b:s2+s5], $0x80, v13, vm0, $0xb8;
	[tilespmem:$0x1B200] =	vst v63  }
0x2d1: {  	s21 =	simm.s32 $0x13200;
	s3 =	rddreg [dreg:$0xd];
	s25 =	smul.u32 $0x1FFFFFF7, s1  }
0x2d2: {  	[tilespmem:s21], [sflag:$0x2] =	stream.indirect_vreg.gather [hbm4b:s3+s5], $0x80, v13, vm0, $0xb8;
	[tilespmem:$0x1B200] =	vst v63  }
0x2d3: {  	s22 =	simm.s32 $0x13A00;
	s1 =	smul.u32 $0x9A, s1  }
0x2d4: {  	[tilespmem:s22], [sflag:$0x2] =	stream.indirect_vreg.gather [hbm4b:s0+s5], $0x80, v12, vm0, $0xb8;
	[tilespmem:$0x1B200] =	vst v63  }
0x2d5: {  	s26 =	rddreg [dreg:$0x9];
	s0 =	sadd.s32 s23, s25  }
0x2d6: {  	s4 =	simm.s32 $0x14200;
	s1 =	sadd.s32 s26, s1;
	s0 =	sshll.u32 s0, $0x3  }
0x2d7: {  	[tilespmem:s4], [sflag:$0x2] =	stream.indirect_vreg.gather [hbm4b:s2+s5], $0x80, v12, vm0, $0xb8;
	[tilespmem:$0x1B200] =	vst v63  }
0x2d8: {  	s28 =	simm.s32 $0x14A00;
	s29 =	simm.s32 $0x4;
	s0 =	sadd.s32 s0, s1  }
0x2d9: {  	v63 =	vadd.s32 s0, v0;
	[tilespmem:s28], [sflag:$0x2] =	stream.indirect_vreg.gather [hbm4b:s3+s5], $0x80, v12, vm0, $0xb8;
	[tilespmem:$0x1B200] =	vst v63  }
0x2da: {  	_ =	swait.ge [sflag:s29], $0x3000  }
0x2db: {  	[sflag:s29] =	ssyncset.done $0x0  }
0x2dc: {  	[sflag:s29] =	ssyncadd.s32 $0xFFFFD000  }
0x2dd: {  	s30 =	simm.s32 $0x180;
	s31 =	rddreg [dreg:$0x0]  }
0x2de: {  	[tilespmem:s30], [sflag:$0xC] =	stream.indirect_vreg.gather [hbm4b:s31+s5], $0x1, v63, vm0, $0xb8;
	[tilespmem:$0x1B200] =	vst v63  }
.LBB2_14:
0x2df: {  	s1 =	rddreg [dreg:$0x16]  }
0x2e0: {  	s0 =	smulhi.u32 $0x38E38E39, s1;
	_ =	sdelay $0x1  }
0x2e1: {  	s19 =	sshrl.u32 s0, $0x1  }
0x2e2: {  	s0 =	smul.u32 $0x1FFFFFF7, s19;
	_ =	sdelay $0x1  }
0x2e3: {  	s0 =	sadd.s32 s1, s0  }
0x2e4: {  	s0 =	sand.u32 $0x1FFFFFFF, s0  }
0x2e5: {  	s23 =	smul.u32 $0x6000, s0;
	_ =	sdelay $0x1  }
0x2e6: {  	s1 =	sshra.s32 s23, $0x2  }
0x2e7: {  	s1 =	sor.u32 $0x200, s1  }
0x2e8: {  	s17 =	simm.s32 $0x0;
	[dreg:$0x8] =	wrdreg s1  }
0x2e9: {  	s15 =	sand.u32 $0x60, s17;
	s14 =	sand.u32 $0x1C00, s17;
	s1 =	rddreg [dreg:$0x8]  }
0x2ea: {  	s6 =	sor.u32 $0x10, s15;
	s1 =	sadd.s32 s14, s1  }
0x2eb: {  	s16 =	sadd.s32 s6, s1  }
0x2ec: {  	s20 =	sadd.s32 s15, s1;
	v12 =	vld [tilespmem:s16+$0x0]  }
0x2ed: {  	v13 =	vld [tilespmem:s20+$0x0];
	_ =	sdelay $0x1  }
0x2ee: {  	s24 =	sor.u32 $0x18200, s14  }
0x2ef: {  	s3 =	sor.u32 s6, s24  }
0x2f0: {  	s2 =	sadd.s32 $0x19A00, s14;
	s1 =	sor.u32 s15, s24;
	[tilespmem:s3+$0x0] =	vst.add.f32.msk $0xffff, v12  }
0x2f1: {  	s4 =	sor.u32 s6, s2;
	[tilespmem:s1+$0x0] =	vst.add.f32.msk $0xffff, v13  }
0x2f2: {  	s2 =	sor.u32 s15, s2;
	[tilespmem:s4+$0x0] =	vst.add.f32.msk $0xffff, v12  }
0x2f3: {  	[tilespmem:s2+$0x0] =	vst.add.f32.msk $0xffff, v13  }
0x2f4: {  	v12 =	vld [tilespmem:s16+$0x80]  }
0x2f5: {  	v13 =	vld [tilespmem:s20+$0x80];
	_ =	sdelay $0x2  }
0x2f6: {  	s26 =	sor.u32 $0x80, s3  }
0x2f7: {  	s25 =	sadd.s32 $0x19A80, s14;
	s29 =	sor.u32 $0x80, s1;
	[tilespmem:s26+$0x0] =	vst.add.f32.msk $0xffff, v12  }
0x2f8: {  	s28 =	sor.u32 s6, s25;
	[tilespmem:s29+$0x0] =	vst.add.f32.msk $0xffff, v13  }
0x2f9: {  	s2 =	sor.u32 s15, s25;
	[tilespmem:s28+$0x0] =	vst.add.f32.msk $0xffff, v12  }
0x2fa: {  	[tilespmem:s2+$0x0] =	vst.add.f32.msk $0xffff, v13  }
0x2fb: {  	v12 =	vld [tilespmem:s16+$0x100]  }
0x2fc: {  	v13 =	vld [tilespmem:s20+$0x100];
	_ =	sdelay $0x2  }
0x2fd: {  	s7 =	sor.u32 $0x100, s3  }
0x2fe: {  	s30 =	sadd.s32 $0x19B00, s14;
	s9 =	sor.u32 $0x100, s1;
	[tilespmem:s7+$0x0] =	vst.add.f32.msk $0xffff, v12  }
0x2ff: {  	s8 =	sor.u32 s6, s30;
	[tilespmem:s9+$0x0] =	vst.add.f32.msk $0xffff, v13  }
0x300: {  	s2 =	sor.u32 s15, s30;
	[tilespmem:s8+$0x0] =	vst.add.f32.msk $0xffff, v12  }
0x301: {  	[tilespmem:s2+$0x0] =	vst.add.f32.msk $0xffff, v13  }
0x302: {  	v12 =	vld [tilespmem:s16+$0x180]  }
0x303: {  	v13 =	vld [tilespmem:s20+$0x180];
	_ =	sdelay $0x2  }
0x304: {  	s11 =	sor.u32 $0x180, s3  }
0x305: {  	s10 =	sadd.s32 $0x19B80, s14;
	s13 =	sor.u32 $0x180, s1;
	[tilespmem:s11+$0x0] =	vst.add.f32.msk $0xffff, v12  }
0x306: {  	s12 =	sor.u32 s6, s10;
	[tilespmem:s13+$0x0] =	vst.add.f32.msk $0xffff, v13  }
0x307: {  	s2 =	sor.u32 s15, s10;
	[tilespmem:s12+$0x0] =	vst.add.f32.msk $0xffff, v12  }
0x308: {  	[tilespmem:s2+$0x0] =	vst.add.f32.msk $0xffff, v13  }
0x309: {  	v12 =	vld [tilespmem:s16+$0x200]  }
0x30a: {  	v13 =	vld [tilespmem:s20+$0x200];
	_ =	sdelay $0x3  }
0x30b: {  	s18 =	sadd.s32 $0x19C00, s14;
	[tilespmem:s3+$0x200] =	vst.add.f32.msk $0xffff, v12  }
0x30c: {  	s21 =	sor.u32 s6, s18;
	[tilespmem:s1+$0x200] =	vst.add.f32.msk $0xffff, v13  }
0x30d: {  	s2 =	sor.u32 s15, s18;
	[tilespmem:s21+$0x0] =	vst.add.f32.msk $0xffff, v12  }
0x30e: {  	[tilespmem:s2+$0x0] =	vst.add.f32.msk $0xffff, v13  }
0x30f: {  	v12 =	vld [tilespmem:s16+$0x280]  }
0x310: {  	v13 =	vld [tilespmem:s20+$0x280];
	_ =	sdelay $0x3  }
0x311: {  	s22 =	sadd.s32 $0x19C80, s14;
	[tilespmem:s3+$0x280] =	vst.add.f32.msk $0xffff, v12  }
0x312: {  	s23 =	sor.u32 s6, s22;
	[tilespmem:s1+$0x280] =	vst.add.f32.msk $0xffff, v13  }
0x313: {  	s24 =	rddreg [dreg:$0x8];
	s7 =	sand.u32 $0x3, s17;
	s12 =	simm.s32 $0x100;
	[tilespmem:s23+$0x0] =	vst.add.f32.msk $0xffff, v12  }
0x314: {  	s13 =	simm.s32 $0x20;
	s2 =	sor.u32 s15, s22;
	s21 =	sand.u32 $0x1C00, s12;
	v12 =	vld [tilespmem:s16+$0x300]  }
0x315: {  	s7 =	sshll.u32 s7, $0x5;
	s25 =	sadd.s32 s21, s24;
	s3 =	sand.u32 $0x60, s13;
	[tilespmem:s2+$0x0] =	vst.add.f32.msk $0xffff, v13  }
0x316: {  	s26 =	sadd.s32 $0x0, s7;
	s4 =	sor.u32 $0x10, s3;
	s24 =	sadd.s32 s3, s25;
	v13 =	vld [tilespmem:s20+$0x300]  }
0x317: {  	s7 =	sadd.s32 $0x10, s26;
	s23 =	sadd.s32 s4, s25;
	v15 =	vld [tilespmem:s24+$0x0]  }
0x318: {  	s8 =	sadd.s32 $0x19D00, s14;
	s9 =	sor.u32 $0x300, s7;
	v14 =	vld [tilespmem:s23+$0x0]  }
0x319: {  	s28 =	sor.u32 s6, s8;
	[tilespmem:s9+$0x18200] =	vst.add.f32.msk $0xffff, v12  }
0x31a: {  	s9 =	sor.u32 $0x300, s26;
	[tilespmem:s28+$0x0] =	vst.add.f32.msk $0xffff, v12  }
0x31b: {  	s29 =	sor.u32 $0x18200, s21;
	[tilespmem:s9+$0x18200] =	vst.add.f32.msk $0xffff, v13  }
0x31c: {  	s30 =	sadd.s32 $0x19A00, s21;
	v12 =	vld [tilespmem:s16+$0x380];
	s16 =	sor.u32 s4, s29  }
0x31d: {  	s10 =	sor.u32 s4, s30;
	[tilespmem:s16+$0x0] =	vst.add.f32.msk $0xffff, v14  }
0x31e: {  	[tilespmem:s10+$0x0] =	vst.add.f32.msk $0xffff, v14  }
0x31f: {  	s10 =	sadd.s32 $0x19D80, s14;
	s14 =	sor.u32 s3, s29;
	v14 =	vld [tilespmem:s23+$0x80]  }
0x320: {  	s7 =	sor.u32 $0x380, s7;
	[tilespmem:s14+$0x0] =	vst.add.f32.msk $0xffff, v15  }
0x321: {  	s6 =	sor.u32 s6, s10;
	[tilespmem:s7+$0x18200] =	vst.add.f32.msk $0xffff, v12  }
0x322: {  	s7 =	sor.u32 s3, s30;
	[tilespmem:s6+$0x0] =	vst.add.f32.msk $0xffff, v12  }
0x323: {  	[tilespmem:s7+$0x0] =	vst.add.f32.msk $0xffff, v15  }
0x324: {  	s11 =	sadd.s32 $0x19A80, s21;
	s18 =	sor.u32 $0x80, s16;
	v12 =	vld [tilespmem:s24+$0x80]  }
0x325: {  	s22 =	sor.u32 s4, s11;
	[tilespmem:s18+$0x0] =	vst.add.f32.msk $0xffff, v14  }
0x326: {  	[tilespmem:s22+$0x0] =	vst.add.f32.msk $0xffff, v14  }
0x327: {  	s26 =	sor.u32 s15, s8;
	v14 =	vld [tilespmem:s23+$0x100]  }
0x328: {  	[tilespmem:s26+$0x0] =	vst.add.f32.msk $0xffff, v13;
	s25 =	sor.u32 $0x80, s14  }
0x329: {  	s2 =	sor.u32 s3, s11;
	[tilespmem:s25+$0x0] =	vst.add.f32.msk $0xffff, v12  }
0x32a: {  	[tilespmem:s2+$0x0] =	vst.add.f32.msk $0xffff, v12  }
0x32b: {  	s28 =	sadd.s32 $0x19B00, s21;
	s29 =	sor.u32 $0x100, s16;
	v12 =	vld [tilespmem:s24+$0x100]  }
0x32c: {  	s30 =	sor.u32 s4, s28;
	[tilespmem:s29+$0x0] =	vst.add.f32.msk $0xffff, v14  }
0x32d: {  	[tilespmem:s30+$0x0] =	vst.add.f32.msk $0xffff, v14  }
0x32e: {  	v13 =	vld [tilespmem:s23+$0x180]  }
0x32f: {  	s6 =	sor.u32 $0x100, s14;
	v14 =	vld [tilespmem:s20+$0x380]  }
0x330: {  	s2 =	sor.u32 s3, s28;
	[tilespmem:s6+$0x0] =	vst.add.f32.msk $0xffff, v12  }
0x331: {  	[tilespmem:s2+$0x0] =	vst.add.f32.msk $0xffff, v12  }
0x332: {  	s8 =	sor.u32 $0x180, s16;
	s7 =	sadd.s32 $0x19B80, s21;
	v12 =	vld [tilespmem:s24+$0x180]  }
0x333: {  	s9 =	sor.u32 s4, s7;
	[tilespmem:s8+$0x0] =	vst.add.f32.msk $0xffff, v13  }
0x334: {  	s18 =	sor.u32 s17, s17;
	[tilespmem:s9+$0x0] =	vst.add.f32.msk $0xffff, v13  }
0x335: {  	s20 =	sor.u32 $0x380, s18;
	v13 =	vld [tilespmem:s23+$0x200]  }
0x336: {  	s11 =	sor.u32 $0x180, s14;
	[tilespmem:s20+$0x18200] =	vst.add.f32.msk $0xffff, v14  }
0x337: {  	s1 =	sor.u32 s3, s7;
	[tilespmem:s11+$0x0] =	vst.add.f32.msk $0xffff, v12  }
0x338: {  	[tilespmem:s1+$0x0] =	vst.add.f32.msk $0xffff, v12  }
0x339: {  	s22 =	sadd.s32 $0x19C00, s21;
	v12 =	vld [tilespmem:s24+$0x200]  }
0x33a: {  	s25 =	sor.u32 s4, s22;
	[tilespmem:s16+$0x200] =	vst.add.f32.msk $0xffff, v13  }
0x33b: {  	[tilespmem:s25+$0x0] =	vst.add.f32.msk $0xffff, v13  }
0x33c: {  	s29 =	sor.u32 s15, s10;
	v13 =	vld [tilespmem:s23+$0x280]  }
0x33d: {  	[tilespmem:s29+$0x0] =	vst.add.f32.msk $0xffff, v14  }
0x33e: {  	s26 =	sor.u32 s3, s22;
	[tilespmem:s14+$0x200] =	vst.add.f32.msk $0xffff, v12  }
0x33f: {  	s28 =	sor.u32 s12, s13;
	[tilespmem:s26+$0x0] =	vst.add.f32.msk $0xffff, v12  }
0x340: {  	s22 =	simm.s32 $0x100;
	s15 =	sor.u32 $0x380, s28;
	s30 =	sadd.s32 $0x19C80, s21;
	v12 =	vld [tilespmem:s24+$0x280]  }
0x341: {  	s6 =	sor.u32 s3, s30;
	s20 =	simm.s32 $0x2;
	s11 =	sor.u32 s4, s30;
	[tilespmem:s16+$0x280] =	vst.add.f32.msk $0xffff, v13  }
.LBB2_15:
0x342: {  	s1 =	rddreg [dreg:$0x8];
	s12 =	sadd.s32 $0x100, s12;
	s13 =	sadd.s32 $0x20, s13  }
0x343: {  	[tilespmem:s11+$0x0] =	vst.add.f32.msk $0xffff, v13;
	s17 =	sadd.s32 $0x1, s17;
	s7 =	sand.u32 $0x60, s13;
	s8 =	sand.u32 $0x1C00, s12  }
0x344: {  	s2 =	sand.u32 $0x3, s17;
	v13 =	vld [tilespmem:s23+$0x300];
	s1 =	sadd.s32 s8, s1;
	s9 =	sor.u32 $0x10, s7  }
0x345: {  	s2 =	sshll.u32 s2, $0x5;
	s18 =	sadd.s32 s7, s1;
	s1 =	sadd.s32 s9, s1;
	[tilespmem:s14+$0x280] =	vst.add.f32.msk $0xffff, v12  }
0x346: {  	s2 =	sadd.s32 s2, s22;
	v14 =	vld [tilespmem:s1+$0x0]  }
0x347: {  	s10 =	sadd.s32 $0x10, s2;
	[tilespmem:s6+$0x0] =	vst.add.f32.msk $0xffff, v12  }
0x348: {  	s26 =	sor.u32 $0x300, s10;
	v12 =	vld [tilespmem:s24+$0x300]  }
0x349: {  	s25 =	sadd.s32 $0x19D00, s21;
	[tilespmem:s26+$0x18200] =	vst.add.f32.msk $0xffff, v13  }
0x34a: {  	s28 =	sor.u32 s4, s25;
	v15 =	vld [tilespmem:s18+$0x0]  }
0x34b: {  	s16 =	sor.u32 s12, s13;
	s29 =	sor.u32 $0x18200, s8;
	[tilespmem:s28+$0x0] =	vst.add.f32.msk $0xffff, v13  }
0x34c: {  	s30 =	sadd.s32 $0x19A00, s8;
	s6 =	sor.u32 $0x380, s16;
	s16 =	sor.u32 s9, s29;
	v13 =	vld [tilespmem:s23+$0x380]  }
0x34d: {  	s23 =	smov.u32 s1;
	s1 =	sor.u32 s9, s30;
	[tilespmem:s16+$0x0] =	vst.add.f32.msk $0xffff, v14  }
0x34e: {  	[tilespmem:s1+$0x0] =	vst.add.f32.msk $0xffff, v14  }
0x34f: {  	s14 =	sor.u32 s7, s29;
	v14 =	vld [tilespmem:s23+$0x80]  }
0x350: {  	s11 =	sor.u32 s3, s25;
	s25 =	sor.u32 s7, s30;
	[tilespmem:s14+$0x0] =	vst.add.f32.msk $0xffff, v15  }
0x351: {  	s21 =	sadd.s32 $0x19D80, s21;
	s10 =	sor.u32 $0x380, s10;
	[tilespmem:s25+$0x0] =	vst.add.f32.msk $0xffff, v15  }
0x352: {  	s1 =	sor.u32 s4, s21;
	[tilespmem:s10+$0x18200] =	vst.add.f32.msk $0xffff, v13  }
0x353: {  	[tilespmem:s1+$0x0] =	vst.add.f32.msk $0xffff, v13  }
0x354: {  	s2 =	sor.u32 $0x300, s2;
	s26 =	sor.u32 s3, s21;
	s21 =	smov.u32 s8;
	v13 =	vld [tilespmem:s18+$0x80]  }
0x355: {  	s4 =	smov.u32 s9;
	s9 =	sadd.s32 $0x19A80, s21;
	s10 =	sor.u32 $0x80, s16;
	[tilespmem:s2+$0x18200] =	vst.add.f32.msk $0xffff, v12  }
0x356: {  	s1 =	sor.u32 s4, s9;
	[tilespmem:s10+$0x0] =	vst.add.f32.msk $0xffff, v14  }
0x357: {  	[tilespmem:s1+$0x0] =	vst.add.f32.msk $0xffff, v14  }
0x358: {  	s29 =	sor.u32 $0x80, s14;
	s3 =	smov.u32 s7;
	v14 =	vld [tilespmem:s23+$0x100]  }
0x359: {  	s25 =	sor.u32 s3, s9;
	[tilespmem:s29+$0x0] =	vst.add.f32.msk $0xffff, v13  }
0x35a: {  	[tilespmem:s25+$0x0] =	vst.add.f32.msk $0xffff, v13  }
0x35b: {  	v13 =	vld [tilespmem:s18+$0x100]  }
0x35c: {  	s8 =	sor.u32 $0x100, s16;
	s7 =	sadd.s32 $0x19B00, s21;
	[tilespmem:s11+$0x0] =	vst.add.f32.msk $0xffff, v12  }
0x35d: {  	s1 =	sor.u32 s4, s7;
	[tilespmem:s8+$0x0] =	vst.add.f32.msk $0xffff, v14  }
0x35e: {  	[tilespmem:s1+$0x0] =	vst.add.f32.msk $0xffff, v14  }
0x35f: {  	s30 =	sor.u32 $0x100, s14;
	v12 =	vld [tilespmem:s23+$0x180]  }
0x360: {  	s9 =	sor.u32 s3, s7;
	[tilespmem:s30+$0x0] =	vst.add.f32.msk $0xffff, v13  }
0x361: {  	[tilespmem:s9+$0x0] =	vst.add.f32.msk $0xffff, v13  }
0x362: {  	v13 =	vld [tilespmem:s18+$0x180]  }
0x363: {  	s10 =	sadd.s32 $0x19B80, s21;
	s11 =	sor.u32 $0x180, s16;
	v14 =	vld [tilespmem:s24+$0x380]  }
0x364: {  	s1 =	sor.u32 s4, s10;
	[tilespmem:s11+$0x0] =	vst.add.f32.msk $0xffff, v12  }
0x365: {  	[tilespmem:s1+$0x0] =	vst.add.f32.msk $0xffff, v12  }
0x366: {  	s28 =	sor.u32 $0x180, s14;
	v12 =	vld [tilespmem:s23+$0x200]  }
0x367: {  	s25 =	sor.u32 s3, s10;
	[tilespmem:s28+$0x0] =	vst.add.f32.msk $0xffff, v13  }
0x368: {  	s24 =	smov.u32 s18;
	[tilespmem:s25+$0x0] =	vst.add.f32.msk $0xffff, v13  }
0x369: {  	v15 =	vld [tilespmem:s24+$0x200]  }
0x36a: {  	s28 =	sadd.s32 $0x19C00, s21;
	[tilespmem:s15+$0x18200] =	vst.add.f32.msk $0xffff, v14  }
0x36b: {  	s1 =	sor.u32 s4, s28;
	[tilespmem:s16+$0x200] =	vst.add.f32.msk $0xffff, v12  }
0x36c: {  	s20 =	sadd.s32 $0x2, s20;
	[tilespmem:s1+$0x0] =	vst.add.f32.msk $0xffff, v12  }
0x36d: {  	p0 =	slt.u32 s20, $0x2E;
	v13 =	vld [tilespmem:s23+$0x280]  }
.Ltmp7:
0x36e: {  	s29 =	sor.u32 s3, s28;
	[tilespmem:s14+$0x200] =	vst.add.f32.msk $0xffff, v15;
	(pc) =	sbr.rel @p0 .LBB2_15-.Ltmp7, $4  }
0x36f: {  	[tilespmem:s29+$0x0] =	vst.add.f32.msk $0xffff, v15  }
0x370: {  	v12 =	vld [tilespmem:s24+$0x280]  }
0x371: {  	s22 =	smov.u32 s12;
	s30 =	sadd.s32 $0x19C80, s21;
	[tilespmem:s26+$0x0] =	vst.add.f32.msk $0xffff, v14  }
0x372: {  	s11 =	sor.u32 s4, s30;
	s15 =	smov.u32 s6;
	s6 =	sor.u32 s3, s30;
	[tilespmem:s16+$0x280] =	vst.add.f32.msk $0xffff, v13  }
0x373: {  	[tilespmem:s11+$0x0] =	vst.add.f32.msk $0xffff, v13;
	s1 =	sadd.s32 $0x1, s17  }
0x374: {  	s1 =	sand.u32 $0x3, s1;
	v13 =	vld [tilespmem:s23+$0x300]  }
0x375: {  	s1 =	sshll.u32 s1, $0x5;
	[tilespmem:s14+$0x280] =	vst.add.f32.msk $0xffff, v12  }
0x376: {  	[tilespmem:s6+$0x0] =	vst.add.f32.msk $0xffff, v12;
	s1 =	sadd.s32 s1, s22  }
0x377: {  	v12 =	vld [tilespmem:s24+$0x300];
	s2 =	sadd.s32 $0x10, s1  }
0x378: {  	s17 =	sadd.s32 $0x19D00, s21;
	s7 =	sor.u32 $0x300, s2  }
0x379: {  	s18 =	sor.u32 s4, s17;
	[tilespmem:s7+$0x18200] =	vst.add.f32.msk $0xffff, v13  }
0x37a: {  	[tilespmem:s18+$0x0] =	vst.add.f32.msk $0xffff, v13  }
0x37b: {  	s1 =	sor.u32 $0x300, s1;
	v13 =	vld [tilespmem:s23+$0x380]  }
0x37c: {  	s6 =	sor.u32 s3, s17;
	[tilespmem:s1+$0x18200] =	vst.add.f32.msk $0xffff, v12  }
0x37d: {  	[tilespmem:s6+$0x0] =	vst.add.f32.msk $0xffff, v12  }
0x37e: {  	v12 =	vld [tilespmem:s24+$0x380];
	_ =	sdelay $0x1  }
0x37f: {  	s21 =	sadd.s32 $0x19D80, s21;
	s2 =	sor.u32 $0x380, s2  }
0x380: {  	s22 =	sor.u32 s4, s21;
	s6 =	rddreg [dreg:$0xb];
	[tilespmem:s2+$0x18200] =	vst.add.f32.msk $0xffff, v13  }
0x381: {  	s20 =	sshll.u32 s19, $0x1;
	[tilespmem:s22+$0x0] =	vst.add.f32.msk $0xffff, v13  }
0x382: {  	s0 =	smul.u32 $0x1800, s0;
	s23 =	sor.u32 s3, s21;
	s1 =	sadd.s32 s6, s20;
	[tilespmem:s15+$0x18200] =	vst.add.f32.msk $0xffff, v12  }
0x383: {  	s1 =	smul.u32 $0xF000, s1;
	[tilespmem:s23+$0x0] =	vst.add.f32.msk $0xffff, v12  }
0x384: {  	s30 =	rddreg [dreg:$0x14]  }
0x385: {  	s28 =	simm.s32 $0x18200;
	s0 =	sadd.s32 s1, s0;
	s1 =	sadd.s32 $0x1, s30  }
0x386: {  	s22 =	rddreg [dreg:$0x1];
	s24 =	sshrl.u32 s0, $0x3;
	p0 =	sne.s32 s1, $0x90  }
.Ltmp8:
0x387: {  	s0 =	sadd.s32 $0xF000, s0;
	s25 =	rddreg [dreg:$0xa];
	(pc) =	sbr.rel @p0 .LBB2_2-.Ltmp8, $4  }
0x388: {  	s0 =	sshrl.u32 s0, $0x3;
	s23 =	rddreg [dreg:$0xc];
	s26 =	sadd.s32 s25, s24  }
0x389: {  	[hbm4b:s26+s5] =	stream.linear.scatter [tilespmem:s28], [sflag:$0x8], $0x1800, $0x38;
	[tilespmem:$0x1B200] =	vst v63  }
0x38a: {  	s29 =	simm.s32 $0x19A00;
	s0 =	sadd.s32 s25, s0;
	s24 =	rddreg [dreg:$0xd]  }
0x38b: {  	[hbm4b:s0+s5] =	stream.linear.scatter [tilespmem:s29], [sflag:$0x8], $0x1800, $0x38;
	[tilespmem:$0x1B200] =	vst v63  }
0x38c: {  	s0 =	simm.s32 $0x5  }
0x38d: {  	_ =	swait.ge [sflag:s0], $0x1800  }
0x38e: {  	[sflag:s0] =	ssyncset.done $0x0  }
0x38f: {  	[sflag:s0] =	ssyncadd.s32 $0xFFFFE800  }
0x390: {  	_ =	swait.ge [sflag:s0], $0x1800  }
0x391: {  	[sflag:s0] =	ssyncset.done $0x0  }
0x392: {  	s2 =	simm.s32 $0x6;
	[sflag:s0] =	ssyncadd.s32 $0xFFFFE800  }
0x393: {  	_ =	swait.ge [sflag:s2], $0x1800  }
0x394: {  	[sflag:s2] =	ssyncset.done $0x0  }
0x395: {  	[sflag:s2] =	ssyncadd.s32 $0xFFFFE800  }
0x396: {  	_ =	swait.ge [sflag:s2], $0x1800  }
0x397: {  	[sflag:s2] =	ssyncset.done $0x0  }
0x398: {  	s3 =	simm.s32 $0x7;
	[sflag:s2] =	ssyncadd.s32 $0xFFFFE800  }
0x399: {  	_ =	swait.ge [sflag:s3], $0x1800  }
0x39a: {  	[sflag:s3] =	ssyncset.done $0x0  }
0x39b: {  	[sflag:s3] =	ssyncadd.s32 $0xFFFFE800  }
0x39c: {  	_ =	swait.ge [sflag:s3], $0x1800  }
0x39d: {  	[sflag:s3] =	ssyncset.done $0x0  }
0x39e: {  	s4 =	simm.s32 $0x8;
	[sflag:s3] =	ssyncadd.s32 $0xFFFFE800  }
0x39f: {  	_ =	swait.ge [sflag:s4], $0x1800  }
0x3a0: {  	[sflag:s4] =	ssyncset.done $0x0  }
0x3a1: {  	[sflag:s4] =	ssyncadd.s32 $0xFFFFE800  }
0x3a2: {  	_ =	swait.ge [sflag:s4], $0x1800  }
0x3a3: {  	[sflag:s4] =	ssyncset.done $0x0  }
0x3a4: {  	s25 =	simm.s32 $0x0;
	[sflag:s4] =	ssyncadd.s32 $0xFFFFE800  }
0x3a5: {  	[tilespmem:s25], [sflag:$0x9] =	stream.indirect_vreg.gather [hbm4b:s31+s25], $0x1, v8, vm0, $0xb8;
	[tilespmem:$0x1B200] =	vst v63  }
0x3a6: {  	s6 =	simm.s32 $0x80  }
0x3a7: {  	[tilespmem:s6], [sflag:$0xA] =	stream.indirect_vreg.gather [hbm4b:s31+s25], $0x1, v4, vm0, $0xb8;
	[tilespmem:$0x1B200] =	vst v63  }
0x3a8: {  	s7 =	simm.s32 $0x100  }
0x3a9: {  	[tilespmem:s7], [sflag:$0xB] =	stream.indirect_vreg.gather [hbm4b:s31+s25], $0x1, v5, vm0, $0xb8;
	[tilespmem:$0x1B200] =	vst v63  }
0x3aa: {  	s8 =	simm.s32 $0x180;
	s9 =	simm.s32 $0x9  }
0x3ab: {  	[tilespmem:s8], [sflag:$0xC] =	stream.indirect_vreg.gather [hbm4b:s31+s25], $0x1, v6, vm0, $0xb8;
	[tilespmem:$0x1B200] =	vst v63  }
0x3ac: {  	_ =	swait.ge [sflag:s9], $0x10  }
0x3ad: {  	[sflag:s9] =	ssyncset.done $0x0  }
0x3ae: {  	[sflag:s9] =	ssyncadd.s32 $0xFFFFFFF0  }
0x3af: {  	v12 =	vld [tilespmem:$0x0];
	_ =	sdelay $0x4  }
0x3b0: {  	v13 =	vshrl.u32 v12, $0x3  }
0x3b1: {  	v13 =	vmul.u32 $0x30, v13  }
0x3b2: {  	v12 =	vand.u32 $0x7, v12  }
0x3b3: {  	v12 =	vor.u32 v12, v13  }
0x3b4: {  	v13 =	vperm.xlane v12, v9;
	_ =	sdelay $0x1  }
0x3b5: {  	v13 =	vadd.s32 v10, v13;
	_ =	sdelay $0x3  }
0x3b6: {  	s10 =	simm.s32 $0xF200;
	v12 =	vperm.xlane v12, v11  }
0x3b7: {  	[tilespmem:s10], [sflag:$0x1] =	stream.indirect_vreg.gather [hbm4b:s22+s25], $0x80, v13, vm0, $0xb8;
	[tilespmem:$0x1B200] =	vst v63  }
0x3b8: {  	s11 =	simm.s32 $0xFA00;
	v12 =	vadd.s32 v10, v12  }
0x3b9: {  	[tilespmem:s11], [sflag:$0x1] =	stream.indirect_vreg.gather [hbm4b:s23+s25], $0x80, v13, vm0, $0xb8;
	[tilespmem:$0x1B200] =	vst v63  }
0x3ba: {  	s12 =	simm.s32 $0x10200  }
0x3bb: {  	[tilespmem:s12], [sflag:$0x1] =	stream.indirect_vreg.gather [hbm4b:s24+s25], $0x80, v13, vm0, $0xb8;
	[tilespmem:$0x1B200] =	vst v63  }
0x3bc: {  	s13 =	simm.s32 $0x10A00  }
0x3bd: {  	[tilespmem:s13], [sflag:$0x1] =	stream.indirect_vreg.gather [hbm4b:s22+s25], $0x80, v12, vm0, $0xb8;
	[tilespmem:$0x1B200] =	vst v63  }
0x3be: {  	s14 =	simm.s32 $0x11200  }
0x3bf: {  	[tilespmem:s14], [sflag:$0x1] =	stream.indirect_vreg.gather [hbm4b:s23+s25], $0x80, v12, vm0, $0xb8;
	[tilespmem:$0x1B200] =	vst v63  }
0x3c0: {  	s15 =	simm.s32 $0x11A00;
	s16 =	simm.s32 $0xA  }
0x3c1: {  	[tilespmem:s15], [sflag:$0x1] =	stream.indirect_vreg.gather [hbm4b:s24+s25], $0x80, v12, vm0, $0xb8;
	[tilespmem:$0x1B200] =	vst v63  }
0x3c2: {  	_ =	swait.ge [sflag:s16], $0x10  }
0x3c3: {  	[sflag:s16] =	ssyncset.done $0x0  }
0x3c4: {  	[sflag:s16] =	ssyncadd.s32 $0xFFFFFFF0  }
0x3c5: {  	v62 =	vld [tilespmem:$0x80];
	_ =	sdelay $0x4  }
0x3c6: {  	v63 =	vshrl.u32 v62, $0x3  }
0x3c7: {  	v13 =	vmul.u32 $0x30, v63  }
0x3c8: {  	v12 =	vand.u32 $0x7, v62  }
0x3c9: {  	v12 =	vor.u32 v12, v13  }
0x3ca: {  	v13 =	vperm.xlane v12, v9;
	_ =	sdelay $0x1  }
0x3cb: {  	v13 =	vadd.s32 v10, v13;
	_ =	sdelay $0x3  }
0x3cc: {  	s17 =	simm.s32 $0x12200;
	v12 =	vperm.xlane v12, v11  }
0x3cd: {  	[tilespmem:s17], [sflag:$0x2] =	stream.indirect_vreg.gather [hbm4b:s22+s25], $0x80, v13, vm0, $0xb8;
	[tilespmem:$0x1B200] =	vst v63  }
0x3ce: {  	s18 =	simm.s32 $0x12A00;
	v12 =	vadd.s32 v10, v12  }
0x3cf: {  	[tilespmem:s18], [sflag:$0x2] =	stream.indirect_vreg.gather [hbm4b:s23+s25], $0x80, v13, vm0, $0xb8;
	[tilespmem:$0x1B200] =	vst v63  }
0x3d0: {  	s19 =	simm.s32 $0x13200  }
0x3d1: {  	[tilespmem:s19], [sflag:$0x2] =	stream.indirect_vreg.gather [hbm4b:s24+s25], $0x80, v13, vm0, $0xb8;
	[tilespmem:$0x1B200] =	vst v63  }
0x3d2: {  	s20 =	simm.s32 $0x13A00  }
0x3d3: {  	[tilespmem:s20], [sflag:$0x2] =	stream.indirect_vreg.gather [hbm4b:s22+s25], $0x80, v12, vm0, $0xb8;
	[tilespmem:$0x1B200] =	vst v63  }
0x3d4: {  	s21 =	simm.s32 $0x14200;
	s28 =	rddreg [dreg:$0xf]  }
0x3d5: {  	[tilespmem:s21], [sflag:$0x2] =	stream.indirect_vreg.gather [hbm4b:s23+s25], $0x80, v12, vm0, $0xb8;
	[tilespmem:$0x1B200] =	vst v63  }
0x3d6: {  	s26 =	simm.s32 $0x14A00;
	s29 =	rddreg [dreg:$0x10]  }
0x3d7: {  	[tilespmem:s26], [sflag:$0x2] =	stream.indirect_vreg.gather [hbm4b:s24+s25], $0x80, v12, vm0, $0xb8;
	[tilespmem:$0x1B200] =	vst v63  }
0x3d8: {  	s30 =	simm.s32 $0x0;
	s26 =	rddreg [dreg:$0xe]  }
.LBB2_18:
0x3d9: {  	s0 =	simm.s32 $0xB  }
0x3da: {  	_ =	swait.ge [sflag:s0], $0x10  }
0x3db: {  	p1 =	seq.s32 s30, $0x0;
	[sflag:s0] =	ssyncset.done $0x0  }
0x3dc: {  	[sflag:s0] =	ssyncadd.s32 $0xFFFFFFF0;
	s0 =	simm.s32 @!p1 $0x7  }
0x3dd: {  	_ =	swait.ge @!p1 [sflag:s0], $0xF00  }
0x3de: {  	[sflag:s0] =	ssyncset.done @!p1 $0x0  }
0x3df: {  	[sflag:s0] =	ssyncadd.s32 @!p1 $0xFFFFF100  }
0x3e0: {  	_ =	swait.ge @!p1 [sflag:s0], $0xF00  }
0x3e1: {  	[sflag:s0] =	ssyncset.done @!p1 $0x0  }
0x3e2: {  	[sflag:s0] =	ssyncadd.s32 @!p1 $0xFFFFF100  }
0x3e3: {  	v12 =	vld [tilespmem:$0x100];
	_ =	sdelay $0x4  }
0x3e4: {  	v13 =	vshrl.u32 v12, $0x3  }
0x3e5: {  	v13 =	vmul.u32 $0x30, v13  }
0x3e6: {  	v12 =	vand.u32 $0x7, v12  }
0x3e7: {  	v12 =	vor.u32 v12, v13  }
0x3e8: {  	v13 =	vperm.xlane v12, v9;
	_ =	sdelay $0x1  }
0x3e9: {  	v13 =	vadd.s32 v10, v13;
	_ =	sdelay $0x3  }
0x3ea: {  	s8 =	simm.s32 $0x15200  }
0x3eb: {  	v12 =	vperm.xlane v12, v11;
	[tilespmem:s8], [sflag:$0x3] =	stream.indirect_vreg.gather [hbm4b:s22+s5], $0x80, v13, vm0, $0xb8;
	[tilespmem:$0x1B200] =	vst v63  }
0x3ec: {  	s9 =	simm.s32 $0x15A00  }
0x3ed: {  	v12 =	vadd.s32 v10, v12;
	[tilespmem:s9], [sflag:$0x3] =	stream.indirect_vreg.gather [hbm4b:s23+s5], $0x80, v13, vm0, $0xb8;
	[tilespmem:$0x1B200] =	vst v63  }
0x3ee: {  	p0 =	seq.s32 s30, $0xF;
	s10 =	simm.s32 $0x16200  }
0x3ef: {  	[tilespmem:s10], [sflag:$0x3] =	stream.indirect_vreg.gather [hbm4b:s24+s5], $0x80, v13, vm0, $0xb8;
	v13 =	vimm.s32 @!p0 $0x4B4A4948;
	[tilespmem:$0x1B200] =	vst v63  }
0x3f0: {  	v14 =	vimm.s32 @!p0 $0x98979695;
	v13 =	vunpack.c.0.s8.s32 @!p0 v13  }
0x3f1: {  	s11 =	simm.s32 $0x16A00;
	vm1 =	vcmask @!p0 $0xF00;
	s3 =	smul.u32 @!p0 $0x268, s30;
	v14 =	vunpack.c.0.s8.s32 @!p0 v14  }
0x3f2: {  	vm2 =	vcmask @!p0 $0x1F10;
	[tilespmem:s11], [sflag:$0x3] =	stream.indirect_vreg.gather [hbm4b:s22+s5], $0x80, v12, vm0, $0xb8;
	v13 =	vnsel @!p0 vm1, $0x99, v13;
	[tilespmem:$0x1B200] =	vst v63  }
0x3f3: {  	s12 =	simm.s32 $0x17200;
	vm4 =	vcmask @!p0 $0x2F20;
	v14 =	vand.u32 @!p0 $0xFF, v14;
	s0 =	sadd.s32 @!p0 s3, s26;
	v13 =	vsel @!p0 vm2, $0x4C, v13  }
0x3f4: {  	[tilespmem:s12], [sflag:$0x3] =	stream.indirect_vreg.gather [hbm4b:s23+s5], $0x80, v12, vm0, $0xb8;
	v13 =	vsel @!p0 vm4, v14, v13;
	[tilespmem:$0x1B200] =	vst v63  }
0x3f5: {  	s13 =	simm.s32 $0x17A00;
	s14 =	simm.s32 $0x1;
	v13 =	vadd.s32 @!p0 s0, v13  }
0x3f6: {  	[tilespmem:s13], [sflag:$0x3] =	stream.indirect_vreg.gather [hbm4b:s24+s5], $0x80, v12, vm0, $0xb8;
	[tilespmem:$0x1B200] =	vst v63  }
0x3f7: {  	_ =	swait.ge [sflag:s14], $0x3000  }
0x3f8: {  	[sflag:s14] =	ssyncset.done $0x0  }
0x3f9: {  	vm3 =	vmmov @!p0 $0xffff;
	s0 =	simm.s32 @!p0 $0x0;
	[sflag:s14] =	ssyncadd.s32 $0xFFFFD000  }
0x3fa: {  	[tilespmem:s0], [sflag:$0x9] =	stream.indirect_vreg.gather @!p0 [hbm4b:s31+s0], $0x1, v13, vm3, $0xb8;
	[tilespmem:$0x1B200] =	vst v63  }
0x3fb: {  	s4 =	sand.u32 $0x1C00, s25;
	s0 =	sand.u32 $0x60, s25  }
0x3fc: {  	s1 =	sadd.s32 $0xDA00, s4;
	s14 =	sor.u32 $0x10, s0  }
0x3fd: {  	s2 =	sor.u32 s14, s1  }
0x3fe: {  	v12 =	vld [tilespmem:s2+$0x0];
	_ =	sdelay $0x1  }
0x3ff: {  	s1 =	sor.u32 s0, s1  }
0x400: {  	s15 =	sadd.s32 $0xF200, s4;
	v13 =	vld [tilespmem:s1+$0x0]  }
0x401: {  	s16 =	sadd.s32 $0x10A00, s4;
	s13 =	sor.u32 s14, s15  }
0x402: {  	s6 =	sadd.s32 $0xDA80, s4;
	s7 =	sor.u32 s14, s16;
	[tilespmem:s13+$0x0] =	vst.add.f32.msk $0xffff, v12  }
0x403: {  	s17 =	sor.u32 s14, s6;
	[tilespmem:s7+$0x0] =	vst.add.f32.msk $0xffff, v12  }
0x404: {  	s12 =	sor.u32 s0, s15;
	v12 =	vld [tilespmem:s17+$0x0]  }
0x405: {  	s1 =	sor.u32 s0, s16;
	[tilespmem:s12+$0x0] =	vst.add.f32.msk $0xffff, v13  }
0x406: {  	s18 =	sor.u32 s0, s6;
	[tilespmem:s1+$0x0] =	vst.add.f32.msk $0xffff, v13  }
0x407: {  	v13 =	vld [tilespmem:s18+$0x0]  }
0x408: {  	s19 =	sadd.s32 $0x10A80, s4;
	s20 =	sor.u32 $0x80, s13  }
0x409: {  	s21 =	sadd.s32 $0xDB00, s4;
	s7 =	sor.u32 s14, s19;
	[tilespmem:s20+$0x0] =	vst.add.f32.msk $0xffff, v12  }
0x40a: {  	s8 =	sor.u32 s14, s21;
	[tilespmem:s7+$0x0] =	vst.add.f32.msk $0xffff, v12  }
0x40b: {  	s9 =	sor.u32 $0x80, s12;
	v12 =	vld [tilespmem:s8+$0x0]  }
0x40c: {  	s1 =	sor.u32 s0, s19;
	[tilespmem:s9+$0x0] =	vst.add.f32.msk $0xffff, v13  }
0x40d: {  	s10 =	sor.u32 s0, s21;
	[tilespmem:s1+$0x0] =	vst.add.f32.msk $0xffff, v13  }
0x40e: {  	v14 =	vld [tilespmem:s10+$0x0]  }
0x40f: {  	s11 =	sadd.s32 $0x10B00, s4;
	s15 =	sor.u32 $0x100, s13  }
0x410: {  	s16 =	sadd.s32 $0xDB80, s4;
	s17 =	sor.u32 s14, s11;
	[tilespmem:s15+$0x0] =	vst.add.f32.msk $0xffff, v12  }
0x411: {  	s18 =	sor.u32 s14, s16;
	[tilespmem:s17+$0x0] =	vst.add.f32.msk $0xffff, v12  }
0x412: {  	s19 =	sor.u32 $0x100, s12;
	v13 =	vld [tilespmem:s18+$0x0]  }
0x413: {  	s1 =	sor.u32 s0, s11;
	[tilespmem:s19+$0x0] =	vst.add.f32.msk $0xffff, v14  }
0x414: {  	s20 =	sor.u32 s0, s16;
	[tilespmem:s1+$0x0] =	vst.add.f32.msk $0xffff, v14  }
0x415: {  	s6 =	sor.u32 $0x180, s12;
	s21 =	sor.u32 $0x180, s13;
	s16 =	sadd.s32 $0x10B80, s4;
	v12 =	vld [tilespmem:s20+$0x0]  }
0x416: {  	s11 =	sadd.s32 $0xDC00, s4;
	s15 =	sshll.u32 s30, $0x3;
	s19 =	simm.s32 $0x100  }
0x417: {  	s17 =	simm.s32 $0x0;
	s18 =	sor.u32 s14, s16;
	s20 =	simm.s32 $0x20;
	[tilespmem:s21+$0x0] =	vst.add.f32.msk $0xffff, v13  }
.LBB2_19:
0x418: {  	s1 =	sand.u32 $0x60, s20;
	s2 =	sand.u32 $0x1C00, s19;
	[tilespmem:s18+$0x0] =	vst.add.f32.msk $0xffff, v13;
	s7 =	sor.u32 s14, s11  }
0x419: {  	s10 =	sor.u32 s0, s16;
	s8 =	sadd.s32 $0xDA00, s2;
	s9 =	sor.u32 $0x10, s1;
	v13 =	vld [tilespmem:s7+$0x0]  }
0x41a: {  	s11 =	sor.u32 s0, s11;
	s7 =	sor.u32 s1, s8;
	s8 =	sor.u32 s9, s8;
	[tilespmem:s6+$0x0] =	vst.add.f32.msk $0xffff, v12  }
0x41b: {  	v14 =	vld [tilespmem:s8+$0x0]  }
0x41c: {  	v15 =	vld [tilespmem:s7+$0x0]  }
0x41d: {  	s17 =	sadd.s32 $0x2, s17;
	s7 =	sadd.s32 $0x10C00, s4;
	s4 =	smov.u32 s2;
	[tilespmem:s10+$0x0] =	vst.add.f32.msk $0xffff, v12  }
0x41e: {  	p2 =	slt.u32 s17, $0x2E;
	s2 =	sadd.s32 $0xF200, s4;
	s6 =	sor.u32 s14, s7;
	[tilespmem:s13+$0x200] =	vst.add.f32.msk $0xffff, v13  }
0x41f: {  	s10 =	sadd.s32 $0x10A00, s4;
	s8 =	sor.u32 s1, s2;
	s13 =	sor.u32 s9, s2;
	[tilespmem:s6+$0x0] =	vst.add.f32.msk $0xffff, v13  }
0x420: {  	s2 =	sor.u32 s1, s10;
	s10 =	sor.u32 s9, s10;
	s6 =	sadd.s32 $0xDA80, s4;
	[tilespmem:s13+$0x0] =	vst.add.f32.msk $0xffff, v14  }
0x421: {  	s18 =	sor.u32 $0x80, s8;
	s16 =	sor.u32 s1, s6;
	[tilespmem:s10+$0x0] =	vst.add.f32.msk $0xffff, v14;
	s10 =	sor.u32 s9, s6  }
0x422: {  	s7 =	sor.u32 s0, s7;
	s21 =	sor.u32 $0x100, s8;
	s6 =	sor.u32 $0x180, s8;
	v12 =	vld [tilespmem:s10+$0x0]  }
0x423: {  	s0 =	smov.u32 s1;
	s14 =	smov.u32 s9;
	[tilespmem:s8+$0x0] =	vst.add.f32.msk $0xffff, v15  }
0x424: {  	[tilespmem:s2+$0x0] =	vst.add.f32.msk $0xffff, v15  }
0x425: {  	v13 =	vld [tilespmem:s16+$0x0]  }
0x426: {  	s1 =	sadd.s32 $0x10A80, s4;
	s2 =	sor.u32 $0x80, s13;
	v14 =	vld [tilespmem:s11+$0x0]  }
0x427: {  	s9 =	sor.u32 s0, s1;
	s1 =	sor.u32 s14, s1;
	s10 =	sadd.s32 $0xDB00, s4;
	[tilespmem:s2+$0x0] =	vst.add.f32.msk $0xffff, v12  }
0x428: {  	s2 =	sor.u32 s0, s10;
	[tilespmem:s1+$0x0] =	vst.add.f32.msk $0xffff, v12;
	s1 =	sor.u32 s14, s10  }
0x429: {  	v12 =	vld [tilespmem:s1+$0x0]  }
0x42a: {  	[tilespmem:s18+$0x0] =	vst.add.f32.msk $0xffff, v13  }
0x42b: {  	[tilespmem:s9+$0x0] =	vst.add.f32.msk $0xffff, v13  }
0x42c: {  	v15 =	vld [tilespmem:s2+$0x0]  }
0x42d: {  	s1 =	sadd.s32 $0x10B00, s4;
	s2 =	sor.u32 $0x100, s13;
	[tilespmem:s12+$0x200] =	vst.add.f32.msk $0xffff, v14;
	s12 =	smov.u32 s8  }
0x42e: {  	s9 =	sadd.s32 $0xDB80, s4;
	s8 =	sor.u32 s0, s1;
	s1 =	sor.u32 s14, s1;
	[tilespmem:s2+$0x0] =	vst.add.f32.msk $0xffff, v12  }
0x42f: {  	s2 =	sor.u32 s0, s9;
	[tilespmem:s1+$0x0] =	vst.add.f32.msk $0xffff, v12;
	s1 =	sor.u32 s14, s9  }
0x430: {  	v13 =	vld [tilespmem:s1+$0x0]  }
.Ltmp9:
0x431: {  	[tilespmem:s21+$0x0] =	vst.add.f32.msk $0xffff, v15;
	(pc) =	sbr.rel @p2 .LBB2_19-.Ltmp9, $4  }
0x432: {  	[tilespmem:s8+$0x0] =	vst.add.f32.msk $0xffff, v15  }
0x433: {  	v12 =	vld [tilespmem:s2+$0x0]  }
0x434: {  	s19 =	sadd.s32 $0x100, s19;
	s16 =	sadd.s32 $0x10B80, s4;
	s1 =	sor.u32 $0x180, s13;
	[tilespmem:s7+$0x0] =	vst.add.f32.msk $0xffff, v14  }
0x435: {  	s20 =	sadd.s32 $0x20, s20;
	s11 =	sadd.s32 $0xDC00, s4;
	s18 =	sor.u32 s14, s16;
	[tilespmem:s1+$0x0] =	vst.add.f32.msk $0xffff, v13  }
0x436: {  	[tilespmem:s18+$0x0] =	vst.add.f32.msk $0xffff, v13;
	s1 =	sor.u32 s14, s11  }
0x437: {  	v13 =	vld [tilespmem:s1+$0x0]  }
0x438: {  	s10 =	sor.u32 s0, s16;
	[tilespmem:s6+$0x0] =	vst.add.f32.msk $0xffff, v12  }
0x439: {  	s2 =	sor.u32 s0, s11;
	[tilespmem:s10+$0x0] =	vst.add.f32.msk $0xffff, v12  }
0x43a: {  	v12 =	vld [tilespmem:s2+$0x0];
	_ =	sdelay $0x1  }
0x43b: {  	s11 =	sadd.s32 $0x10C00, s4;
	s1 =	rddreg [dreg:$0xb]  }
0x43c: {  	s4 =	sor.u32 s14, s11;
	s1 =	sor.u32 s1, s15;
	[tilespmem:s13+$0x200] =	vst.add.f32.msk $0xffff, v13  }
0x43d: {  	s1 =	smul.u32 $0xF000, s1;
	[tilespmem:s4+$0x0] =	vst.add.f32.msk $0xffff, v13  }
0x43e: {  	[tilespmem:s12+$0x200] =	vst.add.f32.msk $0xffff, v12  }
0x43f: {  	s1 =	sshrl.u32 s1, $0x3;
	s14 =	rddreg [dreg:$0xa]  }
0x440: {  	s2 =	sor.u32 s0, s11;
	s0 =	sadd.s32 s14, s1  }
0x441: {  	s15 =	simm.s32 $0xF200;
	[tilespmem:s2+$0x0] =	vst.add.f32.msk $0xffff, v12;
	s1 =	sadd.s32 $0x1B00, s0  }
0x442: {  	[hbm4b:s1+s5] =	stream.linear.scatter [tilespmem:s15], [sflag:$0x5], $0x280, $0x38;
	[tilespmem:$0x1B200] =	vst v63  }
0x443: {  	s17 =	simm.s32 $0xF600;
	s16 =	sadd.s32 $0x1B80, s0  }
0x444: {  	[hbm4b:s16+s5] =	stream.linear.scatter [tilespmem:s17], [sflag:$0x5], $0x280, $0x38;
	[tilespmem:$0x1B200] =	vst v63  }
0x445: {  	s19 =	simm.s32 $0xFA00;
	s18 =	sadd.s32 $0x1C00, s0  }
0x446: {  	[hbm4b:s18+s5] =	stream.linear.scatter [tilespmem:s19], [sflag:$0x5], $0x280, $0x38;
	[tilespmem:$0x1B200] =	vst v63  }
0x447: {  	s21 =	simm.s32 $0xFE00;
	s20 =	sadd.s32 $0x1C80, s0  }
0x448: {  	[hbm4b:s20+s5] =	stream.linear.scatter [tilespmem:s21], [sflag:$0x5], $0x280, $0x38;
	[tilespmem:$0x1B200] =	vst v63  }
0x449: {  	s4 =	simm.s32 $0x10200;
	s2 =	sadd.s32 $0x1D00, s0  }
0x44a: {  	[hbm4b:s2+s5] =	stream.linear.scatter [tilespmem:s4], [sflag:$0x5], $0x280, $0x38;
	[tilespmem:$0x1B200] =	vst v63  }
0x44b: {  	s7 =	simm.s32 $0x10600;
	s6 =	sadd.s32 $0x1D80, s0  }
0x44c: {  	[hbm4b:s6+s5] =	stream.linear.scatter [tilespmem:s7], [sflag:$0x5], $0x280, $0x38;
	[tilespmem:$0x1B200] =	vst v63  }
0x44d: {  	s9 =	simm.s32 $0x10A00;
	s8 =	sadd.s32 $0x3900, s0  }
0x44e: {  	[hbm4b:s8+s5] =	stream.linear.scatter [tilespmem:s9], [sflag:$0x5], $0x280, $0x38;
	[tilespmem:$0x1B200] =	vst v63  }
0x44f: {  	s11 =	simm.s32 $0x10E00;
	s10 =	sadd.s32 $0x3980, s0  }
0x450: {  	[hbm4b:s10+s5] =	stream.linear.scatter [tilespmem:s11], [sflag:$0x5], $0x280, $0x38;
	[tilespmem:$0x1B200] =	vst v63  }
0x451: {  	s13 =	simm.s32 $0x11200;
	s12 =	sadd.s32 $0x3A00, s0  }
0x452: {  	[hbm4b:s12+s5] =	stream.linear.scatter [tilespmem:s13], [sflag:$0x5], $0x280, $0x38;
	[tilespmem:$0x1B200] =	vst v63  }
0x453: {  	s14 =	sadd.s32 $0x3A80, s0;
	s15 =	simm.s32 $0x11600  }
0x454: {  	[hbm4b:s14+s5] =	stream.linear.scatter [tilespmem:s15], [sflag:$0x5], $0x280, $0x38;
	[tilespmem:$0x1B200] =	vst v63  }
0x455: {  	s16 =	sadd.s32 $0x3B00, s0;
	s17 =	simm.s32 $0x11A00  }
0x456: {  	[hbm4b:s16+s5] =	stream.linear.scatter [tilespmem:s17], [sflag:$0x5], $0x280, $0x38;
	[tilespmem:$0x1B200] =	vst v63  }
0x457: {  	s18 =	sadd.s32 $0x3B80, s0;
	s19 =	simm.s32 $0x11E00;
	s20 =	simm.s32 $0xC  }
0x458: {  	[hbm4b:s18+s5] =	stream.linear.scatter [tilespmem:s19], [sflag:$0x5], $0x280, $0x38;
	[tilespmem:$0x1B200] =	vst v63  }
0x459: {  	_ =	swait.ge [sflag:s20], $0x10  }
0x45a: {  	[sflag:s20] =	ssyncset.done $0x0  }
0x45b: {  	s1 =	simm.s32 @!p1 $0x8;
	[sflag:s20] =	ssyncadd.s32 $0xFFFFFFF0  }
0x45c: {  	_ =	swait.ge @!p1 [sflag:s1], $0xF00  }
0x45d: {  	[sflag:s1] =	ssyncset.done @!p1 $0x0  }
0x45e: {  	[sflag:s1] =	ssyncadd.s32 @!p1 $0xFFFFF100  }
0x45f: {  	_ =	swait.ge @!p1 [sflag:s1], $0xF00  }
0x460: {  	[sflag:s1] =	ssyncset.done @!p1 $0x0  }
0x461: {  	[sflag:s1] =	ssyncadd.s32 @!p1 $0xFFFFF100  }
0x462: {  	v12 =	vld [tilespmem:$0x180];
	_ =	sdelay $0x4  }
0x463: {  	v13 =	vshrl.u32 v12, $0x3  }
0x464: {  	v13 =	vmul.u32 $0x30, v13  }
0x465: {  	v12 =	vand.u32 $0x7, v12  }
0x466: {  	v12 =	vor.u32 v12, v13  }
0x467: {  	v13 =	vperm.xlane v12, v9;
	_ =	sdelay $0x1  }
0x468: {  	v13 =	vadd.s32 v10, v13;
	_ =	sdelay $0x3  }
0x469: {  	s21 =	simm.s32 $0x18200  }
0x46a: {  	v12 =	vperm.xlane v12, v11;
	[tilespmem:s21], [sflag:$0x4] =	stream.indirect_vreg.gather [hbm4b:s22+s5], $0x80, v13, vm0, $0xb8;
	[tilespmem:$0x1B200] =	vst v63  }
0x46b: {  	s2 =	simm.s32 $0x18A00  }
0x46c: {  	v12 =	vadd.s32 v10, v12;
	[tilespmem:s2], [sflag:$0x4] =	stream.indirect_vreg.gather [hbm4b:s23+s5], $0x80, v13, vm0, $0xb8;
	[tilespmem:$0x1B200] =	vst v63  }
0x46d: {  	s4 =	simm.s32 $0x19200  }
0x46e: {  	[tilespmem:s4], [sflag:$0x4] =	stream.indirect_vreg.gather [hbm4b:s24+s5], $0x80, v13, vm0, $0xb8;
	v13 =	vimm.s32 @!p0 $0x4B4A4948;
	[tilespmem:$0x1B200] =	vst v63  }
0x46f: {  	v14 =	vimm.s32 @!p0 $0x98979695;
	v13 =	vunpack.c.0.s8.s32 @!p0 v13  }
0x470: {  	v14 =	vunpack.c.0.s8.s32 @!p0 v14;
	s6 =	simm.s32 $0x19A00  }
0x471: {  	[tilespmem:s6], [sflag:$0x4] =	stream.indirect_vreg.gather [hbm4b:s22+s5], $0x80, v12, vm0, $0xb8;
	v13 =	vnsel @!p0 vm1, $0x99, v13;
	[tilespmem:$0x1B200] =	vst v63  }
0x472: {  	v14 =	vand.u32 @!p0 $0xFF, v14;
	s7 =	simm.s32 $0x1A200;
	s1 =	sadd.s32 @!p0 s3, s28;
	v13 =	vsel @!p0 vm2, $0x4C, v13  }
0x473: {  	[tilespmem:s7], [sflag:$0x4] =	stream.indirect_vreg.gather [hbm4b:s23+s5], $0x80, v12, vm0, $0xb8;
	v13 =	vsel @!p0 vm4, v14, v13;
	[tilespmem:$0x1B200] =	vst v63  }
0x474: {  	s8 =	simm.s32 $0x1AA00;
	s9 =	simm.s32 $0x2;
	v13 =	vadd.s32 @!p0 s1, v13  }
0x475: {  	[tilespmem:s8], [sflag:$0x4] =	stream.indirect_vreg.gather [hbm4b:s24+s5], $0x80, v12, vm0, $0xb8;
	[tilespmem:$0x1B200] =	vst v63  }
0x476: {  	s10 =	simm.s32 $0x0;
	_ =	swait.ge [sflag:s9], $0x3000  }
0x477: {  	s3 =	sand.u32 $0x60, s10;
	s2 =	simm.s32 @!p0 $0x80;
	[sflag:s9] =	ssyncset.done $0x0  }
0x478: {  	s4 =	sand.u32 $0x1C00, s10;
	s1 =	simm.s32 @!p0 $0x0;
	[sflag:s9] =	ssyncadd.s32 $0xFFFFD000  }
0x479: {  	[tilespmem:s2], [sflag:$0xA] =	stream.indirect_vreg.gather @!p0 [hbm4b:s31+s1], $0x1, v13, vm3, $0xb8;
	[tilespmem:$0x1B200] =	vst v63  }
0x47a: {  	s14 =	sor.u32 $0x10, s3;
	s1 =	sadd.s32 $0xDA00, s4  }
0x47b: {  	s11 =	sor.u32 s14, s1  }
0x47c: {  	v12 =	vld [tilespmem:s11+$0x0];
	_ =	sdelay $0x1  }
0x47d: {  	s1 =	sor.u32 s3, s1  }
0x47e: {  	s12 =	sor.u32 $0x12200, s4;
	v13 =	vld [tilespmem:s1+$0x0]  }
0x47f: {  	s15 =	sadd.s32 $0x13A00, s4;
	s13 =	sor.u32 s14, s12  }
0x480: {  	s16 =	sadd.s32 $0xDA80, s4;
	s7 =	sor.u32 s14, s15;
	[tilespmem:s13+$0x0] =	vst.add.f32.msk $0xffff, v12  }
0x481: {  	s17 =	sor.u32 s14, s16;
	[tilespmem:s7+$0x0] =	vst.add.f32.msk $0xffff, v12  }
0x482: {  	s12 =	sor.u32 s3, s12;
	v12 =	vld [tilespmem:s17+$0x0]  }
0x483: {  	s1 =	sor.u32 s3, s15;
	[tilespmem:s12+$0x0] =	vst.add.f32.msk $0xffff, v13  }
0x484: {  	s18 =	sor.u32 s3, s16;
	[tilespmem:s1+$0x0] =	vst.add.f32.msk $0xffff, v13  }
0x485: {  	v13 =	vld [tilespmem:s18+$0x0]  }
0x486: {  	s19 =	sadd.s32 $0x13A80, s4;
	s20 =	sor.u32 $0x80, s13  }
0x487: {  	s21 =	sadd.s32 $0xDB00, s4;
	s7 =	sor.u32 s14, s19;
	[tilespmem:s20+$0x0] =	vst.add.f32.msk $0xffff, v12  }
0x488: {  	s8 =	sor.u32 s14, s21;
	[tilespmem:s7+$0x0] =	vst.add.f32.msk $0xffff, v12  }
0x489: {  	s9 =	sor.u32 $0x80, s12;
	v12 =	vld [tilespmem:s8+$0x0]  }
0x48a: {  	s1 =	sor.u32 s3, s19;
	[tilespmem:s9+$0x0] =	vst.add.f32.msk $0xffff, v13  }
0x48b: {  	s10 =	sor.u32 s3, s21;
	[tilespmem:s1+$0x0] =	vst.add.f32.msk $0xffff, v13  }
0x48c: {  	v14 =	vld [tilespmem:s10+$0x0]  }
0x48d: {  	s11 =	sadd.s32 $0x13B00, s4;
	s15 =	sor.u32 $0x100, s13  }
0x48e: {  	s16 =	sadd.s32 $0xDB80, s4;
	s17 =	sor.u32 s14, s11;
	[tilespmem:s15+$0x0] =	vst.add.f32.msk $0xffff, v12  }
0x48f: {  	s18 =	sor.u32 s14, s16;
	[tilespmem:s17+$0x0] =	vst.add.f32.msk $0xffff, v12  }
0x490: {  	s19 =	sor.u32 $0x100, s12;
	v13 =	vld [tilespmem:s18+$0x0]  }
0x491: {  	s1 =	sor.u32 s3, s11;
	[tilespmem:s19+$0x0] =	vst.add.f32.msk $0xffff, v14  }
0x492: {  	s20 =	sor.u32 s3, s16;
	[tilespmem:s1+$0x0] =	vst.add.f32.msk $0xffff, v14  }
0x493: {  	s6 =	sor.u32 $0x180, s12;
	s21 =	sor.u32 $0x180, s13;
	v12 =	vld [tilespmem:s20+$0x0]  }
0x494: {  	s16 =	sadd.s32 $0x13B80, s4;
	s11 =	sadd.s32 $0xDC00, s4;
	s15 =	simm.s32 $0x0  }
0x495: {  	s19 =	simm.s32 $0x20;
	s17 =	simm.s32 $0x100;
	s18 =	sor.u32 s14, s16;
	[tilespmem:s21+$0x0] =	vst.add.f32.msk $0xffff, v13  }
.LBB2_21:
0x496: {  	s1 =	sand.u32 $0x60, s19;
	s2 =	sand.u32 $0x1C00, s17;
	[tilespmem:s18+$0x0] =	vst.add.f32.msk $0xffff, v13;
	s7 =	sor.u32 s14, s11  }
0x497: {  	s10 =	sor.u32 s3, s16;
	s8 =	sadd.s32 $0xDA00, s2;
	s9 =	sor.u32 $0x10, s1;
	v13 =	vld [tilespmem:s7+$0x0]  }
0x498: {  	s11 =	sor.u32 s3, s11;
	s7 =	sor.u32 s1, s8;
	s8 =	sor.u32 s9, s8;
	[tilespmem:s6+$0x0] =	vst.add.f32.msk $0xffff, v12  }
0x499: {  	v14 =	vld [tilespmem:s8+$0x0]  }
0x49a: {  	v15 =	vld [tilespmem:s7+$0x0]  }
0x49b: {  	s15 =	sadd.s32 $0x2, s15;
	s7 =	sadd.s32 $0x13C00, s4;
	s4 =	smov.u32 s2;
	[tilespmem:s10+$0x0] =	vst.add.f32.msk $0xffff, v12  }
0x49c: {  	p0 =	slt.u32 s15, $0x2E;
	s2 =	sor.u32 $0x12200, s4;
	s6 =	sor.u32 s14, s7;
	[tilespmem:s13+$0x200] =	vst.add.f32.msk $0xffff, v13  }
0x49d: {  	s10 =	sadd.s32 $0x13A00, s4;
	s8 =	sor.u32 s1, s2;
	s13 =	sor.u32 s9, s2;
	[tilespmem:s6+$0x0] =	vst.add.f32.msk $0xffff, v13  }
0x49e: {  	s2 =	sor.u32 s1, s10;
	s10 =	sor.u32 s9, s10;
	s6 =	sadd.s32 $0xDA80, s4;
	[tilespmem:s13+$0x0] =	vst.add.f32.msk $0xffff, v14  }
0x49f: {  	s18 =	sor.u32 $0x80, s8;
	s16 =	sor.u32 s1, s6;
	[tilespmem:s10+$0x0] =	vst.add.f32.msk $0xffff, v14;
	s10 =	sor.u32 s9, s6  }
0x4a0: {  	s7 =	sor.u32 s3, s7;
	s20 =	sor.u32 $0x100, s8;
	s6 =	sor.u32 $0x180, s8;
	v12 =	vld [tilespmem:s10+$0x0]  }
0x4a1: {  	s3 =	smov.u32 s1;
	s14 =	smov.u32 s9;
	[tilespmem:s8+$0x0] =	vst.add.f32.msk $0xffff, v15  }
0x4a2: {  	[tilespmem:s2+$0x0] =	vst.add.f32.msk $0xffff, v15  }
0x4a3: {  	v13 =	vld [tilespmem:s16+$0x0]  }
0x4a4: {  	s1 =	sadd.s32 $0x13A80, s4;
	s2 =	sor.u32 $0x80, s13;
	v14 =	vld [tilespmem:s11+$0x0]  }
0x4a5: {  	s9 =	sor.u32 s3, s1;
	s1 =	sor.u32 s14, s1;
	s10 =	sadd.s32 $0xDB00, s4;
	[tilespmem:s2+$0x0] =	vst.add.f32.msk $0xffff, v12  }
0x4a6: {  	s2 =	sor.u32 s3, s10;
	[tilespmem:s1+$0x0] =	vst.add.f32.msk $0xffff, v12;
	s1 =	sor.u32 s14, s10  }
0x4a7: {  	v12 =	vld [tilespmem:s1+$0x0]  }
0x4a8: {  	[tilespmem:s18+$0x0] =	vst.add.f32.msk $0xffff, v13  }
0x4a9: {  	[tilespmem:s9+$0x0] =	vst.add.f32.msk $0xffff, v13  }
0x4aa: {  	v15 =	vld [tilespmem:s2+$0x0]  }
0x4ab: {  	s1 =	sadd.s32 $0x13B00, s4;
	s2 =	sor.u32 $0x100, s13;
	[tilespmem:s12+$0x200] =	vst.add.f32.msk $0xffff, v14;
	s12 =	smov.u32 s8  }
0x4ac: {  	s9 =	sadd.s32 $0xDB80, s4;
	s8 =	sor.u32 s3, s1;
	s1 =	sor.u32 s14, s1;
	[tilespmem:s2+$0x0] =	vst.add.f32.msk $0xffff, v12  }
0x4ad: {  	s2 =	sor.u32 s3, s9;
	[tilespmem:s1+$0x0] =	vst.add.f32.msk $0xffff, v12;
	s1 =	sor.u32 s14, s9  }
0x4ae: {  	v13 =	vld [tilespmem:s1+$0x0]  }
.Ltmp10:
0x4af: {  	[tilespmem:s20+$0x0] =	vst.add.f32.msk $0xffff, v15;
	(pc) =	sbr.rel @p0 .LBB2_21-.Ltmp10, $4  }
0x4b0: {  	[tilespmem:s8+$0x0] =	vst.add.f32.msk $0xffff, v15  }
0x4b1: {  	v12 =	vld [tilespmem:s2+$0x0]  }
0x4b2: {  	s17 =	sadd.s32 $0x100, s17;
	s16 =	sadd.s32 $0x13B80, s4;
	s1 =	sor.u32 $0x180, s13;
	[tilespmem:s7+$0x0] =	vst.add.f32.msk $0xffff, v14  }
0x4b3: {  	s19 =	sadd.s32 $0x20, s19;
	s11 =	sadd.s32 $0xDC00, s4;
	s18 =	sor.u32 s14, s16;
	[tilespmem:s1+$0x0] =	vst.add.f32.msk $0xffff, v13  }
0x4b4: {  	[tilespmem:s18+$0x0] =	vst.add.f32.msk $0xffff, v13;
	s1 =	sor.u32 s14, s11  }
0x4b5: {  	v13 =	vld [tilespmem:s1+$0x0]  }
0x4b6: {  	s15 =	sor.u32 s3, s16;
	[tilespmem:s6+$0x0] =	vst.add.f32.msk $0xffff, v12  }
0x4b7: {  	s2 =	sor.u32 s3, s11;
	[tilespmem:s15+$0x0] =	vst.add.f32.msk $0xffff, v12  }
0x4b8: {  	v12 =	vld [tilespmem:s2+$0x0];
	_ =	sdelay $0x1  }
0x4b9: {  	s16 =	sadd.s32 $0x13C00, s4  }
0x4ba: {  	s17 =	sor.u32 s14, s16;
	[tilespmem:s13+$0x200] =	vst.add.f32.msk $0xffff, v13  }
0x4bb: {  	[tilespmem:s17+$0x0] =	vst.add.f32.msk $0xffff, v13  }
0x4bc: {  	s1 =	sor.u32 s3, s16;
	[tilespmem:s12+$0x200] =	vst.add.f32.msk $0xffff, v12  }
0x4bd: {  	s18 =	sadd.s32 $0x5700, s0;
	s19 =	simm.s32 $0x12200;
	[tilespmem:s1+$0x0] =	vst.add.f32.msk $0xffff, v12  }
0x4be: {  	[hbm4b:s18+s5] =	stream.linear.scatter [tilespmem:s19], [sflag:$0x6], $0x280, $0x38;
	[tilespmem:$0x1B200] =	vst v63  }
0x4bf: {  	s20 =	sadd.s32 $0x5780, s0;
	s21 =	simm.s32 $0x12600  }
0x4c0: {  	[hbm4b:s20+s5] =	stream.linear.scatter [tilespmem:s21], [sflag:$0x6], $0x280, $0x38;
	[tilespmem:$0x1B200] =	vst v63  }
0x4c1: {  	s4 =	simm.s32 $0x12A00;
	s3 =	sadd.s32 $0x5800, s0  }
0x4c2: {  	[hbm4b:s3+s5] =	stream.linear.scatter [tilespmem:s4], [sflag:$0x6], $0x280, $0x38;
	[tilespmem:$0x1B200] =	vst v63  }
0x4c3: {  	s7 =	simm.s32 $0x12E00;
	s6 =	sadd.s32 $0x5880, s0  }
0x4c4: {  	[hbm4b:s6+s5] =	stream.linear.scatter [tilespmem:s7], [sflag:$0x6], $0x280, $0x38;
	[tilespmem:$0x1B200] =	vst v63  }
0x4c5: {  	s8 =	sadd.s32 $0x5900, s0;
	s9 =	simm.s32 $0x13200  }
0x4c6: {  	[hbm4b:s8+s5] =	stream.linear.scatter [tilespmem:s9], [sflag:$0x6], $0x280, $0x38;
	[tilespmem:$0x1B200] =	vst v63  }
0x4c7: {  	s10 =	sadd.s32 $0x5980, s0;
	s11 =	simm.s32 $0x13600  }
0x4c8: {  	[hbm4b:s10+s5] =	stream.linear.scatter [tilespmem:s11], [sflag:$0x6], $0x280, $0x38;
	[tilespmem:$0x1B200] =	vst v63  }
0x4c9: {  	s13 =	simm.s32 $0x13A00;
	s12 =	sadd.s32 $0x7500, s0  }
0x4ca: {  	[hbm4b:s12+s5] =	stream.linear.scatter [tilespmem:s13], [sflag:$0x6], $0x280, $0x38;
	[tilespmem:$0x1B200] =	vst v63  }
0x4cb: {  	s14 =	sadd.s32 $0x7580, s0;
	s15 =	simm.s32 $0x13E00  }
0x4cc: {  	[hbm4b:s14+s5] =	stream.linear.scatter [tilespmem:s15], [sflag:$0x6], $0x280, $0x38;
	[tilespmem:$0x1B200] =	vst v63  }
0x4cd: {  	s16 =	sadd.s32 $0x7600, s0;
	s17 =	simm.s32 $0x14200  }
0x4ce: {  	[hbm4b:s16+s5] =	stream.linear.scatter [tilespmem:s17], [sflag:$0x6], $0x280, $0x38;
	[tilespmem:$0x1B200] =	vst v63  }
0x4cf: {  	s18 =	sadd.s32 $0x7680, s0;
	s19 =	simm.s32 $0x14600  }
0x4d0: {  	[hbm4b:s18+s5] =	stream.linear.scatter [tilespmem:s19], [sflag:$0x6], $0x280, $0x38;
	[tilespmem:$0x1B200] =	vst v63  }
0x4d1: {  	p0 =	sne.s32 s30, $0xF;
	s20 =	sadd.s32 $0x7700, s0;
	s21 =	simm.s32 $0x14A00  }
0x4d2: {  	[hbm4b:s20+s5] =	stream.linear.scatter [tilespmem:s21], [sflag:$0x6], $0x280, $0x38;
	[tilespmem:$0x1B200] =	vst v63  }
0x4d3: {  	s1 =	simm.s32 @p0 $0x9;
	s3 =	sadd.s32 $0x7780, s0;
	s4 =	simm.s32 $0x14E00  }
0x4d4: {  	[hbm4b:s3+s5] =	stream.linear.scatter [tilespmem:s4], [sflag:$0x6], $0x280, $0x38;
	[tilespmem:$0x1B200] =	vst v63  }
0x4d5: {  	_ =	swait.ge @p0 [sflag:s1], $0x10  }
0x4d6: {  	[sflag:s1] =	ssyncset.done @p0 $0x0  }
0x4d7: {  	[sflag:s1] =	ssyncadd.s32 @p0 $0xFFFFFFF0;
	s1 =	simm.s32 @p0 $0x5  }
0x4d8: {  	_ =	swait.ge @p0 [sflag:s1], $0xF00  }
0x4d9: {  	[sflag:s1] =	ssyncset.done @p0 $0x0  }
0x4da: {  	[sflag:s1] =	ssyncadd.s32 @p0 $0xFFFFF100  }
0x4db: {  	_ =	swait.ge @p0 [sflag:s1], $0xF00  }
0x4dc: {  	[sflag:s1] =	ssyncset.done @p0 $0x0  }
0x4dd: {  	[sflag:s1] =	ssyncadd.s32 @p0 $0xFFFFF100  }
0x4de: {  	v12 =	vld @p0 [tilespmem:$0x0];
	_ =	sdelay $0x4  }
0x4df: {  	v13 =	vshrl.u32 @p0 v12, $0x3  }
0x4e0: {  	v13 =	vmul.u32 @p0 $0x30, v13  }
0x4e1: {  	v14 =	vlaneseq.u32 @p0;
	v12 =	vand.u32 @p0 $0x7, v12  }
0x4e2: {  	v15 =	vshrl.u32 @p0 v14, $0x3;
	v12 =	vor.u32 @p0 v12, v13;
	v13 =	vand.u32 @p0 $0x7, v14  }
0x4e3: {  	v15 =	vmul.u32 @p0 $0x8, v15;
	v13 =	vperm.xlane @p0 v12, v13;
	_ =	sdelay $0x1  }
0x4e4: {  	v13 =	vadd.s32 @p0 v15, v13;
	_ =	sdelay $0x2  }
0x4e5: {  	v14 =	vor.u32 @p0 $0x8, v14  }
0x4e6: {  	vm1 =	vmmov @p0 $0xffff;
	s2 =	simm.s32 @p0 $0xF200;
	s1 =	simm.s32 @p0 $0x0;
	v12 =	vperm.xlane @p0 v12, v14  }
0x4e7: {  	[tilespmem:s2], [sflag:$0x1] =	stream.indirect_vreg.gather @p0 [hbm4b:s22+s1], $0x80, v13, vm1, $0xb8;
	[tilespmem:$0x1B200] =	vst v63  }
0x4e8: {  	v12 =	vadd.s32 @p0 v15, v12;
	s2 =	simm.s32 @p0 $0xFA00  }
0x4e9: {  	[tilespmem:s2], [sflag:$0x1] =	stream.indirect_vreg.gather @p0 [hbm4b:s23+s1], $0x80, v13, vm1, $0xb8;
	[tilespmem:$0x1B200] =	vst v63  }
0x4ea: {  	s2 =	simm.s32 @p0 $0x10200  }
0x4eb: {  	[tilespmem:s2], [sflag:$0x1] =	stream.indirect_vreg.gather @p0 [hbm4b:s24+s1], $0x80, v13, vm1, $0xb8;
	v13 =	vimm.s32 @p0 $0x4B4A4948;
	[tilespmem:$0x1B200] =	vst v63  }
0x4ec: {  	v14 =	vimm.s32 @p0 $0x98979695;
	s2 =	simm.s32 @p0 $0x10A00;
	v13 =	vunpack.c.0.s8.s32 @p0 v13  }
0x4ed: {  	vm2 =	vcmask @p0 $0xF00;
	v14 =	vunpack.c.0.s8.s32 @p0 v14;
	[tilespmem:s2], [sflag:$0x1] =	stream.indirect_vreg.gather @p0 [hbm4b:s22+s1], $0x80, v12, vm1, $0xb8;
	[tilespmem:$0x1B200] =	vst v63  }
0x4ee: {  	vm3 =	vcmask @p0 $0x1F10;
	s3 =	smul.u32 @p0 $0x268, s30;
	s2 =	simm.s32 @p0 $0x11200;
	v13 =	vnsel @p0 vm2, $0x99, v13  }
0x4ef: {  	vm4 =	vcmask @p0 $0x2F20;
	v14 =	vand.u32 @p0 $0xFF, v14;
	[tilespmem:s2], [sflag:$0x1] =	stream.indirect_vreg.gather @p0 [hbm4b:s23+s1], $0x80, v12, vm1, $0xb8;
	v13 =	vsel @p0 vm3, $0x4C, v13;
	[tilespmem:$0x1B200] =	vst v63  }
0x4f0: {  	s4 =	sadd.s32 @p0 s3, s29;
	s2 =	simm.s32 @p0 $0x11A00;
	v13 =	vsel @p0 vm4, v14, v13  }
0x4f1: {  	[tilespmem:s2], [sflag:$0x1] =	stream.indirect_vreg.gather @p0 [hbm4b:s24+s1], $0x80, v12, vm1, $0xb8;
	v12 =	vadd.s32 @p0 s4, v13;
	[tilespmem:$0x1B200] =	vst v63  }
0x4f2: {  	s2 =	simm.s32 @p0 $0x3  }
0x4f3: {  	_ =	swait.ge @p0 [sflag:s2], $0x3000  }
0x4f4: {  	[sflag:s2] =	ssyncset.done @p0 $0x0  }
0x4f5: {  	[sflag:s2] =	ssyncadd.s32 @p0 $0xFFFFD000;
	s2 =	simm.s32 @p0 $0x100  }
0x4f6: {  	[tilespmem:s2], [sflag:$0xB] =	stream.indirect_vreg.gather @p0 [hbm4b:s31+s1], $0x1, v12, vm1, $0xb8;
	[tilespmem:$0x1B200] =	vst v63  }
0x4f7: {  	s6 =	simm.s32 $0x0;
	s1 =	simm.s32 @!p0 $0x3  }
0x4f8: {  	s12 =	sand.u32 $0x1C00, s6;
	s4 =	sand.u32 $0x60, s6;
	_ =	swait.ge @!p0 [sflag:s1], $0x3000  }
0x4f9: {  	s15 =	sor.u32 $0x10, s4;
	s2 =	sadd.s32 $0xDA00, s12;
	[sflag:s1] =	ssyncset.done @!p0 $0x0  }
0x4fa: {  	s7 =	sor.u32 s15, s2;
	[sflag:s1] =	ssyncadd.s32 @!p0 $0xFFFFD000  }
0x4fb: {  	v12 =	vld [tilespmem:s7+$0x0];
	_ =	sdelay $0x1  }
0x4fc: {  	s8 =	sor.u32 s4, s2  }
0x4fd: {  	s9 =	sadd.s32 $0x15200, s12;
	v13 =	vld [tilespmem:s8+$0x0]  }
0x4fe: {  	s10 =	sadd.s32 $0x16A00, s12;
	s14 =	sor.u32 s15, s9  }
0x4ff: {  	s11 =	sadd.s32 $0xDA80, s12;
	s7 =	sor.u32 s15, s10;
	[tilespmem:s14+$0x0] =	vst.add.f32.msk $0xffff, v12  }
0x500: {  	s16 =	sor.u32 s15, s11;
	[tilespmem:s7+$0x0] =	vst.add.f32.msk $0xffff, v12  }
0x501: {  	s13 =	sor.u32 s4, s9;
	v12 =	vld [tilespmem:s16+$0x0]  }
0x502: {  	s1 =	sor.u32 s4, s10;
	[tilespmem:s13+$0x0] =	vst.add.f32.msk $0xffff, v13  }
0x503: {  	s17 =	sor.u32 s4, s11;
	[tilespmem:s1+$0x0] =	vst.add.f32.msk $0xffff, v13  }
0x504: {  	v13 =	vld [tilespmem:s17+$0x0]  }
0x505: {  	s18 =	sadd.s32 $0x16A80, s12;
	s19 =	sor.u32 $0x80, s14  }
0x506: {  	s20 =	sadd.s32 $0xDB00, s12;
	s21 =	sor.u32 s15, s18;
	[tilespmem:s19+$0x0] =	vst.add.f32.msk $0xffff, v12  }
0x507: {  	s7 =	sor.u32 s15, s20;
	[tilespmem:s21+$0x0] =	vst.add.f32.msk $0xffff, v12  }
0x508: {  	s8 =	sor.u32 $0x80, s13;
	v12 =	vld [tilespmem:s7+$0x0]  }
0x509: {  	s1 =	sor.u32 s4, s18;
	[tilespmem:s8+$0x0] =	vst.add.f32.msk $0xffff, v13  }
0x50a: {  	s9 =	sor.u32 s4, s20;
	[tilespmem:s1+$0x0] =	vst.add.f32.msk $0xffff, v13  }
0x50b: {  	v14 =	vld [tilespmem:s9+$0x0]  }
0x50c: {  	s11 =	sor.u32 $0x100, s14;
	s10 =	sadd.s32 $0x16B00, s12  }
0x50d: {  	s16 =	sadd.s32 $0xDB80, s12;
	s17 =	sor.u32 s15, s10;
	[tilespmem:s11+$0x0] =	vst.add.f32.msk $0xffff, v12  }
0x50e: {  	s18 =	sor.u32 s15, s16;
	[tilespmem:s17+$0x0] =	vst.add.f32.msk $0xffff, v12  }
0x50f: {  	s19 =	sor.u32 $0x100, s13;
	v13 =	vld [tilespmem:s18+$0x0]  }
0x510: {  	s1 =	sor.u32 s4, s10;
	[tilespmem:s19+$0x0] =	vst.add.f32.msk $0xffff, v14  }
0x511: {  	s20 =	sor.u32 s4, s16;
	[tilespmem:s1+$0x0] =	vst.add.f32.msk $0xffff, v14  }
0x512: {  	s6 =	sor.u32 $0x180, s13;
	s16 =	sadd.s32 $0x16B80, s12;
	v12 =	vld [tilespmem:s20+$0x0]  }
0x513: {  	s21 =	sor.u32 $0x180, s14;
	s19 =	simm.s32 $0x100;
	s11 =	sadd.s32 $0xDC00, s12  }
0x514: {  	s17 =	simm.s32 $0x0;
	s18 =	sor.u32 s15, s16;
	s20 =	simm.s32 $0x20;
	[tilespmem:s21+$0x0] =	vst.add.f32.msk $0xffff, v13  }
.LBB2_23:
0x515: {  	s1 =	sand.u32 $0x60, s20;
	s2 =	sand.u32 $0x1C00, s19;
	[tilespmem:s18+$0x0] =	vst.add.f32.msk $0xffff, v13;
	s7 =	sor.u32 s15, s11  }
0x516: {  	s10 =	sor.u32 s4, s16;
	s8 =	sadd.s32 $0xDA00, s2;
	s9 =	sor.u32 $0x10, s1;
	v13 =	vld [tilespmem:s7+$0x0]  }
0x517: {  	s11 =	sor.u32 s4, s11;
	s7 =	sor.u32 s1, s8;
	s8 =	sor.u32 s9, s8;
	[tilespmem:s6+$0x0] =	vst.add.f32.msk $0xffff, v12  }
0x518: {  	v14 =	vld [tilespmem:s8+$0x0]  }
0x519: {  	v15 =	vld [tilespmem:s7+$0x0]  }
0x51a: {  	s17 =	sadd.s32 $0x2, s17;
	s7 =	sadd.s32 $0x16C00, s12;
	s12 =	smov.u32 s2;
	[tilespmem:s10+$0x0] =	vst.add.f32.msk $0xffff, v12  }
0x51b: {  	p1 =	slt.u32 s17, $0x2E;
	s2 =	sadd.s32 $0x15200, s12;
	s6 =	sor.u32 s15, s7;
	[tilespmem:s14+$0x200] =	vst.add.f32.msk $0xffff, v13  }
0x51c: {  	s10 =	sadd.s32 $0x16A00, s12;
	s8 =	sor.u32 s1, s2;
	s14 =	sor.u32 s9, s2;
	[tilespmem:s6+$0x0] =	vst.add.f32.msk $0xffff, v13  }
0x51d: {  	s2 =	sor.u32 s1, s10;
	s10 =	sor.u32 s9, s10;
	s6 =	sadd.s32 $0xDA80, s12;
	[tilespmem:s14+$0x0] =	vst.add.f32.msk $0xffff, v14  }
0x51e: {  	s18 =	sor.u32 $0x80, s8;
	s16 =	sor.u32 s1, s6;
	[tilespmem:s10+$0x0] =	vst.add.f32.msk $0xffff, v14;
	s10 =	sor.u32 s9, s6  }
0x51f: {  	s7 =	sor.u32 s4, s7;
	s21 =	sor.u32 $0x100, s8;
	s6 =	sor.u32 $0x180, s8;
	v12 =	vld [tilespmem:s10+$0x0]  }
0x520: {  	s4 =	smov.u32 s1;
	s15 =	smov.u32 s9;
	[tilespmem:s8+$0x0] =	vst.add.f32.msk $0xffff, v15  }
0x521: {  	[tilespmem:s2+$0x0] =	vst.add.f32.msk $0xffff, v15  }
0x522: {  	v13 =	vld [tilespmem:s16+$0x0]  }
0x523: {  	s1 =	sadd.s32 $0x16A80, s12;
	s2 =	sor.u32 $0x80, s14;
	v14 =	vld [tilespmem:s11+$0x0]  }
0x524: {  	s9 =	sor.u32 s4, s1;
	s1 =	sor.u32 s15, s1;
	s10 =	sadd.s32 $0xDB00, s12;
	[tilespmem:s2+$0x0] =	vst.add.f32.msk $0xffff, v12  }
0x525: {  	s2 =	sor.u32 s4, s10;
	[tilespmem:s1+$0x0] =	vst.add.f32.msk $0xffff, v12;
	s1 =	sor.u32 s15, s10  }
0x526: {  	v12 =	vld [tilespmem:s1+$0x0]  }
0x527: {  	[tilespmem:s18+$0x0] =	vst.add.f32.msk $0xffff, v13  }
0x528: {  	[tilespmem:s9+$0x0] =	vst.add.f32.msk $0xffff, v13  }
0x529: {  	v15 =	vld [tilespmem:s2+$0x0]  }
0x52a: {  	s1 =	sadd.s32 $0x16B00, s12;
	s2 =	sor.u32 $0x100, s14;
	[tilespmem:s13+$0x200] =	vst.add.f32.msk $0xffff, v14;
	s13 =	smov.u32 s8  }
0x52b: {  	s9 =	sadd.s32 $0xDB80, s12;
	s8 =	sor.u32 s4, s1;
	s1 =	sor.u32 s15, s1;
	[tilespmem:s2+$0x0] =	vst.add.f32.msk $0xffff, v12  }
0x52c: {  	s2 =	sor.u32 s4, s9;
	[tilespmem:s1+$0x0] =	vst.add.f32.msk $0xffff, v12;
	s1 =	sor.u32 s15, s9  }
0x52d: {  	v13 =	vld [tilespmem:s1+$0x0]  }
.Ltmp11:
0x52e: {  	[tilespmem:s21+$0x0] =	vst.add.f32.msk $0xffff, v15;
	(pc) =	sbr.rel @p1 .LBB2_23-.Ltmp11, $4  }
0x52f: {  	[tilespmem:s8+$0x0] =	vst.add.f32.msk $0xffff, v15  }
0x530: {  	v12 =	vld [tilespmem:s2+$0x0]  }
0x531: {  	s19 =	sadd.s32 $0x100, s19;
	s16 =	sadd.s32 $0x16B80, s12;
	s1 =	sor.u32 $0x180, s14;
	[tilespmem:s7+$0x0] =	vst.add.f32.msk $0xffff, v14  }
0x532: {  	s20 =	sadd.s32 $0x20, s20;
	s11 =	sadd.s32 $0xDC00, s12;
	s18 =	sor.u32 s15, s16;
	[tilespmem:s1+$0x0] =	vst.add.f32.msk $0xffff, v13  }
0x533: {  	[tilespmem:s18+$0x0] =	vst.add.f32.msk $0xffff, v13;
	s1 =	sor.u32 s15, s11  }
0x534: {  	v13 =	vld [tilespmem:s1+$0x0]  }
0x535: {  	s17 =	sor.u32 s4, s16;
	[tilespmem:s6+$0x0] =	vst.add.f32.msk $0xffff, v12  }
0x536: {  	s2 =	sor.u32 s4, s11;
	[tilespmem:s17+$0x0] =	vst.add.f32.msk $0xffff, v12  }
0x537: {  	v12 =	vld [tilespmem:s2+$0x0];
	_ =	sdelay $0x1  }
0x538: {  	s18 =	sadd.s32 $0x16C00, s12  }
0x539: {  	s19 =	sor.u32 s15, s18;
	[tilespmem:s14+$0x200] =	vst.add.f32.msk $0xffff, v13  }
0x53a: {  	[tilespmem:s19+$0x0] =	vst.add.f32.msk $0xffff, v13  }
0x53b: {  	s1 =	sor.u32 s4, s18;
	[tilespmem:s13+$0x200] =	vst.add.f32.msk $0xffff, v12  }
0x53c: {  	s20 =	sadd.s32 $0x9300, s0;
	s21 =	simm.s32 $0x15200;
	[tilespmem:s1+$0x0] =	vst.add.f32.msk $0xffff, v12  }
0x53d: {  	[hbm4b:s20+s5] =	stream.linear.scatter [tilespmem:s21], [sflag:$0x7], $0x280, $0x38;
	[tilespmem:$0x1B200] =	vst v63  }
0x53e: {  	s4 =	simm.s32 $0x15600;
	s2 =	sadd.s32 $0x9380, s0  }
0x53f: {  	[hbm4b:s2+s5] =	stream.linear.scatter [tilespmem:s4], [sflag:$0x7], $0x280, $0x38;
	[tilespmem:$0x1B200] =	vst v63  }
0x540: {  	s7 =	simm.s32 $0x15A00;
	s6 =	sadd.s32 $0x9400, s0  }
0x541: {  	[hbm4b:s6+s5] =	stream.linear.scatter [tilespmem:s7], [sflag:$0x7], $0x280, $0x38;
	[tilespmem:$0x1B200] =	vst v63  }
0x542: {  	s8 =	sadd.s32 $0x9480, s0;
	s9 =	simm.s32 $0x15E00  }
0x543: {  	[hbm4b:s8+s5] =	stream.linear.scatter [tilespmem:s9], [sflag:$0x7], $0x280, $0x38;
	[tilespmem:$0x1B200] =	vst v63  }
0x544: {  	s10 =	sadd.s32 $0x9500, s0;
	s11 =	simm.s32 $0x16200  }
0x545: {  	[hbm4b:s10+s5] =	stream.linear.scatter [tilespmem:s11], [sflag:$0x7], $0x280, $0x38;
	[tilespmem:$0x1B200] =	vst v63  }
0x546: {  	s12 =	sadd.s32 $0x9580, s0;
	s13 =	simm.s32 $0x16600  }
0x547: {  	[hbm4b:s12+s5] =	stream.linear.scatter [tilespmem:s13], [sflag:$0x7], $0x280, $0x38;
	[tilespmem:$0x1B200] =	vst v63  }
0x548: {  	s15 =	simm.s32 $0x16A00;
	s14 =	sadd.s32 $0xB100, s0  }
0x549: {  	[hbm4b:s14+s5] =	stream.linear.scatter [tilespmem:s15], [sflag:$0x7], $0x280, $0x38;
	[tilespmem:$0x1B200] =	vst v63  }
0x54a: {  	s16 =	sadd.s32 $0xB180, s0;
	s17 =	simm.s32 $0x16E00  }
0x54b: {  	[hbm4b:s16+s5] =	stream.linear.scatter [tilespmem:s17], [sflag:$0x7], $0x280, $0x38;
	[tilespmem:$0x1B200] =	vst v63  }
0x54c: {  	s18 =	sadd.s32 $0xB200, s0;
	s19 =	simm.s32 $0x17200  }
0x54d: {  	[hbm4b:s18+s5] =	stream.linear.scatter [tilespmem:s19], [sflag:$0x7], $0x280, $0x38;
	[tilespmem:$0x1B200] =	vst v63  }
0x54e: {  	s20 =	sadd.s32 $0xB280, s0;
	s21 =	simm.s32 $0x17600  }
0x54f: {  	[hbm4b:s20+s5] =	stream.linear.scatter [tilespmem:s21], [sflag:$0x7], $0x280, $0x38;
	[tilespmem:$0x1B200] =	vst v63  }
0x550: {  	s4 =	sadd.s32 $0xB300, s0;
	s6 =	simm.s32 $0x17A00  }
0x551: {  	[hbm4b:s4+s5] =	stream.linear.scatter [tilespmem:s6], [sflag:$0x7], $0x280, $0x38;
	[tilespmem:$0x1B200] =	vst v63  }
0x552: {  	s1 =	simm.s32 @p0 $0xA;
	s7 =	sadd.s32 $0xB380, s0;
	s8 =	simm.s32 $0x17E00  }
0x553: {  	[hbm4b:s7+s5] =	stream.linear.scatter [tilespmem:s8], [sflag:$0x7], $0x280, $0x38;
	[tilespmem:$0x1B200] =	vst v63  }
0x554: {  	_ =	swait.ge @p0 [sflag:s1], $0x10  }
0x555: {  	[sflag:s1] =	ssyncset.done @p0 $0x0  }
0x556: {  	[sflag:s1] =	ssyncadd.s32 @p0 $0xFFFFFFF0;
	s1 =	simm.s32 @p0 $0x6  }
0x557: {  	_ =	swait.ge @p0 [sflag:s1], $0xF00  }
0x558: {  	[sflag:s1] =	ssyncset.done @p0 $0x0  }
0x559: {  	[sflag:s1] =	ssyncadd.s32 @p0 $0xFFFFF100  }
0x55a: {  	_ =	swait.ge @p0 [sflag:s1], $0xF00  }
0x55b: {  	[sflag:s1] =	ssyncset.done @p0 $0x0  }
0x55c: {  	[sflag:s1] =	ssyncadd.s32 @p0 $0xFFFFF100  }
0x55d: {  	v12 =	vld @p0 [tilespmem:$0x80];
	_ =	sdelay $0x4  }
0x55e: {  	v13 =	vshrl.u32 @p0 v12, $0x3  }
0x55f: {  	v13 =	vmul.u32 @p0 $0x30, v13  }
0x560: {  	v14 =	vlaneseq.u32 @p0;
	v12 =	vand.u32 @p0 $0x7, v12  }
0x561: {  	v15 =	vshrl.u32 @p0 v14, $0x3;
	v12 =	vor.u32 @p0 v12, v13;
	v13 =	vand.u32 @p0 $0x7, v14  }
0x562: {  	v15 =	vmul.u32 @p0 $0x8, v15;
	v13 =	vperm.xlane @p0 v12, v13;
	_ =	sdelay $0x1  }
0x563: {  	v13 =	vadd.s32 @p0 v15, v13;
	_ =	sdelay $0x2  }
0x564: {  	v14 =	vor.u32 @p0 $0x8, v14  }
0x565: {  	s2 =	simm.s32 @p0 $0x12200;
	s1 =	simm.s32 @p0 $0x0;
	v12 =	vperm.xlane @p0 v12, v14  }
0x566: {  	[tilespmem:s2], [sflag:$0x2] =	stream.indirect_vreg.gather @p0 [hbm4b:s22+s1], $0x80, v13, vm1, $0xb8;
	[tilespmem:$0x1B200] =	vst v63  }
0x567: {  	v12 =	vadd.s32 @p0 v15, v12;
	s2 =	simm.s32 @p0 $0x12A00  }
0x568: {  	[tilespmem:s2], [sflag:$0x2] =	stream.indirect_vreg.gather @p0 [hbm4b:s23+s1], $0x80, v13, vm1, $0xb8;
	[tilespmem:$0x1B200] =	vst v63  }
0x569: {  	s2 =	simm.s32 @p0 $0x13200  }
0x56a: {  	[tilespmem:s2], [sflag:$0x2] =	stream.indirect_vreg.gather @p0 [hbm4b:s24+s1], $0x80, v13, vm1, $0xb8;
	v13 =	vimm.s32 @p0 $0x4B4A4948;
	[tilespmem:$0x1B200] =	vst v63  }
0x56b: {  	v14 =	vimm.s32 @p0 $0x98979695;
	s2 =	simm.s32 @p0 $0x13A00;
	v13 =	vunpack.c.0.s8.s32 @p0 v13  }
0x56c: {  	v14 =	vunpack.c.0.s8.s32 @p0 v14;
	[tilespmem:s2], [sflag:$0x2] =	stream.indirect_vreg.gather @p0 [hbm4b:s22+s1], $0x80, v12, vm1, $0xb8;
	[tilespmem:$0x1B200] =	vst v63  }
0x56d: {  	s4 =	rddreg [dreg:$0x11];
	s2 =	simm.s32 @p0 $0x14200;
	v13 =	vnsel @p0 vm2, $0x99, v13  }
0x56e: {  	v14 =	vand.u32 @p0 $0xFF, v14;
	[tilespmem:s2], [sflag:$0x2] =	stream.indirect_vreg.gather @p0 [hbm4b:s23+s1], $0x80, v12, vm1, $0xb8;
	v13 =	vsel @p0 vm3, $0x4C, v13;
	[tilespmem:$0x1B200] =	vst v63  }
0x56f: {  	s3 =	sadd.s32 @p0 s3, s4;
	s2 =	simm.s32 @p0 $0x14A00;
	v13 =	vsel @p0 vm4, v14, v13  }
0x570: {  	[tilespmem:s2], [sflag:$0x2] =	stream.indirect_vreg.gather @p0 [hbm4b:s24+s1], $0x80, v12, vm1, $0xb8;
	v12 =	vadd.s32 @p0 s3, v13;
	[tilespmem:$0x1B200] =	vst v63  }
0x571: {  	s2 =	simm.s32 @p0 $0x4  }
0x572: {  	_ =	swait.ge @p0 [sflag:s2], $0x3000  }
0x573: {  	[sflag:s2] =	ssyncset.done @p0 $0x0  }
0x574: {  	[sflag:s2] =	ssyncadd.s32 @p0 $0xFFFFD000;
	s2 =	simm.s32 @p0 $0x180  }
0x575: {  	[tilespmem:s2], [sflag:$0xC] =	stream.indirect_vreg.gather @p0 [hbm4b:s31+s1], $0x1, v12, vm1, $0xb8;
	[tilespmem:$0x1B200] =	vst v63  }
0x576: {  	s9 =	simm.s32 $0x0;
	s1 =	simm.s32 @!p0 $0x4  }
0x577: {  	s4 =	sand.u32 $0x1C00, s9;
	s3 =	sand.u32 $0x60, s9;
	_ =	swait.ge @!p0 [sflag:s1], $0x3000  }
0x578: {  	s14 =	sor.u32 $0x10, s3;
	s2 =	sadd.s32 $0xDA00, s4;
	[sflag:s1] =	ssyncset.done @!p0 $0x0  }
0x579: {  	s10 =	sor.u32 s14, s2;
	[sflag:s1] =	ssyncadd.s32 @!p0 $0xFFFFD000  }
0x57a: {  	v12 =	vld [tilespmem:s10+$0x0];
	_ =	sdelay $0x1  }
0x57b: {  	s11 =	sor.u32 s3, s2  }
0x57c: {  	s12 =	sor.u32 $0x18200, s4;
	v13 =	vld [tilespmem:s11+$0x0]  }
0x57d: {  	s15 =	sadd.s32 $0x19A00, s4;
	s13 =	sor.u32 s14, s12  }
0x57e: {  	s16 =	sadd.s32 $0xDA80, s4;
	s7 =	sor.u32 s14, s15;
	[tilespmem:s13+$0x0] =	vst.add.f32.msk $0xffff, v12  }
0x57f: {  	s17 =	sor.u32 s14, s16;
	[tilespmem:s7+$0x0] =	vst.add.f32.msk $0xffff, v12  }
0x580: {  	s12 =	sor.u32 s3, s12;
	v12 =	vld [tilespmem:s17+$0x0]  }
0x581: {  	s1 =	sor.u32 s3, s15;
	[tilespmem:s12+$0x0] =	vst.add.f32.msk $0xffff, v13  }
0x582: {  	s18 =	sor.u32 s3, s16;
	[tilespmem:s1+$0x0] =	vst.add.f32.msk $0xffff, v13  }
0x583: {  	v13 =	vld [tilespmem:s18+$0x0]  }
0x584: {  	s19 =	sadd.s32 $0x19A80, s4;
	s20 =	sor.u32 $0x80, s13  }
0x585: {  	s21 =	sadd.s32 $0xDB00, s4;
	s7 =	sor.u32 s14, s19;
	[tilespmem:s20+$0x0] =	vst.add.f32.msk $0xffff, v12  }
0x586: {  	s8 =	sor.u32 s14, s21;
	[tilespmem:s7+$0x0] =	vst.add.f32.msk $0xffff, v12  }
0x587: {  	s9 =	sor.u32 $0x80, s12;
	v12 =	vld [tilespmem:s8+$0x0]  }
0x588: {  	s1 =	sor.u32 s3, s19;
	[tilespmem:s9+$0x0] =	vst.add.f32.msk $0xffff, v13  }
0x589: {  	s10 =	sor.u32 s3, s21;
	[tilespmem:s1+$0x0] =	vst.add.f32.msk $0xffff, v13  }
0x58a: {  	v14 =	vld [tilespmem:s10+$0x0]  }
0x58b: {  	s15 =	sor.u32 $0x100, s13;
	s11 =	sadd.s32 $0x19B00, s4  }
0x58c: {  	s16 =	sadd.s32 $0xDB80, s4;
	s17 =	sor.u32 s14, s11;
	[tilespmem:s15+$0x0] =	vst.add.f32.msk $0xffff, v12  }
0x58d: {  	s18 =	sor.u32 s14, s16;
	[tilespmem:s17+$0x0] =	vst.add.f32.msk $0xffff, v12  }
0x58e: {  	s19 =	sor.u32 $0x100, s12;
	v13 =	vld [tilespmem:s18+$0x0]  }
0x58f: {  	s1 =	sor.u32 s3, s11;
	[tilespmem:s19+$0x0] =	vst.add.f32.msk $0xffff, v14  }
0x590: {  	s20 =	sor.u32 s3, s16;
	[tilespmem:s1+$0x0] =	vst.add.f32.msk $0xffff, v14  }
0x591: {  	s6 =	sor.u32 $0x180, s12;
	s21 =	sor.u32 $0x180, s13;
	v12 =	vld [tilespmem:s20+$0x0]  }
0x592: {  	s16 =	sadd.s32 $0x19B80, s4;
	s11 =	sadd.s32 $0xDC00, s4;
	s15 =	simm.s32 $0x0  }
0x593: {  	s19 =	simm.s32 $0x20;
	s17 =	simm.s32 $0x100;
	s18 =	sor.u32 s14, s16;
	[tilespmem:s21+$0x0] =	vst.add.f32.msk $0xffff, v13  }
.LBB2_25:
0x594: {  	s1 =	sand.u32 $0x60, s19;
	s2 =	sand.u32 $0x1C00, s17;
	[tilespmem:s18+$0x0] =	vst.add.f32.msk $0xffff, v13;
	s7 =	sor.u32 s14, s11  }
0x595: {  	s10 =	sor.u32 s3, s16;
	s8 =	sadd.s32 $0xDA00, s2;
	s9 =	sor.u32 $0x10, s1;
	v13 =	vld [tilespmem:s7+$0x0]  }
0x596: {  	s11 =	sor.u32 s3, s11;
	s7 =	sor.u32 s1, s8;
	s8 =	sor.u32 s9, s8;
	[tilespmem:s6+$0x0] =	vst.add.f32.msk $0xffff, v12  }
0x597: {  	v14 =	vld [tilespmem:s8+$0x0]  }
0x598: {  	v15 =	vld [tilespmem:s7+$0x0]  }
0x599: {  	s15 =	sadd.s32 $0x2, s15;
	s7 =	sadd.s32 $0x19C00, s4;
	s4 =	smov.u32 s2;
	[tilespmem:s10+$0x0] =	vst.add.f32.msk $0xffff, v12  }
0x59a: {  	p0 =	slt.u32 s15, $0x2E;
	s2 =	sor.u32 $0x18200, s4;
	s6 =	sor.u32 s14, s7;
	[tilespmem:s13+$0x200] =	vst.add.f32.msk $0xffff, v13  }
0x59b: {  	s10 =	sadd.s32 $0x19A00, s4;
	s8 =	sor.u32 s1, s2;
	s13 =	sor.u32 s9, s2;
	[tilespmem:s6+$0x0] =	vst.add.f32.msk $0xffff, v13  }
0x59c: {  	s2 =	sor.u32 s1, s10;
	s10 =	sor.u32 s9, s10;
	s6 =	sadd.s32 $0xDA80, s4;
	[tilespmem:s13+$0x0] =	vst.add.f32.msk $0xffff, v14  }
0x59d: {  	s18 =	sor.u32 $0x80, s8;
	s16 =	sor.u32 s1, s6;
	[tilespmem:s10+$0x0] =	vst.add.f32.msk $0xffff, v14;
	s10 =	sor.u32 s9, s6  }
0x59e: {  	s7 =	sor.u32 s3, s7;
	s20 =	sor.u32 $0x100, s8;
	s6 =	sor.u32 $0x180, s8;
	v12 =	vld [tilespmem:s10+$0x0]  }
0x59f: {  	s3 =	smov.u32 s1;
	s14 =	smov.u32 s9;
	[tilespmem:s8+$0x0] =	vst.add.f32.msk $0xffff, v15  }
0x5a0: {  	[tilespmem:s2+$0x0] =	vst.add.f32.msk $0xffff, v15  }
0x5a1: {  	v13 =	vld [tilespmem:s16+$0x0]  }
0x5a2: {  	s1 =	sadd.s32 $0x19A80, s4;
	s2 =	sor.u32 $0x80, s13;
	v14 =	vld [tilespmem:s11+$0x0]  }
0x5a3: {  	s9 =	sor.u32 s3, s1;
	s1 =	sor.u32 s14, s1;
	s10 =	sadd.s32 $0xDB00, s4;
	[tilespmem:s2+$0x0] =	vst.add.f32.msk $0xffff, v12  }
0x5a4: {  	s2 =	sor.u32 s3, s10;
	[tilespmem:s1+$0x0] =	vst.add.f32.msk $0xffff, v12;
	s1 =	sor.u32 s14, s10  }
0x5a5: {  	v12 =	vld [tilespmem:s1+$0x0]  }
0x5a6: {  	[tilespmem:s18+$0x0] =	vst.add.f32.msk $0xffff, v13  }
0x5a7: {  	[tilespmem:s9+$0x0] =	vst.add.f32.msk $0xffff, v13  }
0x5a8: {  	v15 =	vld [tilespmem:s2+$0x0]  }
0x5a9: {  	s1 =	sadd.s32 $0x19B00, s4;
	s2 =	sor.u32 $0x100, s13;
	[tilespmem:s12+$0x200] =	vst.add.f32.msk $0xffff, v14;
	s12 =	smov.u32 s8  }
0x5aa: {  	s9 =	sadd.s32 $0xDB80, s4;
	s8 =	sor.u32 s3, s1;
	s1 =	sor.u32 s14, s1;
	[tilespmem:s2+$0x0] =	vst.add.f32.msk $0xffff, v12  }
0x5ab: {  	s2 =	sor.u32 s3, s9;
	[tilespmem:s1+$0x0] =	vst.add.f32.msk $0xffff, v12;
	s1 =	sor.u32 s14, s9  }
0x5ac: {  	v13 =	vld [tilespmem:s1+$0x0]  }
.Ltmp12:
0x5ad: {  	[tilespmem:s20+$0x0] =	vst.add.f32.msk $0xffff, v15;
	(pc) =	sbr.rel @p0 .LBB2_25-.Ltmp12, $4  }
0x5ae: {  	[tilespmem:s8+$0x0] =	vst.add.f32.msk $0xffff, v15  }
0x5af: {  	v12 =	vld [tilespmem:s2+$0x0]  }
0x5b0: {  	s17 =	sadd.s32 $0x100, s17;
	s16 =	sadd.s32 $0x19B80, s4;
	s1 =	sor.u32 $0x180, s13;
	[tilespmem:s7+$0x0] =	vst.add.f32.msk $0xffff, v14  }
0x5b1: {  	s19 =	sadd.s32 $0x20, s19;
	s11 =	sadd.s32 $0xDC00, s4;
	s18 =	sor.u32 s14, s16;
	[tilespmem:s1+$0x0] =	vst.add.f32.msk $0xffff, v13  }
0x5b2: {  	[tilespmem:s18+$0x0] =	vst.add.f32.msk $0xffff, v13;
	s1 =	sor.u32 s14, s11  }
0x5b3: {  	v13 =	vld [tilespmem:s1+$0x0]  }
0x5b4: {  	s10 =	sor.u32 s3, s16;
	[tilespmem:s6+$0x0] =	vst.add.f32.msk $0xffff, v12  }
0x5b5: {  	s2 =	sor.u32 s3, s11;
	[tilespmem:s10+$0x0] =	vst.add.f32.msk $0xffff, v12  }
0x5b6: {  	v12 =	vld [tilespmem:s2+$0x0];
	_ =	sdelay $0x1  }
0x5b7: {  	s11 =	sadd.s32 $0x19C00, s4  }
0x5b8: {  	s15 =	sor.u32 s14, s11;
	[tilespmem:s13+$0x200] =	vst.add.f32.msk $0xffff, v13  }
0x5b9: {  	[tilespmem:s15+$0x0] =	vst.add.f32.msk $0xffff, v13  }
0x5ba: {  	s1 =	sor.u32 s3, s11;
	[tilespmem:s12+$0x200] =	vst.add.f32.msk $0xffff, v12  }
0x5bb: {  	s16 =	sadd.s32 $0xCF00, s0;
	s17 =	simm.s32 $0x18200;
	[tilespmem:s1+$0x0] =	vst.add.f32.msk $0xffff, v12  }
0x5bc: {  	[hbm4b:s16+s5] =	stream.linear.scatter [tilespmem:s17], [sflag:$0x8], $0x280, $0x38;
	[tilespmem:$0x1B200] =	vst v63  }
0x5bd: {  	s18 =	sadd.s32 $0xCF80, s0;
	s19 =	simm.s32 $0x18600  }
0x5be: {  	[hbm4b:s18+s5] =	stream.linear.scatter [tilespmem:s19], [sflag:$0x8], $0x280, $0x38;
	[tilespmem:$0x1B200] =	vst v63  }
0x5bf: {  	s20 =	sadd.s32 $0xD000, s0;
	s21 =	simm.s32 $0x18A00  }
0x5c0: {  	[hbm4b:s20+s5] =	stream.linear.scatter [tilespmem:s21], [sflag:$0x8], $0x280, $0x38;
	[tilespmem:$0x1B200] =	vst v63  }
0x5c1: {  	s4 =	simm.s32 $0x18E00;
	s3 =	sadd.s32 $0xD080, s0  }
0x5c2: {  	[hbm4b:s3+s5] =	stream.linear.scatter [tilespmem:s4], [sflag:$0x8], $0x280, $0x38;
	[tilespmem:$0x1B200] =	vst v63  }
0x5c3: {  	s7 =	simm.s32 $0x19200;
	s6 =	sadd.s32 $0xD100, s0  }
0x5c4: {  	[hbm4b:s6+s5] =	stream.linear.scatter [tilespmem:s7], [sflag:$0x8], $0x280, $0x38;
	[tilespmem:$0x1B200] =	vst v63  }
0x5c5: {  	s8 =	sadd.s32 $0xD180, s0;
	s9 =	simm.s32 $0x19600  }
0x5c6: {  	[hbm4b:s8+s5] =	stream.linear.scatter [tilespmem:s9], [sflag:$0x8], $0x280, $0x38;
	[tilespmem:$0x1B200] =	vst v63  }
0x5c7: {  	s11 =	simm.s32 $0x19A00;
	s10 =	sadd.s32 $0xED00, s0  }
0x5c8: {  	[hbm4b:s10+s5] =	stream.linear.scatter [tilespmem:s11], [sflag:$0x8], $0x280, $0x38;
	[tilespmem:$0x1B200] =	vst v63  }
0x5c9: {  	s13 =	simm.s32 $0x19E00;
	s12 =	sadd.s32 $0xED80, s0  }
0x5ca: {  	[hbm4b:s12+s5] =	stream.linear.scatter [tilespmem:s13], [sflag:$0x8], $0x280, $0x38;
	[tilespmem:$0x1B200] =	vst v63  }
0x5cb: {  	s30 =	sadd.s32 $0x1, s30;
	s14 =	sadd.s32 $0xEE00, s0;
	s15 =	simm.s32 $0x1A200  }
0x5cc: {  	[hbm4b:s14+s5] =	stream.linear.scatter [tilespmem:s15], [sflag:$0x8], $0x280, $0x38;
	[tilespmem:$0x1B200] =	vst v63  }
0x5cd: {  	p0 =	sne.s32 s30, $0x10;
	s16 =	sadd.s32 $0xEE80, s0;
	s17 =	simm.s32 $0x1A600  }
0x5ce: {  	[hbm4b:s16+s5] =	stream.linear.scatter [tilespmem:s17], [sflag:$0x8], $0x280, $0x38;
	[tilespmem:$0x1B200] =	vst v63  }
.Ltmp13:
0x5cf: {  	_ = 	snop;
	(pc) =	sbr.rel @p0 .LBB2_18-.Ltmp13, $4  }
0x5d0: {  	s18 =	sadd.s32 $0xEF00, s0;
	s19 =	simm.s32 $0x1AA00  }
0x5d1: {  	[hbm4b:s18+s5] =	stream.linear.scatter [tilespmem:s19], [sflag:$0x8], $0x280, $0x38;
	[tilespmem:$0x1B200] =	vst v63  }
0x5d2: {  	s20 =	sadd.s32 $0xEF80, s0;
	s21 =	simm.s32 $0x1AE00  }
0x5d3: {  	[hbm4b:s20+s5] =	stream.linear.scatter [tilespmem:s21], [sflag:$0x8], $0x280, $0x38;
	[tilespmem:$0x1B200] =	vst v63  }
0x5d4: {  	s0 =	simm.s32 $0x5  }
0x5d5: {  	_ =	swait.ge [sflag:s0], $0xF00  }
0x5d6: {  	[sflag:s0] =	ssyncset.done $0x0  }
0x5d7: {  	[sflag:s0] =	ssyncadd.s32 $0xFFFFF100  }
0x5d8: {  	_ =	swait.ge [sflag:s0], $0xF00  }
0x5d9: {  	[sflag:s0] =	ssyncset.done $0x0  }
0x5da: {  	s28 =	simm.s32 $0x6;
	[sflag:s0] =	ssyncadd.s32 $0xFFFFF100  }
0x5db: {  	_ =	swait.ge [sflag:s28], $0xF00  }
0x5dc: {  	[sflag:s28] =	ssyncset.done $0x0  }
0x5dd: {  	[sflag:s28] =	ssyncadd.s32 $0xFFFFF100  }
0x5de: {  	_ =	swait.ge [sflag:s28], $0xF00  }
0x5df: {  	[sflag:s28] =	ssyncset.done $0x0  }
0x5e0: {  	s29 =	simm.s32 $0x7;
	[sflag:s28] =	ssyncadd.s32 $0xFFFFF100  }
0x5e1: {  	_ =	swait.ge [sflag:s29], $0xF00  }
0x5e2: {  	[sflag:s29] =	ssyncset.done $0x0  }
0x5e3: {  	[sflag:s29] =	ssyncadd.s32 $0xFFFFF100  }
0x5e4: {  	_ =	swait.ge [sflag:s29], $0xF00  }
0x5e5: {  	[sflag:s29] =	ssyncset.done $0x0  }
0x5e6: {  	s1 =	simm.s32 $0x8;
	[sflag:s29] =	ssyncadd.s32 $0xFFFFF100  }
0x5e7: {  	_ =	swait.ge [sflag:s1], $0xF00  }
0x5e8: {  	[sflag:s1] =	ssyncset.done $0x0  }
0x5e9: {  	[sflag:s1] =	ssyncadd.s32 $0xFFFFF100  }
0x5ea: {  	_ =	swait.ge [sflag:s1], $0xF00  }
0x5eb: {  	s2 =	rddreg [dreg:$0x13]  }
0x5ec: {  	s30 =	rddreg [dreg:$0x12];
	s2 =	sadd.s32 $0x1, s2  }
0x5ed: {  	p0 =	sne.s32 s2, s30  }
.Ltmp14:
0x5ee: {  	_ = 	snop;
	(pc) =	sbr.rel @p0 .LBB2_1-.Ltmp14, $3  }
0x5ef: {  	_ =	sdelay $0x1  }
0x5f0: {  	[sflag:s1] =	ssyncset.done $0x0  }
0x5f1: {  	[sflag:s1] =	ssyncadd.s32 $0xFFFFF100  }
0x5f2: {  	_ =	sfence.sel $0x180000  }
0x5f3: {  	[bflag:$0x0] =	sbarrier.arrive $0xFFFF  }
0x5f4: {  	_ =	strace $0x90000047  }
0x5f5: {  	s0 =	stileid.u32;
	[bflag:$0x2] =	sbarrier.arrive $0xFFFF  }
0x5f6: {  	p0 =	sne.s32 s0, $0x0;
	s0 =	rddreg [dreg:$0x4]  }
0x5f7: {  	s0 =	sadd.s32 @!p0 $0x100000, s0  }
0x5f8: {  	[sflag:s0] =	ssyncadd.tile.s32 @!p0 $0x1;
	_ =	shalt  }
.Lfunc_end2:
_tile_overlayer_lowered:
.L_overlay_start_2:
0x5f9: {  	(tag) =	ssettag $0x2  }
0x5fa: {  	s0 =	rddreg [dreg:$0x0];
	s2 =	stileid.u32  }
0x5fb: {  	s1 =	rddreg [dreg:$0x1];
	p0 =	sne.s32 s2, $0x0  }
0x5fc: {  	s3 =	rddreg [dreg:$0x2];
	[bflag:$0x3] =	sbarrier.arrive $0xFFFF;
	s2 =	simm.s32 @!p0 $0x1C0D  }
0x5fd: {  	[timem:s3], [sflag:s2] =	dma.local @!p0 [hbm:s0], s1  }
0x5fe: {  	s0 =	simm.s32 @!p0 $0xD  }
0x5ff: {  	_ =	swait.ge @!p0 [sflag:s0], s1  }
0x600: {  	s1 =	ssub.s32 @!p0 $0x0, s1;
	[sflag:s0] =	ssyncset.done @!p0 $0x0  }
0x601: {  	[sflag:s0] =	ssyncadd.s32 @!p0 s1  }
0x602: {  	[bflag:$0x3] =	sbarrier.arrive $0xFFFF  }
0x603: {  	_ =	shalt  }

</sc_bundles>
